<compile_context>
chip_gen: v7x
topology: tpu7x:2x2x1
jax: 0.10.2.dev20260603
libtpu: 0.0.44.dev20260713+nightly
codegen_flags: <defaults>
</compile_context>

<pallas_src>
import functools

import numpy as np
import jax
import jax.numpy as jnp
from jax import lax
from jax.experimental import pallas as pl
from jax.experimental.pallas import tpu as pltpu
from jax.experimental.pallas import tpu_sc as plsc

_N, _E, _D, _A, _F, _H = 10000, 320000, 128, 8, 16, 64
_NUM_NEIGHBORS = 32.0
_ANGLE = 0.2

_BN = 2000
_BE = 8000
_NSUB = 16
_NCORE = 2
_NCU = 2
_NW = _NSUB * _NCU
_CH = 40
_NS = 3
_IG = 25
_EPT = _E // _NW
_NIG = _EPT // (_IG * _CH)
_DUMP = 624



def _tp1_body(x_ref, a_ref, w_ref, nf_ref, self_ref):
    x = x_ref[...]
    acc = jnp.zeros((x.shape[0], 2 * _D), jnp.float32)
    for v in range(_A):
        xv = x * a_ref[:, v:v + 1]
        acc = acc + jnp.dot(xv, w_ref[v], preferred_element_type=jnp.float32)
    acc = acc * (1.0 / np.sqrt(_D * _A))
    nf_ref[...] = acc[:, :_D]
    self_ref[...] = acc[:, _D:]


def _tp1_call(x, a, w):
    return pl.pallas_call(
        _tp1_body,
        grid=(_N // _BN,),
        in_specs=[
            pl.BlockSpec((_BN, _D), lambda i: (i, 0)),
            pl.BlockSpec((_BN, _A), lambda i: (i, 0)),
            pl.BlockSpec((_A, _D, 2 * _D), lambda i: (0, 0, 0)),
        ],
        out_specs=[
            pl.BlockSpec((_BN, _D), lambda i: (i, 0)),
            pl.BlockSpec((_BN, _D), lambda i: (i, 0)),
        ],
        out_shape=[
            jax.ShapeDtypeStruct((_N, _D), jnp.float32),
            jax.ShapeDtypeStruct((_N, _D), jnp.float32),
        ],
    )(x, a, w)



def _mlp_body(esa_ref, ea_ref, w1_ref, w2_ref, wp_ref, out_ref):
    h = jax.nn.gelu(jnp.dot(esa_ref[...], w1_ref[...],
                            preferred_element_type=jnp.float32))
    h = jax.nn.gelu(jnp.dot(h, w2_ref[...],
                            preferred_element_type=jnp.float32))
    w = jnp.dot(h, wp_ref[...], preferred_element_type=jnp.float32)
    out_ref[...] = w * ea_ref[...]


def _mlp_call(esa, ea, w1, w2, wp):
    return pl.pallas_call(
        _mlp_body,
        grid=(_E // _BE,),
        in_specs=[
            pl.BlockSpec((_BE, _F), lambda i: (i, 0)),
            pl.BlockSpec((_BE, 1), lambda i: (i, 0)),
            pl.BlockSpec((_F, _H), lambda i: (0, 0)),
            pl.BlockSpec((_H, _H), lambda i: (0, 0)),
            pl.BlockSpec((_H, _D), lambda i: (0, 0)),
        ],
        out_specs=pl.BlockSpec((_BE, _D), lambda i: (i, 0)),
        out_shape=jax.ShapeDtypeStruct((_E, _D), jnp.float32),
    )(esa, ea, w1, w2, wp)



def _sc_body(nf_hbm, wea_hbm, src_hbm, dst_hbm, zero_hbm, out_hbm,
             isrc_v, idst_v, wea_v, rows_v, agg_sh, gsem, ssem, isem):
    c = lax.axis_index("c")
    s = lax.axis_index("s")
    wid = c * _NSUB + s if _NCU > 1 else s
    last = _NSUB - 1

    r0 = s * _DUMP
    tail = _N - _NSUB * _DUMP
    nz = _DUMP // _CH
    zrem = _DUMP % _CH

    pltpu.sync_copy(zero_hbm, rows_v.at[0])
    for k in range(nz):
        pltpu.async_copy(rows_v.at[0], agg_sh.at[pl.ds(r0 + k * _CH, _CH)],
                         ssem.at[0])
    pltpu.async_copy(rows_v.at[0, pl.ds(0, zrem)],
                     agg_sh.at[pl.ds(r0 + _DUMP - zrem, zrem)], ssem.at[1])

    @pl.when(s == last)
    def _():
        pltpu.async_copy(rows_v.at[0, pl.ds(0, tail)],
                         agg_sh.at[pl.ds(_NSUB * _DUMP, tail)], ssem.at[2])

    pltpu.async_copy(src_hbm.at[wid, 0], isrc_v.at[0], isem.at[0])
    pltpu.async_copy(dst_hbm.at[wid, 0], idst_v.at[0], isem.at[0])

    for k in range(nz):
        pltpu.make_async_copy(rows_v.at[0], agg_sh.at[pl.ds(r0, _CH)],
                              ssem.at[0]).wait()
    pltpu.make_async_copy(rows_v.at[0, pl.ds(0, zrem)],
                          agg_sh.at[pl.ds(r0, zrem)], ssem.at[1]).wait()

    @pl.when(s == last)
    def _():
        pltpu.make_async_copy(rows_v.at[0, pl.ds(0, tail)],
                              agg_sh.at[pl.ds(r0, tail)], ssem.at[2]).wait()

    plsc.subcore_barrier()

    ebase = wid * _EPT

    def start_chunk(gbase, k, slot, wslot, ib):
        pltpu.async_copy(wea_hbm.at[pl.ds(gbase + k * _CH, _CH)],
                         wea_v.at[wslot], gsem.at[slot])
        pltpu.async_copy(nf_hbm.at[isrc_v.at[ib, k]], rows_v.at[slot],
                         gsem.at[slot])

    def wait_chunk(gbase, slot, wslot):
        pltpu.make_async_copy(wea_hbm.at[pl.ds(gbase, _CH)],
                              wea_v.at[wslot], gsem.at[slot]).wait()
        pltpu.make_async_copy(wea_hbm.at[pl.ds(gbase, _CH)],
                              rows_v.at[slot], gsem.at[slot]).wait()

    def wait_scatter(slot):
        pltpu.make_async_copy(rows_v.at[slot], agg_sh.at[pl.ds(0, _CH)],
                              ssem.at[slot]).wait()

    def group(gi, carry):
        ib = lax.rem(gi, 2)
        pltpu.make_async_copy(src_hbm.at[wid, 0], isrc_v.at[0],
                              isem.at[ib]).wait()
        pltpu.make_async_copy(dst_hbm.at[wid, 0], idst_v.at[0],
                              isem.at[ib]).wait()

        @pl.when(gi + 1 < _NIG)
        def _():
            nib = 1 - ib
            pltpu.async_copy(src_hbm.at[wid, gi + 1], isrc_v.at[nib],
                             isem.at[nib])
            pltpu.async_copy(dst_hbm.at[wid, gi + 1], idst_v.at[nib],
                             isem.at[nib])

        gbase = ebase + gi * _IG * _CH
        start_chunk(gbase, 0, 0, 0, ib)

        def chunk(k, _):
            slot = lax.rem(k, _NS)
            wslot = lax.rem(k, 2)

            @pl.when(k >= 2)
            def _():
                wait_scatter(lax.rem(k - 2, _NS))

            @pl.when(k < _IG - 1)
            def _():
                start_chunk(gbase, k + 1, lax.rem(k + 1, _NS),
                            lax.rem(k + 1, 2), ib)

            wait_chunk(gbase, slot, wslot)

            def mrow(r8, _):
                base = r8 * 8
                for rr in range(8):
                    r = base + rr
                    for q in range(_D // 16):
                        sl = pl.ds(q * 16, 16)
                        rows_v[slot, r, sl] = rows_v[slot, r, sl] * wea_v[wslot, r, sl]
                return 0
            lax.fori_loop(0, _CH // 8, mrow, 0)

            pltpu.async_copy(rows_v.at[slot], agg_sh.at[idst_v.at[ib, k]],
                             ssem.at[slot], add=True)
            return 0

        lax.fori_loop(0, _IG, chunk, 0)
        wait_scatter((_IG - 2) % _NS)
        wait_scatter((_IG - 1) % _NS)
        return 0

    lax.fori_loop(0, _NIG, group, 0)

    plsc.subcore_barrier()

    def dump_start(k, slot):
        pltpu.async_copy(agg_sh.at[pl.ds(r0 + k * _CH, _CH)],
                         rows_v.at[slot], gsem.at[slot])

    def dump_chunk(k, slot):
        pltpu.make_async_copy(agg_sh.at[pl.ds(r0, _CH)], rows_v.at[slot],
                              gsem.at[slot]).wait()
        pltpu.async_copy(rows_v.at[slot], out_hbm.at[c, pl.ds(r0 + k * _CH, _CH)],
                         ssem.at[slot])

    ndump = _DUMP // _CH
    dump_start(0, 0)

    def dloop(k, _):
        slot = lax.rem(k, 2)
        nslot = 1 - slot

        @pl.when(k > 0)
        def _():
            pltpu.make_async_copy(rows_v.at[nslot],
                                  out_hbm.at[c, pl.ds(r0, _CH)],
                                  ssem.at[nslot]).wait()

        @pl.when(k < ndump - 1)
        def _():
            dump_start(k + 1, nslot)

        dump_chunk(k, slot)
        return 0
    lax.fori_loop(0, ndump, dloop, 0)
    pltpu.make_async_copy(rows_v.at[(ndump - 1) % 2],
                          out_hbm.at[c, pl.ds(r0, _CH)],
                          ssem.at[(ndump - 1) % 2]).wait()

    zbase = r0 + _DUMP - zrem
    pltpu.sync_copy(agg_sh.at[pl.ds(zbase, zrem)], rows_v.at[0, pl.ds(0, zrem)])
    pltpu.sync_copy(rows_v.at[0, pl.ds(0, zrem)],
                    out_hbm.at[c, pl.ds(zbase, zrem)])

    @pl.when(s == last)
    def _():
        base = _NSUB * _DUMP
        pltpu.sync_copy(agg_sh.at[pl.ds(base, tail)],
                        rows_v.at[1, pl.ds(0, tail)])
        pltpu.sync_copy(rows_v.at[1, pl.ds(0, tail)],
                        out_hbm.at[c, pl.ds(base, tail)])


@functools.lru_cache(maxsize=1)
def _sc_kernel():
    return pl.kernel(
        _sc_body,
        mesh=plsc.VectorSubcoreMesh(core_axis_name="c", subcore_axis_name="s",
                                    num_cores=_NCU),
        out_type=jax.ShapeDtypeStruct((_NCU, _N, _D), jnp.float32),
        scratch_types=[
            pltpu.VMEM((2, _IG, _CH), jnp.int32),
            pltpu.VMEM((2, _IG, _CH), jnp.int32),
            pltpu.VMEM((2, _CH, _D), jnp.float32),
            pltpu.VMEM((_NS, _CH, _D), jnp.float32),
            pltpu.VMEM_SHARED((_N, _D), jnp.float32),
            pltpu.SemaphoreType.DMA((_NS,)),
            pltpu.SemaphoreType.DMA((_NS,)),
            pltpu.SemaphoreType.DMA((2,)),
        ],
    )


def _sc_call(nf, wea, src2, dst2, zeros):
    return _sc_kernel()(nf, wea, src2, dst2, zeros)



def _tp2_body(p_ref, a_ref, self_ref, w_ref, o_ref):
    agg = p_ref[0]
    for k in range(1, _NCU):
        agg = agg + p_ref[k]
    acc = jnp.zeros((agg.shape[0], _D), jnp.float32)
    for v in range(_A):
        av = agg * a_ref[:, v:v + 1]
        acc = acc + jnp.dot(av, w_ref[v], preferred_element_type=jnp.float32)
    c = np.cos(_ANGLE)
    s = np.sin(_ANGLE)
    scale = s / (np.sqrt(_NUM_NEIGHBORS) * np.sqrt(_D * _A))
    o_ref[...] = c * self_ref[...] + scale * acc


def _tp2_call(p, a, selfout, w):
    return pl.pallas_call(
        _tp2_body,
        grid=(_N // _BN,),
        in_specs=[
            pl.BlockSpec((_NCU, _BN, _D), lambda i: (0, i, 0)),
            pl.BlockSpec((_BN, _A), lambda i: (i, 0)),
            pl.BlockSpec((_BN, _D), lambda i: (i, 0)),
            pl.BlockSpec((_A, _D, _D), lambda i: (0, 0, 0)),
        ],
        out_specs=pl.BlockSpec((_BN, _D), lambda i: (i, 0)),
        out_shape=jax.ShapeDtypeStruct((_N, _D), jnp.float32),
    )(p, a, selfout, w)



def kernel(node_input, node_attr, edge_src, edge_dst, edge_attr,
           edge_scalar_attr, W_tp1, W_fc1, W_fc2, W_path, W_tp2):
    w1t = jnp.transpose(W_tp1, (1, 0, 2))
    w2t = jnp.transpose(W_tp2, (1, 0, 2))
    wf1 = W_fc1 * (1.0 / np.sqrt(_F))
    wf2 = W_fc2 * (1.0 / np.sqrt(_H))
    wp = W_path * (1.0 / np.sqrt(_H))

    nf, selfout = _tp1_call(node_input, node_attr, w1t)
    wea = _mlp_call(edge_scalar_attr, edge_attr, wf1, wf2, wp)

    src2 = edge_src.astype(jnp.int32).reshape(_NW, _NIG, _IG, _CH)
    dst2 = edge_dst.astype(jnp.int32).reshape(_NW, _NIG, _IG, _CH)
    zeros = jnp.zeros((_CH, _D), jnp.float32)
    parts = _sc_call(nf, wea, src2, dst2, zeros)

    return _tp2_call(parts, node_attr, selfout, w2t)

# --- scband reference (transcript-rebuilt; emitter-appended) ---
"""Pipeline reference for scband-convolution-12936441496323 (READ-ONLY COPY).

The authoritative reference and input builder live on the scoring server;
editing this copy changes nothing except your own understanding.
"""

import jax, jax.numpy as jnp
import numpy as np

N, E, D, A, F, H = 10000, 320000, 128, 8, 16, 64
NUM_NEIGHBORS = 32.0
MIXING_ANGLE = 0.2


def setup_inputs(seed: int = 0) -> dict:
    key = jax.random.key(seed)
    ks = jax.random.split(key, 12)
    return {
        "node_input": jax.random.normal(ks[0], (N, D), jnp.float32),
        "node_attr": jax.random.normal(ks[1], (N, A), jnp.float32),
        "edge_src": jax.random.randint(ks[2], (E,), 0, N),
        "edge_dst": jax.random.randint(ks[3], (E,), 0, N),
        "edge_attr": jax.random.normal(ks[4], (E, 1), jnp.float32),
        "edge_scalar_attr": jax.random.normal(ks[5], (E, F), jnp.float32),
        "W_tp1": jax.random.normal(ks[6], (D, A, 2 * D), jnp.float32),
        "W_fc1": jax.random.normal(ks[7], (F, H), jnp.float32),
        "W_fc2": jax.random.normal(ks[8], (H, H), jnp.float32),
        "W_path": jax.random.normal(ks[9], (H, D), jnp.float32),
        "W_tp2": jax.random.normal(ks[10], (D, A, D), jnp.float32),
    }


def reference(node_input, node_attr, edge_src, edge_dst, edge_attr, edge_scalar_attr,
              W_tp1, W_fc1, W_fc2, W_path, W_tp2):
    n_nodes, d_in = node_input.shape
    d_attr = node_attr.shape[1]
    # FullyConnectedTensorProduct: 128x0e (x) 8x0e -> (128+128)x0e
    # For pure-scalar irreps this is exactly a normalized bilinear map.
    tmp = jnp.einsum('uvw,nu,nv->nw', W_tp1, node_input, node_attr) / jnp.sqrt(d_in * d_attr)
    node_features = tmp[:, :d_in]      # 128x0e part
    node_self_out = tmp[:, d_in:]      # 128x0e output part
    # Radial MLP over edge scalar attributes (fc_neurons=[64,64], gelu)
    h = jax.nn.gelu(edge_scalar_attr @ (W_fc1 / jnp.sqrt(edge_scalar_attr.shape[1])))
    h = jax.nn.gelu(h @ (W_fc2 / jnp.sqrt(W_fc2.shape[0])))
    # Per-edge path weights: einsum('x...,ex->e...') with path_shape (mul=128, 1)
    w_edge = jnp.einsum('xu,ex->eu', W_path, h) / jnp.sqrt(h.shape[1])  # [E, 128]
    # TensorProduct left_right, single 'uvu' instruction (0e x 0e -> 0e):
    # out[e,u] = w[e,u] * x_src[e,u] * edge_attr[e,0]
    x_src = node_features[edge_src]
    edge_features = w_edge * x_src * edge_attr  # [E,1] broadcasts
    # scatter-add messages into destination nodes
    agg = jnp.zeros((n_nodes, d_in), node_input.dtype).at[edge_dst].add(edge_features)
    agg = agg / jnp.sqrt(NUM_NEIGHBORS)
    # FullyConnectedTensorProduct: 128x0e (x) 8x0e -> 128x0e
    node_conv_out = jnp.einsum('uvw,nu,nv->nw', W_tp2, agg, node_attr) / jnp.sqrt(d_in * d_attr)
    c = jnp.cos(MIXING_ANGLE)
    s = jnp.sin(MIXING_ANGLE)
    return c * node_self_out + s * node_conv_out

if __name__ == "__main__":
    import jax
    _d = setup_inputs()
    print(jax.jit(kernel)(*tuple(_d.values())))

</pallas_src>

<mosaic_0001>
#map = affine_map<(d0, d1) -> (0, 0)>
#map1 = affine_map<(d0, d1) -> (0, 0, 0, 0)>
#map2 = affine_map<(d0, d1) -> (0, 0, 0)>
module attributes {stable_mosaic.version = 14 : i64} {
  func.func @_sc_body(%arg0: i32, %arg1: i32, %arg2: memref<10000x128xf32, #tpu.memory_space<hbm>>, %arg3: memref<320000x128xf32, #tpu.memory_space<hbm>>, %arg4: memref<32x10x25x40xi32, #tpu.memory_space<hbm>>, %arg5: memref<32x10x25x40xi32, #tpu.memory_space<hbm>>, %arg6: memref<40x128xf32, #tpu.memory_space<hbm>>, %arg7: memref<2x10000x128xf32, #tpu.memory_space<hbm>>, %arg8: memref<2x25x40xi32, #tpu.memory_space<vmem>>, %arg9: memref<2x25x40xi32, #tpu.memory_space<vmem>>, %arg10: memref<2x40x128xf32, #tpu.memory_space<vmem>>, %arg11: memref<3x40x128xf32, #tpu.memory_space<vmem>>, %arg12: memref<10000x128xf32, #tpu.memory_space<vmem_shared>>, %arg13: memref<3x!tpu.dma_semaphore, #tpu.memory_space<semaphore_mem>>, %arg14: memref<3x!tpu.dma_semaphore, #tpu.memory_space<semaphore_mem>>, %arg15: memref<2x!tpu.dma_semaphore, #tpu.memory_space<semaphore_mem>>) attributes {dimension_semantics = [#tpu.dimension_semantics<core_parallel>, #tpu.dimension_semantics<subcore_parallel>], iteration_bounds = array<i64: 2, 16>, scalar_prefetch = 0 : i64, scratch_operands = 8 : i64, tpu.core_type = #tpu.core_type<sc_vector_subcore>, window_params = [{transform_indices = #map}, {transform_indices = #map}, {transform_indices = #map1}, {transform_indices = #map1}, {transform_indices = #map}, {transform_indices = #map2}]} {
    %mul3A = arith.constant 16 : i32
    %mul3A_0 = arith.muli %arg0, %mul3A : i32
    %add3A = arith.addi %mul3A_0, %arg1 : i32
    %mul3A_1 = arith.constant 624 : i32
    %mul3A_2 = arith.muli %arg1, %mul3A_1 : i32
    %run_scoped3A = arith.constant 0 : i32
    "tpu.region"() ({
      %run_scoped3A_658 = tpu.sem_alloc : memref<!tpu.dma_semaphore, #tpu.memory_space<semaphore_mem>>
      %dma_start3A_659 = arith.constant 0 : i32
      %dma_start3A_660 = arith.constant 0 : i32
      %dma_start3A_661 = tpu.memref_slice %arg11[%run_scoped3A, %dma_start3A_659, %dma_start3A_660] : memref<3x40x128xf32, #tpu.memory_space<vmem>> -> memref<1x40x128xf32, #tpu.memory_space<vmem>>
      %dma_start3A_662 = tpu.memref_squeeze %dma_start3A_661 : memref<1x40x128xf32, #tpu.memory_space<vmem>> -> memref<40x128xf32, #tpu.memory_space<vmem>>
      %dma_start3A_663 = arith.constant 0 : i32
      %dma_start3A_664 = arith.constant 0 : i32
      %dma_start3A_665 = tpu.memref_slice %arg11[%run_scoped3A, %dma_start3A_663, %dma_start3A_664] : memref<3x40x128xf32, #tpu.memory_space<vmem>> -> memref<1x40x128xf32, #tpu.memory_space<vmem>>
      %dma_start3A_666 = tpu.memref_squeeze %dma_start3A_665 : memref<1x40x128xf32, #tpu.memory_space<vmem>> -> memref<40x128xf32, #tpu.memory_space<vmem>>
      tpu.enqueue_dma source(%arg6 : memref<40x128xf32, #tpu.memory_space<hbm>>) target(%dma_start3A_666 : memref<40x128xf32, #tpu.memory_space<vmem>>) target_semaphore(%run_scoped3A_658 : memref<!tpu.dma_semaphore, #tpu.memory_space<semaphore_mem>>)
      %dma_wait3A_667 = arith.constant 0 : i32
      %dma_wait3A_668 = arith.constant 0 : i32
      %dma_wait3A_669 = tpu.memref_slice %arg11[%run_scoped3A, %dma_wait3A_667, %dma_wait3A_668] : memref<3x40x128xf32, #tpu.memory_space<vmem>> -> memref<1x40x128xf32, #tpu.memory_space<vmem>>
      %dma_wait3A_670 = tpu.memref_squeeze %dma_wait3A_669 : memref<1x40x128xf32, #tpu.memory_space<vmem>> -> memref<40x128xf32, #tpu.memory_space<vmem>>
      %dma_wait3A_671 = arith.constant 0 : i32
      %dma_wait3A_672 = arith.constant 0 : i32
      %dma_wait3A_673 = tpu.memref_slice %arg11[%run_scoped3A, %dma_wait3A_671, %dma_wait3A_672] : memref<3x40x128xf32, #tpu.memory_space<vmem>> -> memref<1x40x128xf32, #tpu.memory_space<vmem>>
      %dma_wait3A_674 = tpu.memref_squeeze %dma_wait3A_673 : memref<1x40x128xf32, #tpu.memory_space<vmem>> -> memref<40x128xf32, #tpu.memory_space<vmem>>
      tpu.wait_dma2 semaphore(%run_scoped3A_658 : memref<!tpu.dma_semaphore, #tpu.memory_space<semaphore_mem>>) src(%arg6 : memref<40x128xf32, #tpu.memory_space<hbm>>) dst(%dma_wait3A_674 : memref<40x128xf32, #tpu.memory_space<vmem>>)
      tpu.yield
    }) : () -> ()
    %add3A_3 = arith.constant 0 : i32
    %add3A_4 = arith.addi %mul3A_2, %add3A_3 : i32
    %dma_start3A = arith.constant 0 : i32
    %dma_start3A_5 = arith.constant 0 : i32
    %dma_start3A_6 = arith.constant 0 : i32
    %dma_start3A_7 = arith.constant 0 : i32
    %dma_start3A_8 = tpu.memref_slice %arg11[%dma_start3A, %dma_start3A_6, %dma_start3A_7] : memref<3x40x128xf32, #tpu.memory_space<vmem>> -> memref<1x40x128xf32, #tpu.memory_space<vmem>>
    %dma_start3A_9 = tpu.memref_squeeze %dma_start3A_8 : memref<1x40x128xf32, #tpu.memory_space<vmem>> -> memref<40x128xf32, #tpu.memory_space<vmem>>
    %dma_start3A_10 = arith.constant 0 : i32
    %dma_start3A_11 = tpu.memref_slice %arg12[%add3A_4, %dma_start3A_10] : memref<10000x128xf32, #tpu.memory_space<vmem_shared>> -> memref<40x128xf32, #tpu.memory_space<vmem_shared>>
    %dma_start3A_12 = tpu.memref_slice %arg14[%dma_start3A_5] : memref<3x!tpu.dma_semaphore, #tpu.memory_space<semaphore_mem>> -> memref<1x!tpu.dma_semaphore, #tpu.memory_space<semaphore_mem>>
    %dma_start3A_13 = tpu.memref_squeeze %dma_start3A_12 : memref<1x!tpu.dma_semaphore, #tpu.memory_space<semaphore_mem>> -> memref<!tpu.dma_semaphore, #tpu.memory_space<semaphore_mem>>
    %dma_start3A_14 = arith.constant 0 : i32
    %dma_start3A_15 = tpu.memref_slice %arg12[%add3A_4, %dma_start3A_14] : memref<10000x128xf32, #tpu.memory_space<vmem_shared>> -> memref<40x128xf32, #tpu.memory_space<vmem_shared>>
    %dma_start3A_16 = arith.constant 0 : i32
    %dma_start3A_17 = arith.constant 0 : i32
    %dma_start3A_18 = tpu.memref_slice %arg11[%dma_start3A, %dma_start3A_16, %dma_start3A_17] : memref<3x40x128xf32, #tpu.memory_space<vmem>> -> memref<1x40x128xf32, #tpu.memory_space<vmem>>
    %dma_start3A_19 = tpu.memref_squeeze %dma_start3A_18 : memref<1x40x128xf32, #tpu.memory_space<vmem>> -> memref<40x128xf32, #tpu.memory_space<vmem>>
    tpu.enqueue_dma source(%dma_start3A_19 : memref<40x128xf32, #tpu.memory_space<vmem>>) target(%dma_start3A_15 : memref<40x128xf32, #tpu.memory_space<vmem_shared>>) target_semaphore(%dma_start3A_13 : memref<!tpu.dma_semaphore, #tpu.memory_space<semaphore_mem>>)
    %add3A_20 = arith.constant 40 : i32
    %add3A_21 = arith.addi %mul3A_2, %add3A_20 : i32
    %dma_start3A_22 = arith.constant 0 : i32
    %dma_start3A_23 = arith.constant 0 : i32
    %dma_start3A_24 = arith.constant 0 : i32
    %dma_start3A_25 = arith.constant 0 : i32
    %dma_start3A_26 = tpu.memref_slice %arg11[%dma_start3A_22, %dma_start3A_24, %dma_start3A_25] : memref<3x40x128xf32, #tpu.memory_space<vmem>> -> memref<1x40x128xf32, #tpu.memory_space<vmem>>
    %dma_start3A_27 = tpu.memref_squeeze %dma_start3A_26 : memref<1x40x128xf32, #tpu.memory_space<vmem>> -> memref<40x128xf32, #tpu.memory_space<vmem>>
    %dma_start3A_28 = arith.constant 0 : i32
    %dma_start3A_29 = tpu.memref_slice %arg12[%add3A_21, %dma_start3A_28] : memref<10000x128xf32, #tpu.memory_space<vmem_shared>> -> memref<40x128xf32, #tpu.memory_space<vmem_shared>>
    %dma_start3A_30 = tpu.memref_slice %arg14[%dma_start3A_23] : memref<3x!tpu.dma_semaphore, #tpu.memory_space<semaphore_mem>> -> memref<1x!tpu.dma_semaphore, #tpu.memory_space<semaphore_mem>>
    %dma_start3A_31 = tpu.memref_squeeze %dma_start3A_30 : memref<1x!tpu.dma_semaphore, #tpu.memory_space<semaphore_mem>> -> memref<!tpu.dma_semaphore, #tpu.memory_space<semaphore_mem>>
    %dma_start3A_32 = arith.constant 0 : i32
    %dma_start3A_33 = tpu.memref_slice %arg12[%add3A_21, %dma_start3A_32] : memref<10000x128xf32, #tpu.memory_space<vmem_shared>> -> memref<40x128xf32, #tpu.memory_space<vmem_shared>>
    %dma_start3A_34 = arith.constant 0 : i32
    %dma_start3A_35 = arith.constant 0 : i32
    %dma_start3A_36 = tpu.memref_slice %arg11[%dma_start3A_22, %dma_start3A_34, %dma_start3A_35] : memref<3x40x128xf32, #tpu.memory_space<vmem>> -> memref<1x40x128xf32, #tpu.memory_space<vmem>>
    %dma_start3A_37 = tpu.memref_squeeze %dma_start3A_36 : memref<1x40x128xf32, #tpu.memory_space<vmem>> -> memref<40x128xf32, #tpu.memory_space<vmem>>
    tpu.enqueue_dma source(%dma_start3A_37 : memref<40x128xf32, #tpu.memory_space<vmem>>) target(%dma_start3A_33 : memref<40x128xf32, #tpu.memory_space<vmem_shared>>) target_semaphore(%dma_start3A_31 : memref<!tpu.dma_semaphore, #tpu.memory_space<semaphore_mem>>)
    %add3A_38 = arith.constant 80 : i32
    %add3A_39 = arith.addi %mul3A_2, %add3A_38 : i32
    %dma_start3A_40 = arith.constant 0 : i32
    %dma_start3A_41 = arith.constant 0 : i32
    %dma_start3A_42 = arith.constant 0 : i32
    %dma_start3A_43 = arith.constant 0 : i32
    %dma_start3A_44 = tpu.memref_slice %arg11[%dma_start3A_40, %dma_start3A_42, %dma_start3A_43] : memref<3x40x128xf32, #tpu.memory_space<vmem>> -> memref<1x40x128xf32, #tpu.memory_space<vmem>>
    %dma_start3A_45 = tpu.memref_squeeze %dma_start3A_44 : memref<1x40x128xf32, #tpu.memory_space<vmem>> -> memref<40x128xf32, #tpu.memory_space<vmem>>
    %dma_start3A_46 = arith.constant 0 : i32
    %dma_start3A_47 = tpu.memref_slice %arg12[%add3A_39, %dma_start3A_46] : memref<10000x128xf32, #tpu.memory_space<vmem_shared>> -> memref<40x128xf32, #tpu.memory_space<vmem_shared>>
    %dma_start3A_48 = tpu.memref_slice %arg14[%dma_start3A_41] : memref<3x!tpu.dma_semaphore, #tpu.memory_space<semaphore_mem>> -> memref<1x!tpu.dma_semaphore, #tpu.memory_space<semaphore_mem>>
    %dma_start3A_49 = tpu.memref_squeeze %dma_start3A_48 : memref<1x!tpu.dma_semaphore, #tpu.memory_space<semaphore_mem>> -> memref<!tpu.dma_semaphore, #tpu.memory_space<semaphore_mem>>
    %dma_start3A_50 = arith.constant 0 : i32
    %dma_start3A_51 = tpu.memref_slice %arg12[%add3A_39, %dma_start3A_50] : memref<10000x128xf32, #tpu.memory_space<vmem_shared>> -> memref<40x128xf32, #tpu.memory_space<vmem_shared>>
    %dma_start3A_52 = arith.constant 0 : i32
    %dma_start3A_53 = arith.constant 0 : i32
    %dma_start3A_54 = tpu.memref_slice %arg11[%dma_start3A_40, %dma_start3A_52, %dma_start3A_53] : memref<3x40x128xf32, #tpu.memory_space<vmem>> -> memref<1x40x128xf32, #tpu.memory_space<vmem>>
    %dma_start3A_55 = tpu.memref_squeeze %dma_start3A_54 : memref<1x40x128xf32, #tpu.memory_space<vmem>> -> memref<40x128xf32, #tpu.memory_space<vmem>>
    tpu.enqueue_dma source(%dma_start3A_55 : memref<40x128xf32, #tpu.memory_space<vmem>>) target(%dma_start3A_51 : memref<40x128xf32, #tpu.memory_space<vmem_shared>>) target_semaphore(%dma_start3A_49 : memref<!tpu.dma_semaphore, #tpu.memory_space<semaphore_mem>>)
    %add3A_56 = arith.constant 120 : i32
    %add3A_57 = arith.addi %mul3A_2, %add3A_56 : i32
    %dma_start3A_58 = arith.constant 0 : i32
    %dma_start3A_59 = arith.constant 0 : i32
    %dma_start3A_60 = arith.constant 0 : i32
    %dma_start3A_61 = arith.constant 0 : i32
    %dma_start3A_62 = tpu.memref_slice %arg11[%dma_start3A_58, %dma_start3A_60, %dma_start3A_61] : memref<3x40x128xf32, #tpu.memory_space<vmem>> -> memref<1x40x128xf32, #tpu.memory_space<vmem>>
    %dma_start3A_63 = tpu.memref_squeeze %dma_start3A_62 : memref<1x40x128xf32, #tpu.memory_space<vmem>> -> memref<40x128xf32, #tpu.memory_space<vmem>>
    %dma_start3A_64 = arith.constant 0 : i32
    %dma_start3A_65 = tpu.memref_slice %arg12[%add3A_57, %dma_start3A_64] : memref<10000x128xf32, #tpu.memory_space<vmem_shared>> -> memref<40x128xf32, #tpu.memory_space<vmem_shared>>
    %dma_start3A_66 = tpu.memref_slice %arg14[%dma_start3A_59] : memref<3x!tpu.dma_semaphore, #tpu.memory_space<semaphore_mem>> -> memref<1x!tpu.dma_semaphore, #tpu.memory_space<semaphore_mem>>
    %dma_start3A_67 = tpu.memref_squeeze %dma_start3A_66 : memref<1x!tpu.dma_semaphore, #tpu.memory_space<semaphore_mem>> -> memref<!tpu.dma_semaphore, #tpu.memory_space<semaphore_mem>>
    %dma_start3A_68 = arith.constant 0 : i32
    %dma_start3A_69 = tpu.memref_slice %arg12[%add3A_57, %dma_start3A_68] : memref<10000x128xf32, #tpu.memory_space<vmem_shared>> -> memref<40x128xf32, #tpu.memory_space<vmem_shared>>
    %dma_start3A_70 = arith.constant 0 : i32
    %dma_start3A_71 = arith.constant 0 : i32
    %dma_start3A_72 = tpu.memref_slice %arg11[%dma_start3A_58, %dma_start3A_70, %dma_start3A_71] : memref<3x40x128xf32, #tpu.memory_space<vmem>> -> memref<1x40x128xf32, #tpu.memory_space<vmem>>
    %dma_start3A_73 = tpu.memref_squeeze %dma_start3A_72 : memref<1x40x128xf32, #tpu.memory_space<vmem>> -> memref<40x128xf32, #tpu.memory_space<vmem>>
    tpu.enqueue_dma source(%dma_start3A_73 : memref<40x128xf32, #tpu.memory_space<vmem>>) target(%dma_start3A_69 : memref<40x128xf32, #tpu.memory_space<vmem_shared>>) target_semaphore(%dma_start3A_67 : memref<!tpu.dma_semaphore, #tpu.memory_space<semaphore_mem>>)
    %add3A_74 = arith.constant 160 : i32
    %add3A_75 = arith.addi %mul3A_2, %add3A_74 : i32
    %dma_start3A_76 = arith.constant 0 : i32
    %dma_start3A_77 = arith.constant 0 : i32
    %dma_start3A_78 = arith.constant 0 : i32
    %dma_start3A_79 = arith.constant 0 : i32
    %dma_start3A_80 = tpu.memref_slice %arg11[%dma_start3A_76, %dma_start3A_78, %dma_start3A_79] : memref<3x40x128xf32, #tpu.memory_space<vmem>> -> memref<1x40x128xf32, #tpu.memory_space<vmem>>
    %dma_start3A_81 = tpu.memref_squeeze %dma_start3A_80 : memref<1x40x128xf32, #tpu.memory_space<vmem>> -> memref<40x128xf32, #tpu.memory_space<vmem>>
    %dma_start3A_82 = arith.constant 0 : i32
    %dma_start3A_83 = tpu.memref_slice %arg12[%add3A_75, %dma_start3A_82] : memref<10000x128xf32, #tpu.memory_space<vmem_shared>> -> memref<40x128xf32, #tpu.memory_space<vmem_shared>>
    %dma_start3A_84 = tpu.memref_slice %arg14[%dma_start3A_77] : memref<3x!tpu.dma_semaphore, #tpu.memory_space<semaphore_mem>> -> memref<1x!tpu.dma_semaphore, #tpu.memory_space<semaphore_mem>>
    %dma_start3A_85 = tpu.memref_squeeze %dma_start3A_84 : memref<1x!tpu.dma_semaphore, #tpu.memory_space<semaphore_mem>> -> memref<!tpu.dma_semaphore, #tpu.memory_space<semaphore_mem>>
    %dma_start3A_86 = arith.constant 0 : i32
    %dma_start3A_87 = tpu.memref_slice %arg12[%add3A_75, %dma_start3A_86] : memref<10000x128xf32, #tpu.memory_space<vmem_shared>> -> memref<40x128xf32, #tpu.memory_space<vmem_shared>>
    %dma_start3A_88 = arith.constant 0 : i32
    %dma_start3A_89 = arith.constant 0 : i32
    %dma_start3A_90 = tpu.memref_slice %arg11[%dma_start3A_76, %dma_start3A_88, %dma_start3A_89] : memref<3x40x128xf32, #tpu.memory_space<vmem>> -> memref<1x40x128xf32, #tpu.memory_space<vmem>>
    %dma_start3A_91 = tpu.memref_squeeze %dma_start3A_90 : memref<1x40x128xf32, #tpu.memory_space<vmem>> -> memref<40x128xf32, #tpu.memory_space<vmem>>
    tpu.enqueue_dma source(%dma_start3A_91 : memref<40x128xf32, #tpu.memory_space<vmem>>) target(%dma_start3A_87 : memref<40x128xf32, #tpu.memory_space<vmem_shared>>) target_semaphore(%dma_start3A_85 : memref<!tpu.dma_semaphore, #tpu.memory_space<semaphore_mem>>)
    %add3A_92 = arith.constant 200 : i32
    %add3A_93 = arith.addi %mul3A_2, %add3A_92 : i32
    %dma_start3A_94 = arith.constant 0 : i32
    %dma_start3A_95 = arith.constant 0 : i32
    %dma_start3A_96 = arith.constant 0 : i32
    %dma_start3A_97 = arith.constant 0 : i32
    %dma_start3A_98 = tpu.memref_slice %arg11[%dma_start3A_94, %dma_start3A_96, %dma_start3A_97] : memref<3x40x128xf32, #tpu.memory_space<vmem>> -> memref<1x40x128xf32, #tpu.memory_space<vmem>>
    %dma_start3A_99 = tpu.memref_squeeze %dma_start3A_98 : memref<1x40x128xf32, #tpu.memory_space<vmem>> -> memref<40x128xf32, #tpu.memory_space<vmem>>
    %dma_start3A_100 = arith.constant 0 : i32
    %dma_start3A_101 = tpu.memref_slice %arg12[%add3A_93, %dma_start3A_100] : memref<10000x128xf32, #tpu.memory_space<vmem_shared>> -> memref<40x128xf32, #tpu.memory_space<vmem_shared>>
    %dma_start3A_102 = tpu.memref_slice %arg14[%dma_start3A_95] : memref<3x!tpu.dma_semaphore, #tpu.memory_space<semaphore_mem>> -> memref<1x!tpu.dma_semaphore, #tpu.memory_space<semaphore_mem>>
    %dma_start3A_103 = tpu.memref_squeeze %dma_start3A_102 : memref<1x!tpu.dma_semaphore, #tpu.memory_space<semaphore_mem>> -> memref<!tpu.dma_semaphore, #tpu.memory_space<semaphore_mem>>
    %dma_start3A_104 = arith.constant 0 : i32
    %dma_start3A_105 = tpu.memref_slice %arg12[%add3A_93, %dma_start3A_104] : memref<10000x128xf32, #tpu.memory_space<vmem_shared>> -> memref<40x128xf32, #tpu.memory_space<vmem_shared>>
    %dma_start3A_106 = arith.constant 0 : i32
    %dma_start3A_107 = arith.constant 0 : i32
    %dma_start3A_108 = tpu.memref_slice %arg11[%dma_start3A_94, %dma_start3A_106, %dma_start3A_107] : memref<3x40x128xf32, #tpu.memory_space<vmem>> -> memref<1x40x128xf32, #tpu.memory_space<vmem>>
    %dma_start3A_109 = tpu.memref_squeeze %dma_start3A_108 : memref<1x40x128xf32, #tpu.memory_space<vmem>> -> memref<40x128xf32, #tpu.memory_space<vmem>>
    tpu.enqueue_dma source(%dma_start3A_109 : memref<40x128xf32, #tpu.memory_space<vmem>>) target(%dma_start3A_105 : memref<40x128xf32, #tpu.memory_space<vmem_shared>>) target_semaphore(%dma_start3A_103 : memref<!tpu.dma_semaphore, #tpu.memory_space<semaphore_mem>>)
    %add3A_110 = arith.constant 240 : i32
    %add3A_111 = arith.addi %mul3A_2, %add3A_110 : i32
    %dma_start3A_112 = arith.constant 0 : i32
    %dma_start3A_113 = arith.constant 0 : i32
    %dma_start3A_114 = arith.constant 0 : i32
    %dma_start3A_115 = arith.constant 0 : i32
    %dma_start3A_116 = tpu.memref_slice %arg11[%dma_start3A_112, %dma_start3A_114, %dma_start3A_115] : memref<3x40x128xf32, #tpu.memory_space<vmem>> -> memref<1x40x128xf32, #tpu.memory_space<vmem>>
    %dma_start3A_117 = tpu.memref_squeeze %dma_start3A_116 : memref<1x40x128xf32, #tpu.memory_space<vmem>> -> memref<40x128xf32, #tpu.memory_space<vmem>>
    %dma_start3A_118 = arith.constant 0 : i32
    %dma_start3A_119 = tpu.memref_slice %arg12[%add3A_111, %dma_start3A_118] : memref<10000x128xf32, #tpu.memory_space<vmem_shared>> -> memref<40x128xf32, #tpu.memory_space<vmem_shared>>
    %dma_start3A_120 = tpu.memref_slice %arg14[%dma_start3A_113] : memref<3x!tpu.dma_semaphore, #tpu.memory_space<semaphore_mem>> -> memref<1x!tpu.dma_semaphore, #tpu.memory_space<semaphore_mem>>
    %dma_start3A_121 = tpu.memref_squeeze %dma_start3A_120 : memref<1x!tpu.dma_semaphore, #tpu.memory_space<semaphore_mem>> -> memref<!tpu.dma_semaphore, #tpu.memory_space<semaphore_mem>>
    %dma_start3A_122 = arith.constant 0 : i32
    %dma_start3A_123 = tpu.memref_slice %arg12[%add3A_111, %dma_start3A_122] : memref<10000x128xf32, #tpu.memory_space<vmem_shared>> -> memref<40x128xf32, #tpu.memory_space<vmem_shared>>
    %dma_start3A_124 = arith.constant 0 : i32
    %dma_start3A_125 = arith.constant 0 : i32
    %dma_start3A_126 = tpu.memref_slice %arg11[%dma_start3A_112, %dma_start3A_124, %dma_start3A_125] : memref<3x40x128xf32, #tpu.memory_space<vmem>> -> memref<1x40x128xf32, #tpu.memory_space<vmem>>
    %dma_start3A_127 = tpu.memref_squeeze %dma_start3A_126 : memref<1x40x128xf32, #tpu.memory_space<vmem>> -> memref<40x128xf32, #tpu.memory_space<vmem>>
    tpu.enqueue_dma source(%dma_start3A_127 : memref<40x128xf32, #tpu.memory_space<vmem>>) target(%dma_start3A_123 : memref<40x128xf32, #tpu.memory_space<vmem_shared>>) target_semaphore(%dma_start3A_121 : memref<!tpu.dma_semaphore, #tpu.memory_space<semaphore_mem>>)
    %add3A_128 = arith.constant 280 : i32
    %add3A_129 = arith.addi %mul3A_2, %add3A_128 : i32
    %dma_start3A_130 = arith.constant 0 : i32
    %dma_start3A_131 = arith.constant 0 : i32
    %dma_start3A_132 = arith.constant 0 : i32
    %dma_start3A_133 = arith.constant 0 : i32
    %dma_start3A_134 = tpu.memref_slice %arg11[%dma_start3A_130, %dma_start3A_132, %dma_start3A_133] : memref<3x40x128xf32, #tpu.memory_space<vmem>> -> memref<1x40x128xf32, #tpu.memory_space<vmem>>
    %dma_start3A_135 = tpu.memref_squeeze %dma_start3A_134 : memref<1x40x128xf32, #tpu.memory_space<vmem>> -> memref<40x128xf32, #tpu.memory_space<vmem>>
    %dma_start3A_136 = arith.constant 0 : i32
    %dma_start3A_137 = tpu.memref_slice %arg12[%add3A_129, %dma_start3A_136] : memref<10000x128xf32, #tpu.memory_space<vmem_shared>> -> memref<40x128xf32, #tpu.memory_space<vmem_shared>>
    %dma_start3A_138 = tpu.memref_slice %arg14[%dma_start3A_131] : memref<3x!tpu.dma_semaphore, #tpu.memory_space<semaphore_mem>> -> memref<1x!tpu.dma_semaphore, #tpu.memory_space<semaphore_mem>>
    %dma_start3A_139 = tpu.memref_squeeze %dma_start3A_138 : memref<1x!tpu.dma_semaphore, #tpu.memory_space<semaphore_mem>> -> memref<!tpu.dma_semaphore, #tpu.memory_space<semaphore_mem>>
    %dma_start3A_140 = arith.constant 0 : i32
    %dma_start3A_141 = tpu.memref_slice %arg12[%add3A_129, %dma_start3A_140] : memref<10000x128xf32, #tpu.memory_space<vmem_shared>> -> memref<40x128xf32, #tpu.memory_space<vmem_shared>>
    %dma_start3A_142 = arith.constant 0 : i32
    %dma_start3A_143 = arith.constant 0 : i32
    %dma_start3A_144 = tpu.memref_slice %arg11[%dma_start3A_130, %dma_start3A_142, %dma_start3A_143] : memref<3x40x128xf32, #tpu.memory_space<vmem>> -> memref<1x40x128xf32, #tpu.memory_space<vmem>>
    %dma_start3A_145 = tpu.memref_squeeze %dma_start3A_144 : memref<1x40x128xf32, #tpu.memory_space<vmem>> -> memref<40x128xf32, #tpu.memory_space<vmem>>
    tpu.enqueue_dma source(%dma_start3A_145 : memref<40x128xf32, #tpu.memory_space<vmem>>) target(%dma_start3A_141 : memref<40x128xf32, #tpu.memory_space<vmem_shared>>) target_semaphore(%dma_start3A_139 : memref<!tpu.dma_semaphore, #tpu.memory_space<semaphore_mem>>)
    %add3A_146 = arith.constant 320 : i32
    %add3A_147 = arith.addi %mul3A_2, %add3A_146 : i32
    %dma_start3A_148 = arith.constant 0 : i32
    %dma_start3A_149 = arith.constant 0 : i32
    %dma_start3A_150 = arith.constant 0 : i32
    %dma_start3A_151 = arith.constant 0 : i32
    %dma_start3A_152 = tpu.memref_slice %arg11[%dma_start3A_148, %dma_start3A_150, %dma_start3A_151] : memref<3x40x128xf32, #tpu.memory_space<vmem>> -> memref<1x40x128xf32, #tpu.memory_space<vmem>>
    %dma_start3A_153 = tpu.memref_squeeze %dma_start3A_152 : memref<1x40x128xf32, #tpu.memory_space<vmem>> -> memref<40x128xf32, #tpu.memory_space<vmem>>
    %dma_start3A_154 = arith.constant 0 : i32
    %dma_start3A_155 = tpu.memref_slice %arg12[%add3A_147, %dma_start3A_154] : memref<10000x128xf32, #tpu.memory_space<vmem_shared>> -> memref<40x128xf32, #tpu.memory_space<vmem_shared>>
    %dma_start3A_156 = tpu.memref_slice %arg14[%dma_start3A_149] : memref<3x!tpu.dma_semaphore, #tpu.memory_space<semaphore_mem>> -> memref<1x!tpu.dma_semaphore, #tpu.memory_space<semaphore_mem>>
    %dma_start3A_157 = tpu.memref_squeeze %dma_start3A_156 : memref<1x!tpu.dma_semaphore, #tpu.memory_space<semaphore_mem>> -> memref<!tpu.dma_semaphore, #tpu.memory_space<semaphore_mem>>
    %dma_start3A_158 = arith.constant 0 : i32
    %dma_start3A_159 = tpu.memref_slice %arg12[%add3A_147, %dma_start3A_158] : memref<10000x128xf32, #tpu.memory_space<vmem_shared>> -> memref<40x128xf32, #tpu.memory_space<vmem_shared>>
    %dma_start3A_160 = arith.constant 0 : i32
    %dma_start3A_161 = arith.constant 0 : i32
    %dma_start3A_162 = tpu.memref_slice %arg11[%dma_start3A_148, %dma_start3A_160, %dma_start3A_161] : memref<3x40x128xf32, #tpu.memory_space<vmem>> -> memref<1x40x128xf32, #tpu.memory_space<vmem>>
    %dma_start3A_163 = tpu.memref_squeeze %dma_start3A_162 : memref<1x40x128xf32, #tpu.memory_space<vmem>> -> memref<40x128xf32, #tpu.memory_space<vmem>>
    tpu.enqueue_dma source(%dma_start3A_163 : memref<40x128xf32, #tpu.memory_space<vmem>>) target(%dma_start3A_159 : memref<40x128xf32, #tpu.memory_space<vmem_shared>>) target_semaphore(%dma_start3A_157 : memref<!tpu.dma_semaphore, #tpu.memory_space<semaphore_mem>>)
    %add3A_164 = arith.constant 360 : i32
    %add3A_165 = arith.addi %mul3A_2, %add3A_164 : i32
    %dma_start3A_166 = arith.constant 0 : i32
    %dma_start3A_167 = arith.constant 0 : i32
    %dma_start3A_168 = arith.constant 0 : i32
    %dma_start3A_169 = arith.constant 0 : i32
    %dma_start3A_170 = tpu.memref_slice %arg11[%dma_start3A_166, %dma_start3A_168, %dma_start3A_169] : memref<3x40x128xf32, #tpu.memory_space<vmem>> -> memref<1x40x128xf32, #tpu.memory_space<vmem>>
    %dma_start3A_171 = tpu.memref_squeeze %dma_start3A_170 : memref<1x40x128xf32, #tpu.memory_space<vmem>> -> memref<40x128xf32, #tpu.memory_space<vmem>>
    %dma_start3A_172 = arith.constant 0 : i32
    %dma_start3A_173 = tpu.memref_slice %arg12[%add3A_165, %dma_start3A_172] : memref<10000x128xf32, #tpu.memory_space<vmem_shared>> -> memref<40x128xf32, #tpu.memory_space<vmem_shared>>
    %dma_start3A_174 = tpu.memref_slice %arg14[%dma_start3A_167] : memref<3x!tpu.dma_semaphore, #tpu.memory_space<semaphore_mem>> -> memref<1x!tpu.dma_semaphore, #tpu.memory_space<semaphore_mem>>
    %dma_start3A_175 = tpu.memref_squeeze %dma_start3A_174 : memref<1x!tpu.dma_semaphore, #tpu.memory_space<semaphore_mem>> -> memref<!tpu.dma_semaphore, #tpu.memory_space<semaphore_mem>>
    %dma_start3A_176 = arith.constant 0 : i32
    %dma_start3A_177 = tpu.memref_slice %arg12[%add3A_165, %dma_start3A_176] : memref<10000x128xf32, #tpu.memory_space<vmem_shared>> -> memref<40x128xf32, #tpu.memory_space<vmem_shared>>
    %dma_start3A_178 = arith.constant 0 : i32
    %dma_start3A_179 = arith.constant 0 : i32
    %dma_start3A_180 = tpu.memref_slice %arg11[%dma_start3A_166, %dma_start3A_178, %dma_start3A_179] : memref<3x40x128xf32, #tpu.memory_space<vmem>> -> memref<1x40x128xf32, #tpu.memory_space<vmem>>
    %dma_start3A_181 = tpu.memref_squeeze %dma_start3A_180 : memref<1x40x128xf32, #tpu.memory_space<vmem>> -> memref<40x128xf32, #tpu.memory_space<vmem>>
    tpu.enqueue_dma source(%dma_start3A_181 : memref<40x128xf32, #tpu.memory_space<vmem>>) target(%dma_start3A_177 : memref<40x128xf32, #tpu.memory_space<vmem_shared>>) target_semaphore(%dma_start3A_175 : memref<!tpu.dma_semaphore, #tpu.memory_space<semaphore_mem>>)
    %add3A_182 = arith.constant 400 : i32
    %add3A_183 = arith.addi %mul3A_2, %add3A_182 : i32
    %dma_start3A_184 = arith.constant 0 : i32
    %dma_start3A_185 = arith.constant 0 : i32
    %dma_start3A_186 = arith.constant 0 : i32
    %dma_start3A_187 = arith.constant 0 : i32
    %dma_start3A_188 = tpu.memref_slice %arg11[%dma_start3A_184, %dma_start3A_186, %dma_start3A_187] : memref<3x40x128xf32, #tpu.memory_space<vmem>> -> memref<1x40x128xf32, #tpu.memory_space<vmem>>
    %dma_start3A_189 = tpu.memref_squeeze %dma_start3A_188 : memref<1x40x128xf32, #tpu.memory_space<vmem>> -> memref<40x128xf32, #tpu.memory_space<vmem>>
    %dma_start3A_190 = arith.constant 0 : i32
    %dma_start3A_191 = tpu.memref_slice %arg12[%add3A_183, %dma_start3A_190] : memref<10000x128xf32, #tpu.memory_space<vmem_shared>> -> memref<40x128xf32, #tpu.memory_space<vmem_shared>>
    %dma_start3A_192 = tpu.memref_slice %arg14[%dma_start3A_185] : memref<3x!tpu.dma_semaphore, #tpu.memory_space<semaphore_mem>> -> memref<1x!tpu.dma_semaphore, #tpu.memory_space<semaphore_mem>>
    %dma_start3A_193 = tpu.memref_squeeze %dma_start3A_192 : memref<1x!tpu.dma_semaphore, #tpu.memory_space<semaphore_mem>> -> memref<!tpu.dma_semaphore, #tpu.memory_space<semaphore_mem>>
    %dma_start3A_194 = arith.constant 0 : i32
    %dma_start3A_195 = tpu.memref_slice %arg12[%add3A_183, %dma_start3A_194] : memref<10000x128xf32, #tpu.memory_space<vmem_shared>> -> memref<40x128xf32, #tpu.memory_space<vmem_shared>>
    %dma_start3A_196 = arith.constant 0 : i32
    %dma_start3A_197 = arith.constant 0 : i32
    %dma_start3A_198 = tpu.memref_slice %arg11[%dma_start3A_184, %dma_start3A_196, %dma_start3A_197] : memref<3x40x128xf32, #tpu.memory_space<vmem>> -> memref<1x40x128xf32, #tpu.memory_space<vmem>>
    %dma_start3A_199 = tpu.memref_squeeze %dma_start3A_198 : memref<1x40x128xf32, #tpu.memory_space<vmem>> -> memref<40x128xf32, #tpu.memory_space<vmem>>
    tpu.enqueue_dma source(%dma_start3A_199 : memref<40x128xf32, #tpu.memory_space<vmem>>) target(%dma_start3A_195 : memref<40x128xf32, #tpu.memory_space<vmem_shared>>) target_semaphore(%dma_start3A_193 : memref<!tpu.dma_semaphore, #tpu.memory_space<semaphore_mem>>)
    %add3A_200 = arith.constant 440 : i32
    %add3A_201 = arith.addi %mul3A_2, %add3A_200 : i32
    %dma_start3A_202 = arith.constant 0 : i32
    %dma_start3A_203 = arith.constant 0 : i32
    %dma_start3A_204 = arith.constant 0 : i32
    %dma_start3A_205 = arith.constant 0 : i32
    %dma_start3A_206 = tpu.memref_slice %arg11[%dma_start3A_202, %dma_start3A_204, %dma_start3A_205] : memref<3x40x128xf32, #tpu.memory_space<vmem>> -> memref<1x40x128xf32, #tpu.memory_space<vmem>>
    %dma_start3A_207 = tpu.memref_squeeze %dma_start3A_206 : memref<1x40x128xf32, #tpu.memory_space<vmem>> -> memref<40x128xf32, #tpu.memory_space<vmem>>
    %dma_start3A_208 = arith.constant 0 : i32
    %dma_start3A_209 = tpu.memref_slice %arg12[%add3A_201, %dma_start3A_208] : memref<10000x128xf32, #tpu.memory_space<vmem_shared>> -> memref<40x128xf32, #tpu.memory_space<vmem_shared>>
    %dma_start3A_210 = tpu.memref_slice %arg14[%dma_start3A_203] : memref<3x!tpu.dma_semaphore, #tpu.memory_space<semaphore_mem>> -> memref<1x!tpu.dma_semaphore, #tpu.memory_space<semaphore_mem>>
    %dma_start3A_211 = tpu.memref_squeeze %dma_start3A_210 : memref<1x!tpu.dma_semaphore, #tpu.memory_space<semaphore_mem>> -> memref<!tpu.dma_semaphore, #tpu.memory_space<semaphore_mem>>
    %dma_start3A_212 = arith.constant 0 : i32
    %dma_start3A_213 = tpu.memref_slice %arg12[%add3A_201, %dma_start3A_212] : memref<10000x128xf32, #tpu.memory_space<vmem_shared>> -> memref<40x128xf32, #tpu.memory_space<vmem_shared>>
    %dma_start3A_214 = arith.constant 0 : i32
    %dma_start3A_215 = arith.constant 0 : i32
    %dma_start3A_216 = tpu.memref_slice %arg11[%dma_start3A_202, %dma_start3A_214, %dma_start3A_215] : memref<3x40x128xf32, #tpu.memory_space<vmem>> -> memref<1x40x128xf32, #tpu.memory_space<vmem>>
    %dma_start3A_217 = tpu.memref_squeeze %dma_start3A_216 : memref<1x40x128xf32, #tpu.memory_space<vmem>> -> memref<40x128xf32, #tpu.memory_space<vmem>>
    tpu.enqueue_dma source(%dma_start3A_217 : memref<40x128xf32, #tpu.memory_space<vmem>>) target(%dma_start3A_213 : memref<40x128xf32, #tpu.memory_space<vmem_shared>>) target_semaphore(%dma_start3A_211 : memref<!tpu.dma_semaphore, #tpu.memory_space<semaphore_mem>>)
    %add3A_218 = arith.constant 480 : i32
    %add3A_219 = arith.addi %mul3A_2, %add3A_218 : i32
    %dma_start3A_220 = arith.constant 0 : i32
    %dma_start3A_221 = arith.constant 0 : i32
    %dma_start3A_222 = arith.constant 0 : i32
    %dma_start3A_223 = arith.constant 0 : i32
    %dma_start3A_224 = tpu.memref_slice %arg11[%dma_start3A_220, %dma_start3A_222, %dma_start3A_223] : memref<3x40x128xf32, #tpu.memory_space<vmem>> -> memref<1x40x128xf32, #tpu.memory_space<vmem>>
    %dma_start3A_225 = tpu.memref_squeeze %dma_start3A_224 : memref<1x40x128xf32, #tpu.memory_space<vmem>> -> memref<40x128xf32, #tpu.memory_space<vmem>>
    %dma_start3A_226 = arith.constant 0 : i32
    %dma_start3A_227 = tpu.memref_slice %arg12[%add3A_219, %dma_start3A_226] : memref<10000x128xf32, #tpu.memory_space<vmem_shared>> -> memref<40x128xf32, #tpu.memory_space<vmem_shared>>
    %dma_start3A_228 = tpu.memref_slice %arg14[%dma_start3A_221] : memref<3x!tpu.dma_semaphore, #tpu.memory_space<semaphore_mem>> -> memref<1x!tpu.dma_semaphore, #tpu.memory_space<semaphore_mem>>
    %dma_start3A_229 = tpu.memref_squeeze %dma_start3A_228 : memref<1x!tpu.dma_semaphore, #tpu.memory_space<semaphore_mem>> -> memref<!tpu.dma_semaphore, #tpu.memory_space<semaphore_mem>>
    %dma_start3A_230 = arith.constant 0 : i32
    %dma_start3A_231 = tpu.memref_slice %arg12[%add3A_219, %dma_start3A_230] : memref<10000x128xf32, #tpu.memory_space<vmem_shared>> -> memref<40x128xf32, #tpu.memory_space<vmem_shared>>
    %dma_start3A_232 = arith.constant 0 : i32
    %dma_start3A_233 = arith.constant 0 : i32
    %dma_start3A_234 = tpu.memref_slice %arg11[%dma_start3A_220, %dma_start3A_232, %dma_start3A_233] : memref<3x40x128xf32, #tpu.memory_space<vmem>> -> memref<1x40x128xf32, #tpu.memory_space<vmem>>
    %dma_start3A_235 = tpu.memref_squeeze %dma_start3A_234 : memref<1x40x128xf32, #tpu.memory_space<vmem>> -> memref<40x128xf32, #tpu.memory_space<vmem>>
    tpu.enqueue_dma source(%dma_start3A_235 : memref<40x128xf32, #tpu.memory_space<vmem>>) target(%dma_start3A_231 : memref<40x128xf32, #tpu.memory_space<vmem_shared>>) target_semaphore(%dma_start3A_229 : memref<!tpu.dma_semaphore, #tpu.memory_space<semaphore_mem>>)
    %add3A_236 = arith.constant 520 : i32
    %add3A_237 = arith.addi %mul3A_2, %add3A_236 : i32
    %dma_start3A_238 = arith.constant 0 : i32
    %dma_start3A_239 = arith.constant 0 : i32
    %dma_start3A_240 = arith.constant 0 : i32
    %dma_start3A_241 = arith.constant 0 : i32
    %dma_start3A_242 = tpu.memref_slice %arg11[%dma_start3A_238, %dma_start3A_240, %dma_start3A_241] : memref<3x40x128xf32, #tpu.memory_space<vmem>> -> memref<1x40x128xf32, #tpu.memory_space<vmem>>
    %dma_start3A_243 = tpu.memref_squeeze %dma_start3A_242 : memref<1x40x128xf32, #tpu.memory_space<vmem>> -> memref<40x128xf32, #tpu.memory_space<vmem>>
    %dma_start3A_244 = arith.constant 0 : i32
    %dma_start3A_245 = tpu.memref_slice %arg12[%add3A_237, %dma_start3A_244] : memref<10000x128xf32, #tpu.memory_space<vmem_shared>> -> memref<40x128xf32, #tpu.memory_space<vmem_shared>>
    %dma_start3A_246 = tpu.memref_slice %arg14[%dma_start3A_239] : memref<3x!tpu.dma_semaphore, #tpu.memory_space<semaphore_mem>> -> memref<1x!tpu.dma_semaphore, #tpu.memory_space<semaphore_mem>>
    %dma_start3A_247 = tpu.memref_squeeze %dma_start3A_246 : memref<1x!tpu.dma_semaphore, #tpu.memory_space<semaphore_mem>> -> memref<!tpu.dma_semaphore, #tpu.memory_space<semaphore_mem>>
    %dma_start3A_248 = arith.constant 0 : i32
    %dma_start3A_249 = tpu.memref_slice %arg12[%add3A_237, %dma_start3A_248] : memref<10000x128xf32, #tpu.memory_space<vmem_shared>> -> memref<40x128xf32, #tpu.memory_space<vmem_shared>>
    %dma_start3A_250 = arith.constant 0 : i32
    %dma_start3A_251 = arith.constant 0 : i32
    %dma_start3A_252 = tpu.memref_slice %arg11[%dma_start3A_238, %dma_start3A_250, %dma_start3A_251] : memref<3x40x128xf32, #tpu.memory_space<vmem>> -> memref<1x40x128xf32, #tpu.memory_space<vmem>>
    %dma_start3A_253 = tpu.memref_squeeze %dma_start3A_252 : memref<1x40x128xf32, #tpu.memory_space<vmem>> -> memref<40x128xf32, #tpu.memory_space<vmem>>
    tpu.enqueue_dma source(%dma_start3A_253 : memref<40x128xf32, #tpu.memory_space<vmem>>) target(%dma_start3A_249 : memref<40x128xf32, #tpu.memory_space<vmem_shared>>) target_semaphore(%dma_start3A_247 : memref<!tpu.dma_semaphore, #tpu.memory_space<semaphore_mem>>)
    %add3A_254 = arith.constant 560 : i32
    %add3A_255 = arith.addi %mul3A_2, %add3A_254 : i32
    %dma_start3A_256 = arith.constant 0 : i32
    %dma_start3A_257 = arith.constant 0 : i32
    %dma_start3A_258 = arith.constant 0 : i32
    %dma_start3A_259 = arith.constant 0 : i32
    %dma_start3A_260 = tpu.memref_slice %arg11[%dma_start3A_256, %dma_start3A_258, %dma_start3A_259] : memref<3x40x128xf32, #tpu.memory_space<vmem>> -> memref<1x40x128xf32, #tpu.memory_space<vmem>>
    %dma_start3A_261 = tpu.memref_squeeze %dma_start3A_260 : memref<1x40x128xf32, #tpu.memory_space<vmem>> -> memref<40x128xf32, #tpu.memory_space<vmem>>
    %dma_start3A_262 = arith.constant 0 : i32
    %dma_start3A_263 = tpu.memref_slice %arg12[%add3A_255, %dma_start3A_262] : memref<10000x128xf32, #tpu.memory_space<vmem_shared>> -> memref<40x128xf32, #tpu.memory_space<vmem_shared>>
    %dma_start3A_264 = tpu.memref_slice %arg14[%dma_start3A_257] : memref<3x!tpu.dma_semaphore, #tpu.memory_space<semaphore_mem>> -> memref<1x!tpu.dma_semaphore, #tpu.memory_space<semaphore_mem>>
    %dma_start3A_265 = tpu.memref_squeeze %dma_start3A_264 : memref<1x!tpu.dma_semaphore, #tpu.memory_space<semaphore_mem>> -> memref<!tpu.dma_semaphore, #tpu.memory_space<semaphore_mem>>
    %dma_start3A_266 = arith.constant 0 : i32
    %dma_start3A_267 = tpu.memref_slice %arg12[%add3A_255, %dma_start3A_266] : memref<10000x128xf32, #tpu.memory_space<vmem_shared>> -> memref<40x128xf32, #tpu.memory_space<vmem_shared>>
    %dma_start3A_268 = arith.constant 0 : i32
    %dma_start3A_269 = arith.constant 0 : i32
    %dma_start3A_270 = tpu.memref_slice %arg11[%dma_start3A_256, %dma_start3A_268, %dma_start3A_269] : memref<3x40x128xf32, #tpu.memory_space<vmem>> -> memref<1x40x128xf32, #tpu.memory_space<vmem>>
    %dma_start3A_271 = tpu.memref_squeeze %dma_start3A_270 : memref<1x40x128xf32, #tpu.memory_space<vmem>> -> memref<40x128xf32, #tpu.memory_space<vmem>>
    tpu.enqueue_dma source(%dma_start3A_271 : memref<40x128xf32, #tpu.memory_space<vmem>>) target(%dma_start3A_267 : memref<40x128xf32, #tpu.memory_space<vmem_shared>>) target_semaphore(%dma_start3A_265 : memref<!tpu.dma_semaphore, #tpu.memory_space<semaphore_mem>>)
    %add3A_272 = arith.constant 624 : i32
    %add3A_273 = arith.addi %mul3A_2, %add3A_272 : i32
    %sub3A = arith.constant 24 : i32
    %sub3A_274 = arith.subi %add3A_273, %sub3A : i32
    %dma_start3A_275 = arith.constant 0 : i32
    %dma_start3A_276 = arith.constant 1 : i32
    %dma_start3A_277 = arith.constant 0 : i32
    %dma_start3A_278 = arith.constant 0 : i32
    %dma_start3A_279 = tpu.memref_slice %arg11[%dma_start3A_275, %dma_start3A_277, %dma_start3A_278] : memref<3x40x128xf32, #tpu.memory_space<vmem>> -> memref<1x24x128xf32, #tpu.memory_space<vmem>>
    %dma_start3A_280 = tpu.memref_squeeze %dma_start3A_279 : memref<1x24x128xf32, #tpu.memory_space<vmem>> -> memref<24x128xf32, #tpu.memory_space<vmem>>
    %dma_start3A_281 = arith.constant 0 : i32
    %dma_start3A_282 = tpu.memref_slice %arg12[%sub3A_274, %dma_start3A_281] : memref<10000x128xf32, #tpu.memory_space<vmem_shared>> -> memref<24x128xf32, #tpu.memory_space<vmem_shared>>
    %dma_start3A_283 = tpu.memref_slice %arg14[%dma_start3A_276] : memref<3x!tpu.dma_semaphore, #tpu.memory_space<semaphore_mem>> -> memref<1x!tpu.dma_semaphore, #tpu.memory_space<semaphore_mem>>
    %dma_start3A_284 = tpu.memref_squeeze %dma_start3A_283 : memref<1x!tpu.dma_semaphore, #tpu.memory_space<semaphore_mem>> -> memref<!tpu.dma_semaphore, #tpu.memory_space<semaphore_mem>>
    %dma_start3A_285 = arith.constant 0 : i32
    %dma_start3A_286 = tpu.memref_slice %arg12[%sub3A_274, %dma_start3A_285] : memref<10000x128xf32, #tpu.memory_space<vmem_shared>> -> memref<24x128xf32, #tpu.memory_space<vmem_shared>>
    %dma_start3A_287 = arith.constant 0 : i32
    %dma_start3A_288 = arith.constant 0 : i32
    %dma_start3A_289 = tpu.memref_slice %arg11[%dma_start3A_275, %dma_start3A_287, %dma_start3A_288] : memref<3x40x128xf32, #tpu.memory_space<vmem>> -> memref<1x24x128xf32, #tpu.memory_space<vmem>>
    %dma_start3A_290 = tpu.memref_squeeze %dma_start3A_289 : memref<1x24x128xf32, #tpu.memory_space<vmem>> -> memref<24x128xf32, #tpu.memory_space<vmem>>
    tpu.enqueue_dma source(%dma_start3A_290 : memref<24x128xf32, #tpu.memory_space<vmem>>) target(%dma_start3A_286 : memref<24x128xf32, #tpu.memory_space<vmem_shared>>) target_semaphore(%dma_start3A_284 : memref<!tpu.dma_semaphore, #tpu.memory_space<semaphore_mem>>)
    %eq3A = arith.constant 15 : i32
    %eq3A_291 = arith.cmpi eq, %arg1, %eq3A : i32
    %convert_element_type3A = arith.extui %eq3A_291 : i1 to i32
    %cond3A = arith.constant 0 : i32
    %cond3A_292 = arith.cmpi ne, %convert_element_type3A, %cond3A : i32
    scf.if %cond3A_292 {
      %dma_start3A_658 = arith.constant 0 : i32
      %dma_start3A_659 = arith.constant 2 : i32
      %dma_start3A_660 = arith.constant 0 : i32
      %dma_start3A_661 = arith.constant 0 : i32
      %dma_start3A_662 = tpu.memref_slice %arg11[%dma_start3A_658, %dma_start3A_660, %dma_start3A_661] : memref<3x40x128xf32, #tpu.memory_space<vmem>> -> memref<1x16x128xf32, #tpu.memory_space<vmem>>
      %dma_start3A_663 = tpu.memref_squeeze %dma_start3A_662 : memref<1x16x128xf32, #tpu.memory_space<vmem>> -> memref<16x128xf32, #tpu.memory_space<vmem>>
      %dma_start3A_664 = arith.constant 9984 : i32
      %dma_start3A_665 = arith.constant 0 : i32
      %dma_start3A_666 = tpu.memref_slice %arg12[%dma_start3A_664, %dma_start3A_665] : memref<10000x128xf32, #tpu.memory_space<vmem_shared>> -> memref<16x128xf32, #tpu.memory_space<vmem_shared>>
      %dma_start3A_667 = tpu.memref_slice %arg14[%dma_start3A_659] : memref<3x!tpu.dma_semaphore, #tpu.memory_space<semaphore_mem>> -> memref<1x!tpu.dma_semaphore, #tpu.memory_space<semaphore_mem>>
      %dma_start3A_668 = tpu.memref_squeeze %dma_start3A_667 : memref<1x!tpu.dma_semaphore, #tpu.memory_space<semaphore_mem>> -> memref<!tpu.dma_semaphore, #tpu.memory_space<semaphore_mem>>
      %dma_start3A_669 = arith.constant 9984 : i32
      %dma_start3A_670 = arith.constant 0 : i32
      %dma_start3A_671 = tpu.memref_slice %arg12[%dma_start3A_669, %dma_start3A_670] : memref<10000x128xf32, #tpu.memory_space<vmem_shared>> -> memref<16x128xf32, #tpu.memory_space<vmem_shared>>
      %dma_start3A_672 = arith.constant 0 : i32
      %dma_start3A_673 = arith.constant 0 : i32
      %dma_start3A_674 = tpu.memref_slice %arg11[%dma_start3A_658, %dma_start3A_672, %dma_start3A_673] : memref<3x40x128xf32, #tpu.memory_space<vmem>> -> memref<1x16x128xf32, #tpu.memory_space<vmem>>
      %dma_start3A_675 = tpu.memref_squeeze %dma_start3A_674 : memref<1x16x128xf32, #tpu.memory_space<vmem>> -> memref<16x128xf32, #tpu.memory_space<vmem>>
      tpu.enqueue_dma source(%dma_start3A_675 : memref<16x128xf32, #tpu.memory_space<vmem>>) target(%dma_start3A_671 : memref<16x128xf32, #tpu.memory_space<vmem_shared>>) target_semaphore(%dma_start3A_668 : memref<!tpu.dma_semaphore, #tpu.memory_space<semaphore_mem>>)
    } else {
    }
    %dma_start3A_293 = arith.constant 0 : i32
    %dma_start3A_294 = arith.constant 0 : i32
    %dma_start3A_295 = arith.constant 0 : i32
    %dma_start3A_296 = arith.constant 0 : i32
    %dma_start3A_297 = arith.constant 0 : i32
    %dma_start3A_298 = tpu.memref_slice %arg8[%dma_start3A_294, %dma_start3A_296, %dma_start3A_297] : memref<2x25x40xi32, #tpu.memory_space<vmem>> -> memref<1x25x40xi32, #tpu.memory_space<vmem>>
    %dma_start3A_299 = tpu.memref_squeeze %dma_start3A_298 : memref<1x25x40xi32, #tpu.memory_space<vmem>> -> memref<25x40xi32, #tpu.memory_space<vmem>>
    %dma_start3A_300 = arith.constant 0 : i32
    %dma_start3A_301 = arith.constant 0 : i32
    %dma_start3A_302 = tpu.memref_slice %arg4[%add3A, %dma_start3A_293, %dma_start3A_300, %dma_start3A_301] : memref<32x10x25x40xi32, #tpu.memory_space<hbm>> -> memref<1x1x25x40xi32, #tpu.memory_space<hbm>>
    %dma_start3A_303 = tpu.memref_squeeze %dma_start3A_302 : memref<1x1x25x40xi32, #tpu.memory_space<hbm>> -> memref<25x40xi32, #tpu.memory_space<hbm>>
    %dma_start3A_304 = tpu.memref_slice %arg15[%dma_start3A_295] : memref<2x!tpu.dma_semaphore, #tpu.memory_space<semaphore_mem>> -> memref<1x!tpu.dma_semaphore, #tpu.memory_space<semaphore_mem>>
    %dma_start3A_305 = tpu.memref_squeeze %dma_start3A_304 : memref<1x!tpu.dma_semaphore, #tpu.memory_space<semaphore_mem>> -> memref<!tpu.dma_semaphore, #tpu.memory_space<semaphore_mem>>
    %dma_start3A_306 = arith.constant 0 : i32
    %dma_start3A_307 = arith.constant 0 : i32
    %dma_start3A_308 = tpu.memref_slice %arg8[%dma_start3A_294, %dma_start3A_306, %dma_start3A_307] : memref<2x25x40xi32, #tpu.memory_space<vmem>> -> memref<1x25x40xi32, #tpu.memory_space<vmem>>
    %dma_start3A_309 = tpu.memref_squeeze %dma_start3A_308 : memref<1x25x40xi32, #tpu.memory_space<vmem>> -> memref<25x40xi32, #tpu.memory_space<vmem>>
    %dma_start3A_310 = arith.constant 0 : i32
    %dma_start3A_311 = arith.constant 0 : i32
    %dma_start3A_312 = tpu.memref_slice %arg4[%add3A, %dma_start3A_293, %dma_start3A_310, %dma_start3A_311] : memref<32x10x25x40xi32, #tpu.memory_space<hbm>> -> memref<1x1x25x40xi32, #tpu.memory_space<hbm>>
    %dma_start3A_313 = tpu.memref_squeeze %dma_start3A_312 : memref<1x1x25x40xi32, #tpu.memory_space<hbm>> -> memref<25x40xi32, #tpu.memory_space<hbm>>
    tpu.enqueue_dma source(%dma_start3A_313 : memref<25x40xi32, #tpu.memory_space<hbm>>) target(%dma_start3A_309 : memref<25x40xi32, #tpu.memory_space<vmem>>) target_semaphore(%dma_start3A_305 : memref<!tpu.dma_semaphore, #tpu.memory_space<semaphore_mem>>)
    %dma_start3A_314 = arith.constant 0 : i32
    %dma_start3A_315 = arith.constant 0 : i32
    %dma_start3A_316 = arith.constant 0 : i32
    %dma_start3A_317 = arith.constant 0 : i32
    %dma_start3A_318 = arith.constant 0 : i32
    %dma_start3A_319 = tpu.memref_slice %arg9[%dma_start3A_315, %dma_start3A_317, %dma_start3A_318] : memref<2x25x40xi32, #tpu.memory_space<vmem>> -> memref<1x25x40xi32, #tpu.memory_space<vmem>>
    %dma_start3A_320 = tpu.memref_squeeze %dma_start3A_319 : memref<1x25x40xi32, #tpu.memory_space<vmem>> -> memref<25x40xi32, #tpu.memory_space<vmem>>
    %dma_start3A_321 = arith.constant 0 : i32
    %dma_start3A_322 = arith.constant 0 : i32
    %dma_start3A_323 = tpu.memref_slice %arg5[%add3A, %dma_start3A_314, %dma_start3A_321, %dma_start3A_322] : memref<32x10x25x40xi32, #tpu.memory_space<hbm>> -> memref<1x1x25x40xi32, #tpu.memory_space<hbm>>
    %dma_start3A_324 = tpu.memref_squeeze %dma_start3A_323 : memref<1x1x25x40xi32, #tpu.memory_space<hbm>> -> memref<25x40xi32, #tpu.memory_space<hbm>>
    %dma_start3A_325 = tpu.memref_slice %arg15[%dma_start3A_316] : memref<2x!tpu.dma_semaphore, #tpu.memory_space<semaphore_mem>> -> memref<1x!tpu.dma_semaphore, #tpu.memory_space<semaphore_mem>>
    %dma_start3A_326 = tpu.memref_squeeze %dma_start3A_325 : memref<1x!tpu.dma_semaphore, #tpu.memory_space<semaphore_mem>> -> memref<!tpu.dma_semaphore, #tpu.memory_space<semaphore_mem>>
    %dma_start3A_327 = arith.constant 0 : i32
    %dma_start3A_328 = arith.constant 0 : i32
    %dma_start3A_329 = tpu.memref_slice %arg9[%dma_start3A_315, %dma_start3A_327, %dma_start3A_328] : memref<2x25x40xi32, #tpu.memory_space<vmem>> -> memref<1x25x40xi32, #tpu.memory_space<vmem>>
    %dma_start3A_330 = tpu.memref_squeeze %dma_start3A_329 : memref<1x25x40xi32, #tpu.memory_space<vmem>> -> memref<25x40xi32, #tpu.memory_space<vmem>>
    %dma_start3A_331 = arith.constant 0 : i32
    %dma_start3A_332 = arith.constant 0 : i32
    %dma_start3A_333 = tpu.memref_slice %arg5[%add3A, %dma_start3A_314, %dma_start3A_331, %dma_start3A_332] : memref<32x10x25x40xi32, #tpu.memory_space<hbm>> -> memref<1x1x25x40xi32, #tpu.memory_space<hbm>>
    %dma_start3A_334 = tpu.memref_squeeze %dma_start3A_333 : memref<1x1x25x40xi32, #tpu.memory_space<hbm>> -> memref<25x40xi32, #tpu.memory_space<hbm>>
    tpu.enqueue_dma source(%dma_start3A_334 : memref<25x40xi32, #tpu.memory_space<hbm>>) target(%dma_start3A_330 : memref<25x40xi32, #tpu.memory_space<vmem>>) target_semaphore(%dma_start3A_326 : memref<!tpu.dma_semaphore, #tpu.memory_space<semaphore_mem>>)
    %dma_wait3A = arith.constant 0 : i32
    %dma_wait3A_335 = arith.constant 0 : i32
    %dma_wait3A_336 = arith.constant 0 : i32
    %dma_wait3A_337 = arith.constant 0 : i32
    %dma_wait3A_338 = tpu.memref_slice %arg11[%dma_wait3A, %dma_wait3A_336, %dma_wait3A_337] : memref<3x40x128xf32, #tpu.memory_space<vmem>> -> memref<1x40x128xf32, #tpu.memory_space<vmem>>
    %dma_wait3A_339 = tpu.memref_squeeze %dma_wait3A_338 : memref<1x40x128xf32, #tpu.memory_space<vmem>> -> memref<40x128xf32, #tpu.memory_space<vmem>>
    %dma_wait3A_340 = arith.constant 0 : i32
    %dma_wait3A_341 = tpu.memref_slice %arg12[%mul3A_2, %dma_wait3A_340] : memref<10000x128xf32, #tpu.memory_space<vmem_shared>> -> memref<40x128xf32, #tpu.memory_space<vmem_shared>>
    %dma_wait3A_342 = tpu.memref_slice %arg14[%dma_wait3A_335] : memref<3x!tpu.dma_semaphore, #tpu.memory_space<semaphore_mem>> -> memref<1x!tpu.dma_semaphore, #tpu.memory_space<semaphore_mem>>
    %dma_wait3A_343 = tpu.memref_squeeze %dma_wait3A_342 : memref<1x!tpu.dma_semaphore, #tpu.memory_space<semaphore_mem>> -> memref<!tpu.dma_semaphore, #tpu.memory_space<semaphore_mem>>
    %dma_wait3A_344 = arith.constant 0 : i32
    %dma_wait3A_345 = tpu.memref_slice %arg12[%mul3A_2, %dma_wait3A_344] : memref<10000x128xf32, #tpu.memory_space<vmem_shared>> -> memref<40x128xf32, #tpu.memory_space<vmem_shared>>
    %dma_wait3A_346 = arith.constant 0 : i32
    %dma_wait3A_347 = arith.constant 0 : i32
    %dma_wait3A_348 = tpu.memref_slice %arg11[%dma_wait3A, %dma_wait3A_346, %dma_wait3A_347] : memref<3x40x128xf32, #tpu.memory_space<vmem>> -> memref<1x40x128xf32, #tpu.memory_space<vmem>>
    %dma_wait3A_349 = tpu.memref_squeeze %dma_wait3A_348 : memref<1x40x128xf32, #tpu.memory_space<vmem>> -> memref<40x128xf32, #tpu.memory_space<vmem>>
    tpu.wait_dma2 semaphore(%dma_wait3A_343 : memref<!tpu.dma_semaphore, #tpu.memory_space<semaphore_mem>>) src(%dma_wait3A_349 : memref<40x128xf32, #tpu.memory_space<vmem>>) dst(%dma_wait3A_345 : memref<40x128xf32, #tpu.memory_space<vmem_shared>>)
    %dma_wait3A_350 = arith.constant 0 : i32
    %dma_wait3A_351 = arith.constant 0 : i32
    %dma_wait3A_352 = arith.constant 0 : i32
    %dma_wait3A_353 = arith.constant 0 : i32
    %dma_wait3A_354 = tpu.memref_slice %arg11[%dma_wait3A_350, %dma_wait3A_352, %dma_wait3A_353] : memref<3x40x128xf32, #tpu.memory_space<vmem>> -> memref<1x40x128xf32, #tpu.memory_space<vmem>>
    %dma_wait3A_355 = tpu.memref_squeeze %dma_wait3A_354 : memref<1x40x128xf32, #tpu.memory_space<vmem>> -> memref<40x128xf32, #tpu.memory_space<vmem>>
    %dma_wait3A_356 = arith.constant 0 : i32
    %dma_wait3A_357 = tpu.memref_slice %arg12[%mul3A_2, %dma_wait3A_356] : memref<10000x128xf32, #tpu.memory_space<vmem_shared>> -> memref<40x128xf32, #tpu.memory_space<vmem_shared>>
    %dma_wait3A_358 = tpu.memref_slice %arg14[%dma_wait3A_351] : memref<3x!tpu.dma_semaphore, #tpu.memory_space<semaphore_mem>> -> memref<1x!tpu.dma_semaphore, #tpu.memory_space<semaphore_mem>>
    %dma_wait3A_359 = tpu.memref_squeeze %dma_wait3A_358 : memref<1x!tpu.dma_semaphore, #tpu.memory_space<semaphore_mem>> -> memref<!tpu.dma_semaphore, #tpu.memory_space<semaphore_mem>>
    %dma_wait3A_360 = arith.constant 0 : i32
    %dma_wait3A_361 = tpu.memref_slice %arg12[%mul3A_2, %dma_wait3A_360] : memref<10000x128xf32, #tpu.memory_space<vmem_shared>> -> memref<40x128xf32, #tpu.memory_space<vmem_shared>>
    %dma_wait3A_362 = arith.constant 0 : i32
    %dma_wait3A_363 = arith.constant 0 : i32
    %dma_wait3A_364 = tpu.memref_slice %arg11[%dma_wait3A_350, %dma_wait3A_362, %dma_wait3A_363] : memref<3x40x128xf32, #tpu.memory_space<vmem>> -> memref<1x40x128xf32, #tpu.memory_space<vmem>>
    %dma_wait3A_365 = tpu.memref_squeeze %dma_wait3A_364 : memref<1x40x128xf32, #tpu.memory_space<vmem>> -> memref<40x128xf32, #tpu.memory_space<vmem>>
    tpu.wait_dma2 semaphore(%dma_wait3A_359 : memref<!tpu.dma_semaphore, #tpu.memory_space<semaphore_mem>>) src(%dma_wait3A_365 : memref<40x128xf32, #tpu.memory_space<vmem>>) dst(%dma_wait3A_361 : memref<40x128xf32, #tpu.memory_space<vmem_shared>>)
    %dma_wait3A_366 = arith.constant 0 : i32
    %dma_wait3A_367 = arith.constant 0 : i32
    %dma_wait3A_368 = arith.constant 0 : i32
    %dma_wait3A_369 = arith.constant 0 : i32
    %dma_wait3A_370 = tpu.memref_slice %arg11[%dma_wait3A_366, %dma_wait3A_368, %dma_wait3A_369] : memref<3x40x128xf32, #tpu.memory_space<vmem>> -> memref<1x40x128xf32, #tpu.memory_space<vmem>>
    %dma_wait3A_371 = tpu.memref_squeeze %dma_wait3A_370 : memref<1x40x128xf32, #tpu.memory_space<vmem>> -> memref<40x128xf32, #tpu.memory_space<vmem>>
    %dma_wait3A_372 = arith.constant 0 : i32
    %dma_wait3A_373 = tpu.memref_slice %arg12[%mul3A_2, %dma_wait3A_372] : memref<10000x128xf32, #tpu.memory_space<vmem_shared>> -> memref<40x128xf32, #tpu.memory_space<vmem_shared>>
    %dma_wait3A_374 = tpu.memref_slice %arg14[%dma_wait3A_367] : memref<3x!tpu.dma_semaphore, #tpu.memory_space<semaphore_mem>> -> memref<1x!tpu.dma_semaphore, #tpu.memory_space<semaphore_mem>>
    %dma_wait3A_375 = tpu.memref_squeeze %dma_wait3A_374 : memref<1x!tpu.dma_semaphore, #tpu.memory_space<semaphore_mem>> -> memref<!tpu.dma_semaphore, #tpu.memory_space<semaphore_mem>>
    %dma_wait3A_376 = arith.constant 0 : i32
    %dma_wait3A_377 = tpu.memref_slice %arg12[%mul3A_2, %dma_wait3A_376] : memref<10000x128xf32, #tpu.memory_space<vmem_shared>> -> memref<40x128xf32, #tpu.memory_space<vmem_shared>>
    %dma_wait3A_378 = arith.constant 0 : i32
    %dma_wait3A_379 = arith.constant 0 : i32
    %dma_wait3A_380 = tpu.memref_slice %arg11[%dma_wait3A_366, %dma_wait3A_378, %dma_wait3A_379] : memref<3x40x128xf32, #tpu.memory_space<vmem>> -> memref<1x40x128xf32, #tpu.memory_space<vmem>>
    %dma_wait3A_381 = tpu.memref_squeeze %dma_wait3A_380 : memref<1x40x128xf32, #tpu.memory_space<vmem>> -> memref<40x128xf32, #tpu.memory_space<vmem>>
    tpu.wait_dma2 semaphore(%dma_wait3A_375 : memref<!tpu.dma_semaphore, #tpu.memory_space<semaphore_mem>>) src(%dma_wait3A_381 : memref<40x128xf32, #tpu.memory_space<vmem>>) dst(%dma_wait3A_377 : memref<40x128xf32, #tpu.memory_space<vmem_shared>>)
    %dma_wait3A_382 = arith.constant 0 : i32
    %dma_wait3A_383 = arith.constant 0 : i32
    %dma_wait3A_384 = arith.constant 0 : i32
    %dma_wait3A_385 = arith.constant 0 : i32
    %dma_wait3A_386 = tpu.memref_slice %arg11[%dma_wait3A_382, %dma_wait3A_384, %dma_wait3A_385] : memref<3x40x128xf32, #tpu.memory_space<vmem>> -> memref<1x40x128xf32, #tpu.memory_space<vmem>>
    %dma_wait3A_387 = tpu.memref_squeeze %dma_wait3A_386 : memref<1x40x128xf32, #tpu.memory_space<vmem>> -> memref<40x128xf32, #tpu.memory_space<vmem>>
    %dma_wait3A_388 = arith.constant 0 : i32
    %dma_wait3A_389 = tpu.memref_slice %arg12[%mul3A_2, %dma_wait3A_388] : memref<10000x128xf32, #tpu.memory_space<vmem_shared>> -> memref<40x128xf32, #tpu.memory_space<vmem_shared>>
    %dma_wait3A_390 = tpu.memref_slice %arg14[%dma_wait3A_383] : memref<3x!tpu.dma_semaphore, #tpu.memory_space<semaphore_mem>> -> memref<1x!tpu.dma_semaphore, #tpu.memory_space<semaphore_mem>>
    %dma_wait3A_391 = tpu.memref_squeeze %dma_wait3A_390 : memref<1x!tpu.dma_semaphore, #tpu.memory_space<semaphore_mem>> -> memref<!tpu.dma_semaphore, #tpu.memory_space<semaphore_mem>>
    %dma_wait3A_392 = arith.constant 0 : i32
    %dma_wait3A_393 = tpu.memref_slice %arg12[%mul3A_2, %dma_wait3A_392] : memref<10000x128xf32, #tpu.memory_space<vmem_shared>> -> memref<40x128xf32, #tpu.memory_space<vmem_shared>>
    %dma_wait3A_394 = arith.constant 0 : i32
    %dma_wait3A_395 = arith.constant 0 : i32
    %dma_wait3A_396 = tpu.memref_slice %arg11[%dma_wait3A_382, %dma_wait3A_394, %dma_wait3A_395] : memref<3x40x128xf32, #tpu.memory_space<vmem>> -> memref<1x40x128xf32, #tpu.memory_space<vmem>>
    %dma_wait3A_397 = tpu.memref_squeeze %dma_wait3A_396 : memref<1x40x128xf32, #tpu.memory_space<vmem>> -> memref<40x128xf32, #tpu.memory_space<vmem>>
    tpu.wait_dma2 semaphore(%dma_wait3A_391 : memref<!tpu.dma_semaphore, #tpu.memory_space<semaphore_mem>>) src(%dma_wait3A_397 : memref<40x128xf32, #tpu.memory_space<vmem>>) dst(%dma_wait3A_393 : memref<40x128xf32, #tpu.memory_space<vmem_shared>>)
    %dma_wait3A_398 = arith.constant 0 : i32
    %dma_wait3A_399 = arith.constant 0 : i32
    %dma_wait3A_400 = arith.constant 0 : i32
    %dma_wait3A_401 = arith.constant 0 : i32
    %dma_wait3A_402 = tpu.memref_slice %arg11[%dma_wait3A_398, %dma_wait3A_400, %dma_wait3A_401] : memref<3x40x128xf32, #tpu.memory_space<vmem>> -> memref<1x40x128xf32, #tpu.memory_space<vmem>>
    %dma_wait3A_403 = tpu.memref_squeeze %dma_wait3A_402 : memref<1x40x128xf32, #tpu.memory_space<vmem>> -> memref<40x128xf32, #tpu.memory_space<vmem>>
    %dma_wait3A_404 = arith.constant 0 : i32
    %dma_wait3A_405 = tpu.memref_slice %arg12[%mul3A_2, %dma_wait3A_404] : memref<10000x128xf32, #tpu.memory_space<vmem_shared>> -> memref<40x128xf32, #tpu.memory_space<vmem_shared>>
    %dma_wait3A_406 = tpu.memref_slice %arg14[%dma_wait3A_399] : memref<3x!tpu.dma_semaphore, #tpu.memory_space<semaphore_mem>> -> memref<1x!tpu.dma_semaphore, #tpu.memory_space<semaphore_mem>>
    %dma_wait3A_407 = tpu.memref_squeeze %dma_wait3A_406 : memref<1x!tpu.dma_semaphore, #tpu.memory_space<semaphore_mem>> -> memref<!tpu.dma_semaphore, #tpu.memory_space<semaphore_mem>>
    %dma_wait3A_408 = arith.constant 0 : i32
    %dma_wait3A_409 = tpu.memref_slice %arg12[%mul3A_2, %dma_wait3A_408] : memref<10000x128xf32, #tpu.memory_space<vmem_shared>> -> memref<40x128xf32, #tpu.memory_space<vmem_shared>>
    %dma_wait3A_410 = arith.constant 0 : i32
    %dma_wait3A_411 = arith.constant 0 : i32
    %dma_wait3A_412 = tpu.memref_slice %arg11[%dma_wait3A_398, %dma_wait3A_410, %dma_wait3A_411] : memref<3x40x128xf32, #tpu.memory_space<vmem>> -> memref<1x40x128xf32, #tpu.memory_space<vmem>>
    %dma_wait3A_413 = tpu.memref_squeeze %dma_wait3A_412 : memref<1x40x128xf32, #tpu.memory_space<vmem>> -> memref<40x128xf32, #tpu.memory_space<vmem>>
    tpu.wait_dma2 semaphore(%dma_wait3A_407 : memref<!tpu.dma_semaphore, #tpu.memory_space<semaphore_mem>>) src(%dma_wait3A_413 : memref<40x128xf32, #tpu.memory_space<vmem>>) dst(%dma_wait3A_409 : memref<40x128xf32, #tpu.memory_space<vmem_shared>>)
    %dma_wait3A_414 = arith.constant 0 : i32
    %dma_wait3A_415 = arith.constant 0 : i32
    %dma_wait3A_416 = arith.constant 0 : i32
    %dma_wait3A_417 = arith.constant 0 : i32
    %dma_wait3A_418 = tpu.memref_slice %arg11[%dma_wait3A_414, %dma_wait3A_416, %dma_wait3A_417] : memref<3x40x128xf32, #tpu.memory_space<vmem>> -> memref<1x40x128xf32, #tpu.memory_space<vmem>>
    %dma_wait3A_419 = tpu.memref_squeeze %dma_wait3A_418 : memref<1x40x128xf32, #tpu.memory_space<vmem>> -> memref<40x128xf32, #tpu.memory_space<vmem>>
    %dma_wait3A_420 = arith.constant 0 : i32
    %dma_wait3A_421 = tpu.memref_slice %arg12[%mul3A_2, %dma_wait3A_420] : memref<10000x128xf32, #tpu.memory_space<vmem_shared>> -> memref<40x128xf32, #tpu.memory_space<vmem_shared>>
    %dma_wait3A_422 = tpu.memref_slice %arg14[%dma_wait3A_415] : memref<3x!tpu.dma_semaphore, #tpu.memory_space<semaphore_mem>> -> memref<1x!tpu.dma_semaphore, #tpu.memory_space<semaphore_mem>>
    %dma_wait3A_423 = tpu.memref_squeeze %dma_wait3A_422 : memref<1x!tpu.dma_semaphore, #tpu.memory_space<semaphore_mem>> -> memref<!tpu.dma_semaphore, #tpu.memory_space<semaphore_mem>>
    %dma_wait3A_424 = arith.constant 0 : i32
    %dma_wait3A_425 = tpu.memref_slice %arg12[%mul3A_2, %dma_wait3A_424] : memref<10000x128xf32, #tpu.memory_space<vmem_shared>> -> memref<40x128xf32, #tpu.memory_space<vmem_shared>>
    %dma_wait3A_426 = arith.constant 0 : i32
    %dma_wait3A_427 = arith.constant 0 : i32
    %dma_wait3A_428 = tpu.memref_slice %arg11[%dma_wait3A_414, %dma_wait3A_426, %dma_wait3A_427] : memref<3x40x128xf32, #tpu.memory_space<vmem>> -> memref<1x40x128xf32, #tpu.memory_space<vmem>>
    %dma_wait3A_429 = tpu.memref_squeeze %dma_wait3A_428 : memref<1x40x128xf32, #tpu.memory_space<vmem>> -> memref<40x128xf32, #tpu.memory_space<vmem>>
    tpu.wait_dma2 semaphore(%dma_wait3A_423 : memref<!tpu.dma_semaphore, #tpu.memory_space<semaphore_mem>>) src(%dma_wait3A_429 : memref<40x128xf32, #tpu.memory_space<vmem>>) dst(%dma_wait3A_425 : memref<40x128xf32, #tpu.memory_space<vmem_shared>>)
    %dma_wait3A_430 = arith.constant 0 : i32
    %dma_wait3A_431 = arith.constant 0 : i32
    %dma_wait3A_432 = arith.constant 0 : i32
    %dma_wait3A_433 = arith.constant 0 : i32
    %dma_wait3A_434 = tpu.memref_slice %arg11[%dma_wait3A_430, %dma_wait3A_432, %dma_wait3A_433] : memref<3x40x128xf32, #tpu.memory_space<vmem>> -> memref<1x40x128xf32, #tpu.memory_space<vmem>>
    %dma_wait3A_435 = tpu.memref_squeeze %dma_wait3A_434 : memref<1x40x128xf32, #tpu.memory_space<vmem>> -> memref<40x128xf32, #tpu.memory_space<vmem>>
    %dma_wait3A_436 = arith.constant 0 : i32
    %dma_wait3A_437 = tpu.memref_slice %arg12[%mul3A_2, %dma_wait3A_436] : memref<10000x128xf32, #tpu.memory_space<vmem_shared>> -> memref<40x128xf32, #tpu.memory_space<vmem_shared>>
    %dma_wait3A_438 = tpu.memref_slice %arg14[%dma_wait3A_431] : memref<3x!tpu.dma_semaphore, #tpu.memory_space<semaphore_mem>> -> memref<1x!tpu.dma_semaphore, #tpu.memory_space<semaphore_mem>>
    %dma_wait3A_439 = tpu.memref_squeeze %dma_wait3A_438 : memref<1x!tpu.dma_semaphore, #tpu.memory_space<semaphore_mem>> -> memref<!tpu.dma_semaphore, #tpu.memory_space<semaphore_mem>>
    %dma_wait3A_440 = arith.constant 0 : i32
    %dma_wait3A_441 = tpu.memref_slice %arg12[%mul3A_2, %dma_wait3A_440] : memref<10000x128xf32, #tpu.memory_space<vmem_shared>> -> memref<40x128xf32, #tpu.memory_space<vmem_shared>>
    %dma_wait3A_442 = arith.constant 0 : i32
    %dma_wait3A_443 = arith.constant 0 : i32
    %dma_wait3A_444 = tpu.memref_slice %arg11[%dma_wait3A_430, %dma_wait3A_442, %dma_wait3A_443] : memref<3x40x128xf32, #tpu.memory_space<vmem>> -> memref<1x40x128xf32, #tpu.memory_space<vmem>>
    %dma_wait3A_445 = tpu.memref_squeeze %dma_wait3A_444 : memref<1x40x128xf32, #tpu.memory_space<vmem>> -> memref<40x128xf32, #tpu.memory_space<vmem>>
    tpu.wait_dma2 semaphore(%dma_wait3A_439 : memref<!tpu.dma_semaphore, #tpu.memory_space<semaphore_mem>>) src(%dma_wait3A_445 : memref<40x128xf32, #tpu.memory_space<vmem>>) dst(%dma_wait3A_441 : memref<40x128xf32, #tpu.memory_space<vmem_shared>>)
    %dma_wait3A_446 = arith.constant 0 : i32
    %dma_wait3A_447 = arith.constant 0 : i32
    %dma_wait3A_448 = arith.constant 0 : i32
    %dma_wait3A_449 = arith.constant 0 : i32
    %dma_wait3A_450 = tpu.memref_slice %arg11[%dma_wait3A_446, %dma_wait3A_448, %dma_wait3A_449] : memref<3x40x128xf32, #tpu.memory_space<vmem>> -> memref<1x40x128xf32, #tpu.memory_space<vmem>>
    %dma_wait3A_451 = tpu.memref_squeeze %dma_wait3A_450 : memref<1x40x128xf32, #tpu.memory_space<vmem>> -> memref<40x128xf32, #tpu.memory_space<vmem>>
    %dma_wait3A_452 = arith.constant 0 : i32
    %dma_wait3A_453 = tpu.memref_slice %arg12[%mul3A_2, %dma_wait3A_452] : memref<10000x128xf32, #tpu.memory_space<vmem_shared>> -> memref<40x128xf32, #tpu.memory_space<vmem_shared>>
    %dma_wait3A_454 = tpu.memref_slice %arg14[%dma_wait3A_447] : memref<3x!tpu.dma_semaphore, #tpu.memory_space<semaphore_mem>> -> memref<1x!tpu.dma_semaphore, #tpu.memory_space<semaphore_mem>>
    %dma_wait3A_455 = tpu.memref_squeeze %dma_wait3A_454 : memref<1x!tpu.dma_semaphore, #tpu.memory_space<semaphore_mem>> -> memref<!tpu.dma_semaphore, #tpu.memory_space<semaphore_mem>>
    %dma_wait3A_456 = arith.constant 0 : i32
    %dma_wait3A_457 = tpu.memref_slice %arg12[%mul3A_2, %dma_wait3A_456] : memref<10000x128xf32, #tpu.memory_space<vmem_shared>> -> memref<40x128xf32, #tpu.memory_space<vmem_shared>>
    %dma_wait3A_458 = arith.constant 0 : i32
    %dma_wait3A_459 = arith.constant 0 : i32
    %dma_wait3A_460 = tpu.memref_slice %arg11[%dma_wait3A_446, %dma_wait3A_458, %dma_wait3A_459] : memref<3x40x128xf32, #tpu.memory_space<vmem>> -> memref<1x40x128xf32, #tpu.memory_space<vmem>>
    %dma_wait3A_461 = tpu.memref_squeeze %dma_wait3A_460 : memref<1x40x128xf32, #tpu.memory_space<vmem>> -> memref<40x128xf32, #tpu.memory_space<vmem>>
    tpu.wait_dma2 semaphore(%dma_wait3A_455 : memref<!tpu.dma_semaphore, #tpu.memory_space<semaphore_mem>>) src(%dma_wait3A_461 : memref<40x128xf32, #tpu.memory_space<vmem>>) dst(%dma_wait3A_457 : memref<40x128xf32, #tpu.memory_space<vmem_shared>>)
    %dma_wait3A_462 = arith.constant 0 : i32
    %dma_wait3A_463 = arith.constant 0 : i32
    %dma_wait3A_464 = arith.constant 0 : i32
    %dma_wait3A_465 = arith.constant 0 : i32
    %dma_wait3A_466 = tpu.memref_slice %arg11[%dma_wait3A_462, %dma_wait3A_464, %dma_wait3A_465] : memref<3x40x128xf32, #tpu.memory_space<vmem>> -> memref<1x40x128xf32, #tpu.memory_space<vmem>>
    %dma_wait3A_467 = tpu.memref_squeeze %dma_wait3A_466 : memref<1x40x128xf32, #tpu.memory_space<vmem>> -> memref<40x128xf32, #tpu.memory_space<vmem>>
    %dma_wait3A_468 = arith.constant 0 : i32
    %dma_wait3A_469 = tpu.memref_slice %arg12[%mul3A_2, %dma_wait3A_468] : memref<10000x128xf32, #tpu.memory_space<vmem_shared>> -> memref<40x128xf32, #tpu.memory_space<vmem_shared>>
    %dma_wait3A_470 = tpu.memref_slice %arg14[%dma_wait3A_463] : memref<3x!tpu.dma_semaphore, #tpu.memory_space<semaphore_mem>> -> memref<1x!tpu.dma_semaphore, #tpu.memory_space<semaphore_mem>>
    %dma_wait3A_471 = tpu.memref_squeeze %dma_wait3A_470 : memref<1x!tpu.dma_semaphore, #tpu.memory_space<semaphore_mem>> -> memref<!tpu.dma_semaphore, #tpu.memory_space<semaphore_mem>>
    %dma_wait3A_472 = arith.constant 0 : i32
    %dma_wait3A_473 = tpu.memref_slice %arg12[%mul3A_2, %dma_wait3A_472] : memref<10000x128xf32, #tpu.memory_space<vmem_shared>> -> memref<40x128xf32, #tpu.memory_space<vmem_shared>>
    %dma_wait3A_474 = arith.constant 0 : i32
    %dma_wait3A_475 = arith.constant 0 : i32
    %dma_wait3A_476 = tpu.memref_slice %arg11[%dma_wait3A_462, %dma_wait3A_474, %dma_wait3A_475] : memref<3x40x128xf32, #tpu.memory_space<vmem>> -> memref<1x40x128xf32, #tpu.memory_space<vmem>>
    %dma_wait3A_477 = tpu.memref_squeeze %dma_wait3A_476 : memref<1x40x128xf32, #tpu.memory_space<vmem>> -> memref<40x128xf32, #tpu.memory_space<vmem>>
    tpu.wait_dma2 semaphore(%dma_wait3A_471 : memref<!tpu.dma_semaphore, #tpu.memory_space<semaphore_mem>>) src(%dma_wait3A_477 : memref<40x128xf32, #tpu.memory_space<vmem>>) dst(%dma_wait3A_473 : memref<40x128xf32, #tpu.memory_space<vmem_shared>>)
    %dma_wait3A_478 = arith.constant 0 : i32
    %dma_wait3A_479 = arith.constant 0 : i32
    %dma_wait3A_480 = arith.constant 0 : i32
    %dma_wait3A_481 = arith.constant 0 : i32
    %dma_wait3A_482 = tpu.memref_slice %arg11[%dma_wait3A_478, %dma_wait3A_480, %dma_wait3A_481] : memref<3x40x128xf32, #tpu.memory_space<vmem>> -> memref<1x40x128xf32, #tpu.memory_space<vmem>>
    %dma_wait3A_483 = tpu.memref_squeeze %dma_wait3A_482 : memref<1x40x128xf32, #tpu.memory_space<vmem>> -> memref<40x128xf32, #tpu.memory_space<vmem>>
    %dma_wait3A_484 = arith.constant 0 : i32
    %dma_wait3A_485 = tpu.memref_slice %arg12[%mul3A_2, %dma_wait3A_484] : memref<10000x128xf32, #tpu.memory_space<vmem_shared>> -> memref<40x128xf32, #tpu.memory_space<vmem_shared>>
    %dma_wait3A_486 = tpu.memref_slice %arg14[%dma_wait3A_479] : memref<3x!tpu.dma_semaphore, #tpu.memory_space<semaphore_mem>> -> memref<1x!tpu.dma_semaphore, #tpu.memory_space<semaphore_mem>>
    %dma_wait3A_487 = tpu.memref_squeeze %dma_wait3A_486 : memref<1x!tpu.dma_semaphore, #tpu.memory_space<semaphore_mem>> -> memref<!tpu.dma_semaphore, #tpu.memory_space<semaphore_mem>>
    %dma_wait3A_488 = arith.constant 0 : i32
    %dma_wait3A_489 = tpu.memref_slice %arg12[%mul3A_2, %dma_wait3A_488] : memref<10000x128xf32, #tpu.memory_space<vmem_shared>> -> memref<40x128xf32, #tpu.memory_space<vmem_shared>>
    %dma_wait3A_490 = arith.constant 0 : i32
    %dma_wait3A_491 = arith.constant 0 : i32
    %dma_wait3A_492 = tpu.memref_slice %arg11[%dma_wait3A_478, %dma_wait3A_490, %dma_wait3A_491] : memref<3x40x128xf32, #tpu.memory_space<vmem>> -> memref<1x40x128xf32, #tpu.memory_space<vmem>>
    %dma_wait3A_493 = tpu.memref_squeeze %dma_wait3A_492 : memref<1x40x128xf32, #tpu.memory_space<vmem>> -> memref<40x128xf32, #tpu.memory_space<vmem>>
    tpu.wait_dma2 semaphore(%dma_wait3A_487 : memref<!tpu.dma_semaphore, #tpu.memory_space<semaphore_mem>>) src(%dma_wait3A_493 : memref<40x128xf32, #tpu.memory_space<vmem>>) dst(%dma_wait3A_489 : memref<40x128xf32, #tpu.memory_space<vmem_shared>>)
    %dma_wait3A_494 = arith.constant 0 : i32
    %dma_wait3A_495 = arith.constant 0 : i32
    %dma_wait3A_496 = arith.constant 0 : i32
    %dma_wait3A_497 = arith.constant 0 : i32
    %dma_wait3A_498 = tpu.memref_slice %arg11[%dma_wait3A_494, %dma_wait3A_496, %dma_wait3A_497] : memref<3x40x128xf32, #tpu.memory_space<vmem>> -> memref<1x40x128xf32, #tpu.memory_space<vmem>>
    %dma_wait3A_499 = tpu.memref_squeeze %dma_wait3A_498 : memref<1x40x128xf32, #tpu.memory_space<vmem>> -> memref<40x128xf32, #tpu.memory_space<vmem>>
    %dma_wait3A_500 = arith.constant 0 : i32
    %dma_wait3A_501 = tpu.memref_slice %arg12[%mul3A_2, %dma_wait3A_500] : memref<10000x128xf32, #tpu.memory_space<vmem_shared>> -> memref<40x128xf32, #tpu.memory_space<vmem_shared>>
    %dma_wait3A_502 = tpu.memref_slice %arg14[%dma_wait3A_495] : memref<3x!tpu.dma_semaphore, #tpu.memory_space<semaphore_mem>> -> memref<1x!tpu.dma_semaphore, #tpu.memory_space<semaphore_mem>>
    %dma_wait3A_503 = tpu.memref_squeeze %dma_wait3A_502 : memref<1x!tpu.dma_semaphore, #tpu.memory_space<semaphore_mem>> -> memref<!tpu.dma_semaphore, #tpu.memory_space<semaphore_mem>>
    %dma_wait3A_504 = arith.constant 0 : i32
    %dma_wait3A_505 = tpu.memref_slice %arg12[%mul3A_2, %dma_wait3A_504] : memref<10000x128xf32, #tpu.memory_space<vmem_shared>> -> memref<40x128xf32, #tpu.memory_space<vmem_shared>>
    %dma_wait3A_506 = arith.constant 0 : i32
    %dma_wait3A_507 = arith.constant 0 : i32
    %dma_wait3A_508 = tpu.memref_slice %arg11[%dma_wait3A_494, %dma_wait3A_506, %dma_wait3A_507] : memref<3x40x128xf32, #tpu.memory_space<vmem>> -> memref<1x40x128xf32, #tpu.memory_space<vmem>>
    %dma_wait3A_509 = tpu.memref_squeeze %dma_wait3A_508 : memref<1x40x128xf32, #tpu.memory_space<vmem>> -> memref<40x128xf32, #tpu.memory_space<vmem>>
    tpu.wait_dma2 semaphore(%dma_wait3A_503 : memref<!tpu.dma_semaphore, #tpu.memory_space<semaphore_mem>>) src(%dma_wait3A_509 : memref<40x128xf32, #tpu.memory_space<vmem>>) dst(%dma_wait3A_505 : memref<40x128xf32, #tpu.memory_space<vmem_shared>>)
    %dma_wait3A_510 = arith.constant 0 : i32
    %dma_wait3A_511 = arith.constant 0 : i32
    %dma_wait3A_512 = arith.constant 0 : i32
    %dma_wait3A_513 = arith.constant 0 : i32
    %dma_wait3A_514 = tpu.memref_slice %arg11[%dma_wait3A_510, %dma_wait3A_512, %dma_wait3A_513] : memref<3x40x128xf32, #tpu.memory_space<vmem>> -> memref<1x40x128xf32, #tpu.memory_space<vmem>>
    %dma_wait3A_515 = tpu.memref_squeeze %dma_wait3A_514 : memref<1x40x128xf32, #tpu.memory_space<vmem>> -> memref<40x128xf32, #tpu.memory_space<vmem>>
    %dma_wait3A_516 = arith.constant 0 : i32
    %dma_wait3A_517 = tpu.memref_slice %arg12[%mul3A_2, %dma_wait3A_516] : memref<10000x128xf32, #tpu.memory_space<vmem_shared>> -> memref<40x128xf32, #tpu.memory_space<vmem_shared>>
    %dma_wait3A_518 = tpu.memref_slice %arg14[%dma_wait3A_511] : memref<3x!tpu.dma_semaphore, #tpu.memory_space<semaphore_mem>> -> memref<1x!tpu.dma_semaphore, #tpu.memory_space<semaphore_mem>>
    %dma_wait3A_519 = tpu.memref_squeeze %dma_wait3A_518 : memref<1x!tpu.dma_semaphore, #tpu.memory_space<semaphore_mem>> -> memref<!tpu.dma_semaphore, #tpu.memory_space<semaphore_mem>>
    %dma_wait3A_520 = arith.constant 0 : i32
    %dma_wait3A_521 = tpu.memref_slice %arg12[%mul3A_2, %dma_wait3A_520] : memref<10000x128xf32, #tpu.memory_space<vmem_shared>> -> memref<40x128xf32, #tpu.memory_space<vmem_shared>>
    %dma_wait3A_522 = arith.constant 0 : i32
    %dma_wait3A_523 = arith.constant 0 : i32
    %dma_wait3A_524 = tpu.memref_slice %arg11[%dma_wait3A_510, %dma_wait3A_522, %dma_wait3A_523] : memref<3x40x128xf32, #tpu.memory_space<vmem>> -> memref<1x40x128xf32, #tpu.memory_space<vmem>>
    %dma_wait3A_525 = tpu.memref_squeeze %dma_wait3A_524 : memref<1x40x128xf32, #tpu.memory_space<vmem>> -> memref<40x128xf32, #tpu.memory_space<vmem>>
    tpu.wait_dma2 semaphore(%dma_wait3A_519 : memref<!tpu.dma_semaphore, #tpu.memory_space<semaphore_mem>>) src(%dma_wait3A_525 : memref<40x128xf32, #tpu.memory_space<vmem>>) dst(%dma_wait3A_521 : memref<40x128xf32, #tpu.memory_space<vmem_shared>>)
    %dma_wait3A_526 = arith.constant 0 : i32
    %dma_wait3A_527 = arith.constant 0 : i32
    %dma_wait3A_528 = arith.constant 0 : i32
    %dma_wait3A_529 = arith.constant 0 : i32
    %dma_wait3A_530 = tpu.memref_slice %arg11[%dma_wait3A_526, %dma_wait3A_528, %dma_wait3A_529] : memref<3x40x128xf32, #tpu.memory_space<vmem>> -> memref<1x40x128xf32, #tpu.memory_space<vmem>>
    %dma_wait3A_531 = tpu.memref_squeeze %dma_wait3A_530 : memref<1x40x128xf32, #tpu.memory_space<vmem>> -> memref<40x128xf32, #tpu.memory_space<vmem>>
    %dma_wait3A_532 = arith.constant 0 : i32
    %dma_wait3A_533 = tpu.memref_slice %arg12[%mul3A_2, %dma_wait3A_532] : memref<10000x128xf32, #tpu.memory_space<vmem_shared>> -> memref<40x128xf32, #tpu.memory_space<vmem_shared>>
    %dma_wait3A_534 = tpu.memref_slice %arg14[%dma_wait3A_527] : memref<3x!tpu.dma_semaphore, #tpu.memory_space<semaphore_mem>> -> memref<1x!tpu.dma_semaphore, #tpu.memory_space<semaphore_mem>>
    %dma_wait3A_535 = tpu.memref_squeeze %dma_wait3A_534 : memref<1x!tpu.dma_semaphore, #tpu.memory_space<semaphore_mem>> -> memref<!tpu.dma_semaphore, #tpu.memory_space<semaphore_mem>>
    %dma_wait3A_536 = arith.constant 0 : i32
    %dma_wait3A_537 = tpu.memref_slice %arg12[%mul3A_2, %dma_wait3A_536] : memref<10000x128xf32, #tpu.memory_space<vmem_shared>> -> memref<40x128xf32, #tpu.memory_space<vmem_shared>>
    %dma_wait3A_538 = arith.constant 0 : i32
    %dma_wait3A_539 = arith.constant 0 : i32
    %dma_wait3A_540 = tpu.memref_slice %arg11[%dma_wait3A_526, %dma_wait3A_538, %dma_wait3A_539] : memref<3x40x128xf32, #tpu.memory_space<vmem>> -> memref<1x40x128xf32, #tpu.memory_space<vmem>>
    %dma_wait3A_541 = tpu.memref_squeeze %dma_wait3A_540 : memref<1x40x128xf32, #tpu.memory_space<vmem>> -> memref<40x128xf32, #tpu.memory_space<vmem>>
    tpu.wait_dma2 semaphore(%dma_wait3A_535 : memref<!tpu.dma_semaphore, #tpu.memory_space<semaphore_mem>>) src(%dma_wait3A_541 : memref<40x128xf32, #tpu.memory_space<vmem>>) dst(%dma_wait3A_537 : memref<40x128xf32, #tpu.memory_space<vmem_shared>>)
    %dma_wait3A_542 = arith.constant 0 : i32
    %dma_wait3A_543 = arith.constant 0 : i32
    %dma_wait3A_544 = arith.constant 0 : i32
    %dma_wait3A_545 = arith.constant 0 : i32
    %dma_wait3A_546 = tpu.memref_slice %arg11[%dma_wait3A_542, %dma_wait3A_544, %dma_wait3A_545] : memref<3x40x128xf32, #tpu.memory_space<vmem>> -> memref<1x40x128xf32, #tpu.memory_space<vmem>>
    %dma_wait3A_547 = tpu.memref_squeeze %dma_wait3A_546 : memref<1x40x128xf32, #tpu.memory_space<vmem>> -> memref<40x128xf32, #tpu.memory_space<vmem>>
    %dma_wait3A_548 = arith.constant 0 : i32
    %dma_wait3A_549 = tpu.memref_slice %arg12[%mul3A_2, %dma_wait3A_548] : memref<10000x128xf32, #tpu.memory_space<vmem_shared>> -> memref<40x128xf32, #tpu.memory_space<vmem_shared>>
    %dma_wait3A_550 = tpu.memref_slice %arg14[%dma_wait3A_543] : memref<3x!tpu.dma_semaphore, #tpu.memory_space<semaphore_mem>> -> memref<1x!tpu.dma_semaphore, #tpu.memory_space<semaphore_mem>>
    %dma_wait3A_551 = tpu.memref_squeeze %dma_wait3A_550 : memref<1x!tpu.dma_semaphore, #tpu.memory_space<semaphore_mem>> -> memref<!tpu.dma_semaphore, #tpu.memory_space<semaphore_mem>>
    %dma_wait3A_552 = arith.constant 0 : i32
    %dma_wait3A_553 = tpu.memref_slice %arg12[%mul3A_2, %dma_wait3A_552] : memref<10000x128xf32, #tpu.memory_space<vmem_shared>> -> memref<40x128xf32, #tpu.memory_space<vmem_shared>>
    %dma_wait3A_554 = arith.constant 0 : i32
    %dma_wait3A_555 = arith.constant 0 : i32
    %dma_wait3A_556 = tpu.memref_slice %arg11[%dma_wait3A_542, %dma_wait3A_554, %dma_wait3A_555] : memref<3x40x128xf32, #tpu.memory_space<vmem>> -> memref<1x40x128xf32, #tpu.memory_space<vmem>>
    %dma_wait3A_557 = tpu.memref_squeeze %dma_wait3A_556 : memref<1x40x128xf32, #tpu.memory_space<vmem>> -> memref<40x128xf32, #tpu.memory_space<vmem>>
    tpu.wait_dma2 semaphore(%dma_wait3A_551 : memref<!tpu.dma_semaphore, #tpu.memory_space<semaphore_mem>>) src(%dma_wait3A_557 : memref<40x128xf32, #tpu.memory_space<vmem>>) dst(%dma_wait3A_553 : memref<40x128xf32, #tpu.memory_space<vmem_shared>>)
    %dma_wait3A_558 = arith.constant 0 : i32
    %dma_wait3A_559 = arith.constant 0 : i32
    %dma_wait3A_560 = arith.constant 0 : i32
    %dma_wait3A_561 = arith.constant 0 : i32
    %dma_wait3A_562 = tpu.memref_slice %arg11[%dma_wait3A_558, %dma_wait3A_560, %dma_wait3A_561] : memref<3x40x128xf32, #tpu.memory_space<vmem>> -> memref<1x40x128xf32, #tpu.memory_space<vmem>>
    %dma_wait3A_563 = tpu.memref_squeeze %dma_wait3A_562 : memref<1x40x128xf32, #tpu.memory_space<vmem>> -> memref<40x128xf32, #tpu.memory_space<vmem>>
    %dma_wait3A_564 = arith.constant 0 : i32
    %dma_wait3A_565 = tpu.memref_slice %arg12[%mul3A_2, %dma_wait3A_564] : memref<10000x128xf32, #tpu.memory_space<vmem_shared>> -> memref<40x128xf32, #tpu.memory_space<vmem_shared>>
    %dma_wait3A_566 = tpu.memref_slice %arg14[%dma_wait3A_559] : memref<3x!tpu.dma_semaphore, #tpu.memory_space<semaphore_mem>> -> memref<1x!tpu.dma_semaphore, #tpu.memory_space<semaphore_mem>>
    %dma_wait3A_567 = tpu.memref_squeeze %dma_wait3A_566 : memref<1x!tpu.dma_semaphore, #tpu.memory_space<semaphore_mem>> -> memref<!tpu.dma_semaphore, #tpu.memory_space<semaphore_mem>>
    %dma_wait3A_568 = arith.constant 0 : i32
    %dma_wait3A_569 = tpu.memref_slice %arg12[%mul3A_2, %dma_wait3A_568] : memref<10000x128xf32, #tpu.memory_space<vmem_shared>> -> memref<40x128xf32, #tpu.memory_space<vmem_shared>>
    %dma_wait3A_570 = arith.constant 0 : i32
    %dma_wait3A_571 = arith.constant 0 : i32
    %dma_wait3A_572 = tpu.memref_slice %arg11[%dma_wait3A_558, %dma_wait3A_570, %dma_wait3A_571] : memref<3x40x128xf32, #tpu.memory_space<vmem>> -> memref<1x40x128xf32, #tpu.memory_space<vmem>>
    %dma_wait3A_573 = tpu.memref_squeeze %dma_wait3A_572 : memref<1x40x128xf32, #tpu.memory_space<vmem>> -> memref<40x128xf32, #tpu.memory_space<vmem>>
    tpu.wait_dma2 semaphore(%dma_wait3A_567 : memref<!tpu.dma_semaphore, #tpu.memory_space<semaphore_mem>>) src(%dma_wait3A_573 : memref<40x128xf32, #tpu.memory_space<vmem>>) dst(%dma_wait3A_569 : memref<40x128xf32, #tpu.memory_space<vmem_shared>>)
    %dma_wait3A_574 = arith.constant 0 : i32
    %dma_wait3A_575 = arith.constant 1 : i32
    %dma_wait3A_576 = arith.constant 0 : i32
    %dma_wait3A_577 = arith.constant 0 : i32
    %dma_wait3A_578 = tpu.memref_slice %arg11[%dma_wait3A_574, %dma_wait3A_576, %dma_wait3A_577] : memref<3x40x128xf32, #tpu.memory_space<vmem>> -> memref<1x24x128xf32, #tpu.memory_space<vmem>>
    %dma_wait3A_579 = tpu.memref_squeeze %dma_wait3A_578 : memref<1x24x128xf32, #tpu.memory_space<vmem>> -> memref<24x128xf32, #tpu.memory_space<vmem>>
    %dma_wait3A_580 = arith.constant 0 : i32
    %dma_wait3A_581 = tpu.memref_slice %arg12[%mul3A_2, %dma_wait3A_580] : memref<10000x128xf32, #tpu.memory_space<vmem_shared>> -> memref<24x128xf32, #tpu.memory_space<vmem_shared>>
    %dma_wait3A_582 = tpu.memref_slice %arg14[%dma_wait3A_575] : memref<3x!tpu.dma_semaphore, #tpu.memory_space<semaphore_mem>> -> memref<1x!tpu.dma_semaphore, #tpu.memory_space<semaphore_mem>>
    %dma_wait3A_583 = tpu.memref_squeeze %dma_wait3A_582 : memref<1x!tpu.dma_semaphore, #tpu.memory_space<semaphore_mem>> -> memref<!tpu.dma_semaphore, #tpu.memory_space<semaphore_mem>>
    %dma_wait3A_584 = arith.constant 0 : i32
    %dma_wait3A_585 = tpu.memref_slice %arg12[%mul3A_2, %dma_wait3A_584] : memref<10000x128xf32, #tpu.memory_space<vmem_shared>> -> memref<24x128xf32, #tpu.memory_space<vmem_shared>>
    %dma_wait3A_586 = arith.constant 0 : i32
    %dma_wait3A_587 = arith.constant 0 : i32
    %dma_wait3A_588 = tpu.memref_slice %arg11[%dma_wait3A_574, %dma_wait3A_586, %dma_wait3A_587] : memref<3x40x128xf32, #tpu.memory_space<vmem>> -> memref<1x24x128xf32, #tpu.memory_space<vmem>>
    %dma_wait3A_589 = tpu.memref_squeeze %dma_wait3A_588 : memref<1x24x128xf32, #tpu.memory_space<vmem>> -> memref<24x128xf32, #tpu.memory_space<vmem>>
    tpu.wait_dma2 semaphore(%dma_wait3A_583 : memref<!tpu.dma_semaphore, #tpu.memory_space<semaphore_mem>>) src(%dma_wait3A_589 : memref<24x128xf32, #tpu.memory_space<vmem>>) dst(%dma_wait3A_585 : memref<24x128xf32, #tpu.memory_space<vmem_shared>>)
    %eq3A_590 = arith.constant 15 : i32
    %eq3A_591 = arith.cmpi eq, %arg1, %eq3A_590 : i32
    %convert_element_type3A_592 = arith.extui %eq3A_591 : i1 to i32
    %cond3A_593 = arith.constant 0 : i32
    %cond3A_594 = arith.cmpi ne, %convert_element_type3A_592, %cond3A_593 : i32
    scf.if %cond3A_594 {
      %dma_wait3A_658 = arith.constant 0 : i32
      %dma_wait3A_659 = arith.constant 2 : i32
      %dma_wait3A_660 = arith.constant 0 : i32
      %dma_wait3A_661 = arith.constant 0 : i32
      %dma_wait3A_662 = tpu.memref_slice %arg11[%dma_wait3A_658, %dma_wait3A_660, %dma_wait3A_661] : memref<3x40x128xf32, #tpu.memory_space<vmem>> -> memref<1x16x128xf32, #tpu.memory_space<vmem>>
      %dma_wait3A_663 = tpu.memref_squeeze %dma_wait3A_662 : memref<1x16x128xf32, #tpu.memory_space<vmem>> -> memref<16x128xf32, #tpu.memory_space<vmem>>
      %dma_wait3A_664 = arith.constant 0 : i32
      %dma_wait3A_665 = tpu.memref_slice %arg12[%mul3A_2, %dma_wait3A_664] : memref<10000x128xf32, #tpu.memory_space<vmem_shared>> -> memref<16x128xf32, #tpu.memory_space<vmem_shared>>
      %dma_wait3A_666 = tpu.memref_slice %arg14[%dma_wait3A_659] : memref<3x!tpu.dma_semaphore, #tpu.memory_space<semaphore_mem>> -> memref<1x!tpu.dma_semaphore, #tpu.memory_space<semaphore_mem>>
      %dma_wait3A_667 = tpu.memref_squeeze %dma_wait3A_666 : memref<1x!tpu.dma_semaphore, #tpu.memory_space<semaphore_mem>> -> memref<!tpu.dma_semaphore, #tpu.memory_space<semaphore_mem>>
      %dma_wait3A_668 = arith.constant 0 : i32
      %dma_wait3A_669 = tpu.memref_slice %arg12[%mul3A_2, %dma_wait3A_668] : memref<10000x128xf32, #tpu.memory_space<vmem_shared>> -> memref<16x128xf32, #tpu.memory_space<vmem_shared>>
      %dma_wait3A_670 = arith.constant 0 : i32
      %dma_wait3A_671 = arith.constant 0 : i32
      %dma_wait3A_672 = tpu.memref_slice %arg11[%dma_wait3A_658, %dma_wait3A_670, %dma_wait3A_671] : memref<3x40x128xf32, #tpu.memory_space<vmem>> -> memref<1x16x128xf32, #tpu.memory_space<vmem>>
      %dma_wait3A_673 = tpu.memref_squeeze %dma_wait3A_672 : memref<1x16x128xf32, #tpu.memory_space<vmem>> -> memref<16x128xf32, #tpu.memory_space<vmem>>
      tpu.wait_dma2 semaphore(%dma_wait3A_667 : memref<!tpu.dma_semaphore, #tpu.memory_space<semaphore_mem>>) src(%dma_wait3A_673 : memref<16x128xf32, #tpu.memory_space<vmem>>) dst(%dma_wait3A_669 : memref<16x128xf32, #tpu.memory_space<vmem_shared>>)
    } else {
    }
    %barrier3A = arith.constant 0 : index
    tpu.barrier barrier_id(%barrier3A)
    %mul3A_595 = arith.constant 10000 : i32
    %mul3A_596 = arith.muli %add3A, %mul3A_595 : i32
    %scan3A = arith.constant 0 : i32
    %scan3A_597 = arith.constant 0 : i32
    %scan3A_598 = arith.constant 10 : i32
    %scan3A_599 = arith.addi %scan3A_597, %scan3A_598 : i32
    %scan3A_600 = arith.constant 1 : i32
    %scan3A_601 = scf.for %scan3A_658 = %scan3A_597 to %scan3A_599 step %scan3A_600 iter_args(%scan3A_659 = %scan3A) -> (i32)  : i32 {
      %rem3A = arith.constant 2 : i32
      %rem3A_660 = arith.remsi %scan3A_658, %rem3A : i32
      %dma_wait3A_661 = arith.constant 0 : i32
      %dma_wait3A_662 = arith.constant 0 : i32
      %dma_wait3A_663 = arith.constant 0 : i32
      %dma_wait3A_664 = arith.constant 0 : i32
      %dma_wait3A_665 = tpu.memref_slice %arg8[%dma_wait3A_662, %dma_wait3A_663, %dma_wait3A_664] : memref<2x25x40xi32, #tpu.memory_space<vmem>> -> memref<1x25x40xi32, #tpu.memory_space<vmem>>
      %dma_wait3A_666 = tpu.memref_squeeze %dma_wait3A_665 : memref<1x25x40xi32, #tpu.memory_space<vmem>> -> memref<25x40xi32, #tpu.memory_space<vmem>>
      %dma_wait3A_667 = arith.constant 0 : i32
      %dma_wait3A_668 = arith.constant 0 : i32
      %dma_wait3A_669 = tpu.memref_slice %arg4[%add3A, %dma_wait3A_661, %dma_wait3A_667, %dma_wait3A_668] : memref<32x10x25x40xi32, #tpu.memory_space<hbm>> -> memref<1x1x25x40xi32, #tpu.memory_space<hbm>>
      %dma_wait3A_670 = tpu.memref_squeeze %dma_wait3A_669 : memref<1x1x25x40xi32, #tpu.memory_space<hbm>> -> memref<25x40xi32, #tpu.memory_space<hbm>>
      %dma_wait3A_671 = tpu.memref_slice %arg15[%rem3A_660] : memref<2x!tpu.dma_semaphore, #tpu.memory_space<semaphore_mem>> -> memref<1x!tpu.dma_semaphore, #tpu.memory_space<semaphore_mem>>
      %dma_wait3A_672 = tpu.memref_squeeze %dma_wait3A_671 : memref<1x!tpu.dma_semaphore, #tpu.memory_space<semaphore_mem>> -> memref<!tpu.dma_semaphore, #tpu.memory_space<semaphore_mem>>
      %dma_wait3A_673 = arith.constant 0 : i32
      %dma_wait3A_674 = arith.constant 0 : i32
      %dma_wait3A_675 = tpu.memref_slice %arg8[%dma_wait3A_662, %dma_wait3A_673, %dma_wait3A_674] : memref<2x25x40xi32, #tpu.memory_space<vmem>> -> memref<1x25x40xi32, #tpu.memory_space<vmem>>
      %dma_wait3A_676 = tpu.memref_squeeze %dma_wait3A_675 : memref<1x25x40xi32, #tpu.memory_space<vmem>> -> memref<25x40xi32, #tpu.memory_space<vmem>>
      %dma_wait3A_677 = arith.constant 0 : i32
      %dma_wait3A_678 = arith.constant 0 : i32
      %dma_wait3A_679 = tpu.memref_slice %arg4[%add3A, %dma_wait3A_661, %dma_wait3A_677, %dma_wait3A_678] : memref<32x10x25x40xi32, #tpu.memory_space<hbm>> -> memref<1x1x25x40xi32, #tpu.memory_space<hbm>>
      %dma_wait3A_680 = tpu.memref_squeeze %dma_wait3A_679 : memref<1x1x25x40xi32, #tpu.memory_space<hbm>> -> memref<25x40xi32, #tpu.memory_space<hbm>>
      tpu.wait_dma2 semaphore(%dma_wait3A_672 : memref<!tpu.dma_semaphore, #tpu.memory_space<semaphore_mem>>) src(%dma_wait3A_680 : memref<25x40xi32, #tpu.memory_space<hbm>>) dst(%dma_wait3A_676 : memref<25x40xi32, #tpu.memory_space<vmem>>)
      %dma_wait3A_681 = arith.constant 0 : i32
      %dma_wait3A_682 = arith.constant 0 : i32
      %dma_wait3A_683 = arith.constant 0 : i32
      %dma_wait3A_684 = arith.constant 0 : i32
      %dma_wait3A_685 = tpu.memref_slice %arg9[%dma_wait3A_682, %dma_wait3A_683, %dma_wait3A_684] : memref<2x25x40xi32, #tpu.memory_space<vmem>> -> memref<1x25x40xi32, #tpu.memory_space<vmem>>
      %dma_wait3A_686 = tpu.memref_squeeze %dma_wait3A_685 : memref<1x25x40xi32, #tpu.memory_space<vmem>> -> memref<25x40xi32, #tpu.memory_space<vmem>>
      %dma_wait3A_687 = arith.constant 0 : i32
      %dma_wait3A_688 = arith.constant 0 : i32
      %dma_wait3A_689 = tpu.memref_slice %arg5[%add3A, %dma_wait3A_681, %dma_wait3A_687, %dma_wait3A_688] : memref<32x10x25x40xi32, #tpu.memory_space<hbm>> -> memref<1x1x25x40xi32, #tpu.memory_space<hbm>>
      %dma_wait3A_690 = tpu.memref_squeeze %dma_wait3A_689 : memref<1x1x25x40xi32, #tpu.memory_space<hbm>> -> memref<25x40xi32, #tpu.memory_space<hbm>>
      %dma_wait3A_691 = tpu.memref_slice %arg15[%rem3A_660] : memref<2x!tpu.dma_semaphore, #tpu.memory_space<semaphore_mem>> -> memref<1x!tpu.dma_semaphore, #tpu.memory_space<semaphore_mem>>
      %dma_wait3A_692 = tpu.memref_squeeze %dma_wait3A_691 : memref<1x!tpu.dma_semaphore, #tpu.memory_space<semaphore_mem>> -> memref<!tpu.dma_semaphore, #tpu.memory_space<semaphore_mem>>
      %dma_wait3A_693 = arith.constant 0 : i32
      %dma_wait3A_694 = arith.constant 0 : i32
      %dma_wait3A_695 = tpu.memref_slice %arg9[%dma_wait3A_682, %dma_wait3A_693, %dma_wait3A_694] : memref<2x25x40xi32, #tpu.memory_space<vmem>> -> memref<1x25x40xi32, #tpu.memory_space<vmem>>
      %dma_wait3A_696 = tpu.memref_squeeze %dma_wait3A_695 : memref<1x25x40xi32, #tpu.memory_space<vmem>> -> memref<25x40xi32, #tpu.memory_space<vmem>>
      %dma_wait3A_697 = arith.constant 0 : i32
      %dma_wait3A_698 = arith.constant 0 : i32
      %dma_wait3A_699 = tpu.memref_slice %arg5[%add3A, %dma_wait3A_681, %dma_wait3A_697, %dma_wait3A_698] : memref<32x10x25x40xi32, #tpu.memory_space<hbm>> -> memref<1x1x25x40xi32, #tpu.memory_space<hbm>>
      %dma_wait3A_700 = tpu.memref_squeeze %dma_wait3A_699 : memref<1x1x25x40xi32, #tpu.memory_space<hbm>> -> memref<25x40xi32, #tpu.memory_space<hbm>>
      tpu.wait_dma2 semaphore(%dma_wait3A_692 : memref<!tpu.dma_semaphore, #tpu.memory_space<semaphore_mem>>) src(%dma_wait3A_700 : memref<25x40xi32, #tpu.memory_space<hbm>>) dst(%dma_wait3A_696 : memref<25x40xi32, #tpu.memory_space<vmem>>)
      %add3A_701 = arith.constant 1 : i32
      %add3A_702 = arith.addi %scan3A_658, %add3A_701 : i32
      %lt3A = arith.constant 10 : i32
      %lt3A_703 = arith.cmpi slt, %add3A_702, %lt3A : i32
      %convert_element_type3A_704 = arith.extui %lt3A_703 : i1 to i32
      %cond3A_705 = arith.constant 0 : i32
      %cond3A_706 = arith.cmpi ne, %convert_element_type3A_704, %cond3A_705 : i32
      scf.if %cond3A_706 {
        %sub3A_789 = arith.constant 1 : i32
        %sub3A_790 = arith.subi %sub3A_789, %rem3A_660 : i32
        %add3A_791 = arith.constant 1 : i32
        %add3A_792 = arith.addi %scan3A_658, %add3A_791 : i32
        %dma_start3A_793 = arith.constant 0 : i32
        %dma_start3A_794 = arith.constant 0 : i32
        %dma_start3A_795 = tpu.memref_slice %arg8[%sub3A_790, %dma_start3A_793, %dma_start3A_794] : memref<2x25x40xi32, #tpu.memory_space<vmem>> -> memref<1x25x40xi32, #tpu.memory_space<vmem>>
        %dma_start3A_796 = tpu.memref_squeeze %dma_start3A_795 : memref<1x25x40xi32, #tpu.memory_space<vmem>> -> memref<25x40xi32, #tpu.memory_space<vmem>>
        %dma_start3A_797 = arith.constant 0 : i32
        %dma_start3A_798 = arith.constant 0 : i32
        %dma_start3A_799 = tpu.memref_slice %arg4[%add3A, %add3A_792, %dma_start3A_797, %dma_start3A_798] : memref<32x10x25x40xi32, #tpu.memory_space<hbm>> -> memref<1x1x25x40xi32, #tpu.memory_space<hbm>>
        %dma_start3A_800 = tpu.memref_squeeze %dma_start3A_799 : memref<1x1x25x40xi32, #tpu.memory_space<hbm>> -> memref<25x40xi32, #tpu.memory_space<hbm>>
        %dma_start3A_801 = tpu.memref_slice %arg15[%sub3A_790] : memref<2x!tpu.dma_semaphore, #tpu.memory_space<semaphore_mem>> -> memref<1x!tpu.dma_semaphore, #tpu.memory_space<semaphore_mem>>
        %dma_start3A_802 = tpu.memref_squeeze %dma_start3A_801 : memref<1x!tpu.dma_semaphore, #tpu.memory_space<semaphore_mem>> -> memref<!tpu.dma_semaphore, #tpu.memory_space<semaphore_mem>>
        %dma_start3A_803 = arith.constant 0 : i32
        %dma_start3A_804 = arith.constant 0 : i32
        %dma_start3A_805 = tpu.memref_slice %arg8[%sub3A_790, %dma_start3A_803, %dma_start3A_804] : memref<2x25x40xi32, #tpu.memory_space<vmem>> -> memref<1x25x40xi32, #tpu.memory_space<vmem>>
        %dma_start3A_806 = tpu.memref_squeeze %dma_start3A_805 : memref<1x25x40xi32, #tpu.memory_space<vmem>> -> memref<25x40xi32, #tpu.memory_space<vmem>>
        %dma_start3A_807 = arith.constant 0 : i32
        %dma_start3A_808 = arith.constant 0 : i32
        %dma_start3A_809 = tpu.memref_slice %arg4[%add3A, %add3A_792, %dma_start3A_807, %dma_start3A_808] : memref<32x10x25x40xi32, #tpu.memory_space<hbm>> -> memref<1x1x25x40xi32, #tpu.memory_space<hbm>>
        %dma_start3A_810 = tpu.memref_squeeze %dma_start3A_809 : memref<1x1x25x40xi32, #tpu.memory_space<hbm>> -> memref<25x40xi32, #tpu.memory_space<hbm>>
        tpu.enqueue_dma source(%dma_start3A_810 : memref<25x40xi32, #tpu.memory_space<hbm>>) target(%dma_start3A_806 : memref<25x40xi32, #tpu.memory_space<vmem>>) target_semaphore(%dma_start3A_802 : memref<!tpu.dma_semaphore, #tpu.memory_space<semaphore_mem>>)
        %add3A_811 = arith.constant 1 : i32
        %add3A_812 = arith.addi %scan3A_658, %add3A_811 : i32
        %dma_start3A_813 = arith.constant 0 : i32
        %dma_start3A_814 = arith.constant 0 : i32
        %dma_start3A_815 = tpu.memref_slice %arg9[%sub3A_790, %dma_start3A_813, %dma_start3A_814] : memref<2x25x40xi32, #tpu.memory_space<vmem>> -> memref<1x25x40xi32, #tpu.memory_space<vmem>>
        %dma_start3A_816 = tpu.memref_squeeze %dma_start3A_815 : memref<1x25x40xi32, #tpu.memory_space<vmem>> -> memref<25x40xi32, #tpu.memory_space<vmem>>
        %dma_start3A_817 = arith.constant 0 : i32
        %dma_start3A_818 = arith.constant 0 : i32
        %dma_start3A_819 = tpu.memref_slice %arg5[%add3A, %add3A_812, %dma_start3A_817, %dma_start3A_818] : memref<32x10x25x40xi32, #tpu.memory_space<hbm>> -> memref<1x1x25x40xi32, #tpu.memory_space<hbm>>
        %dma_start3A_820 = tpu.memref_squeeze %dma_start3A_819 : memref<1x1x25x40xi32, #tpu.memory_space<hbm>> -> memref<25x40xi32, #tpu.memory_space<hbm>>
        %dma_start3A_821 = tpu.memref_slice %arg15[%sub3A_790] : memref<2x!tpu.dma_semaphore, #tpu.memory_space<semaphore_mem>> -> memref<1x!tpu.dma_semaphore, #tpu.memory_space<semaphore_mem>>
        %dma_start3A_822 = tpu.memref_squeeze %dma_start3A_821 : memref<1x!tpu.dma_semaphore, #tpu.memory_space<semaphore_mem>> -> memref<!tpu.dma_semaphore, #tpu.memory_space<semaphore_mem>>
        %dma_start3A_823 = arith.constant 0 : i32
        %dma_start3A_824 = arith.constant 0 : i32
        %dma_start3A_825 = tpu.memref_slice %arg9[%sub3A_790, %dma_start3A_823, %dma_start3A_824] : memref<2x25x40xi32, #tpu.memory_space<vmem>> -> memref<1x25x40xi32, #tpu.memory_space<vmem>>
        %dma_start3A_826 = tpu.memref_squeeze %dma_start3A_825 : memref<1x25x40xi32, #tpu.memory_space<vmem>> -> memref<25x40xi32, #tpu.memory_space<vmem>>
        %dma_start3A_827 = arith.constant 0 : i32
        %dma_start3A_828 = arith.constant 0 : i32
        %dma_start3A_829 = tpu.memref_slice %arg5[%add3A, %add3A_812, %dma_start3A_827, %dma_start3A_828] : memref<32x10x25x40xi32, #tpu.memory_space<hbm>> -> memref<1x1x25x40xi32, #tpu.memory_space<hbm>>
        %dma_start3A_830 = tpu.memref_squeeze %dma_start3A_829 : memref<1x1x25x40xi32, #tpu.memory_space<hbm>> -> memref<25x40xi32, #tpu.memory_space<hbm>>
        tpu.enqueue_dma source(%dma_start3A_830 : memref<25x40xi32, #tpu.memory_space<hbm>>) target(%dma_start3A_826 : memref<25x40xi32, #tpu.memory_space<vmem>>) target_semaphore(%dma_start3A_822 : memref<!tpu.dma_semaphore, #tpu.memory_space<semaphore_mem>>)
      } else {
      }
      %mul3A_707 = arith.constant 25 : i32
      %mul3A_708 = arith.muli %scan3A_658, %mul3A_707 : i32
      %mul3A_709 = arith.constant 40 : i32
      %mul3A_710 = arith.muli %mul3A_708, %mul3A_709 : i32
      %add3A_711 = arith.addi %mul3A_596, %mul3A_710 : i32
      %add3A_712 = arith.constant 0 : i32
      %add3A_713 = arith.addi %add3A_711, %add3A_712 : i32
      %dma_start3A_714 = arith.constant 0 : i32
      %dma_start3A_715 = arith.constant 0 : i32
      %dma_start3A_716 = arith.constant 0 : i32
      %dma_start3A_717 = arith.constant 0 : i32
      %dma_start3A_718 = tpu.memref_slice %arg10[%dma_start3A_714, %dma_start3A_716, %dma_start3A_717] : memref<2x40x128xf32, #tpu.memory_space<vmem>> -> memref<1x40x128xf32, #tpu.memory_space<vmem>>
      %dma_start3A_719 = tpu.memref_squeeze %dma_start3A_718 : memref<1x40x128xf32, #tpu.memory_space<vmem>> -> memref<40x128xf32, #tpu.memory_space<vmem>>
      %dma_start3A_720 = arith.constant 0 : i32
      %dma_start3A_721 = tpu.memref_slice %arg3[%add3A_713, %dma_start3A_720] : memref<320000x128xf32, #tpu.memory_space<hbm>> -> memref<40x128xf32, #tpu.memory_space<hbm>>
      %dma_start3A_722 = tpu.memref_slice %arg13[%dma_start3A_715] : memref<3x!tpu.dma_semaphore, #tpu.memory_space<semaphore_mem>> -> memref<1x!tpu.dma_semaphore, #tpu.memory_space<semaphore_mem>>
      %dma_start3A_723 = tpu.memref_squeeze %dma_start3A_722 : memref<1x!tpu.dma_semaphore, #tpu.memory_space<semaphore_mem>> -> memref<!tpu.dma_semaphore, #tpu.memory_space<semaphore_mem>>
      %dma_start3A_724 = arith.constant 0 : i32
      %dma_start3A_725 = arith.constant 0 : i32
      %dma_start3A_726 = tpu.memref_slice %arg10[%dma_start3A_714, %dma_start3A_724, %dma_start3A_725] : memref<2x40x128xf32, #tpu.memory_space<vmem>> -> memref<1x40x128xf32, #tpu.memory_space<vmem>>
      %dma_start3A_727 = tpu.memref_squeeze %dma_start3A_726 : memref<1x40x128xf32, #tpu.memory_space<vmem>> -> memref<40x128xf32, #tpu.memory_space<vmem>>
      %dma_start3A_728 = arith.constant 0 : i32
      %dma_start3A_729 = tpu.memref_slice %arg3[%add3A_713, %dma_start3A_728] : memref<320000x128xf32, #tpu.memory_space<hbm>> -> memref<40x128xf32, #tpu.memory_space<hbm>>
      tpu.enqueue_dma source(%dma_start3A_729 : memref<40x128xf32, #tpu.memory_space<hbm>>) target(%dma_start3A_727 : memref<40x128xf32, #tpu.memory_space<vmem>>) target_semaphore(%dma_start3A_723 : memref<!tpu.dma_semaphore, #tpu.memory_space<semaphore_mem>>)
      %dma_start3A_730 = arith.constant 0 : i32
      %dma_start3A_731 = arith.constant 0 : i32
      %dma_start3A_732 = arith.constant 0 : i32
      %dma_start3A_733 = arith.constant 0 : i32
      %dma_start3A_734 = arith.constant 0 : i32
      %dma_start3A_735 = tpu.memref_slice %arg11[%dma_start3A_731, %dma_start3A_733, %dma_start3A_734] : memref<3x40x128xf32, #tpu.memory_space<vmem>> -> memref<1x40x128xf32, #tpu.memory_space<vmem>>
      %dma_start3A_736 = tpu.memref_squeeze %dma_start3A_735 : memref<1x40x128xf32, #tpu.memory_space<vmem>> -> memref<40x128xf32, #tpu.memory_space<vmem>>
      %dma_start3A_737 = arith.constant 0 : i32
      %dma_start3A_738 = tpu.memref_slice %arg8[%rem3A_660, %dma_start3A_730, %dma_start3A_737] : memref<2x25x40xi32, #tpu.memory_space<vmem>> -> memref<1x1x40xi32, #tpu.memory_space<vmem>>
      %dma_start3A_739 = tpu.memref_squeeze %dma_start3A_738 : memref<1x1x40xi32, #tpu.memory_space<vmem>> -> memref<40xi32, #tpu.memory_space<vmem>>
      %dma_start3A_740 = arith.constant 0 : i32
      %dma_start3A_741 = arith.constant 0 : i32
      %dma_start3A_742 = tpu.memref_slice %arg2[%dma_start3A_740, %dma_start3A_741] : memref<10000x128xf32, #tpu.memory_space<hbm>> -> memref<10000x128xf32, #tpu.memory_space<hbm>>
      %dma_start3A_743 = tpu.memref_slice %arg13[%dma_start3A_732] : memref<3x!tpu.dma_semaphore, #tpu.memory_space<semaphore_mem>> -> memref<1x!tpu.dma_semaphore, #tpu.memory_space<semaphore_mem>>
      %dma_start3A_744 = tpu.memref_squeeze %dma_start3A_743 : memref<1x!tpu.dma_semaphore, #tpu.memory_space<semaphore_mem>> -> memref<!tpu.dma_semaphore, #tpu.memory_space<semaphore_mem>>
      tpu.enqueue_indirect_dma source(%dma_start3A_742 : memref<10000x128xf32, #tpu.memory_space<hbm>>) target(%dma_start3A_736 : memref<40x128xf32, #tpu.memory_space<vmem>>) offsets(%dma_start3A_739 : memref<40xi32, #tpu.memory_space<vmem>>) semaphore(%dma_start3A_744 : memref<!tpu.dma_semaphore, #tpu.memory_space<semaphore_mem>>)
      %scan3A_745 = arith.constant 0 : i32
      %scan3A_746 = arith.constant 0 : i32
      %scan3A_747 = arith.constant 25 : i32
      %scan3A_748 = arith.addi %scan3A_746, %scan3A_747 : i32
      %scan3A_749 = arith.constant 1 : i32
      %scan3A_750 = scf.for %scan3A_789 = %scan3A_746 to %scan3A_748 step %scan3A_749 iter_args(%scan3A_790 = %scan3A_745) -> (i32)  : i32 {
        %rem3A_791 = arith.constant 3 : i32
        %rem3A_792 = arith.remsi %scan3A_789, %rem3A_791 : i32
        %rem3A_793 = arith.constant 2 : i32
        %rem3A_794 = arith.remsi %scan3A_789, %rem3A_793 : i32
        %ge3A = arith.constant 2 : i32
        %ge3A_795 = arith.cmpi sge, %scan3A_789, %ge3A : i32
        %convert_element_type3A_796 = arith.extui %ge3A_795 : i1 to i32
        %cond3A_797 = arith.constant 0 : i32
        %cond3A_798 = arith.cmpi ne, %convert_element_type3A_796, %cond3A_797 : i32
        scf.if %cond3A_798 {
          %sub3A_852 = arith.constant 2 : i32
          %sub3A_853 = arith.subi %scan3A_789, %sub3A_852 : i32
          %rem3A_854 = arith.constant 3 : i32
          %rem3A_855 = arith.remsi %sub3A_853, %rem3A_854 : i32
          %dma_wait3A_856 = arith.constant 0 : i32
          %dma_wait3A_857 = arith.constant 0 : i32
          %dma_wait3A_858 = tpu.memref_slice %arg11[%rem3A_855, %dma_wait3A_856, %dma_wait3A_857] : memref<3x40x128xf32, #tpu.memory_space<vmem>> -> memref<1x40x128xf32, #tpu.memory_space<vmem>>
          %dma_wait3A_859 = tpu.memref_squeeze %dma_wait3A_858 : memref<1x40x128xf32, #tpu.memory_space<vmem>> -> memref<40x128xf32, #tpu.memory_space<vmem>>
          %dma_wait3A_860 = arith.constant 0 : i32
          %dma_wait3A_861 = arith.constant 0 : i32
          %dma_wait3A_862 = tpu.memref_slice %arg12[%dma_wait3A_860, %dma_wait3A_861] : memref<10000x128xf32, #tpu.memory_space<vmem_shared>> -> memref<40x128xf32, #tpu.memory_space<vmem_shared>>
          %dma_wait3A_863 = tpu.memref_slice %arg14[%rem3A_855] : memref<3x!tpu.dma_semaphore, #tpu.memory_space<semaphore_mem>> -> memref<1x!tpu.dma_semaphore, #tpu.memory_space<semaphore_mem>>
          %dma_wait3A_864 = tpu.memref_squeeze %dma_wait3A_863 : memref<1x!tpu.dma_semaphore, #tpu.memory_space<semaphore_mem>> -> memref<!tpu.dma_semaphore, #tpu.memory_space<semaphore_mem>>
          %dma_wait3A_865 = arith.constant 0 : i32
          %dma_wait3A_866 = arith.constant 0 : i32
          %dma_wait3A_867 = tpu.memref_slice %arg12[%dma_wait3A_865, %dma_wait3A_866] : memref<10000x128xf32, #tpu.memory_space<vmem_shared>> -> memref<40x128xf32, #tpu.memory_space<vmem_shared>>
          %dma_wait3A_868 = arith.constant 0 : i32
          %dma_wait3A_869 = arith.constant 0 : i32
          %dma_wait3A_870 = tpu.memref_slice %arg11[%rem3A_855, %dma_wait3A_868, %dma_wait3A_869] : memref<3x40x128xf32, #tpu.memory_space<vmem>> -> memref<1x40x128xf32, #tpu.memory_space<vmem>>
          %dma_wait3A_871 = tpu.memref_squeeze %dma_wait3A_870 : memref<1x40x128xf32, #tpu.memory_space<vmem>> -> memref<40x128xf32, #tpu.memory_space<vmem>>
          tpu.wait_dma2 semaphore(%dma_wait3A_864 : memref<!tpu.dma_semaphore, #tpu.memory_space<semaphore_mem>>) src(%dma_wait3A_871 : memref<40x128xf32, #tpu.memory_space<vmem>>) dst(%dma_wait3A_867 : memref<40x128xf32, #tpu.memory_space<vmem_shared>>)
        } else {
        }
        %lt3A_799 = arith.constant 24 : i32
        %lt3A_800 = arith.cmpi slt, %scan3A_789, %lt3A_799 : i32
        %convert_element_type3A_801 = arith.extui %lt3A_800 : i1 to i32
        %cond3A_802 = arith.constant 0 : i32
        %cond3A_803 = arith.cmpi ne, %convert_element_type3A_801, %cond3A_802 : i32
        scf.if %cond3A_803 {
          %add3A_852 = arith.constant 1 : i32
          %add3A_853 = arith.addi %scan3A_789, %add3A_852 : i32
          %add3A_854 = arith.constant 1 : i32
          %add3A_855 = arith.addi %scan3A_789, %add3A_854 : i32
          %rem3A_856 = arith.constant 3 : i32
          %rem3A_857 = arith.remsi %add3A_855, %rem3A_856 : i32
          %add3A_858 = arith.constant 1 : i32
          %add3A_859 = arith.addi %scan3A_789, %add3A_858 : i32
          %rem3A_860 = arith.constant 2 : i32
          %rem3A_861 = arith.remsi %add3A_859, %rem3A_860 : i32
          %mul3A_862 = arith.constant 40 : i32
          %mul3A_863 = arith.muli %add3A_853, %mul3A_862 : i32
          %add3A_864 = arith.addi %add3A_711, %mul3A_863 : i32
          %dma_start3A_865 = arith.constant 0 : i32
          %dma_start3A_866 = arith.constant 0 : i32
          %dma_start3A_867 = tpu.memref_slice %arg10[%rem3A_861, %dma_start3A_865, %dma_start3A_866] : memref<2x40x128xf32, #tpu.memory_space<vmem>> -> memref<1x40x128xf32, #tpu.memory_space<vmem>>
          %dma_start3A_868 = tpu.memref_squeeze %dma_start3A_867 : memref<1x40x128xf32, #tpu.memory_space<vmem>> -> memref<40x128xf32, #tpu.memory_space<vmem>>
          %dma_start3A_869 = arith.constant 0 : i32
          %dma_start3A_870 = tpu.memref_slice %arg3[%add3A_864, %dma_start3A_869] : memref<320000x128xf32, #tpu.memory_space<hbm>> -> memref<40x128xf32, #tpu.memory_space<hbm>>
          %dma_start3A_871 = tpu.memref_slice %arg13[%rem3A_857] : memref<3x!tpu.dma_semaphore, #tpu.memory_space<semaphore_mem>> -> memref<1x!tpu.dma_semaphore, #tpu.memory_space<semaphore_mem>>
          %dma_start3A_872 = tpu.memref_squeeze %dma_start3A_871 : memref<1x!tpu.dma_semaphore, #tpu.memory_space<semaphore_mem>> -> memref<!tpu.dma_semaphore, #tpu.memory_space<semaphore_mem>>
          %dma_start3A_873 = arith.constant 0 : i32
          %dma_start3A_874 = arith.constant 0 : i32
          %dma_start3A_875 = tpu.memref_slice %arg10[%rem3A_861, %dma_start3A_873, %dma_start3A_874] : memref<2x40x128xf32, #tpu.memory_space<vmem>> -> memref<1x40x128xf32, #tpu.memory_space<vmem>>
          %dma_start3A_876 = tpu.memref_squeeze %dma_start3A_875 : memref<1x40x128xf32, #tpu.memory_space<vmem>> -> memref<40x128xf32, #tpu.memory_space<vmem>>
          %dma_start3A_877 = arith.constant 0 : i32
          %dma_start3A_878 = tpu.memref_slice %arg3[%add3A_864, %dma_start3A_877] : memref<320000x128xf32, #tpu.memory_space<hbm>> -> memref<40x128xf32, #tpu.memory_space<hbm>>
          tpu.enqueue_dma source(%dma_start3A_878 : memref<40x128xf32, #tpu.memory_space<hbm>>) target(%dma_start3A_876 : memref<40x128xf32, #tpu.memory_space<vmem>>) target_semaphore(%dma_start3A_872 : memref<!tpu.dma_semaphore, #tpu.memory_space<semaphore_mem>>)
          %dma_start3A_879 = arith.constant 0 : i32
          %dma_start3A_880 = arith.constant 0 : i32
          %dma_start3A_881 = tpu.memref_slice %arg11[%rem3A_857, %dma_start3A_879, %dma_start3A_880] : memref<3x40x128xf32, #tpu.memory_space<vmem>> -> memref<1x40x128xf32, #tpu.memory_space<vmem>>
          %dma_start3A_882 = tpu.memref_squeeze %dma_start3A_881 : memref<1x40x128xf32, #tpu.memory_space<vmem>> -> memref<40x128xf32, #tpu.memory_space<vmem>>
          %dma_start3A_883 = arith.constant 0 : i32
          %dma_start3A_884 = tpu.memref_slice %arg8[%rem3A_660, %add3A_853, %dma_start3A_883] : memref<2x25x40xi32, #tpu.memory_space<vmem>> -> memref<1x1x40xi32, #tpu.memory_space<vmem>>
          %dma_start3A_885 = tpu.memref_squeeze %dma_start3A_884 : memref<1x1x40xi32, #tpu.memory_space<vmem>> -> memref<40xi32, #tpu.memory_space<vmem>>
          %dma_start3A_886 = arith.constant 0 : i32
          %dma_start3A_887 = arith.constant 0 : i32
          %dma_start3A_888 = tpu.memref_slice %arg2[%dma_start3A_886, %dma_start3A_887] : memref<10000x128xf32, #tpu.memory_space<hbm>> -> memref<10000x128xf32, #tpu.memory_space<hbm>>
          %dma_start3A_889 = tpu.memref_slice %arg13[%rem3A_857] : memref<3x!tpu.dma_semaphore, #tpu.memory_space<semaphore_mem>> -> memref<1x!tpu.dma_semaphore, #tpu.memory_space<semaphore_mem>>
          %dma_start3A_890 = tpu.memref_squeeze %dma_start3A_889 : memref<1x!tpu.dma_semaphore, #tpu.memory_space<semaphore_mem>> -> memref<!tpu.dma_semaphore, #tpu.memory_space<semaphore_mem>>
          tpu.enqueue_indirect_dma source(%dma_start3A_888 : memref<10000x128xf32, #tpu.memory_space<hbm>>) target(%dma_start3A_882 : memref<40x128xf32, #tpu.memory_space<vmem>>) offsets(%dma_start3A_885 : memref<40xi32, #tpu.memory_space<vmem>>) semaphore(%dma_start3A_890 : memref<!tpu.dma_semaphore, #tpu.memory_space<semaphore_mem>>)
        } else {
        }
        %dma_wait3A_804 = arith.constant 0 : i32
        %dma_wait3A_805 = arith.constant 0 : i32
        %dma_wait3A_806 = tpu.memref_slice %arg10[%rem3A_794, %dma_wait3A_804, %dma_wait3A_805] : memref<2x40x128xf32, #tpu.memory_space<vmem>> -> memref<1x40x128xf32, #tpu.memory_space<vmem>>
        %dma_wait3A_807 = tpu.memref_squeeze %dma_wait3A_806 : memref<1x40x128xf32, #tpu.memory_space<vmem>> -> memref<40x128xf32, #tpu.memory_space<vmem>>
        %dma_wait3A_808 = arith.constant 0 : i32
        %dma_wait3A_809 = tpu.memref_slice %arg3[%add3A_711, %dma_wait3A_808] : memref<320000x128xf32, #tpu.memory_space<hbm>> -> memref<40x128xf32, #tpu.memory_space<hbm>>
        %dma_wait3A_810 = tpu.memref_slice %arg13[%rem3A_792] : memref<3x!tpu.dma_semaphore, #tpu.memory_space<semaphore_mem>> -> memref<1x!tpu.dma_semaphore, #tpu.memory_space<semaphore_mem>>
        %dma_wait3A_811 = tpu.memref_squeeze %dma_wait3A_810 : memref<1x!tpu.dma_semaphore, #tpu.memory_space<semaphore_mem>> -> memref<!tpu.dma_semaphore, #tpu.memory_space<semaphore_mem>>
        %dma_wait3A_812 = arith.constant 0 : i32
        %dma_wait3A_813 = arith.constant 0 : i32
        %dma_wait3A_814 = tpu.memref_slice %arg10[%rem3A_794, %dma_wait3A_812, %dma_wait3A_813] : memref<2x40x128xf32, #tpu.memory_space<vmem>> -> memref<1x40x128xf32, #tpu.memory_space<vmem>>
        %dma_wait3A_815 = tpu.memref_squeeze %dma_wait3A_814 : memref<1x40x128xf32, #tpu.memory_space<vmem>> -> memref<40x128xf32, #tpu.memory_space<vmem>>
        %dma_wait3A_816 = arith.constant 0 : i32
        %dma_wait3A_817 = tpu.memref_slice %arg3[%add3A_711, %dma_wait3A_816] : memref<320000x128xf32, #tpu.memory_space<hbm>> -> memref<40x128xf32, #tpu.memory_space<hbm>>
        tpu.wait_dma2 semaphore(%dma_wait3A_811 : memref<!tpu.dma_semaphore, #tpu.memory_space<semaphore_mem>>) src(%dma_wait3A_817 : memref<40x128xf32, #tpu.memory_space<hbm>>) dst(%dma_wait3A_815 : memref<40x128xf32, #tpu.memory_space<vmem>>)
        %dma_wait3A_818 = arith.constant 0 : i32
        %dma_wait3A_819 = arith.constant 0 : i32
        %dma_wait3A_820 = tpu.memref_slice %arg11[%rem3A_792, %dma_wait3A_818, %dma_wait3A_819] : memref<3x40x128xf32, #tpu.memory_space<vmem>> -> memref<1x40x128xf32, #tpu.memory_space<vmem>>
        %dma_wait3A_821 = tpu.memref_squeeze %dma_wait3A_820 : memref<1x40x128xf32, #tpu.memory_space<vmem>> -> memref<40x128xf32, #tpu.memory_space<vmem>>
        %dma_wait3A_822 = arith.constant 0 : i32
        %dma_wait3A_823 = tpu.memref_slice %arg3[%add3A_711, %dma_wait3A_822] : memref<320000x128xf32, #tpu.memory_space<hbm>> -> memref<40x128xf32, #tpu.memory_space<hbm>>
        %dma_wait3A_824 = tpu.memref_slice %arg13[%rem3A_792] : memref<3x!tpu.dma_semaphore, #tpu.memory_space<semaphore_mem>> -> memref<1x!tpu.dma_semaphore, #tpu.memory_space<semaphore_mem>>
        %dma_wait3A_825 = tpu.memref_squeeze %dma_wait3A_824 : memref<1x!tpu.dma_semaphore, #tpu.memory_space<semaphore_mem>> -> memref<!tpu.dma_semaphore, #tpu.memory_space<semaphore_mem>>
        %dma_wait3A_826 = arith.constant 0 : i32
        %dma_wait3A_827 = arith.constant 0 : i32
        %dma_wait3A_828 = tpu.memref_slice %arg11[%rem3A_792, %dma_wait3A_826, %dma_wait3A_827] : memref<3x40x128xf32, #tpu.memory_space<vmem>> -> memref<1x40x128xf32, #tpu.memory_space<vmem>>
        %dma_wait3A_829 = tpu.memref_squeeze %dma_wait3A_828 : memref<1x40x128xf32, #tpu.memory_space<vmem>> -> memref<40x128xf32, #tpu.memory_space<vmem>>
        %dma_wait3A_830 = arith.constant 0 : i32
        %dma_wait3A_831 = tpu.memref_slice %arg3[%add3A_711, %dma_wait3A_830] : memref<320000x128xf32, #tpu.memory_space<hbm>> -> memref<40x128xf32, #tpu.memory_space<hbm>>
        tpu.wait_dma2 semaphore(%dma_wait3A_825 : memref<!tpu.dma_semaphore, #tpu.memory_space<semaphore_mem>>) src(%dma_wait3A_831 : memref<40x128xf32, #tpu.memory_space<hbm>>) dst(%dma_wait3A_829 : memref<40x128xf32, #tpu.memory_space<vmem>>)
        %scan3A_832 = arith.constant 0 : i32
        %scan3A_833 = arith.constant 0 : i32
        %scan3A_834 = arith.constant 5 : i32
        %scan3A_835 = arith.addi %scan3A_833, %scan3A_834 : i32
        %scan3A_836 = arith.constant 1 : i32
        %scan3A_837 = scf.for %scan3A_852 = %scan3A_833 to %scan3A_835 step %scan3A_836 iter_args(%scan3A_853 = %scan3A_832) -> (i32)  : i32 {
          %mul3A_854 = arith.constant 8 : i32
          %mul3A_855 = arith.muli %scan3A_852, %mul3A_854 : i32
          %add3A_856 = arith.constant 0 : i32
          %add3A_857 = arith.addi %mul3A_855, %add3A_856 : i32
          %get3A = arith.index_cast %rem3A_792 : i32 to index
          %get3A_858 = arith.index_cast %add3A_857 : i32 to index
          %get3A_859 = arith.constant 0 : index
          %get3A_860 = tpu.vector_load %arg11[%get3A, %get3A_858, %get3A_859] {strides = array<i32>} : memref<3x40x128xf32, #tpu.memory_space<vmem>>, vector<1x1x16xf32>,
          %get3A_861 = vector.shape_cast %get3A_860 : vector<1x1x16xf32> to vector<16xf32>
          %get3A_862 = arith.index_cast %rem3A_794 : i32 to index
          %get3A_863 = arith.index_cast %add3A_857 : i32 to index
          %get3A_864 = arith.constant 0 : index
          %get3A_865 = tpu.vector_load %arg10[%get3A_862, %get3A_863, %get3A_864] {strides = array<i32>} : memref<2x40x128xf32, #tpu.memory_space<vmem>>, vector<1x1x16xf32>,
          %get3A_866 = vector.shape_cast %get3A_865 : vector<1x1x16xf32> to vector<16xf32>
          %mul3A_867 = arith.mulf %get3A_861, %get3A_866 : vector<16xf32>
          %swap3A = arith.index_cast %rem3A_792 : i32 to index
          %swap3A_868 = arith.index_cast %add3A_857 : i32 to index
          %swap3A_869 = arith.constant 0 : index
          %swap3A_870 = tpu.vector_load %arg11[%swap3A, %swap3A_868, %swap3A_869] {strides = array<i32>} : memref<3x40x128xf32, #tpu.memory_space<vmem>>, vector<1x1x16xf32>,
          %swap3A_871 = vector.shape_cast %swap3A_870 : vector<1x1x16xf32> to vector<16xf32>
          %swap3A_872 = vector.shape_cast %mul3A_867 : vector<16xf32> to vector<1x1x16xf32>
          tpu.vector_store %arg11[%swap3A, %swap3A_868, %swap3A_869], %swap3A_872 {strides = array<i32>} : memref<3x40x128xf32, #tpu.memory_space<vmem>>, vector<1x1x16xf32>,
          %get3A_873 = arith.index_cast %rem3A_792 : i32 to index
          %get3A_874 = arith.index_cast %add3A_857 : i32 to index
          %get3A_875 = arith.constant 16 : index
          %get3A_876 = tpu.vector_load %arg11[%get3A_873, %get3A_874, %get3A_875] {strides = array<i32>} : memref<3x40x128xf32, #tpu.memory_space<vmem>>, vector<1x1x16xf32>,
          %get3A_877 = vector.shape_cast %get3A_876 : vector<1x1x16xf32> to vector<16xf32>
          %get3A_878 = arith.index_cast %rem3A_794 : i32 to index
          %get3A_879 = arith.index_cast %add3A_857 : i32 to index
          %get3A_880 = arith.constant 16 : index
          %get3A_881 = tpu.vector_load %arg10[%get3A_878, %get3A_879, %get3A_880] {strides = array<i32>} : memref<2x40x128xf32, #tpu.memory_space<vmem>>, vector<1x1x16xf32>,
          %get3A_882 = vector.shape_cast %get3A_881 : vector<1x1x16xf32> to vector<16xf32>
          %mul3A_883 = arith.mulf %get3A_877, %get3A_882 : vector<16xf32>
          %swap3A_884 = arith.index_cast %rem3A_792 : i32 to index
          %swap3A_885 = arith.index_cast %add3A_857 : i32 to index
          %swap3A_886 = arith.constant 16 : index
          %swap3A_887 = tpu.vector_load %arg11[%swap3A_884, %swap3A_885, %swap3A_886] {strides = array<i32>} : memref<3x40x128xf32, #tpu.memory_space<vmem>>, vector<1x1x16xf32>,
          %swap3A_888 = vector.shape_cast %swap3A_887 : vector<1x1x16xf32> to vector<16xf32>
          %swap3A_889 = vector.shape_cast %mul3A_883 : vector<16xf32> to vector<1x1x16xf32>
          tpu.vector_store %arg11[%swap3A_884, %swap3A_885, %swap3A_886], %swap3A_889 {strides = array<i32>} : memref<3x40x128xf32, #tpu.memory_space<vmem>>, vector<1x1x16xf32>,
          %get3A_890 = arith.index_cast %rem3A_792 : i32 to index
          %get3A_891 = arith.index_cast %add3A_857 : i32 to index
          %get3A_892 = arith.constant 32 : index
          %get3A_893 = tpu.vector_load %arg11[%get3A_890, %get3A_891, %get3A_892] {strides = array<i32>} : memref<3x40x128xf32, #tpu.memory_space<vmem>>, vector<1x1x16xf32>,
          %get3A_894 = vector.shape_cast %get3A_893 : vector<1x1x16xf32> to vector<16xf32>
          %get3A_895 = arith.index_cast %rem3A_794 : i32 to index
          %get3A_896 = arith.index_cast %add3A_857 : i32 to index
          %get3A_897 = arith.constant 32 : index
          %get3A_898 = tpu.vector_load %arg10[%get3A_895, %get3A_896, %get3A_897] {strides = array<i32>} : memref<2x40x128xf32, #tpu.memory_space<vmem>>, vector<1x1x16xf32>,
          %get3A_899 = vector.shape_cast %get3A_898 : vector<1x1x16xf32> to vector<16xf32>
          %mul3A_900 = arith.mulf %get3A_894, %get3A_899 : vector<16xf32>
          %swap3A_901 = arith.index_cast %rem3A_792 : i32 to index
          %swap3A_902 = arith.index_cast %add3A_857 : i32 to index
          %swap3A_903 = arith.constant 32 : index
          %swap3A_904 = tpu.vector_load %arg11[%swap3A_901, %swap3A_902, %swap3A_903] {strides = array<i32>} : memref<3x40x128xf32, #tpu.memory_space<vmem>>, vector<1x1x16xf32>,
          %swap3A_905 = vector.shape_cast %swap3A_904 : vector<1x1x16xf32> to vector<16xf32>
          %swap3A_906 = vector.shape_cast %mul3A_900 : vector<16xf32> to vector<1x1x16xf32>
          tpu.vector_store %arg11[%swap3A_901, %swap3A_902, %swap3A_903], %swap3A_906 {strides = array<i32>} : memref<3x40x128xf32, #tpu.memory_space<vmem>>, vector<1x1x16xf32>,
          %get3A_907 = arith.index_cast %rem3A_792 : i32 to index
          %get3A_908 = arith.index_cast %add3A_857 : i32 to index
          %get3A_909 = arith.constant 48 : index
          %get3A_910 = tpu.vector_load %arg11[%get3A_907, %get3A_908, %get3A_909] {strides = array<i32>} : memref<3x40x128xf32, #tpu.memory_space<vmem>>, vector<1x1x16xf32>,
          %get3A_911 = vector.shape_cast %get3A_910 : vector<1x1x16xf32> to vector<16xf32>
          %get3A_912 = arith.index_cast %rem3A_794 : i32 to index
          %get3A_913 = arith.index_cast %add3A_857 : i32 to index
          %get3A_914 = arith.constant 48 : index
          %get3A_915 = tpu.vector_load %arg10[%get3A_912, %get3A_913, %get3A_914] {strides = array<i32>} : memref<2x40x128xf32, #tpu.memory_space<vmem>>, vector<1x1x16xf32>,
          %get3A_916 = vector.shape_cast %get3A_915 : vector<1x1x16xf32> to vector<16xf32>
          %mul3A_917 = arith.mulf %get3A_911, %get3A_916 : vector<16xf32>
          %swap3A_918 = arith.index_cast %rem3A_792 : i32 to index
          %swap3A_919 = arith.index_cast %add3A_857 : i32 to index
          %swap3A_920 = arith.constant 48 : index
          %swap3A_921 = tpu.vector_load %arg11[%swap3A_918, %swap3A_919, %swap3A_920] {strides = array<i32>} : memref<3x40x128xf32, #tpu.memory_space<vmem>>, vector<1x1x16xf32>,
          %swap3A_922 = vector.shape_cast %swap3A_921 : vector<1x1x16xf32> to vector<16xf32>
          %swap3A_923 = vector.shape_cast %mul3A_917 : vector<16xf32> to vector<1x1x16xf32>
          tpu.vector_store %arg11[%swap3A_918, %swap3A_919, %swap3A_920], %swap3A_923 {strides = array<i32>} : memref<3x40x128xf32, #tpu.memory_space<vmem>>, vector<1x1x16xf32>,
          %get3A_924 = arith.index_cast %rem3A_792 : i32 to index
          %get3A_925 = arith.index_cast %add3A_857 : i32 to index
          %get3A_926 = arith.constant 64 : index
          %get3A_927 = tpu.vector_load %arg11[%get3A_924, %get3A_925, %get3A_926] {strides = array<i32>} : memref<3x40x128xf32, #tpu.memory_space<vmem>>, vector<1x1x16xf32>,
          %get3A_928 = vector.shape_cast %get3A_927 : vector<1x1x16xf32> to vector<16xf32>
          %get3A_929 = arith.index_cast %rem3A_794 : i32 to index
          %get3A_930 = arith.index_cast %add3A_857 : i32 to index
          %get3A_931 = arith.constant 64 : index
          %get3A_932 = tpu.vector_load %arg10[%get3A_929, %get3A_930, %get3A_931] {strides = array<i32>} : memref<2x40x128xf32, #tpu.memory_space<vmem>>, vector<1x1x16xf32>,
          %get3A_933 = vector.shape_cast %get3A_932 : vector<1x1x16xf32> to vector<16xf32>
          %mul3A_934 = arith.mulf %get3A_928, %get3A_933 : vector<16xf32>
          %swap3A_935 = arith.index_cast %rem3A_792 : i32 to index
          %swap3A_936 = arith.index_cast %add3A_857 : i32 to index
          %swap3A_937 = arith.constant 64 : index
          %swap3A_938 = tpu.vector_load %arg11[%swap3A_935, %swap3A_936, %swap3A_937] {strides = array<i32>} : memref<3x40x128xf32, #tpu.memory_space<vmem>>, vector<1x1x16xf32>,
          %swap3A_939 = vector.shape_cast %swap3A_938 : vector<1x1x16xf32> to vector<16xf32>
          %swap3A_940 = vector.shape_cast %mul3A_934 : vector<16xf32> to vector<1x1x16xf32>
          tpu.vector_store %arg11[%swap3A_935, %swap3A_936, %swap3A_937], %swap3A_940 {strides = array<i32>} : memref<3x40x128xf32, #tpu.memory_space<vmem>>, vector<1x1x16xf32>,
          %get3A_941 = arith.index_cast %rem3A_792 : i32 to index
          %get3A_942 = arith.index_cast %add3A_857 : i32 to index
          %get3A_943 = arith.constant 80 : index
          %get3A_944 = tpu.vector_load %arg11[%get3A_941, %get3A_942, %get3A_943] {strides = array<i32>} : memref<3x40x128xf32, #tpu.memory_space<vmem>>, vector<1x1x16xf32>,
          %get3A_945 = vector.shape_cast %get3A_944 : vector<1x1x16xf32> to vector<16xf32>
          %get3A_946 = arith.index_cast %rem3A_794 : i32 to index
          %get3A_947 = arith.index_cast %add3A_857 : i32 to index
          %get3A_948 = arith.constant 80 : index
          %get3A_949 = tpu.vector_load %arg10[%get3A_946, %get3A_947, %get3A_948] {strides = array<i32>} : memref<2x40x128xf32, #tpu.memory_space<vmem>>, vector<1x1x16xf32>,
          %get3A_950 = vector.shape_cast %get3A_949 : vector<1x1x16xf32> to vector<16xf32>
          %mul3A_951 = arith.mulf %get3A_945, %get3A_950 : vector<16xf32>
          %swap3A_952 = arith.index_cast %rem3A_792 : i32 to index
          %swap3A_953 = arith.index_cast %add3A_857 : i32 to index
          %swap3A_954 = arith.constant 80 : index
          %swap3A_955 = tpu.vector_load %arg11[%swap3A_952, %swap3A_953, %swap3A_954] {strides = array<i32>} : memref<3x40x128xf32, #tpu.memory_space<vmem>>, vector<1x1x16xf32>,
          %swap3A_956 = vector.shape_cast %swap3A_955 : vector<1x1x16xf32> to vector<16xf32>
          %swap3A_957 = vector.shape_cast %mul3A_951 : vector<16xf32> to vector<1x1x16xf32>
          tpu.vector_store %arg11[%swap3A_952, %swap3A_953, %swap3A_954], %swap3A_957 {strides = array<i32>} : memref<3x40x128xf32, #tpu.memory_space<vmem>>, vector<1x1x16xf32>,
          %get3A_958 = arith.index_cast %rem3A_792 : i32 to index
          %get3A_959 = arith.index_cast %add3A_857 : i32 to index
          %get3A_960 = arith.constant 96 : index
          %get3A_961 = tpu.vector_load %arg11[%get3A_958, %get3A_959, %get3A_960] {strides = array<i32>} : memref<3x40x128xf32, #tpu.memory_space<vmem>>, vector<1x1x16xf32>,
          %get3A_962 = vector.shape_cast %get3A_961 : vector<1x1x16xf32> to vector<16xf32>
          %get3A_963 = arith.index_cast %rem3A_794 : i32 to index
          %get3A_964 = arith.index_cast %add3A_857 : i32 to index
          %get3A_965 = arith.constant 96 : index
          %get3A_966 = tpu.vector_load %arg10[%get3A_963, %get3A_964, %get3A_965] {strides = array<i32>} : memref<2x40x128xf32, #tpu.memory_space<vmem>>, vector<1x1x16xf32>,
          %get3A_967 = vector.shape_cast %get3A_966 : vector<1x1x16xf32> to vector<16xf32>
          %mul3A_968 = arith.mulf %get3A_962, %get3A_967 : vector<16xf32>
          %swap3A_969 = arith.index_cast %rem3A_792 : i32 to index
          %swap3A_970 = arith.index_cast %add3A_857 : i32 to index
          %swap3A_971 = arith.constant 96 : index
          %swap3A_972 = tpu.vector_load %arg11[%swap3A_969, %swap3A_970, %swap3A_971] {strides = array<i32>} : memref<3x40x128xf32, #tpu.memory_space<vmem>>, vector<1x1x16xf32>,
          %swap3A_973 = vector.shape_cast %swap3A_972 : vector<1x1x16xf32> to vector<16xf32>
          %swap3A_974 = vector.shape_cast %mul3A_968 : vector<16xf32> to vector<1x1x16xf32>
          tpu.vector_store %arg11[%swap3A_969, %swap3A_970, %swap3A_971], %swap3A_974 {strides = array<i32>} : memref<3x40x128xf32, #tpu.memory_space<vmem>>, vector<1x1x16xf32>,
          %get3A_975 = arith.index_cast %rem3A_792 : i32 to index
          %get3A_976 = arith.index_cast %add3A_857 : i32 to index
          %get3A_977 = arith.constant 112 : index
          %get3A_978 = tpu.vector_load %arg11[%get3A_975, %get3A_976, %get3A_977] {strides = array<i32>} : memref<3x40x128xf32, #tpu.memory_space<vmem>>, vector<1x1x16xf32>,
          %get3A_979 = vector.shape_cast %get3A_978 : vector<1x1x16xf32> to vector<16xf32>
          %get3A_980 = arith.index_cast %rem3A_794 : i32 to index
          %get3A_981 = arith.index_cast %add3A_857 : i32 to index
          %get3A_982 = arith.constant 112 : index
          %get3A_983 = tpu.vector_load %arg10[%get3A_980, %get3A_981, %get3A_982] {strides = array<i32>} : memref<2x40x128xf32, #tpu.memory_space<vmem>>, vector<1x1x16xf32>,
          %get3A_984 = vector.shape_cast %get3A_983 : vector<1x1x16xf32> to vector<16xf32>
          %mul3A_985 = arith.mulf %get3A_979, %get3A_984 : vector<16xf32>
          %swap3A_986 = arith.index_cast %rem3A_792 : i32 to index
          %swap3A_987 = arith.index_cast %add3A_857 : i32 to index
          %swap3A_988 = arith.constant 112 : index
          %swap3A_989 = tpu.vector_load %arg11[%swap3A_986, %swap3A_987, %swap3A_988] {strides = array<i32>} : memref<3x40x128xf32, #tpu.memory_space<vmem>>, vector<1x1x16xf32>,
          %swap3A_990 = vector.shape_cast %swap3A_989 : vector<1x1x16xf32> to vector<16xf32>
          %swap3A_991 = vector.shape_cast %mul3A_985 : vector<16xf32> to vector<1x1x16xf32>
          tpu.vector_store %arg11[%swap3A_986, %swap3A_987, %swap3A_988], %swap3A_991 {strides = array<i32>} : memref<3x40x128xf32, #tpu.memory_space<vmem>>, vector<1x1x16xf32>,
          %add3A_992 = arith.constant 1 : i32
          %add3A_993 = arith.addi %mul3A_855, %add3A_992 : i32
          %get3A_994 = arith.index_cast %rem3A_792 : i32 to index
          %get3A_995 = arith.index_cast %add3A_993 : i32 to index
          %get3A_996 = arith.constant 0 : index
          %get3A_997 = tpu.vector_load %arg11[%get3A_994, %get3A_995, %get3A_996] {strides = array<i32>} : memref<3x40x128xf32, #tpu.memory_space<vmem>>, vector<1x1x16xf32>,
          %get3A_998 = vector.shape_cast %get3A_997 : vector<1x1x16xf32> to vector<16xf32>
          %get3A_999 = arith.index_cast %rem3A_794 : i32 to index
          %get3A_1000 = arith.index_cast %add3A_993 : i32 to index
          %get3A_1001 = arith.constant 0 : index
          %get3A_1002 = tpu.vector_load %arg10[%get3A_999, %get3A_1000, %get3A_1001] {strides = array<i32>} : memref<2x40x128xf32, #tpu.memory_space<vmem>>, vector<1x1x16xf32>,
          %get3A_1003 = vector.shape_cast %get3A_1002 : vector<1x1x16xf32> to vector<16xf32>
          %mul3A_1004 = arith.mulf %get3A_998, %get3A_1003 : vector<16xf32>
          %swap3A_1005 = arith.index_cast %rem3A_792 : i32 to index
          %swap3A_1006 = arith.index_cast %add3A_993 : i32 to index
          %swap3A_1007 = arith.constant 0 : index
          %swap3A_1008 = tpu.vector_load %arg11[%swap3A_1005, %swap3A_1006, %swap3A_1007] {strides = array<i32>} : memref<3x40x128xf32, #tpu.memory_space<vmem>>, vector<1x1x16xf32>,
          %swap3A_1009 = vector.shape_cast %swap3A_1008 : vector<1x1x16xf32> to vector<16xf32>
          %swap3A_1010 = vector.shape_cast %mul3A_1004 : vector<16xf32> to vector<1x1x16xf32>
          tpu.vector_store %arg11[%swap3A_1005, %swap3A_1006, %swap3A_1007], %swap3A_1010 {strides = array<i32>} : memref<3x40x128xf32, #tpu.memory_space<vmem>>, vector<1x1x16xf32>,
          %get3A_1011 = arith.index_cast %rem3A_792 : i32 to index
          %get3A_1012 = arith.index_cast %add3A_993 : i32 to index
          %get3A_1013 = arith.constant 16 : index
          %get3A_1014 = tpu.vector_load %arg11[%get3A_1011, %get3A_1012, %get3A_1013] {strides = array<i32>} : memref<3x40x128xf32, #tpu.memory_space<vmem>>, vector<1x1x16xf32>,
          %get3A_1015 = vector.shape_cast %get3A_1014 : vector<1x1x16xf32> to vector<16xf32>
          %get3A_1016 = arith.index_cast %rem3A_794 : i32 to index
          %get3A_1017 = arith.index_cast %add3A_993 : i32 to index
          %get3A_1018 = arith.constant 16 : index
          %get3A_1019 = tpu.vector_load %arg10[%get3A_1016, %get3A_1017, %get3A_1018] {strides = array<i32>} : memref<2x40x128xf32, #tpu.memory_space<vmem>>, vector<1x1x16xf32>,
          %get3A_1020 = vector.shape_cast %get3A_1019 : vector<1x1x16xf32> to vector<16xf32>
          %mul3A_1021 = arith.mulf %get3A_1015, %get3A_1020 : vector<16xf32>
          %swap3A_1022 = arith.index_cast %rem3A_792 : i32 to index
          %swap3A_1023 = arith.index_cast %add3A_993 : i32 to index
          %swap3A_1024 = arith.constant 16 : index
          %swap3A_1025 = tpu.vector_load %arg11[%swap3A_1022, %swap3A_1023, %swap3A_1024] {strides = array<i32>} : memref<3x40x128xf32, #tpu.memory_space<vmem>>, vector<1x1x16xf32>,
          %swap3A_1026 = vector.shape_cast %swap3A_1025 : vector<1x1x16xf32> to vector<16xf32>
          %swap3A_1027 = vector.shape_cast %mul3A_1021 : vector<16xf32> to vector<1x1x16xf32>
          tpu.vector_store %arg11[%swap3A_1022, %swap3A_1023, %swap3A_1024], %swap3A_1027 {strides = array<i32>} : memref<3x40x128xf32, #tpu.memory_space<vmem>>, vector<1x1x16xf32>,
          %get3A_1028 = arith.index_cast %rem3A_792 : i32 to index
          %get3A_1029 = arith.index_cast %add3A_993 : i32 to index
          %get3A_1030 = arith.constant 32 : index
          %get3A_1031 = tpu.vector_load %arg11[%get3A_1028, %get3A_1029, %get3A_1030] {strides = array<i32>} : memref<3x40x128xf32, #tpu.memory_space<vmem>>, vector<1x1x16xf32>,
          %get3A_1032 = vector.shape_cast %get3A_1031 : vector<1x1x16xf32> to vector<16xf32>
          %get3A_1033 = arith.index_cast %rem3A_794 : i32 to index
          %get3A_1034 = arith.index_cast %add3A_993 : i32 to index
          %get3A_1035 = arith.constant 32 : index
          %get3A_1036 = tpu.vector_load %arg10[%get3A_1033, %get3A_1034, %get3A_1035] {strides = array<i32>} : memref<2x40x128xf32, #tpu.memory_space<vmem>>, vector<1x1x16xf32>,
          %get3A_1037 = vector.shape_cast %get3A_1036 : vector<1x1x16xf32> to vector<16xf32>
          %mul3A_1038 = arith.mulf %get3A_1032, %get3A_1037 : vector<16xf32>
          %swap3A_1039 = arith.index_cast %rem3A_792 : i32 to index
          %swap3A_1040 = arith.index_cast %add3A_993 : i32 to index
          %swap3A_1041 = arith.constant 32 : index
          %swap3A_1042 = tpu.vector_load %arg11[%swap3A_1039, %swap3A_1040, %swap3A_1041] {strides = array<i32>} : memref<3x40x128xf32, #tpu.memory_space<vmem>>, vector<1x1x16xf32>,
          %swap3A_1043 = vector.shape_cast %swap3A_1042 : vector<1x1x16xf32> to vector<16xf32>
          %swap3A_1044 = vector.shape_cast %mul3A_1038 : vector<16xf32> to vector<1x1x16xf32>
          tpu.vector_store %arg11[%swap3A_1039, %swap3A_1040, %swap3A_1041], %swap3A_1044 {strides = array<i32>} : memref<3x40x128xf32, #tpu.memory_space<vmem>>, vector<1x1x16xf32>,
          %get3A_1045 = arith.index_cast %rem3A_792 : i32 to index
          %get3A_1046 = arith.index_cast %add3A_993 : i32 to index
          %get3A_1047 = arith.constant 48 : index
          %get3A_1048 = tpu.vector_load %arg11[%get3A_1045, %get3A_1046, %get3A_1047] {strides = array<i32>} : memref<3x40x128xf32, #tpu.memory_space<vmem>>, vector<1x1x16xf32>,
          %get3A_1049 = vector.shape_cast %get3A_1048 : vector<1x1x16xf32> to vector<16xf32>
          %get3A_1050 = arith.index_cast %rem3A_794 : i32 to index
          %get3A_1051 = arith.index_cast %add3A_993 : i32 to index
          %get3A_1052 = arith.constant 48 : index
          %get3A_1053 = tpu.vector_load %arg10[%get3A_1050, %get3A_1051, %get3A_1052] {strides = array<i32>} : memref<2x40x128xf32, #tpu.memory_space<vmem>>, vector<1x1x16xf32>,
          %get3A_1054 = vector.shape_cast %get3A_1053 : vector<1x1x16xf32> to vector<16xf32>
          %mul3A_1055 = arith.mulf %get3A_1049, %get3A_1054 : vector<16xf32>
          %swap3A_1056 = arith.index_cast %rem3A_792 : i32 to index
          %swap3A_1057 = arith.index_cast %add3A_993 : i32 to index
          %swap3A_1058 = arith.constant 48 : index
          %swap3A_1059 = tpu.vector_load %arg11[%swap3A_1056, %swap3A_1057, %swap3A_1058] {strides = array<i32>} : memref<3x40x128xf32, #tpu.memory_space<vmem>>, vector<1x1x16xf32>,
          %swap3A_1060 = vector.shape_cast %swap3A_1059 : vector<1x1x16xf32> to vector<16xf32>
          %swap3A_1061 = vector.shape_cast %mul3A_1055 : vector<16xf32> to vector<1x1x16xf32>
          tpu.vector_store %arg11[%swap3A_1056, %swap3A_1057, %swap3A_1058], %swap3A_1061 {strides = array<i32>} : memref<3x40x128xf32, #tpu.memory_space<vmem>>, vector<1x1x16xf32>,
          %get3A_1062 = arith.index_cast %rem3A_792 : i32 to index
          %get3A_1063 = arith.index_cast %add3A_993 : i32 to index
          %get3A_1064 = arith.constant 64 : index
          %get3A_1065 = tpu.vector_load %arg11[%get3A_1062, %get3A_1063, %get3A_1064] {strides = array<i32>} : memref<3x40x128xf32, #tpu.memory_space<vmem>>, vector<1x1x16xf32>,
          %get3A_1066 = vector.shape_cast %get3A_1065 : vector<1x1x16xf32> to vector<16xf32>
          %get3A_1067 = arith.index_cast %rem3A_794 : i32 to index
          %get3A_1068 = arith.index_cast %add3A_993 : i32 to index
          %get3A_1069 = arith.constant 64 : index
          %get3A_1070 = tpu.vector_load %arg10[%get3A_1067, %get3A_1068, %get3A_1069] {strides = array<i32>} : memref<2x40x128xf32, #tpu.memory_space<vmem>>, vector<1x1x16xf32>,
          %get3A_1071 = vector.shape_cast %get3A_1070 : vector<1x1x16xf32> to vector<16xf32>
          %mul3A_1072 = arith.mulf %get3A_1066, %get3A_1071 : vector<16xf32>
          %swap3A_1073 = arith.index_cast %rem3A_792 : i32 to index
          %swap3A_1074 = arith.index_cast %add3A_993 : i32 to index
          %swap3A_1075 = arith.constant 64 : index
          %swap3A_1076 = tpu.vector_load %arg11[%swap3A_1073, %swap3A_1074, %swap3A_1075] {strides = array<i32>} : memref<3x40x128xf32, #tpu.memory_space<vmem>>, vector<1x1x16xf32>,
          %swap3A_1077 = vector.shape_cast %swap3A_1076 : vector<1x1x16xf32> to vector<16xf32>
          %swap3A_1078 = vector.shape_cast %mul3A_1072 : vector<16xf32> to vector<1x1x16xf32>
          tpu.vector_store %arg11[%swap3A_1073, %swap3A_1074, %swap3A_1075], %swap3A_1078 {strides = array<i32>} : memref<3x40x128xf32, #tpu.memory_space<vmem>>, vector<1x1x16xf32>,
          %get3A_1079 = arith.index_cast %rem3A_792 : i32 to index
          %get3A_1080 = arith.index_cast %add3A_993 : i32 to index
          %get3A_1081 = arith.constant 80 : index
          %get3A_1082 = tpu.vector_load %arg11[%get3A_1079, %get3A_1080, %get3A_1081] {strides = array<i32>} : memref<3x40x128xf32, #tpu.memory_space<vmem>>, vector<1x1x16xf32>,
          %get3A_1083 = vector.shape_cast %get3A_1082 : vector<1x1x16xf32> to vector<16xf32>
          %get3A_1084 = arith.index_cast %rem3A_794 : i32 to index
          %get3A_1085 = arith.index_cast %add3A_993 : i32 to index
          %get3A_1086 = arith.constant 80 : index
          %get3A_1087 = tpu.vector_load %arg10[%get3A_1084, %get3A_1085, %get3A_1086] {strides = array<i32>} : memref<2x40x128xf32, #tpu.memory_space<vmem>>, vector<1x1x16xf32>,
          %get3A_1088 = vector.shape_cast %get3A_1087 : vector<1x1x16xf32> to vector<16xf32>
          %mul3A_1089 = arith.mulf %get3A_1083, %get3A_1088 : vector<16xf32>
          %swap3A_1090 = arith.index_cast %rem3A_792 : i32 to index
          %swap3A_1091 = arith.index_cast %add3A_993 : i32 to index
          %swap3A_1092 = arith.constant 80 : index
          %swap3A_1093 = tpu.vector_load %arg11[%swap3A_1090, %swap3A_1091, %swap3A_1092] {strides = array<i32>} : memref<3x40x128xf32, #tpu.memory_space<vmem>>, vector<1x1x16xf32>,
          %swap3A_1094 = vector.shape_cast %swap3A_1093 : vector<1x1x16xf32> to vector<16xf32>
          %swap3A_1095 = vector.shape_cast %mul3A_1089 : vector<16xf32> to vector<1x1x16xf32>
          tpu.vector_store %arg11[%swap3A_1090, %swap3A_1091, %swap3A_1092], %swap3A_1095 {strides = array<i32>} : memref<3x40x128xf32, #tpu.memory_space<vmem>>, vector<1x1x16xf32>,
          %get3A_1096 = arith.index_cast %rem3A_792 : i32 to index
          %get3A_1097 = arith.index_cast %add3A_993 : i32 to index
          %get3A_1098 = arith.constant 96 : index
          %get3A_1099 = tpu.vector_load %arg11[%get3A_1096, %get3A_1097, %get3A_1098] {strides = array<i32>} : memref<3x40x128xf32, #tpu.memory_space<vmem>>, vector<1x1x16xf32>,
          %get3A_1100 = vector.shape_cast %get3A_1099 : vector<1x1x16xf32> to vector<16xf32>
          %get3A_1101 = arith.index_cast %rem3A_794 : i32 to index
          %get3A_1102 = arith.index_cast %add3A_993 : i32 to index
          %get3A_1103 = arith.constant 96 : index
          %get3A_1104 = tpu.vector_load %arg10[%get3A_1101, %get3A_1102, %get3A_1103] {strides = array<i32>} : memref<2x40x128xf32, #tpu.memory_space<vmem>>, vector<1x1x16xf32>,
          %get3A_1105 = vector.shape_cast %get3A_1104 : vector<1x1x16xf32> to vector<16xf32>
          %mul3A_1106 = arith.mulf %get3A_1100, %get3A_1105 : vector<16xf32>
          %swap3A_1107 = arith.index_cast %rem3A_792 : i32 to index
          %swap3A_1108 = arith.index_cast %add3A_993 : i32 to index
          %swap3A_1109 = arith.constant 96 : index
          %swap3A_1110 = tpu.vector_load %arg11[%swap3A_1107, %swap3A_1108, %swap3A_1109] {strides = array<i32>} : memref<3x40x128xf32, #tpu.memory_space<vmem>>, vector<1x1x16xf32>,
          %swap3A_1111 = vector.shape_cast %swap3A_1110 : vector<1x1x16xf32> to vector<16xf32>
          %swap3A_1112 = vector.shape_cast %mul3A_1106 : vector<16xf32> to vector<1x1x16xf32>
          tpu.vector_store %arg11[%swap3A_1107, %swap3A_1108, %swap3A_1109], %swap3A_1112 {strides = array<i32>} : memref<3x40x128xf32, #tpu.memory_space<vmem>>, vector<1x1x16xf32>,
          %get3A_1113 = arith.index_cast %rem3A_792 : i32 to index
          %get3A_1114 = arith.index_cast %add3A_993 : i32 to index
          %get3A_1115 = arith.constant 112 : index
          %get3A_1116 = tpu.vector_load %arg11[%get3A_1113, %get3A_1114, %get3A_1115] {strides = array<i32>} : memref<3x40x128xf32, #tpu.memory_space<vmem>>, vector<1x1x16xf32>,
          %get3A_1117 = vector.shape_cast %get3A_1116 : vector<1x1x16xf32> to vector<16xf32>
          %get3A_1118 = arith.index_cast %rem3A_794 : i32 to index
          %get3A_1119 = arith.index_cast %add3A_993 : i32 to index
          %get3A_1120 = arith.constant 112 : index
          %get3A_1121 = tpu.vector_load %arg10[%get3A_1118, %get3A_1119, %get3A_1120] {strides = array<i32>} : memref<2x40x128xf32, #tpu.memory_space<vmem>>, vector<1x1x16xf32>,
          %get3A_1122 = vector.shape_cast %get3A_1121 : vector<1x1x16xf32> to vector<16xf32>
          %mul3A_1123 = arith.mulf %get3A_1117, %get3A_1122 : vector<16xf32>
          %swap3A_1124 = arith.index_cast %rem3A_792 : i32 to index
          %swap3A_1125 = arith.index_cast %add3A_993 : i32 to index
          %swap3A_1126 = arith.constant 112 : index
          %swap3A_1127 = tpu.vector_load %arg11[%swap3A_1124, %swap3A_1125, %swap3A_1126] {strides = array<i32>} : memref<3x40x128xf32, #tpu.memory_space<vmem>>, vector<1x1x16xf32>,
          %swap3A_1128 = vector.shape_cast %swap3A_1127 : vector<1x1x16xf32> to vector<16xf32>
          %swap3A_1129 = vector.shape_cast %mul3A_1123 : vector<16xf32> to vector<1x1x16xf32>
          tpu.vector_store %arg11[%swap3A_1124, %swap3A_1125, %swap3A_1126], %swap3A_1129 {strides = array<i32>} : memref<3x40x128xf32, #tpu.memory_space<vmem>>, vector<1x1x16xf32>,
          %add3A_1130 = arith.constant 2 : i32
          %add3A_1131 = arith.addi %mul3A_855, %add3A_1130 : i32
          %get3A_1132 = arith.index_cast %rem3A_792 : i32 to index
          %get3A_1133 = arith.index_cast %add3A_1131 : i32 to index
          %get3A_1134 = arith.constant 0 : index
          %get3A_1135 = tpu.vector_load %arg11[%get3A_1132, %get3A_1133, %get3A_1134] {strides = array<i32>} : memref<3x40x128xf32, #tpu.memory_space<vmem>>, vector<1x1x16xf32>,
          %get3A_1136 = vector.shape_cast %get3A_1135 : vector<1x1x16xf32> to vector<16xf32>
          %get3A_1137 = arith.index_cast %rem3A_794 : i32 to index
          %get3A_1138 = arith.index_cast %add3A_1131 : i32 to index
          %get3A_1139 = arith.constant 0 : index
          %get3A_1140 = tpu.vector_load %arg10[%get3A_1137, %get3A_1138, %get3A_1139] {strides = array<i32>} : memref<2x40x128xf32, #tpu.memory_space<vmem>>, vector<1x1x16xf32>,
          %get3A_1141 = vector.shape_cast %get3A_1140 : vector<1x1x16xf32> to vector<16xf32>
          %mul3A_1142 = arith.mulf %get3A_1136, %get3A_1141 : vector<16xf32>
          %swap3A_1143 = arith.index_cast %rem3A_792 : i32 to index
          %swap3A_1144 = arith.index_cast %add3A_1131 : i32 to index
          %swap3A_1145 = arith.constant 0 : index
          %swap3A_1146 = tpu.vector_load %arg11[%swap3A_1143, %swap3A_1144, %swap3A_1145] {strides = array<i32>} : memref<3x40x128xf32, #tpu.memory_space<vmem>>, vector<1x1x16xf32>,
          %swap3A_1147 = vector.shape_cast %swap3A_1146 : vector<1x1x16xf32> to vector<16xf32>
          %swap3A_1148 = vector.shape_cast %mul3A_1142 : vector<16xf32> to vector<1x1x16xf32>
          tpu.vector_store %arg11[%swap3A_1143, %swap3A_1144, %swap3A_1145], %swap3A_1148 {strides = array<i32>} : memref<3x40x128xf32, #tpu.memory_space<vmem>>, vector<1x1x16xf32>,
          %get3A_1149 = arith.index_cast %rem3A_792 : i32 to index
          %get3A_1150 = arith.index_cast %add3A_1131 : i32 to index
          %get3A_1151 = arith.constant 16 : index
          %get3A_1152 = tpu.vector_load %arg11[%get3A_1149, %get3A_1150, %get3A_1151] {strides = array<i32>} : memref<3x40x128xf32, #tpu.memory_space<vmem>>, vector<1x1x16xf32>,
          %get3A_1153 = vector.shape_cast %get3A_1152 : vector<1x1x16xf32> to vector<16xf32>
          %get3A_1154 = arith.index_cast %rem3A_794 : i32 to index
          %get3A_1155 = arith.index_cast %add3A_1131 : i32 to index
          %get3A_1156 = arith.constant 16 : index
          %get3A_1157 = tpu.vector_load %arg10[%get3A_1154, %get3A_1155, %get3A_1156] {strides = array<i32>} : memref<2x40x128xf32, #tpu.memory_space<vmem>>, vector<1x1x16xf32>,
          %get3A_1158 = vector.shape_cast %get3A_1157 : vector<1x1x16xf32> to vector<16xf32>
          %mul3A_1159 = arith.mulf %get3A_1153, %get3A_1158 : vector<16xf32>
          %swap3A_1160 = arith.index_cast %rem3A_792 : i32 to index
          %swap3A_1161 = arith.index_cast %add3A_1131 : i32 to index
          %swap3A_1162 = arith.constant 16 : index
          %swap3A_1163 = tpu.vector_load %arg11[%swap3A_1160, %swap3A_1161, %swap3A_1162] {strides = array<i32>} : memref<3x40x128xf32, #tpu.memory_space<vmem>>, vector<1x1x16xf32>,
          %swap3A_1164 = vector.shape_cast %swap3A_1163 : vector<1x1x16xf32> to vector<16xf32>
          %swap3A_1165 = vector.shape_cast %mul3A_1159 : vector<16xf32> to vector<1x1x16xf32>
          tpu.vector_store %arg11[%swap3A_1160, %swap3A_1161, %swap3A_1162], %swap3A_1165 {strides = array<i32>} : memref<3x40x128xf32, #tpu.memory_space<vmem>>, vector<1x1x16xf32>,
          %get3A_1166 = arith.index_cast %rem3A_792 : i32 to index
          %get3A_1167 = arith.index_cast %add3A_1131 : i32 to index
          %get3A_1168 = arith.constant 32 : index
          %get3A_1169 = tpu.vector_load %arg11[%get3A_1166, %get3A_1167, %get3A_1168] {strides = array<i32>} : memref<3x40x128xf32, #tpu.memory_space<vmem>>, vector<1x1x16xf32>,
          %get3A_1170 = vector.shape_cast %get3A_1169 : vector<1x1x16xf32> to vector<16xf32>
          %get3A_1171 = arith.index_cast %rem3A_794 : i32 to index
          %get3A_1172 = arith.index_cast %add3A_1131 : i32 to index
          %get3A_1173 = arith.constant 32 : index
          %get3A_1174 = tpu.vector_load %arg10[%get3A_1171, %get3A_1172, %get3A_1173] {strides = array<i32>} : memref<2x40x128xf32, #tpu.memory_space<vmem>>, vector<1x1x16xf32>,
          %get3A_1175 = vector.shape_cast %get3A_1174 : vector<1x1x16xf32> to vector<16xf32>
          %mul3A_1176 = arith.mulf %get3A_1170, %get3A_1175 : vector<16xf32>
          %swap3A_1177 = arith.index_cast %rem3A_792 : i32 to index
          %swap3A_1178 = arith.index_cast %add3A_1131 : i32 to index
          %swap3A_1179 = arith.constant 32 : index
          %swap3A_1180 = tpu.vector_load %arg11[%swap3A_1177, %swap3A_1178, %swap3A_1179] {strides = array<i32>} : memref<3x40x128xf32, #tpu.memory_space<vmem>>, vector<1x1x16xf32>,
          %swap3A_1181 = vector.shape_cast %swap3A_1180 : vector<1x1x16xf32> to vector<16xf32>
          %swap3A_1182 = vector.shape_cast %mul3A_1176 : vector<16xf32> to vector<1x1x16xf32>
          tpu.vector_store %arg11[%swap3A_1177, %swap3A_1178, %swap3A_1179], %swap3A_1182 {strides = array<i32>} : memref<3x40x128xf32, #tpu.memory_space<vmem>>, vector<1x1x16xf32>,
          %get3A_1183 = arith.index_cast %rem3A_792 : i32 to index
          %get3A_1184 = arith.index_cast %add3A_1131 : i32 to index
          %get3A_1185 = arith.constant 48 : index
          %get3A_1186 = tpu.vector_load %arg11[%get3A_1183, %get3A_1184, %get3A_1185] {strides = array<i32>} : memref<3x40x128xf32, #tpu.memory_space<vmem>>, vector<1x1x16xf32>,
          %get3A_1187 = vector.shape_cast %get3A_1186 : vector<1x1x16xf32> to vector<16xf32>
          %get3A_1188 = arith.index_cast %rem3A_794 : i32 to index
          %get3A_1189 = arith.index_cast %add3A_1131 : i32 to index
          %get3A_1190 = arith.constant 48 : index
          %get3A_1191 = tpu.vector_load %arg10[%get3A_1188, %get3A_1189, %get3A_1190] {strides = array<i32>} : memref<2x40x128xf32, #tpu.memory_space<vmem>>, vector<1x1x16xf32>,
          %get3A_1192 = vector.shape_cast %get3A_1191 : vector<1x1x16xf32> to vector<16xf32>
          %mul3A_1193 = arith.mulf %get3A_1187, %get3A_1192 : vector<16xf32>
          %swap3A_1194 = arith.index_cast %rem3A_792 : i32 to index
          %swap3A_1195 = arith.index_cast %add3A_1131 : i32 to index
          %swap3A_1196 = arith.constant 48 : index
          %swap3A_1197 = tpu.vector_load %arg11[%swap3A_1194, %swap3A_1195, %swap3A_1196] {strides = array<i32>} : memref<3x40x128xf32, #tpu.memory_space<vmem>>, vector<1x1x16xf32>,
          %swap3A_1198 = vector.shape_cast %swap3A_1197 : vector<1x1x16xf32> to vector<16xf32>
          %swap3A_1199 = vector.shape_cast %mul3A_1193 : vector<16xf32> to vector<1x1x16xf32>
          tpu.vector_store %arg11[%swap3A_1194, %swap3A_1195, %swap3A_1196], %swap3A_1199 {strides = array<i32>} : memref<3x40x128xf32, #tpu.memory_space<vmem>>, vector<1x1x16xf32>,
          %get3A_1200 = arith.index_cast %rem3A_792 : i32 to index
          %get3A_1201 = arith.index_cast %add3A_1131 : i32 to index
          %get3A_1202 = arith.constant 64 : index
          %get3A_1203 = tpu.vector_load %arg11[%get3A_1200, %get3A_1201, %get3A_1202] {strides = array<i32>} : memref<3x40x128xf32, #tpu.memory_space<vmem>>, vector<1x1x16xf32>,
          %get3A_1204 = vector.shape_cast %get3A_1203 : vector<1x1x16xf32> to vector<16xf32>
          %get3A_1205 = arith.index_cast %rem3A_794 : i32 to index
          %get3A_1206 = arith.index_cast %add3A_1131 : i32 to index
          %get3A_1207 = arith.constant 64 : index
          %get3A_1208 = tpu.vector_load %arg10[%get3A_1205, %get3A_1206, %get3A_1207] {strides = array<i32>} : memref<2x40x128xf32, #tpu.memory_space<vmem>>, vector<1x1x16xf32>,
          %get3A_1209 = vector.shape_cast %get3A_1208 : vector<1x1x16xf32> to vector<16xf32>
          %mul3A_1210 = arith.mulf %get3A_1204, %get3A_1209 : vector<16xf32>
          %swap3A_1211 = arith.index_cast %rem3A_792 : i32 to index
          %swap3A_1212 = arith.index_cast %add3A_1131 : i32 to index
          %swap3A_1213 = arith.constant 64 : index
          %swap3A_1214 = tpu.vector_load %arg11[%swap3A_1211, %swap3A_1212, %swap3A_1213] {strides = array<i32>} : memref<3x40x128xf32, #tpu.memory_space<vmem>>, vector<1x1x16xf32>,
          %swap3A_1215 = vector.shape_cast %swap3A_1214 : vector<1x1x16xf32> to vector<16xf32>
          %swap3A_1216 = vector.shape_cast %mul3A_1210 : vector<16xf32> to vector<1x1x16xf32>
          tpu.vector_store %arg11[%swap3A_1211, %swap3A_1212, %swap3A_1213], %swap3A_1216 {strides = array<i32>} : memref<3x40x128xf32, #tpu.memory_space<vmem>>, vector<1x1x16xf32>,
          %get3A_1217 = arith.index_cast %rem3A_792 : i32 to index
          %get3A_1218 = arith.index_cast %add3A_1131 : i32 to index
          %get3A_1219 = arith.constant 80 : index
          %get3A_1220 = tpu.vector_load %arg11[%get3A_1217, %get3A_1218, %get3A_1219] {strides = array<i32>} : memref<3x40x128xf32, #tpu.memory_space<vmem>>, vector<1x1x16xf32>,
          %get3A_1221 = vector.shape_cast %get3A_1220 : vector<1x1x16xf32> to vector<16xf32>
          %get3A_1222 = arith.index_cast %rem3A_794 : i32 to index
          %get3A_1223 = arith.index_cast %add3A_1131 : i32 to index
          %get3A_1224 = arith.constant 80 : index
          %get3A_1225 = tpu.vector_load %arg10[%get3A_1222, %get3A_1223, %get3A_1224] {strides = array<i32>} : memref<2x40x128xf32, #tpu.memory_space<vmem>>, vector<1x1x16xf32>,
          %get3A_1226 = vector.shape_cast %get3A_1225 : vector<1x1x16xf32> to vector<16xf32>
          %mul3A_1227 = arith.mulf %get3A_1221, %get3A_1226 : vector<16xf32>
          %swap3A_1228 = arith.index_cast %rem3A_792 : i32 to index
          %swap3A_1229 = arith.index_cast %add3A_1131 : i32 to index
          %swap3A_1230 = arith.constant 80 : index
          %swap3A_1231 = tpu.vector_load %arg11[%swap3A_1228, %swap3A_1229, %swap3A_1230] {strides = array<i32>} : memref<3x40x128xf32, #tpu.memory_space<vmem>>, vector<1x1x16xf32>,
          %swap3A_1232 = vector.shape_cast %swap3A_1231 : vector<1x1x16xf32> to vector<16xf32>
          %swap3A_1233 = vector.shape_cast %mul3A_1227 : vector<16xf32> to vector<1x1x16xf32>
          tpu.vector_store %arg11[%swap3A_1228, %swap3A_1229, %swap3A_1230], %swap3A_1233 {strides = array<i32>} : memref<3x40x128xf32, #tpu.memory_space<vmem>>, vector<1x1x16xf32>,
          %get3A_1234 = arith.index_cast %rem3A_792 : i32 to index
          %get3A_1235 = arith.index_cast %add3A_1131 : i32 to index
          %get3A_1236 = arith.constant 96 : index
          %get3A_1237 = tpu.vector_load %arg11[%get3A_1234, %get3A_1235, %get3A_1236] {strides = array<i32>} : memref<3x40x128xf32, #tpu.memory_space<vmem>>, vector<1x1x16xf32>,
          %get3A_1238 = vector.shape_cast %get3A_1237 : vector<1x1x16xf32> to vector<16xf32>
          %get3A_1239 = arith.index_cast %rem3A_794 : i32 to index
          %get3A_1240 = arith.index_cast %add3A_1131 : i32 to index
          %get3A_1241 = arith.constant 96 : index
          %get3A_1242 = tpu.vector_load %arg10[%get3A_1239, %get3A_1240, %get3A_1241] {strides = array<i32>} : memref<2x40x128xf32, #tpu.memory_space<vmem>>, vector<1x1x16xf32>,
          %get3A_1243 = vector.shape_cast %get3A_1242 : vector<1x1x16xf32> to vector<16xf32>
          %mul3A_1244 = arith.mulf %get3A_1238, %get3A_1243 : vector<16xf32>
          %swap3A_1245 = arith.index_cast %rem3A_792 : i32 to index
          %swap3A_1246 = arith.index_cast %add3A_1131 : i32 to index
          %swap3A_1247 = arith.constant 96 : index
          %swap3A_1248 = tpu.vector_load %arg11[%swap3A_1245, %swap3A_1246, %swap3A_1247] {strides = array<i32>} : memref<3x40x128xf32, #tpu.memory_space<vmem>>, vector<1x1x16xf32>,
          %swap3A_1249 = vector.shape_cast %swap3A_1248 : vector<1x1x16xf32> to vector<16xf32>
          %swap3A_1250 = vector.shape_cast %mul3A_1244 : vector<16xf32> to vector<1x1x16xf32>
          tpu.vector_store %arg11[%swap3A_1245, %swap3A_1246, %swap3A_1247], %swap3A_1250 {strides = array<i32>} : memref<3x40x128xf32, #tpu.memory_space<vmem>>, vector<1x1x16xf32>,
          %get3A_1251 = arith.index_cast %rem3A_792 : i32 to index
          %get3A_1252 = arith.index_cast %add3A_1131 : i32 to index
          %get3A_1253 = arith.constant 112 : index
          %get3A_1254 = tpu.vector_load %arg11[%get3A_1251, %get3A_1252, %get3A_1253] {strides = array<i32>} : memref<3x40x128xf32, #tpu.memory_space<vmem>>, vector<1x1x16xf32>,
          %get3A_1255 = vector.shape_cast %get3A_1254 : vector<1x1x16xf32> to vector<16xf32>
          %get3A_1256 = arith.index_cast %rem3A_794 : i32 to index
          %get3A_1257 = arith.index_cast %add3A_1131 : i32 to index
          %get3A_1258 = arith.constant 112 : index
          %get3A_1259 = tpu.vector_load %arg10[%get3A_1256, %get3A_1257, %get3A_1258] {strides = array<i32>} : memref<2x40x128xf32, #tpu.memory_space<vmem>>, vector<1x1x16xf32>,
          %get3A_1260 = vector.shape_cast %get3A_1259 : vector<1x1x16xf32> to vector<16xf32>
          %mul3A_1261 = arith.mulf %get3A_1255, %get3A_1260 : vector<16xf32>
          %swap3A_1262 = arith.index_cast %rem3A_792 : i32 to index
          %swap3A_1263 = arith.index_cast %add3A_1131 : i32 to index
          %swap3A_1264 = arith.constant 112 : index
          %swap3A_1265 = tpu.vector_load %arg11[%swap3A_1262, %swap3A_1263, %swap3A_1264] {strides = array<i32>} : memref<3x40x128xf32, #tpu.memory_space<vmem>>, vector<1x1x16xf32>,
          %swap3A_1266 = vector.shape_cast %swap3A_1265 : vector<1x1x16xf32> to vector<16xf32>
          %swap3A_1267 = vector.shape_cast %mul3A_1261 : vector<16xf32> to vector<1x1x16xf32>
          tpu.vector_store %arg11[%swap3A_1262, %swap3A_1263, %swap3A_1264], %swap3A_1267 {strides = array<i32>} : memref<3x40x128xf32, #tpu.memory_space<vmem>>, vector<1x1x16xf32>,
          %add3A_1268 = arith.constant 3 : i32
          %add3A_1269 = arith.addi %mul3A_855, %add3A_1268 : i32
          %get3A_1270 = arith.index_cast %rem3A_792 : i32 to index
          %get3A_1271 = arith.index_cast %add3A_1269 : i32 to index
          %get3A_1272 = arith.constant 0 : index
          %get3A_1273 = tpu.vector_load %arg11[%get3A_1270, %get3A_1271, %get3A_1272] {strides = array<i32>} : memref<3x40x128xf32, #tpu.memory_space<vmem>>, vector<1x1x16xf32>,
          %get3A_1274 = vector.shape_cast %get3A_1273 : vector<1x1x16xf32> to vector<16xf32>
          %get3A_1275 = arith.index_cast %rem3A_794 : i32 to index
          %get3A_1276 = arith.index_cast %add3A_1269 : i32 to index
          %get3A_1277 = arith.constant 0 : index
          %get3A_1278 = tpu.vector_load %arg10[%get3A_1275, %get3A_1276, %get3A_1277] {strides = array<i32>} : memref<2x40x128xf32, #tpu.memory_space<vmem>>, vector<1x1x16xf32>,
          %get3A_1279 = vector.shape_cast %get3A_1278 : vector<1x1x16xf32> to vector<16xf32>
          %mul3A_1280 = arith.mulf %get3A_1274, %get3A_1279 : vector<16xf32>
          %swap3A_1281 = arith.index_cast %rem3A_792 : i32 to index
          %swap3A_1282 = arith.index_cast %add3A_1269 : i32 to index
          %swap3A_1283 = arith.constant 0 : index
          %swap3A_1284 = tpu.vector_load %arg11[%swap3A_1281, %swap3A_1282, %swap3A_1283] {strides = array<i32>} : memref<3x40x128xf32, #tpu.memory_space<vmem>>, vector<1x1x16xf32>,
          %swap3A_1285 = vector.shape_cast %swap3A_1284 : vector<1x1x16xf32> to vector<16xf32>
          %swap3A_1286 = vector.shape_cast %mul3A_1280 : vector<16xf32> to vector<1x1x16xf32>
          tpu.vector_store %arg11[%swap3A_1281, %swap3A_1282, %swap3A_1283], %swap3A_1286 {strides = array<i32>} : memref<3x40x128xf32, #tpu.memory_space<vmem>>, vector<1x1x16xf32>,
          %get3A_1287 = arith.index_cast %rem3A_792 : i32 to index
          %get3A_1288 = arith.index_cast %add3A_1269 : i32 to index
          %get3A_1289 = arith.constant 16 : index
          %get3A_1290 = tpu.vector_load %arg11[%get3A_1287, %get3A_1288, %get3A_1289] {strides = array<i32>} : memref<3x40x128xf32, #tpu.memory_space<vmem>>, vector<1x1x16xf32>,
          %get3A_1291 = vector.shape_cast %get3A_1290 : vector<1x1x16xf32> to vector<16xf32>
          %get3A_1292 = arith.index_cast %rem3A_794 : i32 to index
          %get3A_1293 = arith.index_cast %add3A_1269 : i32 to index
          %get3A_1294 = arith.constant 16 : index
          %get3A_1295 = tpu.vector_load %arg10[%get3A_1292, %get3A_1293, %get3A_1294] {strides = array<i32>} : memref<2x40x128xf32, #tpu.memory_space<vmem>>, vector<1x1x16xf32>,
          %get3A_1296 = vector.shape_cast %get3A_1295 : vector<1x1x16xf32> to vector<16xf32>
          %mul3A_1297 = arith.mulf %get3A_1291, %get3A_1296 : vector<16xf32>
          %swap3A_1298 = arith.index_cast %rem3A_792 : i32 to index
          %swap3A_1299 = arith.index_cast %add3A_1269 : i32 to index
          %swap3A_1300 = arith.constant 16 : index
          %swap3A_1301 = tpu.vector_load %arg11[%swap3A_1298, %swap3A_1299, %swap3A_1300] {strides = array<i32>} : memref<3x40x128xf32, #tpu.memory_space<vmem>>, vector<1x1x16xf32>,
          %swap3A_1302 = vector.shape_cast %swap3A_1301 : vector<1x1x16xf32> to vector<16xf32>
          %swap3A_1303 = vector.shape_cast %mul3A_1297 : vector<16xf32> to vector<1x1x16xf32>
          tpu.vector_store %arg11[%swap3A_1298, %swap3A_1299, %swap3A_1300], %swap3A_1303 {strides = array<i32>} : memref<3x40x128xf32, #tpu.memory_space<vmem>>, vector<1x1x16xf32>,
          %get3A_1304 = arith.index_cast %rem3A_792 : i32 to index
          %get3A_1305 = arith.index_cast %add3A_1269 : i32 to index
          %get3A_1306 = arith.constant 32 : index
          %get3A_1307 = tpu.vector_load %arg11[%get3A_1304, %get3A_1305, %get3A_1306] {strides = array<i32>} : memref<3x40x128xf32, #tpu.memory_space<vmem>>, vector<1x1x16xf32>,
          %get3A_1308 = vector.shape_cast %get3A_1307 : vector<1x1x16xf32> to vector<16xf32>
          %get3A_1309 = arith.index_cast %rem3A_794 : i32 to index
          %get3A_1310 = arith.index_cast %add3A_1269 : i32 to index
          %get3A_1311 = arith.constant 32 : index
          %get3A_1312 = tpu.vector_load %arg10[%get3A_1309, %get3A_1310, %get3A_1311] {strides = array<i32>} : memref<2x40x128xf32, #tpu.memory_space<vmem>>, vector<1x1x16xf32>,
          %get3A_1313 = vector.shape_cast %get3A_1312 : vector<1x1x16xf32> to vector<16xf32>
          %mul3A_1314 = arith.mulf %get3A_1308, %get3A_1313 : vector<16xf32>
          %swap3A_1315 = arith.index_cast %rem3A_792 : i32 to index
          %swap3A_1316 = arith.index_cast %add3A_1269 : i32 to index
          %swap3A_1317 = arith.constant 32 : index
          %swap3A_1318 = tpu.vector_load %arg11[%swap3A_1315, %swap3A_1316, %swap3A_1317] {strides = array<i32>} : memref<3x40x128xf32, #tpu.memory_space<vmem>>, vector<1x1x16xf32>,
          %swap3A_1319 = vector.shape_cast %swap3A_1318 : vector<1x1x16xf32> to vector<16xf32>
          %swap3A_1320 = vector.shape_cast %mul3A_1314 : vector<16xf32> to vector<1x1x16xf32>
          tpu.vector_store %arg11[%swap3A_1315, %swap3A_1316, %swap3A_1317], %swap3A_1320 {strides = array<i32>} : memref<3x40x128xf32, #tpu.memory_space<vmem>>, vector<1x1x16xf32>,
          %get3A_1321 = arith.index_cast %rem3A_792 : i32 to index
          %get3A_1322 = arith.index_cast %add3A_1269 : i32 to index
          %get3A_1323 = arith.constant 48 : index
          %get3A_1324 = tpu.vector_load %arg11[%get3A_1321, %get3A_1322, %get3A_1323] {strides = array<i32>} : memref<3x40x128xf32, #tpu.memory_space<vmem>>, vector<1x1x16xf32>,
          %get3A_1325 = vector.shape_cast %get3A_1324 : vector<1x1x16xf32> to vector<16xf32>
          %get3A_1326 = arith.index_cast %rem3A_794 : i32 to index
          %get3A_1327 = arith.index_cast %add3A_1269 : i32 to index
          %get3A_1328 = arith.constant 48 : index
          %get3A_1329 = tpu.vector_load %arg10[%get3A_1326, %get3A_1327, %get3A_1328] {strides = array<i32>} : memref<2x40x128xf32, #tpu.memory_space<vmem>>, vector<1x1x16xf32>,
          %get3A_1330 = vector.shape_cast %get3A_1329 : vector<1x1x16xf32> to vector<16xf32>
          %mul3A_1331 = arith.mulf %get3A_1325, %get3A_1330 : vector<16xf32>
          %swap3A_1332 = arith.index_cast %rem3A_792 : i32 to index
          %swap3A_1333 = arith.index_cast %add3A_1269 : i32 to index
          %swap3A_1334 = arith.constant 48 : index
          %swap3A_1335 = tpu.vector_load %arg11[%swap3A_1332, %swap3A_1333, %swap3A_1334] {strides = array<i32>} : memref<3x40x128xf32, #tpu.memory_space<vmem>>, vector<1x1x16xf32>,
          %swap3A_1336 = vector.shape_cast %swap3A_1335 : vector<1x1x16xf32> to vector<16xf32>
          %swap3A_1337 = vector.shape_cast %mul3A_1331 : vector<16xf32> to vector<1x1x16xf32>
          tpu.vector_store %arg11[%swap3A_1332, %swap3A_1333, %swap3A_1334], %swap3A_1337 {strides = array<i32>} : memref<3x40x128xf32, #tpu.memory_space<vmem>>, vector<1x1x16xf32>,
          %get3A_1338 = arith.index_cast %rem3A_792 : i32 to index
          %get3A_1339 = arith.index_cast %add3A_1269 : i32 to index
          %get3A_1340 = arith.constant 64 : index
          %get3A_1341 = tpu.vector_load %arg11[%get3A_1338, %get3A_1339, %get3A_1340] {strides = array<i32>} : memref<3x40x128xf32, #tpu.memory_space<vmem>>, vector<1x1x16xf32>,
          %get3A_1342 = vector.shape_cast %get3A_1341 : vector<1x1x16xf32> to vector<16xf32>
          %get3A_1343 = arith.index_cast %rem3A_794 : i32 to index
          %get3A_1344 = arith.index_cast %add3A_1269 : i32 to index
          %get3A_1345 = arith.constant 64 : index
          %get3A_1346 = tpu.vector_load %arg10[%get3A_1343, %get3A_1344, %get3A_1345] {strides = array<i32>} : memref<2x40x128xf32, #tpu.memory_space<vmem>>, vector<1x1x16xf32>,
          %get3A_1347 = vector.shape_cast %get3A_1346 : vector<1x1x16xf32> to vector<16xf32>
          %mul3A_1348 = arith.mulf %get3A_1342, %get3A_1347 : vector<16xf32>
          %swap3A_1349 = arith.index_cast %rem3A_792 : i32 to index
          %swap3A_1350 = arith.index_cast %add3A_1269 : i32 to index
          %swap3A_1351 = arith.constant 64 : index
          %swap3A_1352 = tpu.vector_load %arg11[%swap3A_1349, %swap3A_1350, %swap3A_1351] {strides = array<i32>} : memref<3x40x128xf32, #tpu.memory_space<vmem>>, vector<1x1x16xf32>,
          %swap3A_1353 = vector.shape_cast %swap3A_1352 : vector<1x1x16xf32> to vector<16xf32>
          %swap3A_1354 = vector.shape_cast %mul3A_1348 : vector<16xf32> to vector<1x1x16xf32>
          tpu.vector_store %arg11[%swap3A_1349, %swap3A_1350, %swap3A_1351], %swap3A_1354 {strides = array<i32>} : memref<3x40x128xf32, #tpu.memory_space<vmem>>, vector<1x1x16xf32>,
          %get3A_1355 = arith.index_cast %rem3A_792 : i32 to index
          %get3A_1356 = arith.index_cast %add3A_1269 : i32 to index
          %get3A_1357 = arith.constant 80 : index
          %get3A_1358 = tpu.vector_load %arg11[%get3A_1355, %get3A_1356, %get3A_1357] {strides = array<i32>} : memref<3x40x128xf32, #tpu.memory_space<vmem>>, vector<1x1x16xf32>,
          %get3A_1359 = vector.shape_cast %get3A_1358 : vector<1x1x16xf32> to vector<16xf32>
          %get3A_1360 = arith.index_cast %rem3A_794 : i32 to index
          %get3A_1361 = arith.index_cast %add3A_1269 : i32 to index
          %get3A_1362 = arith.constant 80 : index
          %get3A_1363 = tpu.vector_load %arg10[%get3A_1360, %get3A_1361, %get3A_1362] {strides = array<i32>} : memref<2x40x128xf32, #tpu.memory_space<vmem>>, vector<1x1x16xf32>,
          %get3A_1364 = vector.shape_cast %get3A_1363 : vector<1x1x16xf32> to vector<16xf32>
          %mul3A_1365 = arith.mulf %get3A_1359, %get3A_1364 : vector<16xf32>
          %swap3A_1366 = arith.index_cast %rem3A_792 : i32 to index
          %swap3A_1367 = arith.index_cast %add3A_1269 : i32 to index
          %swap3A_1368 = arith.constant 80 : index
          %swap3A_1369 = tpu.vector_load %arg11[%swap3A_1366, %swap3A_1367, %swap3A_1368] {strides = array<i32>} : memref<3x40x128xf32, #tpu.memory_space<vmem>>, vector<1x1x16xf32>,
          %swap3A_1370 = vector.shape_cast %swap3A_1369 : vector<1x1x16xf32> to vector<16xf32>
          %swap3A_1371 = vector.shape_cast %mul3A_1365 : vector<16xf32> to vector<1x1x16xf32>
          tpu.vector_store %arg11[%swap3A_1366, %swap3A_1367, %swap3A_1368], %swap3A_1371 {strides = array<i32>} : memref<3x40x128xf32, #tpu.memory_space<vmem>>, vector<1x1x16xf32>,
          %get3A_1372 = arith.index_cast %rem3A_792 : i32 to index
          %get3A_1373 = arith.index_cast %add3A_1269 : i32 to index
          %get3A_1374 = arith.constant 96 : index
          %get3A_1375 = tpu.vector_load %arg11[%get3A_1372, %get3A_1373, %get3A_1374] {strides = array<i32>} : memref<3x40x128xf32, #tpu.memory_space<vmem>>, vector<1x1x16xf32>,
          %get3A_1376 = vector.shape_cast %get3A_1375 : vector<1x1x16xf32> to vector<16xf32>
          %get3A_1377 = arith.index_cast %rem3A_794 : i32 to index
          %get3A_1378 = arith.index_cast %add3A_1269 : i32 to index
          %get3A_1379 = arith.constant 96 : index
          %get3A_1380 = tpu.vector_load %arg10[%get3A_1377, %get3A_1378, %get3A_1379] {strides = array<i32>} : memref<2x40x128xf32, #tpu.memory_space<vmem>>, vector<1x1x16xf32>,
          %get3A_1381 = vector.shape_cast %get3A_1380 : vector<1x1x16xf32> to vector<16xf32>
          %mul3A_1382 = arith.mulf %get3A_1376, %get3A_1381 : vector<16xf32>
          %swap3A_1383 = arith.index_cast %rem3A_792 : i32 to index
          %swap3A_1384 = arith.index_cast %add3A_1269 : i32 to index
          %swap3A_1385 = arith.constant 96 : index
          %swap3A_1386 = tpu.vector_load %arg11[%swap3A_1383, %swap3A_1384, %swap3A_1385] {strides = array<i32>} : memref<3x40x128xf32, #tpu.memory_space<vmem>>, vector<1x1x16xf32>,
          %swap3A_1387 = vector.shape_cast %swap3A_1386 : vector<1x1x16xf32> to vector<16xf32>
          %swap3A_1388 = vector.shape_cast %mul3A_1382 : vector<16xf32> to vector<1x1x16xf32>
          tpu.vector_store %arg11[%swap3A_1383, %swap3A_1384, %swap3A_1385], %swap3A_1388 {strides = array<i32>} : memref<3x40x128xf32, #tpu.memory_space<vmem>>, vector<1x1x16xf32>,
          %get3A_1389 = arith.index_cast %rem3A_792 : i32 to index
          %get3A_1390 = arith.index_cast %add3A_1269 : i32 to index
          %get3A_1391 = arith.constant 112 : index
          %get3A_1392 = tpu.vector_load %arg11[%get3A_1389, %get3A_1390, %get3A_1391] {strides = array<i32>} : memref<3x40x128xf32, #tpu.memory_space<vmem>>, vector<1x1x16xf32>,
          %get3A_1393 = vector.shape_cast %get3A_1392 : vector<1x1x16xf32> to vector<16xf32>
          %get3A_1394 = arith.index_cast %rem3A_794 : i32 to index
          %get3A_1395 = arith.index_cast %add3A_1269 : i32 to index
          %get3A_1396 = arith.constant 112 : index
          %get3A_1397 = tpu.vector_load %arg10[%get3A_1394, %get3A_1395, %get3A_1396] {strides = array<i32>} : memref<2x40x128xf32, #tpu.memory_space<vmem>>, vector<1x1x16xf32>,
          %get3A_1398 = vector.shape_cast %get3A_1397 : vector<1x1x16xf32> to vector<16xf32>
          %mul3A_1399 = arith.mulf %get3A_1393, %get3A_1398 : vector<16xf32>
          %swap3A_1400 = arith.index_cast %rem3A_792 : i32 to index
          %swap3A_1401 = arith.index_cast %add3A_1269 : i32 to index
          %swap3A_1402 = arith.constant 112 : index
          %swap3A_1403 = tpu.vector_load %arg11[%swap3A_1400, %swap3A_1401, %swap3A_1402] {strides = array<i32>} : memref<3x40x128xf32, #tpu.memory_space<vmem>>, vector<1x1x16xf32>,
          %swap3A_1404 = vector.shape_cast %swap3A_1403 : vector<1x1x16xf32> to vector<16xf32>
          %swap3A_1405 = vector.shape_cast %mul3A_1399 : vector<16xf32> to vector<1x1x16xf32>
          tpu.vector_store %arg11[%swap3A_1400, %swap3A_1401, %swap3A_1402], %swap3A_1405 {strides = array<i32>} : memref<3x40x128xf32, #tpu.memory_space<vmem>>, vector<1x1x16xf32>,
          %add3A_1406 = arith.constant 4 : i32
          %add3A_1407 = arith.addi %mul3A_855, %add3A_1406 : i32
          %get3A_1408 = arith.index_cast %rem3A_792 : i32 to index
          %get3A_1409 = arith.index_cast %add3A_1407 : i32 to index
          %get3A_1410 = arith.constant 0 : index
          %get3A_1411 = tpu.vector_load %arg11[%get3A_1408, %get3A_1409, %get3A_1410] {strides = array<i32>} : memref<3x40x128xf32, #tpu.memory_space<vmem>>, vector<1x1x16xf32>,
          %get3A_1412 = vector.shape_cast %get3A_1411 : vector<1x1x16xf32> to vector<16xf32>
          %get3A_1413 = arith.index_cast %rem3A_794 : i32 to index
          %get3A_1414 = arith.index_cast %add3A_1407 : i32 to index
          %get3A_1415 = arith.constant 0 : index
          %get3A_1416 = tpu.vector_load %arg10[%get3A_1413, %get3A_1414, %get3A_1415] {strides = array<i32>} : memref<2x40x128xf32, #tpu.memory_space<vmem>>, vector<1x1x16xf32>,
          %get3A_1417 = vector.shape_cast %get3A_1416 : vector<1x1x16xf32> to vector<16xf32>
          %mul3A_1418 = arith.mulf %get3A_1412, %get3A_1417 : vector<16xf32>
          %swap3A_1419 = arith.index_cast %rem3A_792 : i32 to index
          %swap3A_1420 = arith.index_cast %add3A_1407 : i32 to index
          %swap3A_1421 = arith.constant 0 : index
          %swap3A_1422 = tpu.vector_load %arg11[%swap3A_1419, %swap3A_1420, %swap3A_1421] {strides = array<i32>} : memref<3x40x128xf32, #tpu.memory_space<vmem>>, vector<1x1x16xf32>,
          %swap3A_1423 = vector.shape_cast %swap3A_1422 : vector<1x1x16xf32> to vector<16xf32>
          %swap3A_1424 = vector.shape_cast %mul3A_1418 : vector<16xf32> to vector<1x1x16xf32>
          tpu.vector_store %arg11[%swap3A_1419, %swap3A_1420, %swap3A_1421], %swap3A_1424 {strides = array<i32>} : memref<3x40x128xf32, #tpu.memory_space<vmem>>, vector<1x1x16xf32>,
          %get3A_1425 = arith.index_cast %rem3A_792 : i32 to index
          %get3A_1426 = arith.index_cast %add3A_1407 : i32 to index
          %get3A_1427 = arith.constant 16 : index
          %get3A_1428 = tpu.vector_load %arg11[%get3A_1425, %get3A_1426, %get3A_1427] {strides = array<i32>} : memref<3x40x128xf32, #tpu.memory_space<vmem>>, vector<1x1x16xf32>,
          %get3A_1429 = vector.shape_cast %get3A_1428 : vector<1x1x16xf32> to vector<16xf32>
          %get3A_1430 = arith.index_cast %rem3A_794 : i32 to index
          %get3A_1431 = arith.index_cast %add3A_1407 : i32 to index
          %get3A_1432 = arith.constant 16 : index
          %get3A_1433 = tpu.vector_load %arg10[%get3A_1430, %get3A_1431, %get3A_1432] {strides = array<i32>} : memref<2x40x128xf32, #tpu.memory_space<vmem>>, vector<1x1x16xf32>,
          %get3A_1434 = vector.shape_cast %get3A_1433 : vector<1x1x16xf32> to vector<16xf32>
          %mul3A_1435 = arith.mulf %get3A_1429, %get3A_1434 : vector<16xf32>
          %swap3A_1436 = arith.index_cast %rem3A_792 : i32 to index
          %swap3A_1437 = arith.index_cast %add3A_1407 : i32 to index
          %swap3A_1438 = arith.constant 16 : index
          %swap3A_1439 = tpu.vector_load %arg11[%swap3A_1436, %swap3A_1437, %swap3A_1438] {strides = array<i32>} : memref<3x40x128xf32, #tpu.memory_space<vmem>>, vector<1x1x16xf32>,
          %swap3A_1440 = vector.shape_cast %swap3A_1439 : vector<1x1x16xf32> to vector<16xf32>
          %swap3A_1441 = vector.shape_cast %mul3A_1435 : vector<16xf32> to vector<1x1x16xf32>
          tpu.vector_store %arg11[%swap3A_1436, %swap3A_1437, %swap3A_1438], %swap3A_1441 {strides = array<i32>} : memref<3x40x128xf32, #tpu.memory_space<vmem>>, vector<1x1x16xf32>,
          %get3A_1442 = arith.index_cast %rem3A_792 : i32 to index
          %get3A_1443 = arith.index_cast %add3A_1407 : i32 to index
          %get3A_1444 = arith.constant 32 : index
          %get3A_1445 = tpu.vector_load %arg11[%get3A_1442, %get3A_1443, %get3A_1444] {strides = array<i32>} : memref<3x40x128xf32, #tpu.memory_space<vmem>>, vector<1x1x16xf32>,
          %get3A_1446 = vector.shape_cast %get3A_1445 : vector<1x1x16xf32> to vector<16xf32>
          %get3A_1447 = arith.index_cast %rem3A_794 : i32 to index
          %get3A_1448 = arith.index_cast %add3A_1407 : i32 to index
          %get3A_1449 = arith.constant 32 : index
          %get3A_1450 = tpu.vector_load %arg10[%get3A_1447, %get3A_1448, %get3A_1449] {strides = array<i32>} : memref<2x40x128xf32, #tpu.memory_space<vmem>>, vector<1x1x16xf32>,
          %get3A_1451 = vector.shape_cast %get3A_1450 : vector<1x1x16xf32> to vector<16xf32>
          %mul3A_1452 = arith.mulf %get3A_1446, %get3A_1451 : vector<16xf32>
          %swap3A_1453 = arith.index_cast %rem3A_792 : i32 to index
          %swap3A_1454 = arith.index_cast %add3A_1407 : i32 to index
          %swap3A_1455 = arith.constant 32 : index
          %swap3A_1456 = tpu.vector_load %arg11[%swap3A_1453, %swap3A_1454, %swap3A_1455] {strides = array<i32>} : memref<3x40x128xf32, #tpu.memory_space<vmem>>, vector<1x1x16xf32>,
          %swap3A_1457 = vector.shape_cast %swap3A_1456 : vector<1x1x16xf32> to vector<16xf32>
          %swap3A_1458 = vector.shape_cast %mul3A_1452 : vector<16xf32> to vector<1x1x16xf32>
          tpu.vector_store %arg11[%swap3A_1453, %swap3A_1454, %swap3A_1455], %swap3A_1458 {strides = array<i32>} : memref<3x40x128xf32, #tpu.memory_space<vmem>>, vector<1x1x16xf32>,
          %get3A_1459 = arith.index_cast %rem3A_792 : i32 to index
          %get3A_1460 = arith.index_cast %add3A_1407 : i32 to index
          %get3A_1461 = arith.constant 48 : index
          %get3A_1462 = tpu.vector_load %arg11[%get3A_1459, %get3A_1460, %get3A_1461] {strides = array<i32>} : memref<3x40x128xf32, #tpu.memory_space<vmem>>, vector<1x1x16xf32>,
          %get3A_1463 = vector.shape_cast %get3A_1462 : vector<1x1x16xf32> to vector<16xf32>
          %get3A_1464 = arith.index_cast %rem3A_794 : i32 to index
          %get3A_1465 = arith.index_cast %add3A_1407 : i32 to index
          %get3A_1466 = arith.constant 48 : index
          %get3A_1467 = tpu.vector_load %arg10[%get3A_1464, %get3A_1465, %get3A_1466] {strides = array<i32>} : memref<2x40x128xf32, #tpu.memory_space<vmem>>, vector<1x1x16xf32>,
          %get3A_1468 = vector.shape_cast %get3A_1467 : vector<1x1x16xf32> to vector<16xf32>
          %mul3A_1469 = arith.mulf %get3A_1463, %get3A_1468 : vector<16xf32>
          %swap3A_1470 = arith.index_cast %rem3A_792 : i32 to index
          %swap3A_1471 = arith.index_cast %add3A_1407 : i32 to index
          %swap3A_1472 = arith.constant 48 : index
          %swap3A_1473 = tpu.vector_load %arg11[%swap3A_1470, %swap3A_1471, %swap3A_1472] {strides = array<i32>} : memref<3x40x128xf32, #tpu.memory_space<vmem>>, vector<1x1x16xf32>,
          %swap3A_1474 = vector.shape_cast %swap3A_1473 : vector<1x1x16xf32> to vector<16xf32>
          %swap3A_1475 = vector.shape_cast %mul3A_1469 : vector<16xf32> to vector<1x1x16xf32>
          tpu.vector_store %arg11[%swap3A_1470, %swap3A_1471, %swap3A_1472], %swap3A_1475 {strides = array<i32>} : memref<3x40x128xf32, #tpu.memory_space<vmem>>, vector<1x1x16xf32>,
          %get3A_1476 = arith.index_cast %rem3A_792 : i32 to index
          %get3A_1477 = arith.index_cast %add3A_1407 : i32 to index
          %get3A_1478 = arith.constant 64 : index
          %get3A_1479 = tpu.vector_load %arg11[%get3A_1476, %get3A_1477, %get3A_1478] {strides = array<i32>} : memref<3x40x128xf32, #tpu.memory_space<vmem>>, vector<1x1x16xf32>,
          %get3A_1480 = vector.shape_cast %get3A_1479 : vector<1x1x16xf32> to vector<16xf32>
          %get3A_1481 = arith.index_cast %rem3A_794 : i32 to index
          %get3A_1482 = arith.index_cast %add3A_1407 : i32 to index
          %get3A_1483 = arith.constant 64 : index
          %get3A_1484 = tpu.vector_load %arg10[%get3A_1481, %get3A_1482, %get3A_1483] {strides = array<i32>} : memref<2x40x128xf32, #tpu.memory_space<vmem>>, vector<1x1x16xf32>,
          %get3A_1485 = vector.shape_cast %get3A_1484 : vector<1x1x16xf32> to vector<16xf32>
          %mul3A_1486 = arith.mulf %get3A_1480, %get3A_1485 : vector<16xf32>
          %swap3A_1487 = arith.index_cast %rem3A_792 : i32 to index
          %swap3A_1488 = arith.index_cast %add3A_1407 : i32 to index
          %swap3A_1489 = arith.constant 64 : index
          %swap3A_1490 = tpu.vector_load %arg11[%swap3A_1487, %swap3A_1488, %swap3A_1489] {strides = array<i32>} : memref<3x40x128xf32, #tpu.memory_space<vmem>>, vector<1x1x16xf32>,
          %swap3A_1491 = vector.shape_cast %swap3A_1490 : vector<1x1x16xf32> to vector<16xf32>
          %swap3A_1492 = vector.shape_cast %mul3A_1486 : vector<16xf32> to vector<1x1x16xf32>
          tpu.vector_store %arg11[%swap3A_1487, %swap3A_1488, %swap3A_1489], %swap3A_1492 {strides = array<i32>} : memref<3x40x128xf32, #tpu.memory_space<vmem>>, vector<1x1x16xf32>,
          %get3A_1493 = arith.index_cast %rem3A_792 : i32 to index
          %get3A_1494 = arith.index_cast %add3A_1407 : i32 to index
          %get3A_1495 = arith.constant 80 : index
          %get3A_1496 = tpu.vector_load %arg11[%get3A_1493, %get3A_1494, %get3A_1495] {strides = array<i32>} : memref<3x40x128xf32, #tpu.memory_space<vmem>>, vector<1x1x16xf32>,
          %get3A_1497 = vector.shape_cast %get3A_1496 : vector<1x1x16xf32> to vector<16xf32>
          %get3A_1498 = arith.index_cast %rem3A_794 : i32 to index
          %get3A_1499 = arith.index_cast %add3A_1407 : i32 to index
          %get3A_1500 = arith.constant 80 : index
          %get3A_1501 = tpu.vector_load %arg10[%get3A_1498, %get3A_1499, %get3A_1500] {strides = array<i32>} : memref<2x40x128xf32, #tpu.memory_space<vmem>>, vector<1x1x16xf32>,
          %get3A_1502 = vector.shape_cast %get3A_1501 : vector<1x1x16xf32> to vector<16xf32>
          %mul3A_1503 = arith.mulf %get3A_1497, %get3A_1502 : vector<16xf32>
          %swap3A_1504 = arith.index_cast %rem3A_792 : i32 to index
          %swap3A_1505 = arith.index_cast %add3A_1407 : i32 to index
          %swap3A_1506 = arith.constant 80 : index
          %swap3A_1507 = tpu.vector_load %arg11[%swap3A_1504, %swap3A_1505, %swap3A_1506] {strides = array<i32>} : memref<3x40x128xf32, #tpu.memory_space<vmem>>, vector<1x1x16xf32>,
          %swap3A_1508 = vector.shape_cast %swap3A_1507 : vector<1x1x16xf32> to vector<16xf32>
          %swap3A_1509 = vector.shape_cast %mul3A_1503 : vector<16xf32> to vector<1x1x16xf32>
          tpu.vector_store %arg11[%swap3A_1504, %swap3A_1505, %swap3A_1506], %swap3A_1509 {strides = array<i32>} : memref<3x40x128xf32, #tpu.memory_space<vmem>>, vector<1x1x16xf32>,
          %get3A_1510 = arith.index_cast %rem3A_792 : i32 to index
          %get3A_1511 = arith.index_cast %add3A_1407 : i32 to index
          %get3A_1512 = arith.constant 96 : index
          %get3A_1513 = tpu.vector_load %arg11[%get3A_1510, %get3A_1511, %get3A_1512] {strides = array<i32>} : memref<3x40x128xf32, #tpu.memory_space<vmem>>, vector<1x1x16xf32>,
          %get3A_1514 = vector.shape_cast %get3A_1513 : vector<1x1x16xf32> to vector<16xf32>
          %get3A_1515 = arith.index_cast %rem3A_794 : i32 to index
          %get3A_1516 = arith.index_cast %add3A_1407 : i32 to index
          %get3A_1517 = arith.constant 96 : index
          %get3A_1518 = tpu.vector_load %arg10[%get3A_1515, %get3A_1516, %get3A_1517] {strides = array<i32>} : memref<2x40x128xf32, #tpu.memory_space<vmem>>, vector<1x1x16xf32>,
          %get3A_1519 = vector.shape_cast %get3A_1518 : vector<1x1x16xf32> to vector<16xf32>
          %mul3A_1520 = arith.mulf %get3A_1514, %get3A_1519 : vector<16xf32>
          %swap3A_1521 = arith.index_cast %rem3A_792 : i32 to index
          %swap3A_1522 = arith.index_cast %add3A_1407 : i32 to index
          %swap3A_1523 = arith.constant 96 : index
          %swap3A_1524 = tpu.vector_load %arg11[%swap3A_1521, %swap3A_1522, %swap3A_1523] {strides = array<i32>} : memref<3x40x128xf32, #tpu.memory_space<vmem>>, vector<1x1x16xf32>,
          %swap3A_1525 = vector.shape_cast %swap3A_1524 : vector<1x1x16xf32> to vector<16xf32>
          %swap3A_1526 = vector.shape_cast %mul3A_1520 : vector<16xf32> to vector<1x1x16xf32>
          tpu.vector_store %arg11[%swap3A_1521, %swap3A_1522, %swap3A_1523], %swap3A_1526 {strides = array<i32>} : memref<3x40x128xf32, #tpu.memory_space<vmem>>, vector<1x1x16xf32>,
          %get3A_1527 = arith.index_cast %rem3A_792 : i32 to index
          %get3A_1528 = arith.index_cast %add3A_1407 : i32 to index
          %get3A_1529 = arith.constant 112 : index
          %get3A_1530 = tpu.vector_load %arg11[%get3A_1527, %get3A_1528, %get3A_1529] {strides = array<i32>} : memref<3x40x128xf32, #tpu.memory_space<vmem>>, vector<1x1x16xf32>,
          %get3A_1531 = vector.shape_cast %get3A_1530 : vector<1x1x16xf32> to vector<16xf32>
          %get3A_1532 = arith.index_cast %rem3A_794 : i32 to index
          %get3A_1533 = arith.index_cast %add3A_1407 : i32 to index
          %get3A_1534 = arith.constant 112 : index
          %get3A_1535 = tpu.vector_load %arg10[%get3A_1532, %get3A_1533, %get3A_1534] {strides = array<i32>} : memref<2x40x128xf32, #tpu.memory_space<vmem>>, vector<1x1x16xf32>,
          %get3A_1536 = vector.shape_cast %get3A_1535 : vector<1x1x16xf32> to vector<16xf32>
          %mul3A_1537 = arith.mulf %get3A_1531, %get3A_1536 : vector<16xf32>
          %swap3A_1538 = arith.index_cast %rem3A_792 : i32 to index
          %swap3A_1539 = arith.index_cast %add3A_1407 : i32 to index
          %swap3A_1540 = arith.constant 112 : index
          %swap3A_1541 = tpu.vector_load %arg11[%swap3A_1538, %swap3A_1539, %swap3A_1540] {strides = array<i32>} : memref<3x40x128xf32, #tpu.memory_space<vmem>>, vector<1x1x16xf32>,
          %swap3A_1542 = vector.shape_cast %swap3A_1541 : vector<1x1x16xf32> to vector<16xf32>
          %swap3A_1543 = vector.shape_cast %mul3A_1537 : vector<16xf32> to vector<1x1x16xf32>
          tpu.vector_store %arg11[%swap3A_1538, %swap3A_1539, %swap3A_1540], %swap3A_1543 {strides = array<i32>} : memref<3x40x128xf32, #tpu.memory_space<vmem>>, vector<1x1x16xf32>,
          %add3A_1544 = arith.constant 5 : i32
          %add3A_1545 = arith.addi %mul3A_855, %add3A_1544 : i32
          %get3A_1546 = arith.index_cast %rem3A_792 : i32 to index
          %get3A_1547 = arith.index_cast %add3A_1545 : i32 to index
          %get3A_1548 = arith.constant 0 : index
          %get3A_1549 = tpu.vector_load %arg11[%get3A_1546, %get3A_1547, %get3A_1548] {strides = array<i32>} : memref<3x40x128xf32, #tpu.memory_space<vmem>>, vector<1x1x16xf32>,
          %get3A_1550 = vector.shape_cast %get3A_1549 : vector<1x1x16xf32> to vector<16xf32>
          %get3A_1551 = arith.index_cast %rem3A_794 : i32 to index
          %get3A_1552 = arith.index_cast %add3A_1545 : i32 to index
          %get3A_1553 = arith.constant 0 : index
          %get3A_1554 = tpu.vector_load %arg10[%get3A_1551, %get3A_1552, %get3A_1553] {strides = array<i32>} : memref<2x40x128xf32, #tpu.memory_space<vmem>>, vector<1x1x16xf32>,
          %get3A_1555 = vector.shape_cast %get3A_1554 : vector<1x1x16xf32> to vector<16xf32>
          %mul3A_1556 = arith.mulf %get3A_1550, %get3A_1555 : vector<16xf32>
          %swap3A_1557 = arith.index_cast %rem3A_792 : i32 to index
          %swap3A_1558 = arith.index_cast %add3A_1545 : i32 to index
          %swap3A_1559 = arith.constant 0 : index
          %swap3A_1560 = tpu.vector_load %arg11[%swap3A_1557, %swap3A_1558, %swap3A_1559] {strides = array<i32>} : memref<3x40x128xf32, #tpu.memory_space<vmem>>, vector<1x1x16xf32>,
          %swap3A_1561 = vector.shape_cast %swap3A_1560 : vector<1x1x16xf32> to vector<16xf32>
          %swap3A_1562 = vector.shape_cast %mul3A_1556 : vector<16xf32> to vector<1x1x16xf32>
          tpu.vector_store %arg11[%swap3A_1557, %swap3A_1558, %swap3A_1559], %swap3A_1562 {strides = array<i32>} : memref<3x40x128xf32, #tpu.memory_space<vmem>>, vector<1x1x16xf32>,
          %get3A_1563 = arith.index_cast %rem3A_792 : i32 to index
          %get3A_1564 = arith.index_cast %add3A_1545 : i32 to index
          %get3A_1565 = arith.constant 16 : index
          %get3A_1566 = tpu.vector_load %arg11[%get3A_1563, %get3A_1564, %get3A_1565] {strides = array<i32>} : memref<3x40x128xf32, #tpu.memory_space<vmem>>, vector<1x1x16xf32>,
          %get3A_1567 = vector.shape_cast %get3A_1566 : vector<1x1x16xf32> to vector<16xf32>
          %get3A_1568 = arith.index_cast %rem3A_794 : i32 to index
          %get3A_1569 = arith.index_cast %add3A_1545 : i32 to index
          %get3A_1570 = arith.constant 16 : index
          %get3A_1571 = tpu.vector_load %arg10[%get3A_1568, %get3A_1569, %get3A_1570] {strides = array<i32>} : memref<2x40x128xf32, #tpu.memory_space<vmem>>, vector<1x1x16xf32>,
          %get3A_1572 = vector.shape_cast %get3A_1571 : vector<1x1x16xf32> to vector<16xf32>
          %mul3A_1573 = arith.mulf %get3A_1567, %get3A_1572 : vector<16xf32>
          %swap3A_1574 = arith.index_cast %rem3A_792 : i32 to index
          %swap3A_1575 = arith.index_cast %add3A_1545 : i32 to index
          %swap3A_1576 = arith.constant 16 : index
          %swap3A_1577 = tpu.vector_load %arg11[%swap3A_1574, %swap3A_1575, %swap3A_1576] {strides = array<i32>} : memref<3x40x128xf32, #tpu.memory_space<vmem>>, vector<1x1x16xf32>,
          %swap3A_1578 = vector.shape_cast %swap3A_1577 : vector<1x1x16xf32> to vector<16xf32>
          %swap3A_1579 = vector.shape_cast %mul3A_1573 : vector<16xf32> to vector<1x1x16xf32>
          tpu.vector_store %arg11[%swap3A_1574, %swap3A_1575, %swap3A_1576], %swap3A_1579 {strides = array<i32>} : memref<3x40x128xf32, #tpu.memory_space<vmem>>, vector<1x1x16xf32>,
          %get3A_1580 = arith.index_cast %rem3A_792 : i32 to index
          %get3A_1581 = arith.index_cast %add3A_1545 : i32 to index
          %get3A_1582 = arith.constant 32 : index
          %get3A_1583 = tpu.vector_load %arg11[%get3A_1580, %get3A_1581, %get3A_1582] {strides = array<i32>} : memref<3x40x128xf32, #tpu.memory_space<vmem>>, vector<1x1x16xf32>,
          %get3A_1584 = vector.shape_cast %get3A_1583 : vector<1x1x16xf32> to vector<16xf32>
          %get3A_1585 = arith.index_cast %rem3A_794 : i32 to index
          %get3A_1586 = arith.index_cast %add3A_1545 : i32 to index
          %get3A_1587 = arith.constant 32 : index
          %get3A_1588 = tpu.vector_load %arg10[%get3A_1585, %get3A_1586, %get3A_1587] {strides = array<i32>} : memref<2x40x128xf32, #tpu.memory_space<vmem>>, vector<1x1x16xf32>,
          %get3A_1589 = vector.shape_cast %get3A_1588 : vector<1x1x16xf32> to vector<16xf32>
          %mul3A_1590 = arith.mulf %get3A_1584, %get3A_1589 : vector<16xf32>
          %swap3A_1591 = arith.index_cast %rem3A_792 : i32 to index
          %swap3A_1592 = arith.index_cast %add3A_1545 : i32 to index
          %swap3A_1593 = arith.constant 32 : index
          %swap3A_1594 = tpu.vector_load %arg11[%swap3A_1591, %swap3A_1592, %swap3A_1593] {strides = array<i32>} : memref<3x40x128xf32, #tpu.memory_space<vmem>>, vector<1x1x16xf32>,
          %swap3A_1595 = vector.shape_cast %swap3A_1594 : vector<1x1x16xf32> to vector<16xf32>
          %swap3A_1596 = vector.shape_cast %mul3A_1590 : vector<16xf32> to vector<1x1x16xf32>
          tpu.vector_store %arg11[%swap3A_1591, %swap3A_1592, %swap3A_1593], %swap3A_1596 {strides = array<i32>} : memref<3x40x128xf32, #tpu.memory_space<vmem>>, vector<1x1x16xf32>,
          %get3A_1597 = arith.index_cast %rem3A_792 : i32 to index
          %get3A_1598 = arith.index_cast %add3A_1545 : i32 to index
          %get3A_1599 = arith.constant 48 : index
          %get3A_1600 = tpu.vector_load %arg11[%get3A_1597, %get3A_1598, %get3A_1599] {strides = array<i32>} : memref<3x40x128xf32, #tpu.memory_space<vmem>>, vector<1x1x16xf32>,
          %get3A_1601 = vector.shape_cast %get3A_1600 : vector<1x1x16xf32> to vector<16xf32>
          %get3A_1602 = arith.index_cast %rem3A_794 : i32 to index
          %get3A_1603 = arith.index_cast %add3A_1545 : i32 to index
          %get3A_1604 = arith.constant 48 : index
          %get3A_1605 = tpu.vector_load %arg10[%get3A_1602, %get3A_1603, %get3A_1604] {strides = array<i32>} : memref<2x40x128xf32, #tpu.memory_space<vmem>>, vector<1x1x16xf32>,
          %get3A_1606 = vector.shape_cast %get3A_1605 : vector<1x1x16xf32> to vector<16xf32>
          %mul3A_1607 = arith.mulf %get3A_1601, %get3A_1606 : vector<16xf32>
          %swap3A_1608 = arith.index_cast %rem3A_792 : i32 to index
          %swap3A_1609 = arith.index_cast %add3A_1545 : i32 to index
          %swap3A_1610 = arith.constant 48 : index
          %swap3A_1611 = tpu.vector_load %arg11[%swap3A_1608, %swap3A_1609, %swap3A_1610] {strides = array<i32>} : memref<3x40x128xf32, #tpu.memory_space<vmem>>, vector<1x1x16xf32>,
          %swap3A_1612 = vector.shape_cast %swap3A_1611 : vector<1x1x16xf32> to vector<16xf32>
          %swap3A_1613 = vector.shape_cast %mul3A_1607 : vector<16xf32> to vector<1x1x16xf32>
          tpu.vector_store %arg11[%swap3A_1608, %swap3A_1609, %swap3A_1610], %swap3A_1613 {strides = array<i32>} : memref<3x40x128xf32, #tpu.memory_space<vmem>>, vector<1x1x16xf32>,
          %get3A_1614 = arith.index_cast %rem3A_792 : i32 to index
          %get3A_1615 = arith.index_cast %add3A_1545 : i32 to index
          %get3A_1616 = arith.constant 64 : index
          %get3A_1617 = tpu.vector_load %arg11[%get3A_1614, %get3A_1615, %get3A_1616] {strides = array<i32>} : memref<3x40x128xf32, #tpu.memory_space<vmem>>, vector<1x1x16xf32>,
          %get3A_1618 = vector.shape_cast %get3A_1617 : vector<1x1x16xf32> to vector<16xf32>
          %get3A_1619 = arith.index_cast %rem3A_794 : i32 to index
          %get3A_1620 = arith.index_cast %add3A_1545 : i32 to index
          %get3A_1621 = arith.constant 64 : index
          %get3A_1622 = tpu.vector_load %arg10[%get3A_1619, %get3A_1620, %get3A_1621] {strides = array<i32>} : memref<2x40x128xf32, #tpu.memory_space<vmem>>, vector<1x1x16xf32>,
          %get3A_1623 = vector.shape_cast %get3A_1622 : vector<1x1x16xf32> to vector<16xf32>
          %mul3A_1624 = arith.mulf %get3A_1618, %get3A_1623 : vector<16xf32>
          %swap3A_1625 = arith.index_cast %rem3A_792 : i32 to index
          %swap3A_1626 = arith.index_cast %add3A_1545 : i32 to index
          %swap3A_1627 = arith.constant 64 : index
          %swap3A_1628 = tpu.vector_load %arg11[%swap3A_1625, %swap3A_1626, %swap3A_1627] {strides = array<i32>} : memref<3x40x128xf32, #tpu.memory_space<vmem>>, vector<1x1x16xf32>,
          %swap3A_1629 = vector.shape_cast %swap3A_1628 : vector<1x1x16xf32> to vector<16xf32>
          %swap3A_1630 = vector.shape_cast %mul3A_1624 : vector<16xf32> to vector<1x1x16xf32>
          tpu.vector_store %arg11[%swap3A_1625, %swap3A_1626, %swap3A_1627], %swap3A_1630 {strides = array<i32>} : memref<3x40x128xf32, #tpu.memory_space<vmem>>, vector<1x1x16xf32>,
          %get3A_1631 = arith.index_cast %rem3A_792 : i32 to index
          %get3A_1632 = arith.index_cast %add3A_1545 : i32 to index
          %get3A_1633 = arith.constant 80 : index
          %get3A_1634 = tpu.vector_load %arg11[%get3A_1631, %get3A_1632, %get3A_1633] {strides = array<i32>} : memref<3x40x128xf32, #tpu.memory_space<vmem>>, vector<1x1x16xf32>,
          %get3A_1635 = vector.shape_cast %get3A_1634 : vector<1x1x16xf32> to vector<16xf32>
          %get3A_1636 = arith.index_cast %rem3A_794 : i32 to index
          %get3A_1637 = arith.index_cast %add3A_1545 : i32 to index
          %get3A_1638 = arith.constant 80 : index
          %get3A_1639 = tpu.vector_load %arg10[%get3A_1636, %get3A_1637, %get3A_1638] {strides = array<i32>} : memref<2x40x128xf32, #tpu.memory_space<vmem>>, vector<1x1x16xf32>,
          %get3A_1640 = vector.shape_cast %get3A_1639 : vector<1x1x16xf32> to vector<16xf32>
          %mul3A_1641 = arith.mulf %get3A_1635, %get3A_1640 : vector<16xf32>
          %swap3A_1642 = arith.index_cast %rem3A_792 : i32 to index
          %swap3A_1643 = arith.index_cast %add3A_1545 : i32 to index
          %swap3A_1644 = arith.constant 80 : index
          %swap3A_1645 = tpu.vector_load %arg11[%swap3A_1642, %swap3A_1643, %swap3A_1644] {strides = array<i32>} : memref<3x40x128xf32, #tpu.memory_space<vmem>>, vector<1x1x16xf32>,
          %swap3A_1646 = vector.shape_cast %swap3A_1645 : vector<1x1x16xf32> to vector<16xf32>
          %swap3A_1647 = vector.shape_cast %mul3A_1641 : vector<16xf32> to vector<1x1x16xf32>
          tpu.vector_store %arg11[%swap3A_1642, %swap3A_1643, %swap3A_1644], %swap3A_1647 {strides = array<i32>} : memref<3x40x128xf32, #tpu.memory_space<vmem>>, vector<1x1x16xf32>,
          %get3A_1648 = arith.index_cast %rem3A_792 : i32 to index
          %get3A_1649 = arith.index_cast %add3A_1545 : i32 to index
          %get3A_1650 = arith.constant 96 : index
          %get3A_1651 = tpu.vector_load %arg11[%get3A_1648, %get3A_1649, %get3A_1650] {strides = array<i32>} : memref<3x40x128xf32, #tpu.memory_space<vmem>>, vector<1x1x16xf32>,
          %get3A_1652 = vector.shape_cast %get3A_1651 : vector<1x1x16xf32> to vector<16xf32>
          %get3A_1653 = arith.index_cast %rem3A_794 : i32 to index
          %get3A_1654 = arith.index_cast %add3A_1545 : i32 to index
          %get3A_1655 = arith.constant 96 : index
          %get3A_1656 = tpu.vector_load %arg10[%get3A_1653, %get3A_1654, %get3A_1655] {strides = array<i32>} : memref<2x40x128xf32, #tpu.memory_space<vmem>>, vector<1x1x16xf32>,
          %get3A_1657 = vector.shape_cast %get3A_1656 : vector<1x1x16xf32> to vector<16xf32>
          %mul3A_1658 = arith.mulf %get3A_1652, %get3A_1657 : vector<16xf32>
          %swap3A_1659 = arith.index_cast %rem3A_792 : i32 to index
          %swap3A_1660 = arith.index_cast %add3A_1545 : i32 to index
          %swap3A_1661 = arith.constant 96 : index
          %swap3A_1662 = tpu.vector_load %arg11[%swap3A_1659, %swap3A_1660, %swap3A_1661] {strides = array<i32>} : memref<3x40x128xf32, #tpu.memory_space<vmem>>, vector<1x1x16xf32>,
          %swap3A_1663 = vector.shape_cast %swap3A_1662 : vector<1x1x16xf32> to vector<16xf32>
          %swap3A_1664 = vector.shape_cast %mul3A_1658 : vector<16xf32> to vector<1x1x16xf32>
          tpu.vector_store %arg11[%swap3A_1659, %swap3A_1660, %swap3A_1661], %swap3A_1664 {strides = array<i32>} : memref<3x40x128xf32, #tpu.memory_space<vmem>>, vector<1x1x16xf32>,
          %get3A_1665 = arith.index_cast %rem3A_792 : i32 to index
          %get3A_1666 = arith.index_cast %add3A_1545 : i32 to index
          %get3A_1667 = arith.constant 112 : index
          %get3A_1668 = tpu.vector_load %arg11[%get3A_1665, %get3A_1666, %get3A_1667] {strides = array<i32>} : memref<3x40x128xf32, #tpu.memory_space<vmem>>, vector<1x1x16xf32>,
          %get3A_1669 = vector.shape_cast %get3A_1668 : vector<1x1x16xf32> to vector<16xf32>
          %get3A_1670 = arith.index_cast %rem3A_794 : i32 to index
          %get3A_1671 = arith.index_cast %add3A_1545 : i32 to index
          %get3A_1672 = arith.constant 112 : index
          %get3A_1673 = tpu.vector_load %arg10[%get3A_1670, %get3A_1671, %get3A_1672] {strides = array<i32>} : memref<2x40x128xf32, #tpu.memory_space<vmem>>, vector<1x1x16xf32>,
          %get3A_1674 = vector.shape_cast %get3A_1673 : vector<1x1x16xf32> to vector<16xf32>
          %mul3A_1675 = arith.mulf %get3A_1669, %get3A_1674 : vector<16xf32>
          %swap3A_1676 = arith.index_cast %rem3A_792 : i32 to index
          %swap3A_1677 = arith.index_cast %add3A_1545 : i32 to index
          %swap3A_1678 = arith.constant 112 : index
          %swap3A_1679 = tpu.vector_load %arg11[%swap3A_1676, %swap3A_1677, %swap3A_1678] {strides = array<i32>} : memref<3x40x128xf32, #tpu.memory_space<vmem>>, vector<1x1x16xf32>,
          %swap3A_1680 = vector.shape_cast %swap3A_1679 : vector<1x1x16xf32> to vector<16xf32>
          %swap3A_1681 = vector.shape_cast %mul3A_1675 : vector<16xf32> to vector<1x1x16xf32>
          tpu.vector_store %arg11[%swap3A_1676, %swap3A_1677, %swap3A_1678], %swap3A_1681 {strides = array<i32>} : memref<3x40x128xf32, #tpu.memory_space<vmem>>, vector<1x1x16xf32>,
          %add3A_1682 = arith.constant 6 : i32
          %add3A_1683 = arith.addi %mul3A_855, %add3A_1682 : i32
          %get3A_1684 = arith.index_cast %rem3A_792 : i32 to index
          %get3A_1685 = arith.index_cast %add3A_1683 : i32 to index
          %get3A_1686 = arith.constant 0 : index
          %get3A_1687 = tpu.vector_load %arg11[%get3A_1684, %get3A_1685, %get3A_1686] {strides = array<i32>} : memref<3x40x128xf32, #tpu.memory_space<vmem>>, vector<1x1x16xf32>,
          %get3A_1688 = vector.shape_cast %get3A_1687 : vector<1x1x16xf32> to vector<16xf32>
          %get3A_1689 = arith.index_cast %rem3A_794 : i32 to index
          %get3A_1690 = arith.index_cast %add3A_1683 : i32 to index
          %get3A_1691 = arith.constant 0 : index
          %get3A_1692 = tpu.vector_load %arg10[%get3A_1689, %get3A_1690, %get3A_1691] {strides = array<i32>} : memref<2x40x128xf32, #tpu.memory_space<vmem>>, vector<1x1x16xf32>,
          %get3A_1693 = vector.shape_cast %get3A_1692 : vector<1x1x16xf32> to vector<16xf32>
          %mul3A_1694 = arith.mulf %get3A_1688, %get3A_1693 : vector<16xf32>
          %swap3A_1695 = arith.index_cast %rem3A_792 : i32 to index
          %swap3A_1696 = arith.index_cast %add3A_1683 : i32 to index
          %swap3A_1697 = arith.constant 0 : index
          %swap3A_1698 = tpu.vector_load %arg11[%swap3A_1695, %swap3A_1696, %swap3A_1697] {strides = array<i32>} : memref<3x40x128xf32, #tpu.memory_space<vmem>>, vector<1x1x16xf32>,
          %swap3A_1699 = vector.shape_cast %swap3A_1698 : vector<1x1x16xf32> to vector<16xf32>
          %swap3A_1700 = vector.shape_cast %mul3A_1694 : vector<16xf32> to vector<1x1x16xf32>
          tpu.vector_store %arg11[%swap3A_1695, %swap3A_1696, %swap3A_1697], %swap3A_1700 {strides = array<i32>} : memref<3x40x128xf32, #tpu.memory_space<vmem>>, vector<1x1x16xf32>,
          %get3A_1701 = arith.index_cast %rem3A_792 : i32 to index
          %get3A_1702 = arith.index_cast %add3A_1683 : i32 to index
          %get3A_1703 = arith.constant 16 : index
          %get3A_1704 = tpu.vector_load %arg11[%get3A_1701, %get3A_1702, %get3A_1703] {strides = array<i32>} : memref<3x40x128xf32, #tpu.memory_space<vmem>>, vector<1x1x16xf32>,
          %get3A_1705 = vector.shape_cast %get3A_1704 : vector<1x1x16xf32> to vector<16xf32>
          %get3A_1706 = arith.index_cast %rem3A_794 : i32 to index
          %get3A_1707 = arith.index_cast %add3A_1683 : i32 to index
          %get3A_1708 = arith.constant 16 : index
          %get3A_1709 = tpu.vector_load %arg10[%get3A_1706, %get3A_1707, %get3A_1708] {strides = array<i32>} : memref<2x40x128xf32, #tpu.memory_space<vmem>>, vector<1x1x16xf32>,
          %get3A_1710 = vector.shape_cast %get3A_1709 : vector<1x1x16xf32> to vector<16xf32>
          %mul3A_1711 = arith.mulf %get3A_1705, %get3A_1710 : vector<16xf32>
          %swap3A_1712 = arith.index_cast %rem3A_792 : i32 to index
          %swap3A_1713 = arith.index_cast %add3A_1683 : i32 to index
          %swap3A_1714 = arith.constant 16 : index
          %swap3A_1715 = tpu.vector_load %arg11[%swap3A_1712, %swap3A_1713, %swap3A_1714] {strides = array<i32>} : memref<3x40x128xf32, #tpu.memory_space<vmem>>, vector<1x1x16xf32>,
          %swap3A_1716 = vector.shape_cast %swap3A_1715 : vector<1x1x16xf32> to vector<16xf32>
          %swap3A_1717 = vector.shape_cast %mul3A_1711 : vector<16xf32> to vector<1x1x16xf32>
          tpu.vector_store %arg11[%swap3A_1712, %swap3A_1713, %swap3A_1714], %swap3A_1717 {strides = array<i32>} : memref<3x40x128xf32, #tpu.memory_space<vmem>>, vector<1x1x16xf32>,
          %get3A_1718 = arith.index_cast %rem3A_792 : i32 to index
          %get3A_1719 = arith.index_cast %add3A_1683 : i32 to index
          %get3A_1720 = arith.constant 32 : index
          %get3A_1721 = tpu.vector_load %arg11[%get3A_1718, %get3A_1719, %get3A_1720] {strides = array<i32>} : memref<3x40x128xf32, #tpu.memory_space<vmem>>, vector<1x1x16xf32>,
          %get3A_1722 = vector.shape_cast %get3A_1721 : vector<1x1x16xf32> to vector<16xf32>
          %get3A_1723 = arith.index_cast %rem3A_794 : i32 to index
          %get3A_1724 = arith.index_cast %add3A_1683 : i32 to index
          %get3A_1725 = arith.constant 32 : index
          %get3A_1726 = tpu.vector_load %arg10[%get3A_1723, %get3A_1724, %get3A_1725] {strides = array<i32>} : memref<2x40x128xf32, #tpu.memory_space<vmem>>, vector<1x1x16xf32>,
          %get3A_1727 = vector.shape_cast %get3A_1726 : vector<1x1x16xf32> to vector<16xf32>
          %mul3A_1728 = arith.mulf %get3A_1722, %get3A_1727 : vector<16xf32>
          %swap3A_1729 = arith.index_cast %rem3A_792 : i32 to index
          %swap3A_1730 = arith.index_cast %add3A_1683 : i32 to index
          %swap3A_1731 = arith.constant 32 : index
          %swap3A_1732 = tpu.vector_load %arg11[%swap3A_1729, %swap3A_1730, %swap3A_1731] {strides = array<i32>} : memref<3x40x128xf32, #tpu.memory_space<vmem>>, vector<1x1x16xf32>,
          %swap3A_1733 = vector.shape_cast %swap3A_1732 : vector<1x1x16xf32> to vector<16xf32>
          %swap3A_1734 = vector.shape_cast %mul3A_1728 : vector<16xf32> to vector<1x1x16xf32>
          tpu.vector_store %arg11[%swap3A_1729, %swap3A_1730, %swap3A_1731], %swap3A_1734 {strides = array<i32>} : memref<3x40x128xf32, #tpu.memory_space<vmem>>, vector<1x1x16xf32>,
          %get3A_1735 = arith.index_cast %rem3A_792 : i32 to index
          %get3A_1736 = arith.index_cast %add3A_1683 : i32 to index
          %get3A_1737 = arith.constant 48 : index
          %get3A_1738 = tpu.vector_load %arg11[%get3A_1735, %get3A_1736, %get3A_1737] {strides = array<i32>} : memref<3x40x128xf32, #tpu.memory_space<vmem>>, vector<1x1x16xf32>,
          %get3A_1739 = vector.shape_cast %get3A_1738 : vector<1x1x16xf32> to vector<16xf32>
          %get3A_1740 = arith.index_cast %rem3A_794 : i32 to index
          %get3A_1741 = arith.index_cast %add3A_1683 : i32 to index
          %get3A_1742 = arith.constant 48 : index
          %get3A_1743 = tpu.vector_load %arg10[%get3A_1740, %get3A_1741, %get3A_1742] {strides = array<i32>} : memref<2x40x128xf32, #tpu.memory_space<vmem>>, vector<1x1x16xf32>,
          %get3A_1744 = vector.shape_cast %get3A_1743 : vector<1x1x16xf32> to vector<16xf32>
          %mul3A_1745 = arith.mulf %get3A_1739, %get3A_1744 : vector<16xf32>
          %swap3A_1746 = arith.index_cast %rem3A_792 : i32 to index
          %swap3A_1747 = arith.index_cast %add3A_1683 : i32 to index
          %swap3A_1748 = arith.constant 48 : index
          %swap3A_1749 = tpu.vector_load %arg11[%swap3A_1746, %swap3A_1747, %swap3A_1748] {strides = array<i32>} : memref<3x40x128xf32, #tpu.memory_space<vmem>>, vector<1x1x16xf32>,
          %swap3A_1750 = vector.shape_cast %swap3A_1749 : vector<1x1x16xf32> to vector<16xf32>
          %swap3A_1751 = vector.shape_cast %mul3A_1745 : vector<16xf32> to vector<1x1x16xf32>
          tpu.vector_store %arg11[%swap3A_1746, %swap3A_1747, %swap3A_1748], %swap3A_1751 {strides = array<i32>} : memref<3x40x128xf32, #tpu.memory_space<vmem>>, vector<1x1x16xf32>,
          %get3A_1752 = arith.index_cast %rem3A_792 : i32 to index
          %get3A_1753 = arith.index_cast %add3A_1683 : i32 to index
          %get3A_1754 = arith.constant 64 : index
          %get3A_1755 = tpu.vector_load %arg11[%get3A_1752, %get3A_1753, %get3A_1754] {strides = array<i32>} : memref<3x40x128xf32, #tpu.memory_space<vmem>>, vector<1x1x16xf32>,
          %get3A_1756 = vector.shape_cast %get3A_1755 : vector<1x1x16xf32> to vector<16xf32>
          %get3A_1757 = arith.index_cast %rem3A_794 : i32 to index
          %get3A_1758 = arith.index_cast %add3A_1683 : i32 to index
          %get3A_1759 = arith.constant 64 : index
          %get3A_1760 = tpu.vector_load %arg10[%get3A_1757, %get3A_1758, %get3A_1759] {strides = array<i32>} : memref<2x40x128xf32, #tpu.memory_space<vmem>>, vector<1x1x16xf32>,
          %get3A_1761 = vector.shape_cast %get3A_1760 : vector<1x1x16xf32> to vector<16xf32>
          %mul3A_1762 = arith.mulf %get3A_1756, %get3A_1761 : vector<16xf32>
          %swap3A_1763 = arith.index_cast %rem3A_792 : i32 to index
          %swap3A_1764 = arith.index_cast %add3A_1683 : i32 to index
          %swap3A_1765 = arith.constant 64 : index
          %swap3A_1766 = tpu.vector_load %arg11[%swap3A_1763, %swap3A_1764, %swap3A_1765] {strides = array<i32>} : memref<3x40x128xf32, #tpu.memory_space<vmem>>, vector<1x1x16xf32>,
          %swap3A_1767 = vector.shape_cast %swap3A_1766 : vector<1x1x16xf32> to vector<16xf32>
          %swap3A_1768 = vector.shape_cast %mul3A_1762 : vector<16xf32> to vector<1x1x16xf32>
          tpu.vector_store %arg11[%swap3A_1763, %swap3A_1764, %swap3A_1765], %swap3A_1768 {strides = array<i32>} : memref<3x40x128xf32, #tpu.memory_space<vmem>>, vector<1x1x16xf32>,
          %get3A_1769 = arith.index_cast %rem3A_792 : i32 to index
          %get3A_1770 = arith.index_cast %add3A_1683 : i32 to index
          %get3A_1771 = arith.constant 80 : index
          %get3A_1772 = tpu.vector_load %arg11[%get3A_1769, %get3A_1770, %get3A_1771] {strides = array<i32>} : memref<3x40x128xf32, #tpu.memory_space<vmem>>, vector<1x1x16xf32>,
          %get3A_1773 = vector.shape_cast %get3A_1772 : vector<1x1x16xf32> to vector<16xf32>
          %get3A_1774 = arith.index_cast %rem3A_794 : i32 to index
          %get3A_1775 = arith.index_cast %add3A_1683 : i32 to index
          %get3A_1776 = arith.constant 80 : index
          %get3A_1777 = tpu.vector_load %arg10[%get3A_1774, %get3A_1775, %get3A_1776] {strides = array<i32>} : memref<2x40x128xf32, #tpu.memory_space<vmem>>, vector<1x1x16xf32>,
          %get3A_1778 = vector.shape_cast %get3A_1777 : vector<1x1x16xf32> to vector<16xf32>
          %mul3A_1779 = arith.mulf %get3A_1773, %get3A_1778 : vector<16xf32>
          %swap3A_1780 = arith.index_cast %rem3A_792 : i32 to index
          %swap3A_1781 = arith.index_cast %add3A_1683 : i32 to index
          %swap3A_1782 = arith.constant 80 : index
          %swap3A_1783 = tpu.vector_load %arg11[%swap3A_1780, %swap3A_1781, %swap3A_1782] {strides = array<i32>} : memref<3x40x128xf32, #tpu.memory_space<vmem>>, vector<1x1x16xf32>,
          %swap3A_1784 = vector.shape_cast %swap3A_1783 : vector<1x1x16xf32> to vector<16xf32>
          %swap3A_1785 = vector.shape_cast %mul3A_1779 : vector<16xf32> to vector<1x1x16xf32>
          tpu.vector_store %arg11[%swap3A_1780, %swap3A_1781, %swap3A_1782], %swap3A_1785 {strides = array<i32>} : memref<3x40x128xf32, #tpu.memory_space<vmem>>, vector<1x1x16xf32>,
          %get3A_1786 = arith.index_cast %rem3A_792 : i32 to index
          %get3A_1787 = arith.index_cast %add3A_1683 : i32 to index
          %get3A_1788 = arith.constant 96 : index
          %get3A_1789 = tpu.vector_load %arg11[%get3A_1786, %get3A_1787, %get3A_1788] {strides = array<i32>} : memref<3x40x128xf32, #tpu.memory_space<vmem>>, vector<1x1x16xf32>,
          %get3A_1790 = vector.shape_cast %get3A_1789 : vector<1x1x16xf32> to vector<16xf32>
          %get3A_1791 = arith.index_cast %rem3A_794 : i32 to index
          %get3A_1792 = arith.index_cast %add3A_1683 : i32 to index
          %get3A_1793 = arith.constant 96 : index
          %get3A_1794 = tpu.vector_load %arg10[%get3A_1791, %get3A_1792, %get3A_1793] {strides = array<i32>} : memref<2x40x128xf32, #tpu.memory_space<vmem>>, vector<1x1x16xf32>,
          %get3A_1795 = vector.shape_cast %get3A_1794 : vector<1x1x16xf32> to vector<16xf32>
          %mul3A_1796 = arith.mulf %get3A_1790, %get3A_1795 : vector<16xf32>
          %swap3A_1797 = arith.index_cast %rem3A_792 : i32 to index
          %swap3A_1798 = arith.index_cast %add3A_1683 : i32 to index
          %swap3A_1799 = arith.constant 96 : index
          %swap3A_1800 = tpu.vector_load %arg11[%swap3A_1797, %swap3A_1798, %swap3A_1799] {strides = array<i32>} : memref<3x40x128xf32, #tpu.memory_space<vmem>>, vector<1x1x16xf32>,
          %swap3A_1801 = vector.shape_cast %swap3A_1800 : vector<1x1x16xf32> to vector<16xf32>
          %swap3A_1802 = vector.shape_cast %mul3A_1796 : vector<16xf32> to vector<1x1x16xf32>
          tpu.vector_store %arg11[%swap3A_1797, %swap3A_1798, %swap3A_1799], %swap3A_1802 {strides = array<i32>} : memref<3x40x128xf32, #tpu.memory_space<vmem>>, vector<1x1x16xf32>,
          %get3A_1803 = arith.index_cast %rem3A_792 : i32 to index
          %get3A_1804 = arith.index_cast %add3A_1683 : i32 to index
          %get3A_1805 = arith.constant 112 : index
          %get3A_1806 = tpu.vector_load %arg11[%get3A_1803, %get3A_1804, %get3A_1805] {strides = array<i32>} : memref<3x40x128xf32, #tpu.memory_space<vmem>>, vector<1x1x16xf32>,
          %get3A_1807 = vector.shape_cast %get3A_1806 : vector<1x1x16xf32> to vector<16xf32>
          %get3A_1808 = arith.index_cast %rem3A_794 : i32 to index
          %get3A_1809 = arith.index_cast %add3A_1683 : i32 to index
          %get3A_1810 = arith.constant 112 : index
          %get3A_1811 = tpu.vector_load %arg10[%get3A_1808, %get3A_1809, %get3A_1810] {strides = array<i32>} : memref<2x40x128xf32, #tpu.memory_space<vmem>>, vector<1x1x16xf32>,
          %get3A_1812 = vector.shape_cast %get3A_1811 : vector<1x1x16xf32> to vector<16xf32>
          %mul3A_1813 = arith.mulf %get3A_1807, %get3A_1812 : vector<16xf32>
          %swap3A_1814 = arith.index_cast %rem3A_792 : i32 to index
          %swap3A_1815 = arith.index_cast %add3A_1683 : i32 to index
          %swap3A_1816 = arith.constant 112 : index
          %swap3A_1817 = tpu.vector_load %arg11[%swap3A_1814, %swap3A_1815, %swap3A_1816] {strides = array<i32>} : memref<3x40x128xf32, #tpu.memory_space<vmem>>, vector<1x1x16xf32>,
          %swap3A_1818 = vector.shape_cast %swap3A_1817 : vector<1x1x16xf32> to vector<16xf32>
          %swap3A_1819 = vector.shape_cast %mul3A_1813 : vector<16xf32> to vector<1x1x16xf32>
          tpu.vector_store %arg11[%swap3A_1814, %swap3A_1815, %swap3A_1816], %swap3A_1819 {strides = array<i32>} : memref<3x40x128xf32, #tpu.memory_space<vmem>>, vector<1x1x16xf32>,
          %add3A_1820 = arith.constant 7 : i32
          %add3A_1821 = arith.addi %mul3A_855, %add3A_1820 : i32
          %get3A_1822 = arith.index_cast %rem3A_792 : i32 to index
          %get3A_1823 = arith.index_cast %add3A_1821 : i32 to index
          %get3A_1824 = arith.constant 0 : index
          %get3A_1825 = tpu.vector_load %arg11[%get3A_1822, %get3A_1823, %get3A_1824] {strides = array<i32>} : memref<3x40x128xf32, #tpu.memory_space<vmem>>, vector<1x1x16xf32>,
          %get3A_1826 = vector.shape_cast %get3A_1825 : vector<1x1x16xf32> to vector<16xf32>
          %get3A_1827 = arith.index_cast %rem3A_794 : i32 to index
          %get3A_1828 = arith.index_cast %add3A_1821 : i32 to index
          %get3A_1829 = arith.constant 0 : index
          %get3A_1830 = tpu.vector_load %arg10[%get3A_1827, %get3A_1828, %get3A_1829] {strides = array<i32>} : memref<2x40x128xf32, #tpu.memory_space<vmem>>, vector<1x1x16xf32>,
          %get3A_1831 = vector.shape_cast %get3A_1830 : vector<1x1x16xf32> to vector<16xf32>
          %mul3A_1832 = arith.mulf %get3A_1826, %get3A_1831 : vector<16xf32>
          %swap3A_1833 = arith.index_cast %rem3A_792 : i32 to index
          %swap3A_1834 = arith.index_cast %add3A_1821 : i32 to index
          %swap3A_1835 = arith.constant 0 : index
          %swap3A_1836 = tpu.vector_load %arg11[%swap3A_1833, %swap3A_1834, %swap3A_1835] {strides = array<i32>} : memref<3x40x128xf32, #tpu.memory_space<vmem>>, vector<1x1x16xf32>,
          %swap3A_1837 = vector.shape_cast %swap3A_1836 : vector<1x1x16xf32> to vector<16xf32>
          %swap3A_1838 = vector.shape_cast %mul3A_1832 : vector<16xf32> to vector<1x1x16xf32>
          tpu.vector_store %arg11[%swap3A_1833, %swap3A_1834, %swap3A_1835], %swap3A_1838 {strides = array<i32>} : memref<3x40x128xf32, #tpu.memory_space<vmem>>, vector<1x1x16xf32>,
          %get3A_1839 = arith.index_cast %rem3A_792 : i32 to index
          %get3A_1840 = arith.index_cast %add3A_1821 : i32 to index
          %get3A_1841 = arith.constant 16 : index
          %get3A_1842 = tpu.vector_load %arg11[%get3A_1839, %get3A_1840, %get3A_1841] {strides = array<i32>} : memref<3x40x128xf32, #tpu.memory_space<vmem>>, vector<1x1x16xf32>,
          %get3A_1843 = vector.shape_cast %get3A_1842 : vector<1x1x16xf32> to vector<16xf32>
          %get3A_1844 = arith.index_cast %rem3A_794 : i32 to index
          %get3A_1845 = arith.index_cast %add3A_1821 : i32 to index
          %get3A_1846 = arith.constant 16 : index
          %get3A_1847 = tpu.vector_load %arg10[%get3A_1844, %get3A_1845, %get3A_1846] {strides = array<i32>} : memref<2x40x128xf32, #tpu.memory_space<vmem>>, vector<1x1x16xf32>,
          %get3A_1848 = vector.shape_cast %get3A_1847 : vector<1x1x16xf32> to vector<16xf32>
          %mul3A_1849 = arith.mulf %get3A_1843, %get3A_1848 : vector<16xf32>
          %swap3A_1850 = arith.index_cast %rem3A_792 : i32 to index
          %swap3A_1851 = arith.index_cast %add3A_1821 : i32 to index
          %swap3A_1852 = arith.constant 16 : index
          %swap3A_1853 = tpu.vector_load %arg11[%swap3A_1850, %swap3A_1851, %swap3A_1852] {strides = array<i32>} : memref<3x40x128xf32, #tpu.memory_space<vmem>>, vector<1x1x16xf32>,
          %swap3A_1854 = vector.shape_cast %swap3A_1853 : vector<1x1x16xf32> to vector<16xf32>
          %swap3A_1855 = vector.shape_cast %mul3A_1849 : vector<16xf32> to vector<1x1x16xf32>
          tpu.vector_store %arg11[%swap3A_1850, %swap3A_1851, %swap3A_1852], %swap3A_1855 {strides = array<i32>} : memref<3x40x128xf32, #tpu.memory_space<vmem>>, vector<1x1x16xf32>,
          %get3A_1856 = arith.index_cast %rem3A_792 : i32 to index
          %get3A_1857 = arith.index_cast %add3A_1821 : i32 to index
          %get3A_1858 = arith.constant 32 : index
          %get3A_1859 = tpu.vector_load %arg11[%get3A_1856, %get3A_1857, %get3A_1858] {strides = array<i32>} : memref<3x40x128xf32, #tpu.memory_space<vmem>>, vector<1x1x16xf32>,
          %get3A_1860 = vector.shape_cast %get3A_1859 : vector<1x1x16xf32> to vector<16xf32>
          %get3A_1861 = arith.index_cast %rem3A_794 : i32 to index
          %get3A_1862 = arith.index_cast %add3A_1821 : i32 to index
          %get3A_1863 = arith.constant 32 : index
          %get3A_1864 = tpu.vector_load %arg10[%get3A_1861, %get3A_1862, %get3A_1863] {strides = array<i32>} : memref<2x40x128xf32, #tpu.memory_space<vmem>>, vector<1x1x16xf32>,
          %get3A_1865 = vector.shape_cast %get3A_1864 : vector<1x1x16xf32> to vector<16xf32>
          %mul3A_1866 = arith.mulf %get3A_1860, %get3A_1865 : vector<16xf32>
          %swap3A_1867 = arith.index_cast %rem3A_792 : i32 to index
          %swap3A_1868 = arith.index_cast %add3A_1821 : i32 to index
          %swap3A_1869 = arith.constant 32 : index
          %swap3A_1870 = tpu.vector_load %arg11[%swap3A_1867, %swap3A_1868, %swap3A_1869] {strides = array<i32>} : memref<3x40x128xf32, #tpu.memory_space<vmem>>, vector<1x1x16xf32>,
          %swap3A_1871 = vector.shape_cast %swap3A_1870 : vector<1x1x16xf32> to vector<16xf32>
          %swap3A_1872 = vector.shape_cast %mul3A_1866 : vector<16xf32> to vector<1x1x16xf32>
          tpu.vector_store %arg11[%swap3A_1867, %swap3A_1868, %swap3A_1869], %swap3A_1872 {strides = array<i32>} : memref<3x40x128xf32, #tpu.memory_space<vmem>>, vector<1x1x16xf32>,
          %get3A_1873 = arith.index_cast %rem3A_792 : i32 to index
          %get3A_1874 = arith.index_cast %add3A_1821 : i32 to index
          %get3A_1875 = arith.constant 48 : index
          %get3A_1876 = tpu.vector_load %arg11[%get3A_1873, %get3A_1874, %get3A_1875] {strides = array<i32>} : memref<3x40x128xf32, #tpu.memory_space<vmem>>, vector<1x1x16xf32>,
          %get3A_1877 = vector.shape_cast %get3A_1876 : vector<1x1x16xf32> to vector<16xf32>
          %get3A_1878 = arith.index_cast %rem3A_794 : i32 to index
          %get3A_1879 = arith.index_cast %add3A_1821 : i32 to index
          %get3A_1880 = arith.constant 48 : index
          %get3A_1881 = tpu.vector_load %arg10[%get3A_1878, %get3A_1879, %get3A_1880] {strides = array<i32>} : memref<2x40x128xf32, #tpu.memory_space<vmem>>, vector<1x1x16xf32>,
          %get3A_1882 = vector.shape_cast %get3A_1881 : vector<1x1x16xf32> to vector<16xf32>
          %mul3A_1883 = arith.mulf %get3A_1877, %get3A_1882 : vector<16xf32>
          %swap3A_1884 = arith.index_cast %rem3A_792 : i32 to index
          %swap3A_1885 = arith.index_cast %add3A_1821 : i32 to index
          %swap3A_1886 = arith.constant 48 : index
          %swap3A_1887 = tpu.vector_load %arg11[%swap3A_1884, %swap3A_1885, %swap3A_1886] {strides = array<i32>} : memref<3x40x128xf32, #tpu.memory_space<vmem>>, vector<1x1x16xf32>,
          %swap3A_1888 = vector.shape_cast %swap3A_1887 : vector<1x1x16xf32> to vector<16xf32>
          %swap3A_1889 = vector.shape_cast %mul3A_1883 : vector<16xf32> to vector<1x1x16xf32>
          tpu.vector_store %arg11[%swap3A_1884, %swap3A_1885, %swap3A_1886], %swap3A_1889 {strides = array<i32>} : memref<3x40x128xf32, #tpu.memory_space<vmem>>, vector<1x1x16xf32>,
          %get3A_1890 = arith.index_cast %rem3A_792 : i32 to index
          %get3A_1891 = arith.index_cast %add3A_1821 : i32 to index
          %get3A_1892 = arith.constant 64 : index
          %get3A_1893 = tpu.vector_load %arg11[%get3A_1890, %get3A_1891, %get3A_1892] {strides = array<i32>} : memref<3x40x128xf32, #tpu.memory_space<vmem>>, vector<1x1x16xf32>,
          %get3A_1894 = vector.shape_cast %get3A_1893 : vector<1x1x16xf32> to vector<16xf32>
          %get3A_1895 = arith.index_cast %rem3A_794 : i32 to index
          %get3A_1896 = arith.index_cast %add3A_1821 : i32 to index
          %get3A_1897 = arith.constant 64 : index
          %get3A_1898 = tpu.vector_load %arg10[%get3A_1895, %get3A_1896, %get3A_1897] {strides = array<i32>} : memref<2x40x128xf32, #tpu.memory_space<vmem>>, vector<1x1x16xf32>,
          %get3A_1899 = vector.shape_cast %get3A_1898 : vector<1x1x16xf32> to vector<16xf32>
          %mul3A_1900 = arith.mulf %get3A_1894, %get3A_1899 : vector<16xf32>
          %swap3A_1901 = arith.index_cast %rem3A_792 : i32 to index
          %swap3A_1902 = arith.index_cast %add3A_1821 : i32 to index
          %swap3A_1903 = arith.constant 64 : index
          %swap3A_1904 = tpu.vector_load %arg11[%swap3A_1901, %swap3A_1902, %swap3A_1903] {strides = array<i32>} : memref<3x40x128xf32, #tpu.memory_space<vmem>>, vector<1x1x16xf32>,
          %swap3A_1905 = vector.shape_cast %swap3A_1904 : vector<1x1x16xf32> to vector<16xf32>
          %swap3A_1906 = vector.shape_cast %mul3A_1900 : vector<16xf32> to vector<1x1x16xf32>
          tpu.vector_store %arg11[%swap3A_1901, %swap3A_1902, %swap3A_1903], %swap3A_1906 {strides = array<i32>} : memref<3x40x128xf32, #tpu.memory_space<vmem>>, vector<1x1x16xf32>,
          %get3A_1907 = arith.index_cast %rem3A_792 : i32 to index
          %get3A_1908 = arith.index_cast %add3A_1821 : i32 to index
          %get3A_1909 = arith.constant 80 : index
          %get3A_1910 = tpu.vector_load %arg11[%get3A_1907, %get3A_1908, %get3A_1909] {strides = array<i32>} : memref<3x40x128xf32, #tpu.memory_space<vmem>>, vector<1x1x16xf32>,
          %get3A_1911 = vector.shape_cast %get3A_1910 : vector<1x1x16xf32> to vector<16xf32>
          %get3A_1912 = arith.index_cast %rem3A_794 : i32 to index
          %get3A_1913 = arith.index_cast %add3A_1821 : i32 to index
          %get3A_1914 = arith.constant 80 : index
          %get3A_1915 = tpu.vector_load %arg10[%get3A_1912, %get3A_1913, %get3A_1914] {strides = array<i32>} : memref<2x40x128xf32, #tpu.memory_space<vmem>>, vector<1x1x16xf32>,
          %get3A_1916 = vector.shape_cast %get3A_1915 : vector<1x1x16xf32> to vector<16xf32>
          %mul3A_1917 = arith.mulf %get3A_1911, %get3A_1916 : vector<16xf32>
          %swap3A_1918 = arith.index_cast %rem3A_792 : i32 to index
          %swap3A_1919 = arith.index_cast %add3A_1821 : i32 to index
          %swap3A_1920 = arith.constant 80 : index
          %swap3A_1921 = tpu.vector_load %arg11[%swap3A_1918, %swap3A_1919, %swap3A_1920] {strides = array<i32>} : memref<3x40x128xf32, #tpu.memory_space<vmem>>, vector<1x1x16xf32>,
          %swap3A_1922 = vector.shape_cast %swap3A_1921 : vector<1x1x16xf32> to vector<16xf32>
          %swap3A_1923 = vector.shape_cast %mul3A_1917 : vector<16xf32> to vector<1x1x16xf32>
          tpu.vector_store %arg11[%swap3A_1918, %swap3A_1919, %swap3A_1920], %swap3A_1923 {strides = array<i32>} : memref<3x40x128xf32, #tpu.memory_space<vmem>>, vector<1x1x16xf32>,
          %get3A_1924 = arith.index_cast %rem3A_792 : i32 to index
          %get3A_1925 = arith.index_cast %add3A_1821 : i32 to index
          %get3A_1926 = arith.constant 96 : index
          %get3A_1927 = tpu.vector_load %arg11[%get3A_1924, %get3A_1925, %get3A_1926] {strides = array<i32>} : memref<3x40x128xf32, #tpu.memory_space<vmem>>, vector<1x1x16xf32>,
          %get3A_1928 = vector.shape_cast %get3A_1927 : vector<1x1x16xf32> to vector<16xf32>
          %get3A_1929 = arith.index_cast %rem3A_794 : i32 to index
          %get3A_1930 = arith.index_cast %add3A_1821 : i32 to index
          %get3A_1931 = arith.constant 96 : index
          %get3A_1932 = tpu.vector_load %arg10[%get3A_1929, %get3A_1930, %get3A_1931] {strides = array<i32>} : memref<2x40x128xf32, #tpu.memory_space<vmem>>, vector<1x1x16xf32>,
          %get3A_1933 = vector.shape_cast %get3A_1932 : vector<1x1x16xf32> to vector<16xf32>
          %mul3A_1934 = arith.mulf %get3A_1928, %get3A_1933 : vector<16xf32>
          %swap3A_1935 = arith.index_cast %rem3A_792 : i32 to index
          %swap3A_1936 = arith.index_cast %add3A_1821 : i32 to index
          %swap3A_1937 = arith.constant 96 : index
          %swap3A_1938 = tpu.vector_load %arg11[%swap3A_1935, %swap3A_1936, %swap3A_1937] {strides = array<i32>} : memref<3x40x128xf32, #tpu.memory_space<vmem>>, vector<1x1x16xf32>,
          %swap3A_1939 = vector.shape_cast %swap3A_1938 : vector<1x1x16xf32> to vector<16xf32>
          %swap3A_1940 = vector.shape_cast %mul3A_1934 : vector<16xf32> to vector<1x1x16xf32>
          tpu.vector_store %arg11[%swap3A_1935, %swap3A_1936, %swap3A_1937], %swap3A_1940 {strides = array<i32>} : memref<3x40x128xf32, #tpu.memory_space<vmem>>, vector<1x1x16xf32>,
          %get3A_1941 = arith.index_cast %rem3A_792 : i32 to index
          %get3A_1942 = arith.index_cast %add3A_1821 : i32 to index
          %get3A_1943 = arith.constant 112 : index
          %get3A_1944 = tpu.vector_load %arg11[%get3A_1941, %get3A_1942, %get3A_1943] {strides = array<i32>} : memref<3x40x128xf32, #tpu.memory_space<vmem>>, vector<1x1x16xf32>,
          %get3A_1945 = vector.shape_cast %get3A_1944 : vector<1x1x16xf32> to vector<16xf32>
          %get3A_1946 = arith.index_cast %rem3A_794 : i32 to index
          %get3A_1947 = arith.index_cast %add3A_1821 : i32 to index
          %get3A_1948 = arith.constant 112 : index
          %get3A_1949 = tpu.vector_load %arg10[%get3A_1946, %get3A_1947, %get3A_1948] {strides = array<i32>} : memref<2x40x128xf32, #tpu.memory_space<vmem>>, vector<1x1x16xf32>,
          %get3A_1950 = vector.shape_cast %get3A_1949 : vector<1x1x16xf32> to vector<16xf32>
          %mul3A_1951 = arith.mulf %get3A_1945, %get3A_1950 : vector<16xf32>
          %swap3A_1952 = arith.index_cast %rem3A_792 : i32 to index
          %swap3A_1953 = arith.index_cast %add3A_1821 : i32 to index
          %swap3A_1954 = arith.constant 112 : index
          %swap3A_1955 = tpu.vector_load %arg11[%swap3A_1952, %swap3A_1953, %swap3A_1954] {strides = array<i32>} : memref<3x40x128xf32, #tpu.memory_space<vmem>>, vector<1x1x16xf32>,
          %swap3A_1956 = vector.shape_cast %swap3A_1955 : vector<1x1x16xf32> to vector<16xf32>
          %swap3A_1957 = vector.shape_cast %mul3A_1951 : vector<16xf32> to vector<1x1x16xf32>
          tpu.vector_store %arg11[%swap3A_1952, %swap3A_1953, %swap3A_1954], %swap3A_1957 {strides = array<i32>} : memref<3x40x128xf32, #tpu.memory_space<vmem>>, vector<1x1x16xf32>,
          %scan3A_1958 = arith.constant 0 : i32
          scf.yield %scan3A_1958 : i32
        }
        %scan3A_838 = arith.constant 5 : i32
        %dma_start3A_839 = arith.constant 0 : i32
        %dma_start3A_840 = arith.constant 0 : i32
        %dma_start3A_841 = tpu.memref_slice %arg11[%rem3A_792, %dma_start3A_839, %dma_start3A_840] : memref<3x40x128xf32, #tpu.memory_space<vmem>> -> memref<1x40x128xf32, #tpu.memory_space<vmem>>
        %dma_start3A_842 = tpu.memref_squeeze %dma_start3A_841 : memref<1x40x128xf32, #tpu.memory_space<vmem>> -> memref<40x128xf32, #tpu.memory_space<vmem>>
        %dma_start3A_843 = arith.constant 0 : i32
        %dma_start3A_844 = tpu.memref_slice %arg9[%rem3A_660, %scan3A_789, %dma_start3A_843] : memref<2x25x40xi32, #tpu.memory_space<vmem>> -> memref<1x1x40xi32, #tpu.memory_space<vmem>>
        %dma_start3A_845 = tpu.memref_squeeze %dma_start3A_844 : memref<1x1x40xi32, #tpu.memory_space<vmem>> -> memref<40xi32, #tpu.memory_space<vmem>>
        %dma_start3A_846 = arith.constant 0 : i32
        %dma_start3A_847 = arith.constant 0 : i32
        %dma_start3A_848 = tpu.memref_slice %arg12[%dma_start3A_846, %dma_start3A_847] : memref<10000x128xf32, #tpu.memory_space<vmem_shared>> -> memref<10000x128xf32, #tpu.memory_space<vmem_shared>>
        %dma_start3A_849 = tpu.memref_slice %arg14[%rem3A_792] : memref<3x!tpu.dma_semaphore, #tpu.memory_space<semaphore_mem>> -> memref<1x!tpu.dma_semaphore, #tpu.memory_space<semaphore_mem>>
        %dma_start3A_850 = tpu.memref_squeeze %dma_start3A_849 : memref<1x!tpu.dma_semaphore, #tpu.memory_space<semaphore_mem>> -> memref<!tpu.dma_semaphore, #tpu.memory_space<semaphore_mem>>
        tpu.enqueue_indirect_dma source(%dma_start3A_842 : memref<40x128xf32, #tpu.memory_space<vmem>>) target(%dma_start3A_848 : memref<10000x128xf32, #tpu.memory_space<vmem_shared>>) offsets(%dma_start3A_845 : memref<40xi32, #tpu.memory_space<vmem>>) semaphore(%dma_start3A_850 : memref<!tpu.dma_semaphore, #tpu.memory_space<semaphore_mem>>) {add = true}
        %scan3A_851 = arith.constant 0 : i32
        scf.yield %scan3A_851 : i32
      }
      %scan3A_751 = arith.constant 25 : i32
      %dma_wait3A_752 = arith.constant 2 : i32
      %dma_wait3A_753 = arith.constant 2 : i32
      %dma_wait3A_754 = arith.constant 0 : i32
      %dma_wait3A_755 = arith.constant 0 : i32
      %dma_wait3A_756 = tpu.memref_slice %arg11[%dma_wait3A_752, %dma_wait3A_754, %dma_wait3A_755] : memref<3x40x128xf32, #tpu.memory_space<vmem>> -> memref<1x40x128xf32, #tpu.memory_space<vmem>>
      %dma_wait3A_757 = tpu.memref_squeeze %dma_wait3A_756 : memref<1x40x128xf32, #tpu.memory_space<vmem>> -> memref<40x128xf32, #tpu.memory_space<vmem>>
      %dma_wait3A_758 = arith.constant 0 : i32
      %dma_wait3A_759 = arith.constant 0 : i32
      %dma_wait3A_760 = tpu.memref_slice %arg12[%dma_wait3A_758, %dma_wait3A_759] : memref<10000x128xf32, #tpu.memory_space<vmem_shared>> -> memref<40x128xf32, #tpu.memory_space<vmem_shared>>
      %dma_wait3A_761 = tpu.memref_slice %arg14[%dma_wait3A_753] : memref<3x!tpu.dma_semaphore, #tpu.memory_space<semaphore_mem>> -> memref<1x!tpu.dma_semaphore, #tpu.memory_space<semaphore_mem>>
      %dma_wait3A_762 = tpu.memref_squeeze %dma_wait3A_761 : memref<1x!tpu.dma_semaphore, #tpu.memory_space<semaphore_mem>> -> memref<!tpu.dma_semaphore, #tpu.memory_space<semaphore_mem>>
      %dma_wait3A_763 = arith.constant 0 : i32
      %dma_wait3A_764 = arith.constant 0 : i32
      %dma_wait3A_765 = tpu.memref_slice %arg12[%dma_wait3A_763, %dma_wait3A_764] : memref<10000x128xf32, #tpu.memory_space<vmem_shared>> -> memref<40x128xf32, #tpu.memory_space<vmem_shared>>
      %dma_wait3A_766 = arith.constant 0 : i32
      %dma_wait3A_767 = arith.constant 0 : i32
      %dma_wait3A_768 = tpu.memref_slice %arg11[%dma_wait3A_752, %dma_wait3A_766, %dma_wait3A_767] : memref<3x40x128xf32, #tpu.memory_space<vmem>> -> memref<1x40x128xf32, #tpu.memory_space<vmem>>
      %dma_wait3A_769 = tpu.memref_squeeze %dma_wait3A_768 : memref<1x40x128xf32, #tpu.memory_space<vmem>> -> memref<40x128xf32, #tpu.memory_space<vmem>>
      tpu.wait_dma2 semaphore(%dma_wait3A_762 : memref<!tpu.dma_semaphore, #tpu.memory_space<semaphore_mem>>) src(%dma_wait3A_769 : memref<40x128xf32, #tpu.memory_space<vmem>>) dst(%dma_wait3A_765 : memref<40x128xf32, #tpu.memory_space<vmem_shared>>)
      %dma_wait3A_770 = arith.constant 0 : i32
      %dma_wait3A_771 = arith.constant 0 : i32
      %dma_wait3A_772 = arith.constant 0 : i32
      %dma_wait3A_773 = arith.constant 0 : i32
      %dma_wait3A_774 = tpu.memref_slice %arg11[%dma_wait3A_770, %dma_wait3A_772, %dma_wait3A_773] : memref<3x40x128xf32, #tpu.memory_space<vmem>> -> memref<1x40x128xf32, #tpu.memory_space<vmem>>
      %dma_wait3A_775 = tpu.memref_squeeze %dma_wait3A_774 : memref<1x40x128xf32, #tpu.memory_space<vmem>> -> memref<40x128xf32, #tpu.memory_space<vmem>>
      %dma_wait3A_776 = arith.constant 0 : i32
      %dma_wait3A_777 = arith.constant 0 : i32
      %dma_wait3A_778 = tpu.memref_slice %arg12[%dma_wait3A_776, %dma_wait3A_777] : memref<10000x128xf32, #tpu.memory_space<vmem_shared>> -> memref<40x128xf32, #tpu.memory_space<vmem_shared>>
      %dma_wait3A_779 = tpu.memref_slice %arg14[%dma_wait3A_771] : memref<3x!tpu.dma_semaphore, #tpu.memory_space<semaphore_mem>> -> memref<1x!tpu.dma_semaphore, #tpu.memory_space<semaphore_mem>>
      %dma_wait3A_780 = tpu.memref_squeeze %dma_wait3A_779 : memref<1x!tpu.dma_semaphore, #tpu.memory_space<semaphore_mem>> -> memref<!tpu.dma_semaphore, #tpu.memory_space<semaphore_mem>>
      %dma_wait3A_781 = arith.constant 0 : i32
      %dma_wait3A_782 = arith.constant 0 : i32
      %dma_wait3A_783 = tpu.memref_slice %arg12[%dma_wait3A_781, %dma_wait3A_782] : memref<10000x128xf32, #tpu.memory_space<vmem_shared>> -> memref<40x128xf32, #tpu.memory_space<vmem_shared>>
      %dma_wait3A_784 = arith.constant 0 : i32
      %dma_wait3A_785 = arith.constant 0 : i32
      %dma_wait3A_786 = tpu.memref_slice %arg11[%dma_wait3A_770, %dma_wait3A_784, %dma_wait3A_785] : memref<3x40x128xf32, #tpu.memory_space<vmem>> -> memref<1x40x128xf32, #tpu.memory_space<vmem>>
      %dma_wait3A_787 = tpu.memref_squeeze %dma_wait3A_786 : memref<1x40x128xf32, #tpu.memory_space<vmem>> -> memref<40x128xf32, #tpu.memory_space<vmem>>
      tpu.wait_dma2 semaphore(%dma_wait3A_780 : memref<!tpu.dma_semaphore, #tpu.memory_space<semaphore_mem>>) src(%dma_wait3A_787 : memref<40x128xf32, #tpu.memory_space<vmem>>) dst(%dma_wait3A_783 : memref<40x128xf32, #tpu.memory_space<vmem_shared>>)
      %scan3A_788 = arith.constant 0 : i32
      scf.yield %scan3A_788 : i32
    }
    %scan3A_602 = arith.constant 10 : i32
    %barrier3A_603 = arith.constant 0 : index
    tpu.barrier barrier_id(%barrier3A_603)
    %add3A_604 = arith.constant 0 : i32
    %add3A_605 = arith.addi %mul3A_2, %add3A_604 : i32
    %dma_start3A_606 = arith.constant 0 : i32
    %dma_start3A_607 = arith.constant 0 : i32
    %dma_start3A_608 = arith.constant 0 : i32
    %dma_start3A_609 = arith.constant 0 : i32
    %dma_start3A_610 = tpu.memref_slice %arg11[%dma_start3A_606, %dma_start3A_608, %dma_start3A_609] : memref<3x40x128xf32, #tpu.memory_space<vmem>> -> memref<1x40x128xf32, #tpu.memory_space<vmem>>
    %dma_start3A_611 = tpu.memref_squeeze %dma_start3A_610 : memref<1x40x128xf32, #tpu.memory_space<vmem>> -> memref<40x128xf32, #tpu.memory_space<vmem>>
    %dma_start3A_612 = arith.constant 0 : i32
    %dma_start3A_613 = tpu.memref_slice %arg12[%add3A_605, %dma_start3A_612] : memref<10000x128xf32, #tpu.memory_space<vmem_shared>> -> memref<40x128xf32, #tpu.memory_space<vmem_shared>>
    %dma_start3A_614 = tpu.memref_slice %arg13[%dma_start3A_607] : memref<3x!tpu.dma_semaphore, #tpu.memory_space<semaphore_mem>> -> memref<1x!tpu.dma_semaphore, #tpu.memory_space<semaphore_mem>>
    %dma_start3A_615 = tpu.memref_squeeze %dma_start3A_614 : memref<1x!tpu.dma_semaphore, #tpu.memory_space<semaphore_mem>> -> memref<!tpu.dma_semaphore, #tpu.memory_space<semaphore_mem>>
    %dma_start3A_616 = arith.constant 0 : i32
    %dma_start3A_617 = arith.constant 0 : i32
    %dma_start3A_618 = tpu.memref_slice %arg11[%dma_start3A_606, %dma_start3A_616, %dma_start3A_617] : memref<3x40x128xf32, #tpu.memory_space<vmem>> -> memref<1x40x128xf32, #tpu.memory_space<vmem>>
    %dma_start3A_619 = tpu.memref_squeeze %dma_start3A_618 : memref<1x40x128xf32, #tpu.memory_space<vmem>> -> memref<40x128xf32, #tpu.memory_space<vmem>>
    %dma_start3A_620 = arith.constant 0 : i32
    %dma_start3A_621 = tpu.memref_slice %arg12[%add3A_605, %dma_start3A_620] : memref<10000x128xf32, #tpu.memory_space<vmem_shared>> -> memref<40x128xf32, #tpu.memory_space<vmem_shared>>
    tpu.enqueue_dma source(%dma_start3A_621 : memref<40x128xf32, #tpu.memory_space<vmem_shared>>) target(%dma_start3A_619 : memref<40x128xf32, #tpu.memory_space<vmem>>) target_semaphore(%dma_start3A_615 : memref<!tpu.dma_semaphore, #tpu.memory_space<semaphore_mem>>)
    %scan3A_622 = arith.constant 0 : i32
    %scan3A_623 = arith.constant 0 : i32
    %scan3A_624 = arith.constant 15 : i32
    %scan3A_625 = arith.addi %scan3A_623, %scan3A_624 : i32
    %scan3A_626 = arith.constant 1 : i32
    %scan3A_627 = scf.for %scan3A_658 = %scan3A_623 to %scan3A_625 step %scan3A_626 iter_args(%scan3A_659 = %scan3A_622) -> (i32)  : i32 {
      %rem3A = arith.constant 2 : i32
      %rem3A_660 = arith.remsi %scan3A_658, %rem3A : i32
      %sub3A_661 = arith.constant 1 : i32
      %sub3A_662 = arith.subi %sub3A_661, %rem3A_660 : i32
      %gt3A = arith.constant 0 : i32
      %gt3A_663 = arith.cmpi sgt, %scan3A_658, %gt3A : i32
      %convert_element_type3A_664 = arith.extui %gt3A_663 : i1 to i32
      %cond3A_665 = arith.constant 0 : i32
      %cond3A_666 = arith.cmpi ne, %convert_element_type3A_664, %cond3A_665 : i32
      scf.if %cond3A_666 {
        %dma_wait3A_705 = arith.constant 0 : i32
        %dma_wait3A_706 = arith.constant 0 : i32
        %dma_wait3A_707 = tpu.memref_slice %arg11[%sub3A_662, %dma_wait3A_705, %dma_wait3A_706] : memref<3x40x128xf32, #tpu.memory_space<vmem>> -> memref<1x40x128xf32, #tpu.memory_space<vmem>>
        %dma_wait3A_708 = tpu.memref_squeeze %dma_wait3A_707 : memref<1x40x128xf32, #tpu.memory_space<vmem>> -> memref<40x128xf32, #tpu.memory_space<vmem>>
        %dma_wait3A_709 = arith.constant 0 : i32
        %dma_wait3A_710 = tpu.memref_slice %arg7[%arg0, %mul3A_2, %dma_wait3A_709] : memref<2x10000x128xf32, #tpu.memory_space<hbm>> -> memref<1x40x128xf32, #tpu.memory_space<hbm>>
        %dma_wait3A_711 = tpu.memref_squeeze %dma_wait3A_710 : memref<1x40x128xf32, #tpu.memory_space<hbm>> -> memref<40x128xf32, #tpu.memory_space<hbm>>
        %dma_wait3A_712 = tpu.memref_slice %arg14[%sub3A_662] : memref<3x!tpu.dma_semaphore, #tpu.memory_space<semaphore_mem>> -> memref<1x!tpu.dma_semaphore, #tpu.memory_space<semaphore_mem>>
        %dma_wait3A_713 = tpu.memref_squeeze %dma_wait3A_712 : memref<1x!tpu.dma_semaphore, #tpu.memory_space<semaphore_mem>> -> memref<!tpu.dma_semaphore, #tpu.memory_space<semaphore_mem>>
        %dma_wait3A_714 = arith.constant 0 : i32
        %dma_wait3A_715 = tpu.memref_slice %arg7[%arg0, %mul3A_2, %dma_wait3A_714] : memref<2x10000x128xf32, #tpu.memory_space<hbm>> -> memref<1x40x128xf32, #tpu.memory_space<hbm>>
        %dma_wait3A_716 = tpu.memref_squeeze %dma_wait3A_715 : memref<1x40x128xf32, #tpu.memory_space<hbm>> -> memref<40x128xf32, #tpu.memory_space<hbm>>
        %dma_wait3A_717 = arith.constant 0 : i32
        %dma_wait3A_718 = arith.constant 0 : i32
        %dma_wait3A_719 = tpu.memref_slice %arg11[%sub3A_662, %dma_wait3A_717, %dma_wait3A_718] : memref<3x40x128xf32, #tpu.memory_space<vmem>> -> memref<1x40x128xf32, #tpu.memory_space<vmem>>
        %dma_wait3A_720 = tpu.memref_squeeze %dma_wait3A_719 : memref<1x40x128xf32, #tpu.memory_space<vmem>> -> memref<40x128xf32, #tpu.memory_space<vmem>>
        tpu.wait_dma2 semaphore(%dma_wait3A_713 : memref<!tpu.dma_semaphore, #tpu.memory_space<semaphore_mem>>) src(%dma_wait3A_720 : memref<40x128xf32, #tpu.memory_space<vmem>>) dst(%dma_wait3A_716 : memref<40x128xf32, #tpu.memory_space<hbm>>)
      } else {
      }
      %lt3A = arith.constant 14 : i32
      %lt3A_667 = arith.cmpi slt, %scan3A_658, %lt3A : i32
      %convert_element_type3A_668 = arith.extui %lt3A_667 : i1 to i32
      %cond3A_669 = arith.constant 0 : i32
      %cond3A_670 = arith.cmpi ne, %convert_element_type3A_668, %cond3A_669 : i32
      scf.if %cond3A_670 {
        %add3A_705 = arith.constant 1 : i32
        %add3A_706 = arith.addi %scan3A_658, %add3A_705 : i32
        %mul3A_707 = arith.constant 40 : i32
        %mul3A_708 = arith.muli %add3A_706, %mul3A_707 : i32
        %add3A_709 = arith.addi %mul3A_2, %mul3A_708 : i32
        %dma_start3A_710 = arith.constant 0 : i32
        %dma_start3A_711 = arith.constant 0 : i32
        %dma_start3A_712 = tpu.memref_slice %arg11[%sub3A_662, %dma_start3A_710, %dma_start3A_711] : memref<3x40x128xf32, #tpu.memory_space<vmem>> -> memref<1x40x128xf32, #tpu.memory_space<vmem>>
        %dma_start3A_713 = tpu.memref_squeeze %dma_start3A_712 : memref<1x40x128xf32, #tpu.memory_space<vmem>> -> memref<40x128xf32, #tpu.memory_space<vmem>>
        %dma_start3A_714 = arith.constant 0 : i32
        %dma_start3A_715 = tpu.memref_slice %arg12[%add3A_709, %dma_start3A_714] : memref<10000x128xf32, #tpu.memory_space<vmem_shared>> -> memref<40x128xf32, #tpu.memory_space<vmem_shared>>
        %dma_start3A_716 = tpu.memref_slice %arg13[%sub3A_662] : memref<3x!tpu.dma_semaphore, #tpu.memory_space<semaphore_mem>> -> memref<1x!tpu.dma_semaphore, #tpu.memory_space<semaphore_mem>>
        %dma_start3A_717 = tpu.memref_squeeze %dma_start3A_716 : memref<1x!tpu.dma_semaphore, #tpu.memory_space<semaphore_mem>> -> memref<!tpu.dma_semaphore, #tpu.memory_space<semaphore_mem>>
        %dma_start3A_718 = arith.constant 0 : i32
        %dma_start3A_719 = arith.constant 0 : i32
        %dma_start3A_720 = tpu.memref_slice %arg11[%sub3A_662, %dma_start3A_718, %dma_start3A_719] : memref<3x40x128xf32, #tpu.memory_space<vmem>> -> memref<1x40x128xf32, #tpu.memory_space<vmem>>
        %dma_start3A_721 = tpu.memref_squeeze %dma_start3A_720 : memref<1x40x128xf32, #tpu.memory_space<vmem>> -> memref<40x128xf32, #tpu.memory_space<vmem>>
        %dma_start3A_722 = arith.constant 0 : i32
        %dma_start3A_723 = tpu.memref_slice %arg12[%add3A_709, %dma_start3A_722] : memref<10000x128xf32, #tpu.memory_space<vmem_shared>> -> memref<40x128xf32, #tpu.memory_space<vmem_shared>>
        tpu.enqueue_dma source(%dma_start3A_723 : memref<40x128xf32, #tpu.memory_space<vmem_shared>>) target(%dma_start3A_721 : memref<40x128xf32, #tpu.memory_space<vmem>>) target_semaphore(%dma_start3A_717 : memref<!tpu.dma_semaphore, #tpu.memory_space<semaphore_mem>>)
      } else {
      }
      %dma_wait3A_671 = arith.constant 0 : i32
      %dma_wait3A_672 = arith.constant 0 : i32
      %dma_wait3A_673 = tpu.memref_slice %arg11[%rem3A_660, %dma_wait3A_671, %dma_wait3A_672] : memref<3x40x128xf32, #tpu.memory_space<vmem>> -> memref<1x40x128xf32, #tpu.memory_space<vmem>>
      %dma_wait3A_674 = tpu.memref_squeeze %dma_wait3A_673 : memref<1x40x128xf32, #tpu.memory_space<vmem>> -> memref<40x128xf32, #tpu.memory_space<vmem>>
      %dma_wait3A_675 = arith.constant 0 : i32
      %dma_wait3A_676 = tpu.memref_slice %arg12[%mul3A_2, %dma_wait3A_675] : memref<10000x128xf32, #tpu.memory_space<vmem_shared>> -> memref<40x128xf32, #tpu.memory_space<vmem_shared>>
      %dma_wait3A_677 = tpu.memref_slice %arg13[%rem3A_660] : memref<3x!tpu.dma_semaphore, #tpu.memory_space<semaphore_mem>> -> memref<1x!tpu.dma_semaphore, #tpu.memory_space<semaphore_mem>>
      %dma_wait3A_678 = tpu.memref_squeeze %dma_wait3A_677 : memref<1x!tpu.dma_semaphore, #tpu.memory_space<semaphore_mem>> -> memref<!tpu.dma_semaphore, #tpu.memory_space<semaphore_mem>>
      %dma_wait3A_679 = arith.constant 0 : i32
      %dma_wait3A_680 = arith.constant 0 : i32
      %dma_wait3A_681 = tpu.memref_slice %arg11[%rem3A_660, %dma_wait3A_679, %dma_wait3A_680] : memref<3x40x128xf32, #tpu.memory_space<vmem>> -> memref<1x40x128xf32, #tpu.memory_space<vmem>>
      %dma_wait3A_682 = tpu.memref_squeeze %dma_wait3A_681 : memref<1x40x128xf32, #tpu.memory_space<vmem>> -> memref<40x128xf32, #tpu.memory_space<vmem>>
      %dma_wait3A_683 = arith.constant 0 : i32
      %dma_wait3A_684 = tpu.memref_slice %arg12[%mul3A_2, %dma_wait3A_683] : memref<10000x128xf32, #tpu.memory_space<vmem_shared>> -> memref<40x128xf32, #tpu.memory_space<vmem_shared>>
      tpu.wait_dma2 semaphore(%dma_wait3A_678 : memref<!tpu.dma_semaphore, #tpu.memory_space<semaphore_mem>>) src(%dma_wait3A_684 : memref<40x128xf32, #tpu.memory_space<vmem_shared>>) dst(%dma_wait3A_682 : memref<40x128xf32, #tpu.memory_space<vmem>>)
      %mul3A_685 = arith.constant 40 : i32
      %mul3A_686 = arith.muli %scan3A_658, %mul3A_685 : i32
      %add3A_687 = arith.addi %mul3A_2, %mul3A_686 : i32
      %dma_start3A_688 = arith.constant 0 : i32
      %dma_start3A_689 = arith.constant 0 : i32
      %dma_start3A_690 = tpu.memref_slice %arg11[%rem3A_660, %dma_start3A_688, %dma_start3A_689] : memref<3x40x128xf32, #tpu.memory_space<vmem>> -> memref<1x40x128xf32, #tpu.memory_space<vmem>>
      %dma_start3A_691 = tpu.memref_squeeze %dma_start3A_690 : memref<1x40x128xf32, #tpu.memory_space<vmem>> -> memref<40x128xf32, #tpu.memory_space<vmem>>
      %dma_start3A_692 = arith.constant 0 : i32
      %dma_start3A_693 = tpu.memref_slice %arg7[%arg0, %add3A_687, %dma_start3A_692] : memref<2x10000x128xf32, #tpu.memory_space<hbm>> -> memref<1x40x128xf32, #tpu.memory_space<hbm>>
      %dma_start3A_694 = tpu.memref_squeeze %dma_start3A_693 : memref<1x40x128xf32, #tpu.memory_space<hbm>> -> memref<40x128xf32, #tpu.memory_space<hbm>>
      %dma_start3A_695 = tpu.memref_slice %arg14[%rem3A_660] : memref<3x!tpu.dma_semaphore, #tpu.memory_space<semaphore_mem>> -> memref<1x!tpu.dma_semaphore, #tpu.memory_space<semaphore_mem>>
      %dma_start3A_696 = tpu.memref_squeeze %dma_start3A_695 : memref<1x!tpu.dma_semaphore, #tpu.memory_space<semaphore_mem>> -> memref<!tpu.dma_semaphore, #tpu.memory_space<semaphore_mem>>
      %dma_start3A_697 = arith.constant 0 : i32
      %dma_start3A_698 = tpu.memref_slice %arg7[%arg0, %add3A_687, %dma_start3A_697] : memref<2x10000x128xf32, #tpu.memory_space<hbm>> -> memref<1x40x128xf32, #tpu.memory_space<hbm>>
      %dma_start3A_699 = tpu.memref_squeeze %dma_start3A_698 : memref<1x40x128xf32, #tpu.memory_space<hbm>> -> memref<40x128xf32, #tpu.memory_space<hbm>>
      %dma_start3A_700 = arith.constant 0 : i32
      %dma_start3A_701 = arith.constant 0 : i32
      %dma_start3A_702 = tpu.memref_slice %arg11[%rem3A_660, %dma_start3A_700, %dma_start3A_701] : memref<3x40x128xf32, #tpu.memory_space<vmem>> -> memref<1x40x128xf32, #tpu.memory_space<vmem>>
      %dma_start3A_703 = tpu.memref_squeeze %dma_start3A_702 : memref<1x40x128xf32, #tpu.memory_space<vmem>> -> memref<40x128xf32, #tpu.memory_space<vmem>>
      tpu.enqueue_dma source(%dma_start3A_703 : memref<40x128xf32, #tpu.memory_space<vmem>>) target(%dma_start3A_699 : memref<40x128xf32, #tpu.memory_space<hbm>>) target_semaphore(%dma_start3A_696 : memref<!tpu.dma_semaphore, #tpu.memory_space<semaphore_mem>>)
      %scan3A_704 = arith.constant 0 : i32
      scf.yield %scan3A_704 : i32
    }
    %scan3A_628 = arith.constant 15 : i32
    %dma_wait3A_629 = arith.constant 0 : i32
    %dma_wait3A_630 = arith.constant 0 : i32
    %dma_wait3A_631 = arith.constant 0 : i32
    %dma_wait3A_632 = arith.constant 0 : i32
    %dma_wait3A_633 = tpu.memref_slice %arg11[%dma_wait3A_629, %dma_wait3A_631, %dma_wait3A_632] : memref<3x40x128xf32, #tpu.memory_space<vmem>> -> memref<1x40x128xf32, #tpu.memory_space<vmem>>
    %dma_wait3A_634 = tpu.memref_squeeze %dma_wait3A_633 : memref<1x40x128xf32, #tpu.memory_space<vmem>> -> memref<40x128xf32, #tpu.memory_space<vmem>>
    %dma_wait3A_635 = arith.constant 0 : i32
    %dma_wait3A_636 = tpu.memref_slice %arg7[%arg0, %mul3A_2, %dma_wait3A_635] : memref<2x10000x128xf32, #tpu.memory_space<hbm>> -> memref<1x40x128xf32, #tpu.memory_space<hbm>>
    %dma_wait3A_637 = tpu.memref_squeeze %dma_wait3A_636 : memref<1x40x128xf32, #tpu.memory_space<hbm>> -> memref<40x128xf32, #tpu.memory_space<hbm>>
    %dma_wait3A_638 = tpu.memref_slice %arg14[%dma_wait3A_630] : memref<3x!tpu.dma_semaphore, #tpu.memory_space<semaphore_mem>> -> memref<1x!tpu.dma_semaphore, #tpu.memory_space<semaphore_mem>>
    %dma_wait3A_639 = tpu.memref_squeeze %dma_wait3A_638 : memref<1x!tpu.dma_semaphore, #tpu.memory_space<semaphore_mem>> -> memref<!tpu.dma_semaphore, #tpu.memory_space<semaphore_mem>>
    %dma_wait3A_640 = arith.constant 0 : i32
    %dma_wait3A_641 = tpu.memref_slice %arg7[%arg0, %mul3A_2, %dma_wait3A_640] : memref<2x10000x128xf32, #tpu.memory_space<hbm>> -> memref<1x40x128xf32, #tpu.memory_space<hbm>>
    %dma_wait3A_642 = tpu.memref_squeeze %dma_wait3A_641 : memref<1x40x128xf32, #tpu.memory_space<hbm>> -> memref<40x128xf32, #tpu.memory_space<hbm>>
    %dma_wait3A_643 = arith.constant 0 : i32
    %dma_wait3A_644 = arith.constant 0 : i32
    %dma_wait3A_645 = tpu.memref_slice %arg11[%dma_wait3A_629, %dma_wait3A_643, %dma_wait3A_644] : memref<3x40x128xf32, #tpu.memory_space<vmem>> -> memref<1x40x128xf32, #tpu.memory_space<vmem>>
    %dma_wait3A_646 = tpu.memref_squeeze %dma_wait3A_645 : memref<1x40x128xf32, #tpu.memory_space<vmem>> -> memref<40x128xf32, #tpu.memory_space<vmem>>
    tpu.wait_dma2 semaphore(%dma_wait3A_639 : memref<!tpu.dma_semaphore, #tpu.memory_space<semaphore_mem>>) src(%dma_wait3A_646 : memref<40x128xf32, #tpu.memory_space<vmem>>) dst(%dma_wait3A_642 : memref<40x128xf32, #tpu.memory_space<hbm>>)
    %add3A_647 = arith.constant 624 : i32
    %add3A_648 = arith.addi %mul3A_2, %add3A_647 : i32
    %sub3A_649 = arith.constant 24 : i32
    %sub3A_650 = arith.subi %add3A_648, %sub3A_649 : i32
    %run_scoped3A_651 = arith.constant 0 : i32
    "tpu.region"() ({
      %run_scoped3A_658 = tpu.sem_alloc : memref<!tpu.dma_semaphore, #tpu.memory_space<semaphore_mem>>
      %dma_start3A_659 = arith.constant 0 : i32
      %dma_start3A_660 = arith.constant 0 : i32
      %dma_start3A_661 = tpu.memref_slice %arg11[%run_scoped3A_651, %dma_start3A_659, %dma_start3A_660] : memref<3x40x128xf32, #tpu.memory_space<vmem>> -> memref<1x24x128xf32, #tpu.memory_space<vmem>>
      %dma_start3A_662 = tpu.memref_squeeze %dma_start3A_661 : memref<1x24x128xf32, #tpu.memory_space<vmem>> -> memref<24x128xf32, #tpu.memory_space<vmem>>
      %dma_start3A_663 = arith.constant 0 : i32
      %dma_start3A_664 = tpu.memref_slice %arg12[%sub3A_650, %dma_start3A_663] : memref<10000x128xf32, #tpu.memory_space<vmem_shared>> -> memref<24x128xf32, #tpu.memory_space<vmem_shared>>
      %dma_start3A_665 = arith.constant 0 : i32
      %dma_start3A_666 = arith.constant 0 : i32
      %dma_start3A_667 = tpu.memref_slice %arg11[%run_scoped3A_651, %dma_start3A_665, %dma_start3A_666] : memref<3x40x128xf32, #tpu.memory_space<vmem>> -> memref<1x24x128xf32, #tpu.memory_space<vmem>>
      %dma_start3A_668 = tpu.memref_squeeze %dma_start3A_667 : memref<1x24x128xf32, #tpu.memory_space<vmem>> -> memref<24x128xf32, #tpu.memory_space<vmem>>
      %dma_start3A_669 = arith.constant 0 : i32
      %dma_start3A_670 = tpu.memref_slice %arg12[%sub3A_650, %dma_start3A_669] : memref<10000x128xf32, #tpu.memory_space<vmem_shared>> -> memref<24x128xf32, #tpu.memory_space<vmem_shared>>
      tpu.enqueue_dma source(%dma_start3A_670 : memref<24x128xf32, #tpu.memory_space<vmem_shared>>) target(%dma_start3A_668 : memref<24x128xf32, #tpu.memory_space<vmem>>) target_semaphore(%run_scoped3A_658 : memref<!tpu.dma_semaphore, #tpu.memory_space<semaphore_mem>>)
      %dma_wait3A_671 = arith.constant 0 : i32
      %dma_wait3A_672 = arith.constant 0 : i32
      %dma_wait3A_673 = tpu.memref_slice %arg11[%run_scoped3A_651, %dma_wait3A_671, %dma_wait3A_672] : memref<3x40x128xf32, #tpu.memory_space<vmem>> -> memref<1x24x128xf32, #tpu.memory_space<vmem>>
      %dma_wait3A_674 = tpu.memref_squeeze %dma_wait3A_673 : memref<1x24x128xf32, #tpu.memory_space<vmem>> -> memref<24x128xf32, #tpu.memory_space<vmem>>
      %dma_wait3A_675 = arith.constant 0 : i32
      %dma_wait3A_676 = tpu.memref_slice %arg12[%sub3A_650, %dma_wait3A_675] : memref<10000x128xf32, #tpu.memory_space<vmem_shared>> -> memref<24x128xf32, #tpu.memory_space<vmem_shared>>
      %dma_wait3A_677 = arith.constant 0 : i32
      %dma_wait3A_678 = arith.constant 0 : i32
      %dma_wait3A_679 = tpu.memref_slice %arg11[%run_scoped3A_651, %dma_wait3A_677, %dma_wait3A_678] : memref<3x40x128xf32, #tpu.memory_space<vmem>> -> memref<1x24x128xf32, #tpu.memory_space<vmem>>
      %dma_wait3A_680 = tpu.memref_squeeze %dma_wait3A_679 : memref<1x24x128xf32, #tpu.memory_space<vmem>> -> memref<24x128xf32, #tpu.memory_space<vmem>>
      %dma_wait3A_681 = arith.constant 0 : i32
      %dma_wait3A_682 = tpu.memref_slice %arg12[%sub3A_650, %dma_wait3A_681] : memref<10000x128xf32, #tpu.memory_space<vmem_shared>> -> memref<24x128xf32, #tpu.memory_space<vmem_shared>>
      tpu.wait_dma2 semaphore(%run_scoped3A_658 : memref<!tpu.dma_semaphore, #tpu.memory_space<semaphore_mem>>) src(%dma_wait3A_682 : memref<24x128xf32, #tpu.memory_space<vmem_shared>>) dst(%dma_wait3A_680 : memref<24x128xf32, #tpu.memory_space<vmem>>)
      tpu.yield
    }) : () -> ()
    %run_scoped3A_652 = arith.constant 0 : i32
    "tpu.region"() ({
      %run_scoped3A_658 = tpu.sem_alloc : memref<!tpu.dma_semaphore, #tpu.memory_space<semaphore_mem>>
      %dma_start3A_659 = arith.constant 0 : i32
      %dma_start3A_660 = arith.constant 0 : i32
      %dma_start3A_661 = tpu.memref_slice %arg11[%run_scoped3A_652, %dma_start3A_659, %dma_start3A_660] : memref<3x40x128xf32, #tpu.memory_space<vmem>> -> memref<1x24x128xf32, #tpu.memory_space<vmem>>
      %dma_start3A_662 = tpu.memref_squeeze %dma_start3A_661 : memref<1x24x128xf32, #tpu.memory_space<vmem>> -> memref<24x128xf32, #tpu.memory_space<vmem>>
      %dma_start3A_663 = arith.constant 0 : i32
      %dma_start3A_664 = tpu.memref_slice %arg7[%arg0, %sub3A_650, %dma_start3A_663] : memref<2x10000x128xf32, #tpu.memory_space<hbm>> -> memref<1x24x128xf32, #tpu.memory_space<hbm>>
      %dma_start3A_665 = tpu.memref_squeeze %dma_start3A_664 : memref<1x24x128xf32, #tpu.memory_space<hbm>> -> memref<24x128xf32, #tpu.memory_space<hbm>>
      %dma_start3A_666 = arith.constant 0 : i32
      %dma_start3A_667 = tpu.memref_slice %arg7[%arg0, %sub3A_650, %dma_start3A_666] : memref<2x10000x128xf32, #tpu.memory_space<hbm>> -> memref<1x24x128xf32, #tpu.memory_space<hbm>>
      %dma_start3A_668 = tpu.memref_squeeze %dma_start3A_667 : memref<1x24x128xf32, #tpu.memory_space<hbm>> -> memref<24x128xf32, #tpu.memory_space<hbm>>
      %dma_start3A_669 = arith.constant 0 : i32
      %dma_start3A_670 = arith.constant 0 : i32
      %dma_start3A_671 = tpu.memref_slice %arg11[%run_scoped3A_652, %dma_start3A_669, %dma_start3A_670] : memref<3x40x128xf32, #tpu.memory_space<vmem>> -> memref<1x24x128xf32, #tpu.memory_space<vmem>>
      %dma_start3A_672 = tpu.memref_squeeze %dma_start3A_671 : memref<1x24x128xf32, #tpu.memory_space<vmem>> -> memref<24x128xf32, #tpu.memory_space<vmem>>
      tpu.enqueue_dma source(%dma_start3A_672 : memref<24x128xf32, #tpu.memory_space<vmem>>) target(%dma_start3A_668 : memref<24x128xf32, #tpu.memory_space<hbm>>) target_semaphore(%run_scoped3A_658 : memref<!tpu.dma_semaphore, #tpu.memory_space<semaphore_mem>>)
      %dma_wait3A_673 = arith.constant 0 : i32
      %dma_wait3A_674 = arith.constant 0 : i32
      %dma_wait3A_675 = tpu.memref_slice %arg11[%run_scoped3A_652, %dma_wait3A_673, %dma_wait3A_674] : memref<3x40x128xf32, #tpu.memory_space<vmem>> -> memref<1x24x128xf32, #tpu.memory_space<vmem>>
      %dma_wait3A_676 = tpu.memref_squeeze %dma_wait3A_675 : memref<1x24x128xf32, #tpu.memory_space<vmem>> -> memref<24x128xf32, #tpu.memory_space<vmem>>
      %dma_wait3A_677 = arith.constant 0 : i32
      %dma_wait3A_678 = tpu.memref_slice %arg7[%arg0, %sub3A_650, %dma_wait3A_677] : memref<2x10000x128xf32, #tpu.memory_space<hbm>> -> memref<1x24x128xf32, #tpu.memory_space<hbm>>
      %dma_wait3A_679 = tpu.memref_squeeze %dma_wait3A_678 : memref<1x24x128xf32, #tpu.memory_space<hbm>> -> memref<24x128xf32, #tpu.memory_space<hbm>>
      %dma_wait3A_680 = arith.constant 0 : i32
      %dma_wait3A_681 = tpu.memref_slice %arg7[%arg0, %sub3A_650, %dma_wait3A_680] : memref<2x10000x128xf32, #tpu.memory_space<hbm>> -> memref<1x24x128xf32, #tpu.memory_space<hbm>>
      %dma_wait3A_682 = tpu.memref_squeeze %dma_wait3A_681 : memref<1x24x128xf32, #tpu.memory_space<hbm>> -> memref<24x128xf32, #tpu.memory_space<hbm>>
      %dma_wait3A_683 = arith.constant 0 : i32
      %dma_wait3A_684 = arith.constant 0 : i32
      %dma_wait3A_685 = tpu.memref_slice %arg11[%run_scoped3A_652, %dma_wait3A_683, %dma_wait3A_684] : memref<3x40x128xf32, #tpu.memory_space<vmem>> -> memref<1x24x128xf32, #tpu.memory_space<vmem>>
      %dma_wait3A_686 = tpu.memref_squeeze %dma_wait3A_685 : memref<1x24x128xf32, #tpu.memory_space<vmem>> -> memref<24x128xf32, #tpu.memory_space<vmem>>
      tpu.wait_dma2 semaphore(%run_scoped3A_658 : memref<!tpu.dma_semaphore, #tpu.memory_space<semaphore_mem>>) src(%dma_wait3A_686 : memref<24x128xf32, #tpu.memory_space<vmem>>) dst(%dma_wait3A_682 : memref<24x128xf32, #tpu.memory_space<hbm>>)
      tpu.yield
    }) : () -> ()
    %eq3A_653 = arith.constant 15 : i32
    %eq3A_654 = arith.cmpi eq, %arg1, %eq3A_653 : i32
    %convert_element_type3A_655 = arith.extui %eq3A_654 : i1 to i32
    %cond3A_656 = arith.constant 0 : i32
    %cond3A_657 = arith.cmpi ne, %convert_element_type3A_655, %cond3A_656 : i32
    scf.if %cond3A_657 {
      %run_scoped3A_658 = arith.constant 1 : i32
      "tpu.region"() ({
        %run_scoped3A_660 = tpu.sem_alloc : memref<!tpu.dma_semaphore, #tpu.memory_space<semaphore_mem>>
        %dma_start3A_661 = arith.constant 0 : i32
        %dma_start3A_662 = arith.constant 0 : i32
        %dma_start3A_663 = tpu.memref_slice %arg11[%run_scoped3A_658, %dma_start3A_661, %dma_start3A_662] : memref<3x40x128xf32, #tpu.memory_space<vmem>> -> memref<1x16x128xf32, #tpu.memory_space<vmem>>
        %dma_start3A_664 = tpu.memref_squeeze %dma_start3A_663 : memref<1x16x128xf32, #tpu.memory_space<vmem>> -> memref<16x128xf32, #tpu.memory_space<vmem>>
        %dma_start3A_665 = arith.constant 9984 : i32
        %dma_start3A_666 = arith.constant 0 : i32
        %dma_start3A_667 = tpu.memref_slice %arg12[%dma_start3A_665, %dma_start3A_666] : memref<10000x128xf32, #tpu.memory_space<vmem_shared>> -> memref<16x128xf32, #tpu.memory_space<vmem_shared>>
        %dma_start3A_668 = arith.constant 0 : i32
        %dma_start3A_669 = arith.constant 0 : i32
        %dma_start3A_670 = tpu.memref_slice %arg11[%run_scoped3A_658, %dma_start3A_668, %dma_start3A_669] : memref<3x40x128xf32, #tpu.memory_space<vmem>> -> memref<1x16x128xf32, #tpu.memory_space<vmem>>
        %dma_start3A_671 = tpu.memref_squeeze %dma_start3A_670 : memref<1x16x128xf32, #tpu.memory_space<vmem>> -> memref<16x128xf32, #tpu.memory_space<vmem>>
        %dma_start3A_672 = arith.constant 9984 : i32
        %dma_start3A_673 = arith.constant 0 : i32
        %dma_start3A_674 = tpu.memref_slice %arg12[%dma_start3A_672, %dma_start3A_673] : memref<10000x128xf32, #tpu.memory_space<vmem_shared>> -> memref<16x128xf32, #tpu.memory_space<vmem_shared>>
        tpu.enqueue_dma source(%dma_start3A_674 : memref<16x128xf32, #tpu.memory_space<vmem_shared>>) target(%dma_start3A_671 : memref<16x128xf32, #tpu.memory_space<vmem>>) target_semaphore(%run_scoped3A_660 : memref<!tpu.dma_semaphore, #tpu.memory_space<semaphore_mem>>)
        %dma_wait3A_675 = arith.constant 0 : i32
        %dma_wait3A_676 = arith.constant 0 : i32
        %dma_wait3A_677 = tpu.memref_slice %arg11[%run_scoped3A_658, %dma_wait3A_675, %dma_wait3A_676] : memref<3x40x128xf32, #tpu.memory_space<vmem>> -> memref<1x16x128xf32, #tpu.memory_space<vmem>>
        %dma_wait3A_678 = tpu.memref_squeeze %dma_wait3A_677 : memref<1x16x128xf32, #tpu.memory_space<vmem>> -> memref<16x128xf32, #tpu.memory_space<vmem>>
        %dma_wait3A_679 = arith.constant 9984 : i32
        %dma_wait3A_680 = arith.constant 0 : i32
        %dma_wait3A_681 = tpu.memref_slice %arg12[%dma_wait3A_679, %dma_wait3A_680] : memref<10000x128xf32, #tpu.memory_space<vmem_shared>> -> memref<16x128xf32, #tpu.memory_space<vmem_shared>>
        %dma_wait3A_682 = arith.constant 0 : i32
        %dma_wait3A_683 = arith.constant 0 : i32
        %dma_wait3A_684 = tpu.memref_slice %arg11[%run_scoped3A_658, %dma_wait3A_682, %dma_wait3A_683] : memref<3x40x128xf32, #tpu.memory_space<vmem>> -> memref<1x16x128xf32, #tpu.memory_space<vmem>>
        %dma_wait3A_685 = tpu.memref_squeeze %dma_wait3A_684 : memref<1x16x128xf32, #tpu.memory_space<vmem>> -> memref<16x128xf32, #tpu.memory_space<vmem>>
        %dma_wait3A_686 = arith.constant 9984 : i32
        %dma_wait3A_687 = arith.constant 0 : i32
        %dma_wait3A_688 = tpu.memref_slice %arg12[%dma_wait3A_686, %dma_wait3A_687] : memref<10000x128xf32, #tpu.memory_space<vmem_shared>> -> memref<16x128xf32, #tpu.memory_space<vmem_shared>>
        tpu.wait_dma2 semaphore(%run_scoped3A_660 : memref<!tpu.dma_semaphore, #tpu.memory_space<semaphore_mem>>) src(%dma_wait3A_688 : memref<16x128xf32, #tpu.memory_space<vmem_shared>>) dst(%dma_wait3A_685 : memref<16x128xf32, #tpu.memory_space<vmem>>)
        tpu.yield
      }) : () -> ()
      %run_scoped3A_659 = arith.constant 1 : i32
      "tpu.region"() ({
        %run_scoped3A_660 = tpu.sem_alloc : memref<!tpu.dma_semaphore, #tpu.memory_space<semaphore_mem>>
        %dma_start3A_661 = arith.constant 0 : i32
        %dma_start3A_662 = arith.constant 0 : i32
        %dma_start3A_663 = tpu.memref_slice %arg11[%run_scoped3A_659, %dma_start3A_661, %dma_start3A_662] : memref<3x40x128xf32, #tpu.memory_space<vmem>> -> memref<1x16x128xf32, #tpu.memory_space<vmem>>
        %dma_start3A_664 = tpu.memref_squeeze %dma_start3A_663 : memref<1x16x128xf32, #tpu.memory_space<vmem>> -> memref<16x128xf32, #tpu.memory_space<vmem>>
        %dma_start3A_665 = arith.constant 9984 : i32
        %dma_start3A_666 = arith.constant 0 : i32
        %dma_start3A_667 = tpu.memref_slice %arg7[%arg0, %dma_start3A_665, %dma_start3A_666] : memref<2x10000x128xf32, #tpu.memory_space<hbm>> -> memref<1x16x128xf32, #tpu.memory_space<hbm>>
        %dma_start3A_668 = tpu.memref_squeeze %dma_start3A_667 : memref<1x16x128xf32, #tpu.memory_space<hbm>> -> memref<16x128xf32, #tpu.memory_space<hbm>>
        %dma_start3A_669 = arith.constant 9984 : i32
        %dma_start3A_670 = arith.constant 0 : i32
        %dma_start3A_671 = tpu.memref_slice %arg7[%arg0, %dma_start3A_669, %dma_start3A_670] : memref<2x10000x128xf32, #tpu.memory_space<hbm>> -> memref<1x16x128xf32, #tpu.memory_space<hbm>>
        %dma_start3A_672 = tpu.memref_squeeze %dma_start3A_671 : memref<1x16x128xf32, #tpu.memory_space<hbm>> -> memref<16x128xf32, #tpu.memory_space<hbm>>
        %dma_start3A_673 = arith.constant 0 : i32
        %dma_start3A_674 = arith.constant 0 : i32
        %dma_start3A_675 = tpu.memref_slice %arg11[%run_scoped3A_659, %dma_start3A_673, %dma_start3A_674] : memref<3x40x128xf32, #tpu.memory_space<vmem>> -> memref<1x16x128xf32, #tpu.memory_space<vmem>>
        %dma_start3A_676 = tpu.memref_squeeze %dma_start3A_675 : memref<1x16x128xf32, #tpu.memory_space<vmem>> -> memref<16x128xf32, #tpu.memory_space<vmem>>
        tpu.enqueue_dma source(%dma_start3A_676 : memref<16x128xf32, #tpu.memory_space<vmem>>) target(%dma_start3A_672 : memref<16x128xf32, #tpu.memory_space<hbm>>) target_semaphore(%run_scoped3A_660 : memref<!tpu.dma_semaphore, #tpu.memory_space<semaphore_mem>>)
        %dma_wait3A_677 = arith.constant 0 : i32
        %dma_wait3A_678 = arith.constant 0 : i32
        %dma_wait3A_679 = tpu.memref_slice %arg11[%run_scoped3A_659, %dma_wait3A_677, %dma_wait3A_678] : memref<3x40x128xf32, #tpu.memory_space<vmem>> -> memref<1x16x128xf32, #tpu.memory_space<vmem>>
        %dma_wait3A_680 = tpu.memref_squeeze %dma_wait3A_679 : memref<1x16x128xf32, #tpu.memory_space<vmem>> -> memref<16x128xf32, #tpu.memory_space<vmem>>
        %dma_wait3A_681 = arith.constant 9984 : i32
        %dma_wait3A_682 = arith.constant 0 : i32
        %dma_wait3A_683 = tpu.memref_slice %arg7[%arg0, %dma_wait3A_681, %dma_wait3A_682] : memref<2x10000x128xf32, #tpu.memory_space<hbm>> -> memref<1x16x128xf32, #tpu.memory_space<hbm>>
        %dma_wait3A_684 = tpu.memref_squeeze %dma_wait3A_683 : memref<1x16x128xf32, #tpu.memory_space<hbm>> -> memref<16x128xf32, #tpu.memory_space<hbm>>
        %dma_wait3A_685 = arith.constant 9984 : i32
        %dma_wait3A_686 = arith.constant 0 : i32
        %dma_wait3A_687 = tpu.memref_slice %arg7[%arg0, %dma_wait3A_685, %dma_wait3A_686] : memref<2x10000x128xf32, #tpu.memory_space<hbm>> -> memref<1x16x128xf32, #tpu.memory_space<hbm>>
        %dma_wait3A_688 = tpu.memref_squeeze %dma_wait3A_687 : memref<1x16x128xf32, #tpu.memory_space<hbm>> -> memref<16x128xf32, #tpu.memory_space<hbm>>
        %dma_wait3A_689 = arith.constant 0 : i32
        %dma_wait3A_690 = arith.constant 0 : i32
        %dma_wait3A_691 = tpu.memref_slice %arg11[%run_scoped3A_659, %dma_wait3A_689, %dma_wait3A_690] : memref<3x40x128xf32, #tpu.memory_space<vmem>> -> memref<1x16x128xf32, #tpu.memory_space<vmem>>
        %dma_wait3A_692 = tpu.memref_squeeze %dma_wait3A_691 : memref<1x16x128xf32, #tpu.memory_space<vmem>> -> memref<16x128xf32, #tpu.memory_space<vmem>>
        tpu.wait_dma2 semaphore(%run_scoped3A_660 : memref<!tpu.dma_semaphore, #tpu.memory_space<semaphore_mem>>) src(%dma_wait3A_692 : memref<16x128xf32, #tpu.memory_space<vmem>>) dst(%dma_wait3A_688 : memref<16x128xf32, #tpu.memory_space<hbm>>)
        tpu.yield
      }) : () -> ()
    } else {
    }
    return
  }
}

module attributes {stable_mosaic.version = 14 : i64} {
  func.func @_tp1_body(%arg0: i32, %arg1: memref<2000x128xf32, #tpu.memory_space<vmem>>, %arg2: memref<2000x8xf32, #tpu.memory_space<vmem>>, %arg3: memref<8x128x256xf32, #tpu.memory_space<vmem>>, %arg4: memref<2000x128xf32, #tpu.memory_space<vmem>>, %arg5: memref<2000x128xf32, #tpu.memory_space<vmem>>) attributes {dimension_semantics = [#tpu.dimension_semantics<arbitrary>], iteration_bounds = array<i64: 5>, scalar_prefetch = 0 : i64, scratch_operands = 0 : i64, tpu.core_type = #tpu.core_type<tc>, window_params = [{transform_indices = @transform_0, window_bounds = array<i64: 2000, 128>}, {transform_indices = @transform_1, window_bounds = array<i64: 2000, 8>}, {pipeline_mode = #tpu.pipeline_mode<synchronous>, transform_indices = @transform_2, window_bounds = array<i64: 8, 128, 256>}, {transform_indices = @transform_3, window_bounds = array<i64: 2000, 128>}, {transform_indices = @transform_4, window_bounds = array<i64: 2000, 128>}]} {
    %get3A = arith.constant 0 : index
    %get3A_0 = arith.constant 0 : index
    %get3A_1 = vector.load %arg1[%get3A, %get3A_0] : memref<2000x128xf32, #tpu.memory_space<vmem>>, vector<2000x128xf32>
    %broadcast_in_dim3A = arith.constant 0.000000e+00 : f32
    %broadcast_in_dim3A_2 = vector.broadcast %broadcast_in_dim3A : f32 to vector<2000x256xf32>
    %get3A_3 = arith.constant 0 : index
    %get3A_4 = arith.constant 0 : index
    %get3A_5 = vector.load %arg2[%get3A_3, %get3A_4] : memref<2000x8xf32, #tpu.memory_space<vmem>>, vector<2000x1xf32>
    %mul3A = vector.broadcast %get3A_5 : vector<2000x1xf32> to vector<2000x128xf32>
    %mul3A_6 = arith.mulf %get3A_1, %mul3A : vector<2000x128xf32>
    %get3A_7 = arith.constant 0 : index
    %get3A_8 = arith.constant 0 : index
    %get3A_9 = arith.constant 0 : index
    %get3A_10 = vector.load %arg3[%get3A_7, %get3A_8, %get3A_9] : memref<8x128x256xf32, #tpu.memory_space<vmem>>, vector<1x128x256xf32>
    %get3A_11 = vector.shape_cast %get3A_10 : vector<1x128x256xf32> to vector<128x256xf32>
    %dot_general3A = arith.constant dense<0.000000e+00> : vector<2000x256xf32>
    %dot_general3A_12 = tpu.matmul %mul3A_6, %get3A_11, %dot_general3A {dimension_numbers = #tpu.dot_dimension_numbers<[1], [0], [0], [1], [0, 0, 1, 1], [], []>, transpose_lhs_hint = false} : vector<2000x128xf32>, vector<128x256xf32>, vector<2000x256xf32> -> vector<2000x256xf32>
    %add3A = arith.addf %broadcast_in_dim3A_2, %dot_general3A_12 : vector<2000x256xf32>
    %get3A_13 = arith.constant 0 : index
    %get3A_14 = arith.constant 1 : index
    %get3A_15 = vector.load %arg2[%get3A_13, %get3A_14] : memref<2000x8xf32, #tpu.memory_space<vmem>>, vector<2000x1xf32>
    %mul3A_16 = vector.broadcast %get3A_15 : vector<2000x1xf32> to vector<2000x128xf32>
    %mul3A_17 = arith.mulf %get3A_1, %mul3A_16 : vector<2000x128xf32>
    %get3A_18 = arith.constant 1 : index
    %get3A_19 = arith.constant 0 : index
    %get3A_20 = arith.constant 0 : index
    %get3A_21 = vector.load %arg3[%get3A_18, %get3A_19, %get3A_20] : memref<8x128x256xf32, #tpu.memory_space<vmem>>, vector<1x128x256xf32>
    %get3A_22 = vector.shape_cast %get3A_21 : vector<1x128x256xf32> to vector<128x256xf32>
    %dot_general3A_23 = arith.constant dense<0.000000e+00> : vector<2000x256xf32>
    %dot_general3A_24 = tpu.matmul %mul3A_17, %get3A_22, %dot_general3A_23 {dimension_numbers = #tpu.dot_dimension_numbers<[1], [0], [0], [1], [0, 0, 1, 1], [], []>, transpose_lhs_hint = false} : vector<2000x128xf32>, vector<128x256xf32>, vector<2000x256xf32> -> vector<2000x256xf32>
    %add3A_25 = arith.addf %add3A, %dot_general3A_24 : vector<2000x256xf32>
    %get3A_26 = arith.constant 0 : index
    %get3A_27 = arith.constant 2 : index
    %get3A_28 = vector.load %arg2[%get3A_26, %get3A_27] : memref<2000x8xf32, #tpu.memory_space<vmem>>, vector<2000x1xf32>
    %mul3A_29 = vector.broadcast %get3A_28 : vector<2000x1xf32> to vector<2000x128xf32>
    %mul3A_30 = arith.mulf %get3A_1, %mul3A_29 : vector<2000x128xf32>
    %get3A_31 = arith.constant 2 : index
    %get3A_32 = arith.constant 0 : index
    %get3A_33 = arith.constant 0 : index
    %get3A_34 = vector.load %arg3[%get3A_31, %get3A_32, %get3A_33] : memref<8x128x256xf32, #tpu.memory_space<vmem>>, vector<1x128x256xf32>
    %get3A_35 = vector.shape_cast %get3A_34 : vector<1x128x256xf32> to vector<128x256xf32>
    %dot_general3A_36 = arith.constant dense<0.000000e+00> : vector<2000x256xf32>
    %dot_general3A_37 = tpu.matmul %mul3A_30, %get3A_35, %dot_general3A_36 {dimension_numbers = #tpu.dot_dimension_numbers<[1], [0], [0], [1], [0, 0, 1, 1], [], []>, transpose_lhs_hint = false} : vector<2000x128xf32>, vector<128x256xf32>, vector<2000x256xf32> -> vector<2000x256xf32>
    %add3A_38 = arith.addf %add3A_25, %dot_general3A_37 : vector<2000x256xf32>
    %get3A_39 = arith.constant 0 : index
    %get3A_40 = arith.constant 3 : index
    %get3A_41 = vector.load %arg2[%get3A_39, %get3A_40] : memref<2000x8xf32, #tpu.memory_space<vmem>>, vector<2000x1xf32>
    %mul3A_42 = vector.broadcast %get3A_41 : vector<2000x1xf32> to vector<2000x128xf32>
    %mul3A_43 = arith.mulf %get3A_1, %mul3A_42 : vector<2000x128xf32>
    %get3A_44 = arith.constant 3 : index
    %get3A_45 = arith.constant 0 : index
    %get3A_46 = arith.constant 0 : index
    %get3A_47 = vector.load %arg3[%get3A_44, %get3A_45, %get3A_46] : memref<8x128x256xf32, #tpu.memory_space<vmem>>, vector<1x128x256xf32>
    %get3A_48 = vector.shape_cast %get3A_47 : vector<1x128x256xf32> to vector<128x256xf32>
    %dot_general3A_49 = arith.constant dense<0.000000e+00> : vector<2000x256xf32>
    %dot_general3A_50 = tpu.matmul %mul3A_43, %get3A_48, %dot_general3A_49 {dimension_numbers = #tpu.dot_dimension_numbers<[1], [0], [0], [1], [0, 0, 1, 1], [], []>, transpose_lhs_hint = false} : vector<2000x128xf32>, vector<128x256xf32>, vector<2000x256xf32> -> vector<2000x256xf32>
    %add3A_51 = arith.addf %add3A_38, %dot_general3A_50 : vector<2000x256xf32>
    %get3A_52 = arith.constant 0 : index
    %get3A_53 = arith.constant 4 : index
    %get3A_54 = vector.load %arg2[%get3A_52, %get3A_53] : memref<2000x8xf32, #tpu.memory_space<vmem>>, vector<2000x1xf32>
    %mul3A_55 = vector.broadcast %get3A_54 : vector<2000x1xf32> to vector<2000x128xf32>
    %mul3A_56 = arith.mulf %get3A_1, %mul3A_55 : vector<2000x128xf32>
    %get3A_57 = arith.constant 4 : index
    %get3A_58 = arith.constant 0 : index
    %get3A_59 = arith.constant 0 : index
    %get3A_60 = vector.load %arg3[%get3A_57, %get3A_58, %get3A_59] : memref<8x128x256xf32, #tpu.memory_space<vmem>>, vector<1x128x256xf32>
    %get3A_61 = vector.shape_cast %get3A_60 : vector<1x128x256xf32> to vector<128x256xf32>
    %dot_general3A_62 = arith.constant dense<0.000000e+00> : vector<2000x256xf32>
    %dot_general3A_63 = tpu.matmul %mul3A_56, %get3A_61, %dot_general3A_62 {dimension_numbers = #tpu.dot_dimension_numbers<[1], [0], [0], [1], [0, 0, 1, 1], [], []>, transpose_lhs_hint = false} : vector<2000x128xf32>, vector<128x256xf32>, vector<2000x256xf32> -> vector<2000x256xf32>
    %add3A_64 = arith.addf %add3A_51, %dot_general3A_63 : vector<2000x256xf32>
    %get3A_65 = arith.constant 0 : index
    %get3A_66 = arith.constant 5 : index
    %get3A_67 = vector.load %arg2[%get3A_65, %get3A_66] : memref<2000x8xf32, #tpu.memory_space<vmem>>, vector<2000x1xf32>
    %mul3A_68 = vector.broadcast %get3A_67 : vector<2000x1xf32> to vector<2000x128xf32>
    %mul3A_69 = arith.mulf %get3A_1, %mul3A_68 : vector<2000x128xf32>
    %get3A_70 = arith.constant 5 : index
    %get3A_71 = arith.constant 0 : index
    %get3A_72 = arith.constant 0 : index
    %get3A_73 = vector.load %arg3[%get3A_70, %get3A_71, %get3A_72] : memref<8x128x256xf32, #tpu.memory_space<vmem>>, vector<1x128x256xf32>
    %get3A_74 = vector.shape_cast %get3A_73 : vector<1x128x256xf32> to vector<128x256xf32>
    %dot_general3A_75 = arith.constant dense<0.000000e+00> : vector<2000x256xf32>
    %dot_general3A_76 = tpu.matmul %mul3A_69, %get3A_74, %dot_general3A_75 {dimension_numbers = #tpu.dot_dimension_numbers<[1], [0], [0], [1], [0, 0, 1, 1], [], []>, transpose_lhs_hint = false} : vector<2000x128xf32>, vector<128x256xf32>, vector<2000x256xf32> -> vector<2000x256xf32>
    %add3A_77 = arith.addf %add3A_64, %dot_general3A_76 : vector<2000x256xf32>
    %get3A_78 = arith.constant 0 : index
    %get3A_79 = arith.constant 6 : index
    %get3A_80 = vector.load %arg2[%get3A_78, %get3A_79] : memref<2000x8xf32, #tpu.memory_space<vmem>>, vector<2000x1xf32>
    %mul3A_81 = vector.broadcast %get3A_80 : vector<2000x1xf32> to vector<2000x128xf32>
    %mul3A_82 = arith.mulf %get3A_1, %mul3A_81 : vector<2000x128xf32>
    %get3A_83 = arith.constant 6 : index
    %get3A_84 = arith.constant 0 : index
    %get3A_85 = arith.constant 0 : index
    %get3A_86 = vector.load %arg3[%get3A_83, %get3A_84, %get3A_85] : memref<8x128x256xf32, #tpu.memory_space<vmem>>, vector<1x128x256xf32>
    %get3A_87 = vector.shape_cast %get3A_86 : vector<1x128x256xf32> to vector<128x256xf32>
    %dot_general3A_88 = arith.constant dense<0.000000e+00> : vector<2000x256xf32>
    %dot_general3A_89 = tpu.matmul %mul3A_82, %get3A_87, %dot_general3A_88 {dimension_numbers = #tpu.dot_dimension_numbers<[1], [0], [0], [1], [0, 0, 1, 1], [], []>, transpose_lhs_hint = false} : vector<2000x128xf32>, vector<128x256xf32>, vector<2000x256xf32> -> vector<2000x256xf32>
    %add3A_90 = arith.addf %add3A_77, %dot_general3A_89 : vector<2000x256xf32>
    %get3A_91 = arith.constant 0 : index
    %get3A_92 = arith.constant 7 : index
    %get3A_93 = vector.load %arg2[%get3A_91, %get3A_92] : memref<2000x8xf32, #tpu.memory_space<vmem>>, vector<2000x1xf32>
    %mul3A_94 = vector.broadcast %get3A_93 : vector<2000x1xf32> to vector<2000x128xf32>
    %mul3A_95 = arith.mulf %get3A_1, %mul3A_94 : vector<2000x128xf32>
    %get3A_96 = arith.constant 7 : index
    %get3A_97 = arith.constant 0 : index
    %get3A_98 = arith.constant 0 : index
    %get3A_99 = vector.load %arg3[%get3A_96, %get3A_97, %get3A_98] : memref<8x128x256xf32, #tpu.memory_space<vmem>>, vector<1x128x256xf32>
    %get3A_100 = vector.shape_cast %get3A_99 : vector<1x128x256xf32> to vector<128x256xf32>
    %dot_general3A_101 = arith.constant dense<0.000000e+00> : vector<2000x256xf32>
    %dot_general3A_102 = tpu.matmul %mul3A_95, %get3A_100, %dot_general3A_101 {dimension_numbers = #tpu.dot_dimension_numbers<[1], [0], [0], [1], [0, 0, 1, 1], [], []>, transpose_lhs_hint = false} : vector<2000x128xf32>, vector<128x256xf32>, vector<2000x256xf32> -> vector<2000x256xf32>
    %add3A_103 = arith.addf %add3A_90, %dot_general3A_102 : vector<2000x256xf32>
    %mul3A_104 = arith.constant 3.125000e-02 : f32
    %mul3A_105 = vector.broadcast %mul3A_104 : f32 to vector<2000x256xf32>
    %mul3A_106 = arith.mulf %add3A_103, %mul3A_105 : vector<2000x256xf32>
    %slice3A = vector.extract_strided_slice %mul3A_106 {offsets = [0, 0], sizes = [2000, 128], strides = [1, 1]} : vector<2000x256xf32> to vector<2000x128xf32>
    %swap3A = arith.constant 0 : index
    %swap3A_107 = arith.constant 0 : index
    %swap3A_108 = vector.load %arg4[%swap3A, %swap3A_107] : memref<2000x128xf32, #tpu.memory_space<vmem>>, vector<2000x128xf32>
    tpu.vector_store %arg4[%swap3A, %swap3A_107], %slice3A {strides = array<i32>} : memref<2000x128xf32, #tpu.memory_space<vmem>>, vector<2000x128xf32>,
    %slice3A_109 = vector.extract_strided_slice %mul3A_106 {offsets = [0, 128], sizes = [2000, 128], strides = [1, 1]} : vector<2000x256xf32> to vector<2000x128xf32>
    %swap3A_110 = arith.constant 0 : index
    %swap3A_111 = arith.constant 0 : index
    %swap3A_112 = vector.load %arg5[%swap3A_110, %swap3A_111] : memref<2000x128xf32, #tpu.memory_space<vmem>>, vector<2000x128xf32>
    tpu.vector_store %arg5[%swap3A_110, %swap3A_111], %slice3A_109 {strides = array<i32>} : memref<2000x128xf32, #tpu.memory_space<vmem>>, vector<2000x128xf32>,
    return
  }
  func.func @transform_0(%arg0: i32) -> (i32, i32) {
    %c0_i32 = arith.constant 0 : i32
    %c0_i32_0 = arith.constant 0 : i32
    return %arg0, %c0_i32 : i32, i32
  }
  func.func @transform_1(%arg0: i32) -> (i32, i32) {
    %c0_i32 = arith.constant 0 : i32
    %c0_i32_0 = arith.constant 0 : i32
    return %arg0, %c0_i32 : i32, i32
  }
  func.func @transform_2(%arg0: i32) -> (i32, i32, i32) {
    %c0_i32 = arith.constant 0 : i32
    %c0_i32_0 = arith.constant 0 : i32
    %c0_i32_1 = arith.constant 0 : i32
    %c0_i32_2 = arith.constant 0 : i32
    return %c0_i32, %c0_i32_0, %c0_i32_1 : i32, i32, i32
  }
  func.func @transform_3(%arg0: i32) -> (i32, i32) {
    %c0_i32 = arith.constant 0 : i32
    %c0_i32_0 = arith.constant 0 : i32
    return %arg0, %c0_i32 : i32, i32
  }
  func.func @transform_4(%arg0: i32) -> (i32, i32) {
    %c0_i32 = arith.constant 0 : i32
    %c0_i32_0 = arith.constant 0 : i32
    return %arg0, %c0_i32 : i32, i32
  }
}

module attributes {stable_mosaic.version = 14 : i64} {
  func.func @_mlp_body(%arg0: i32, %arg1: memref<8000x16xf32, #tpu.memory_space<vmem>>, %arg2: memref<8000x1xf32, #tpu.memory_space<vmem>>, %arg3: memref<16x64xf32, #tpu.memory_space<vmem>>, %arg4: memref<64x64xf32, #tpu.memory_space<vmem>>, %arg5: memref<64x128xf32, #tpu.memory_space<vmem>>, %arg6: memref<8000x128xf32, #tpu.memory_space<vmem>>) attributes {dimension_semantics = [#tpu.dimension_semantics<arbitrary>], iteration_bounds = array<i64: 40>, scalar_prefetch = 0 : i64, scratch_operands = 0 : i64, tpu.core_type = #tpu.core_type<tc>, window_params = [{transform_indices = @transform_0, window_bounds = array<i64: 8000, 16>}, {transform_indices = @transform_1, window_bounds = array<i64: 8000, 1>}, {pipeline_mode = #tpu.pipeline_mode<synchronous>, transform_indices = @transform_2, window_bounds = array<i64: 16, 64>}, {pipeline_mode = #tpu.pipeline_mode<synchronous>, transform_indices = @transform_3, window_bounds = array<i64: 64, 64>}, {pipeline_mode = #tpu.pipeline_mode<synchronous>, transform_indices = @transform_4, window_bounds = array<i64: 64, 128>}, {transform_indices = @transform_5, window_bounds = array<i64: 8000, 128>}]} {
    %get3A = arith.constant 0 : index
    %get3A_0 = arith.constant 0 : index
    %get3A_1 = vector.load %arg1[%get3A, %get3A_0] : memref<8000x16xf32, #tpu.memory_space<vmem>>, vector<8000x16xf32>
    %get3A_2 = arith.constant 0 : index
    %get3A_3 = arith.constant 0 : index
    %get3A_4 = vector.load %arg3[%get3A_2, %get3A_3] : memref<16x64xf32, #tpu.memory_space<vmem>>, vector<16x64xf32>
    %dot_general3A = arith.constant dense<0.000000e+00> : vector<8000x64xf32>
    %dot_general3A_5 = tpu.matmul %get3A_1, %get3A_4, %dot_general3A {dimension_numbers = #tpu.dot_dimension_numbers<[1], [0], [0], [1], [0, 0, 1, 1], [], []>, transpose_lhs_hint = false} : vector<8000x16xf32>, vector<16x64xf32>, vector<8000x64xf32> -> vector<8000x64xf32>
    %integer_pow3A = arith.mulf %dot_general3A_5, %dot_general3A_5 : vector<8000x64xf32>
    %integer_pow3A_6 = arith.mulf %dot_general3A_5, %integer_pow3A : vector<8000x64xf32>
    %mul3A = arith.constant 4.471500e-02 : f32
    %mul3A_7 = vector.broadcast %mul3A : f32 to vector<8000x64xf32>
    %mul3A_8 = arith.mulf %mul3A_7, %integer_pow3A_6 : vector<8000x64xf32>
    %add3A = arith.addf %dot_general3A_5, %mul3A_8 : vector<8000x64xf32>
    %mul3A_9 = arith.constant 0.797884583 : f32
    %mul3A_10 = vector.broadcast %mul3A_9 : f32 to vector<8000x64xf32>
    %mul3A_11 = arith.mulf %mul3A_10, %add3A : vector<8000x64xf32>
    %tanh3A = math.tanh %mul3A_11 : vector<8000x64xf32>
    %add3A_12 = arith.constant 1.000000e+00 : f32
    %add3A_13 = vector.broadcast %add3A_12 : f32 to vector<8000x64xf32>
    %add3A_14 = arith.addf %add3A_13, %tanh3A : vector<8000x64xf32>
    %mul3A_15 = arith.constant 5.000000e-01 : f32
    %mul3A_16 = vector.broadcast %mul3A_15 : f32 to vector<8000x64xf32>
    %mul3A_17 = arith.mulf %mul3A_16, %add3A_14 : vector<8000x64xf32>
    %mul3A_18 = arith.mulf %dot_general3A_5, %mul3A_17 : vector<8000x64xf32>
    %get3A_19 = arith.constant 0 : index
    %get3A_20 = arith.constant 0 : index
    %get3A_21 = vector.load %arg4[%get3A_19, %get3A_20] : memref<64x64xf32, #tpu.memory_space<vmem>>, vector<64x64xf32>
    %dot_general3A_22 = arith.constant dense<0.000000e+00> : vector<8000x64xf32>
    %dot_general3A_23 = tpu.matmul %mul3A_18, %get3A_21, %dot_general3A_22 {dimension_numbers = #tpu.dot_dimension_numbers<[1], [0], [0], [1], [0, 0, 1, 1], [], []>, transpose_lhs_hint = false} : vector<8000x64xf32>, vector<64x64xf32>, vector<8000x64xf32> -> vector<8000x64xf32>
    %integer_pow3A_24 = arith.mulf %dot_general3A_23, %dot_general3A_23 : vector<8000x64xf32>
    %integer_pow3A_25 = arith.mulf %dot_general3A_23, %integer_pow3A_24 : vector<8000x64xf32>
    %mul3A_26 = arith.constant 4.471500e-02 : f32
    %mul3A_27 = vector.broadcast %mul3A_26 : f32 to vector<8000x64xf32>
    %mul3A_28 = arith.mulf %mul3A_27, %integer_pow3A_25 : vector<8000x64xf32>
    %add3A_29 = arith.addf %dot_general3A_23, %mul3A_28 : vector<8000x64xf32>
    %mul3A_30 = arith.constant 0.797884583 : f32
    %mul3A_31 = vector.broadcast %mul3A_30 : f32 to vector<8000x64xf32>
    %mul3A_32 = arith.mulf %mul3A_31, %add3A_29 : vector<8000x64xf32>
    %tanh3A_33 = math.tanh %mul3A_32 : vector<8000x64xf32>
    %add3A_34 = arith.constant 1.000000e+00 : f32
    %add3A_35 = vector.broadcast %add3A_34 : f32 to vector<8000x64xf32>
    %add3A_36 = arith.addf %add3A_35, %tanh3A_33 : vector<8000x64xf32>
    %mul3A_37 = arith.constant 5.000000e-01 : f32
    %mul3A_38 = vector.broadcast %mul3A_37 : f32 to vector<8000x64xf32>
    %mul3A_39 = arith.mulf %mul3A_38, %add3A_36 : vector<8000x64xf32>
    %mul3A_40 = arith.mulf %dot_general3A_23, %mul3A_39 : vector<8000x64xf32>
    %get3A_41 = arith.constant 0 : index
    %get3A_42 = arith.constant 0 : index
    %get3A_43 = vector.load %arg5[%get3A_41, %get3A_42] : memref<64x128xf32, #tpu.memory_space<vmem>>, vector<64x128xf32>
    %dot_general3A_44 = arith.constant dense<0.000000e+00> : vector<8000x128xf32>
    %dot_general3A_45 = tpu.matmul %mul3A_40, %get3A_43, %dot_general3A_44 {dimension_numbers = #tpu.dot_dimension_numbers<[1], [0], [0], [1], [0, 0, 1, 1], [], []>, transpose_lhs_hint = false} : vector<8000x64xf32>, vector<64x128xf32>, vector<8000x128xf32> -> vector<8000x128xf32>
    %get3A_46 = arith.constant 0 : index
    %get3A_47 = arith.constant 0 : index
    %get3A_48 = vector.load %arg2[%get3A_46, %get3A_47] : memref<8000x1xf32, #tpu.memory_space<vmem>>, vector<8000x1xf32>
    %mul3A_49 = vector.broadcast %get3A_48 : vector<8000x1xf32> to vector<8000x128xf32>
    %mul3A_50 = arith.mulf %dot_general3A_45, %mul3A_49 : vector<8000x128xf32>
    %swap3A = arith.constant 0 : index
    %swap3A_51 = arith.constant 0 : index
    %swap3A_52 = vector.load %arg6[%swap3A, %swap3A_51] : memref<8000x128xf32, #tpu.memory_space<vmem>>, vector<8000x128xf32>
    tpu.vector_store %arg6[%swap3A, %swap3A_51], %mul3A_50 {strides = array<i32>} : memref<8000x128xf32, #tpu.memory_space<vmem>>, vector<8000x128xf32>,
    return
  }
  func.func @transform_0(%arg0: i32) -> (i32, i32) {
    %c0_i32 = arith.constant 0 : i32
    %c0_i32_0 = arith.constant 0 : i32
    return %arg0, %c0_i32 : i32, i32
  }
  func.func @transform_1(%arg0: i32) -> (i32, i32) {
    %c0_i32 = arith.constant 0 : i32
    %c0_i32_0 = arith.constant 0 : i32
    return %arg0, %c0_i32 : i32, i32
  }
  func.func @transform_2(%arg0: i32) -> (i32, i32) {
    %c0_i32 = arith.constant 0 : i32
    %c0_i32_0 = arith.constant 0 : i32
    %c0_i32_1 = arith.constant 0 : i32
    return %c0_i32, %c0_i32_0 : i32, i32
  }
  func.func @transform_3(%arg0: i32) -> (i32, i32) {
    %c0_i32 = arith.constant 0 : i32
    %c0_i32_0 = arith.constant 0 : i32
    %c0_i32_1 = arith.constant 0 : i32
    return %c0_i32, %c0_i32_0 : i32, i32
  }
  func.func @transform_4(%arg0: i32) -> (i32, i32) {
    %c0_i32 = arith.constant 0 : i32
    %c0_i32_0 = arith.constant 0 : i32
    %c0_i32_1 = arith.constant 0 : i32
    return %c0_i32, %c0_i32_0 : i32, i32
  }
  func.func @transform_5(%arg0: i32) -> (i32, i32) {
    %c0_i32 = arith.constant 0 : i32
    %c0_i32_0 = arith.constant 0 : i32
    return %arg0, %c0_i32 : i32, i32
  }
}

module attributes {stable_mosaic.version = 14 : i64} {
  func.func @_tp2_body(%arg0: i32, %arg1: memref<2x2000x128xf32, #tpu.memory_space<vmem>>, %arg2: memref<2000x8xf32, #tpu.memory_space<vmem>>, %arg3: memref<2000x128xf32, #tpu.memory_space<vmem>>, %arg4: memref<8x128x128xf32, #tpu.memory_space<vmem>>, %arg5: memref<2000x128xf32, #tpu.memory_space<vmem>>) attributes {dimension_semantics = [#tpu.dimension_semantics<arbitrary>], iteration_bounds = array<i64: 5>, scalar_prefetch = 0 : i64, scratch_operands = 0 : i64, tpu.core_type = #tpu.core_type<tc>, window_params = [{transform_indices = @transform_0, window_bounds = array<i64: 2, 2000, 128>}, {transform_indices = @transform_1, window_bounds = array<i64: 2000, 8>}, {transform_indices = @transform_2, window_bounds = array<i64: 2000, 128>}, {pipeline_mode = #tpu.pipeline_mode<synchronous>, transform_indices = @transform_3, window_bounds = array<i64: 8, 128, 128>}, {transform_indices = @transform_4, window_bounds = array<i64: 2000, 128>}]} {
    %get3A = arith.constant 0 : index
    %get3A_0 = arith.constant 0 : index
    %get3A_1 = arith.constant 0 : index
    %get3A_2 = vector.load %arg1[%get3A, %get3A_0, %get3A_1] : memref<2x2000x128xf32, #tpu.memory_space<vmem>>, vector<1x2000x128xf32>
    %get3A_3 = vector.shape_cast %get3A_2 : vector<1x2000x128xf32> to vector<2000x128xf32>
    %get3A_4 = arith.constant 1 : index
    %get3A_5 = arith.constant 0 : index
    %get3A_6 = arith.constant 0 : index
    %get3A_7 = vector.load %arg1[%get3A_4, %get3A_5, %get3A_6] : memref<2x2000x128xf32, #tpu.memory_space<vmem>>, vector<1x2000x128xf32>
    %get3A_8 = vector.shape_cast %get3A_7 : vector<1x2000x128xf32> to vector<2000x128xf32>
    %add3A = arith.addf %get3A_3, %get3A_8 : vector<2000x128xf32>
    %broadcast_in_dim3A = arith.constant 0.000000e+00 : f32
    %broadcast_in_dim3A_9 = vector.broadcast %broadcast_in_dim3A : f32 to vector<2000x128xf32>
    %get3A_10 = arith.constant 0 : index
    %get3A_11 = arith.constant 0 : index
    %get3A_12 = vector.load %arg2[%get3A_10, %get3A_11] : memref<2000x8xf32, #tpu.memory_space<vmem>>, vector<2000x1xf32>
    %mul3A = vector.broadcast %get3A_12 : vector<2000x1xf32> to vector<2000x128xf32>
    %mul3A_13 = arith.mulf %add3A, %mul3A : vector<2000x128xf32>
    %get3A_14 = arith.constant 0 : index
    %get3A_15 = arith.constant 0 : index
    %get3A_16 = arith.constant 0 : index
    %get3A_17 = vector.load %arg4[%get3A_14, %get3A_15, %get3A_16] : memref<8x128x128xf32, #tpu.memory_space<vmem>>, vector<1x128x128xf32>
    %get3A_18 = vector.shape_cast %get3A_17 : vector<1x128x128xf32> to vector<128x128xf32>
    %dot_general3A = arith.constant dense<0.000000e+00> : vector<2000x128xf32>
    %dot_general3A_19 = tpu.matmul %mul3A_13, %get3A_18, %dot_general3A {dimension_numbers = #tpu.dot_dimension_numbers<[1], [0], [0], [1], [0, 0, 1, 1], [], []>, transpose_lhs_hint = false} : vector<2000x128xf32>, vector<128x128xf32>, vector<2000x128xf32> -> vector<2000x128xf32>
    %add3A_20 = arith.addf %broadcast_in_dim3A_9, %dot_general3A_19 : vector<2000x128xf32>
    %get3A_21 = arith.constant 0 : index
    %get3A_22 = arith.constant 1 : index
    %get3A_23 = vector.load %arg2[%get3A_21, %get3A_22] : memref<2000x8xf32, #tpu.memory_space<vmem>>, vector<2000x1xf32>
    %mul3A_24 = vector.broadcast %get3A_23 : vector<2000x1xf32> to vector<2000x128xf32>
    %mul3A_25 = arith.mulf %add3A, %mul3A_24 : vector<2000x128xf32>
    %get3A_26 = arith.constant 1 : index
    %get3A_27 = arith.constant 0 : index
    %get3A_28 = arith.constant 0 : index
    %get3A_29 = vector.load %arg4[%get3A_26, %get3A_27, %get3A_28] : memref<8x128x128xf32, #tpu.memory_space<vmem>>, vector<1x128x128xf32>
    %get3A_30 = vector.shape_cast %get3A_29 : vector<1x128x128xf32> to vector<128x128xf32>
    %dot_general3A_31 = arith.constant dense<0.000000e+00> : vector<2000x128xf32>
    %dot_general3A_32 = tpu.matmul %mul3A_25, %get3A_30, %dot_general3A_31 {dimension_numbers = #tpu.dot_dimension_numbers<[1], [0], [0], [1], [0, 0, 1, 1], [], []>, transpose_lhs_hint = false} : vector<2000x128xf32>, vector<128x128xf32>, vector<2000x128xf32> -> vector<2000x128xf32>
    %add3A_33 = arith.addf %add3A_20, %dot_general3A_32 : vector<2000x128xf32>
    %get3A_34 = arith.constant 0 : index
    %get3A_35 = arith.constant 2 : index
    %get3A_36 = vector.load %arg2[%get3A_34, %get3A_35] : memref<2000x8xf32, #tpu.memory_space<vmem>>, vector<2000x1xf32>
    %mul3A_37 = vector.broadcast %get3A_36 : vector<2000x1xf32> to vector<2000x128xf32>
    %mul3A_38 = arith.mulf %add3A, %mul3A_37 : vector<2000x128xf32>
    %get3A_39 = arith.constant 2 : index
    %get3A_40 = arith.constant 0 : index
    %get3A_41 = arith.constant 0 : index
    %get3A_42 = vector.load %arg4[%get3A_39, %get3A_40, %get3A_41] : memref<8x128x128xf32, #tpu.memory_space<vmem>>, vector<1x128x128xf32>
    %get3A_43 = vector.shape_cast %get3A_42 : vector<1x128x128xf32> to vector<128x128xf32>
    %dot_general3A_44 = arith.constant dense<0.000000e+00> : vector<2000x128xf32>
    %dot_general3A_45 = tpu.matmul %mul3A_38, %get3A_43, %dot_general3A_44 {dimension_numbers = #tpu.dot_dimension_numbers<[1], [0], [0], [1], [0, 0, 1, 1], [], []>, transpose_lhs_hint = false} : vector<2000x128xf32>, vector<128x128xf32>, vector<2000x128xf32> -> vector<2000x128xf32>
    %add3A_46 = arith.addf %add3A_33, %dot_general3A_45 : vector<2000x128xf32>
    %get3A_47 = arith.constant 0 : index
    %get3A_48 = arith.constant 3 : index
    %get3A_49 = vector.load %arg2[%get3A_47, %get3A_48] : memref<2000x8xf32, #tpu.memory_space<vmem>>, vector<2000x1xf32>
    %mul3A_50 = vector.broadcast %get3A_49 : vector<2000x1xf32> to vector<2000x128xf32>
    %mul3A_51 = arith.mulf %add3A, %mul3A_50 : vector<2000x128xf32>
    %get3A_52 = arith.constant 3 : index
    %get3A_53 = arith.constant 0 : index
    %get3A_54 = arith.constant 0 : index
    %get3A_55 = vector.load %arg4[%get3A_52, %get3A_53, %get3A_54] : memref<8x128x128xf32, #tpu.memory_space<vmem>>, vector<1x128x128xf32>
    %get3A_56 = vector.shape_cast %get3A_55 : vector<1x128x128xf32> to vector<128x128xf32>
    %dot_general3A_57 = arith.constant dense<0.000000e+00> : vector<2000x128xf32>
    %dot_general3A_58 = tpu.matmul %mul3A_51, %get3A_56, %dot_general3A_57 {dimension_numbers = #tpu.dot_dimension_numbers<[1], [0], [0], [1], [0, 0, 1, 1], [], []>, transpose_lhs_hint = false} : vector<2000x128xf32>, vector<128x128xf32>, vector<2000x128xf32> -> vector<2000x128xf32>
    %add3A_59 = arith.addf %add3A_46, %dot_general3A_58 : vector<2000x128xf32>
    %get3A_60 = arith.constant 0 : index
    %get3A_61 = arith.constant 4 : index
    %get3A_62 = vector.load %arg2[%get3A_60, %get3A_61] : memref<2000x8xf32, #tpu.memory_space<vmem>>, vector<2000x1xf32>
    %mul3A_63 = vector.broadcast %get3A_62 : vector<2000x1xf32> to vector<2000x128xf32>
    %mul3A_64 = arith.mulf %add3A, %mul3A_63 : vector<2000x128xf32>
    %get3A_65 = arith.constant 4 : index
    %get3A_66 = arith.constant 0 : index
    %get3A_67 = arith.constant 0 : index
    %get3A_68 = vector.load %arg4[%get3A_65, %get3A_66, %get3A_67] : memref<8x128x128xf32, #tpu.memory_space<vmem>>, vector<1x128x128xf32>
    %get3A_69 = vector.shape_cast %get3A_68 : vector<1x128x128xf32> to vector<128x128xf32>
    %dot_general3A_70 = arith.constant dense<0.000000e+00> : vector<2000x128xf32>
    %dot_general3A_71 = tpu.matmul %mul3A_64, %get3A_69, %dot_general3A_70 {dimension_numbers = #tpu.dot_dimension_numbers<[1], [0], [0], [1], [0, 0, 1, 1], [], []>, transpose_lhs_hint = false} : vector<2000x128xf32>, vector<128x128xf32>, vector<2000x128xf32> -> vector<2000x128xf32>
    %add3A_72 = arith.addf %add3A_59, %dot_general3A_71 : vector<2000x128xf32>
    %get3A_73 = arith.constant 0 : index
    %get3A_74 = arith.constant 5 : index
    %get3A_75 = vector.load %arg2[%get3A_73, %get3A_74] : memref<2000x8xf32, #tpu.memory_space<vmem>>, vector<2000x1xf32>
    %mul3A_76 = vector.broadcast %get3A_75 : vector<2000x1xf32> to vector<2000x128xf32>
    %mul3A_77 = arith.mulf %add3A, %mul3A_76 : vector<2000x128xf32>
    %get3A_78 = arith.constant 5 : index
    %get3A_79 = arith.constant 0 : index
    %get3A_80 = arith.constant 0 : index
    %get3A_81 = vector.load %arg4[%get3A_78, %get3A_79, %get3A_80] : memref<8x128x128xf32, #tpu.memory_space<vmem>>, vector<1x128x128xf32>
    %get3A_82 = vector.shape_cast %get3A_81 : vector<1x128x128xf32> to vector<128x128xf32>
    %dot_general3A_83 = arith.constant dense<0.000000e+00> : vector<2000x128xf32>
    %dot_general3A_84 = tpu.matmul %mul3A_77, %get3A_82, %dot_general3A_83 {dimension_numbers = #tpu.dot_dimension_numbers<[1], [0], [0], [1], [0, 0, 1, 1], [], []>, transpose_lhs_hint = false} : vector<2000x128xf32>, vector<128x128xf32>, vector<2000x128xf32> -> vector<2000x128xf32>
    %add3A_85 = arith.addf %add3A_72, %dot_general3A_84 : vector<2000x128xf32>
    %get3A_86 = arith.constant 0 : index
    %get3A_87 = arith.constant 6 : index
    %get3A_88 = vector.load %arg2[%get3A_86, %get3A_87] : memref<2000x8xf32, #tpu.memory_space<vmem>>, vector<2000x1xf32>
    %mul3A_89 = vector.broadcast %get3A_88 : vector<2000x1xf32> to vector<2000x128xf32>
    %mul3A_90 = arith.mulf %add3A, %mul3A_89 : vector<2000x128xf32>
    %get3A_91 = arith.constant 6 : index
    %get3A_92 = arith.constant 0 : index
    %get3A_93 = arith.constant 0 : index
    %get3A_94 = vector.load %arg4[%get3A_91, %get3A_92, %get3A_93] : memref<8x128x128xf32, #tpu.memory_space<vmem>>, vector<1x128x128xf32>
    %get3A_95 = vector.shape_cast %get3A_94 : vector<1x128x128xf32> to vector<128x128xf32>
    %dot_general3A_96 = arith.constant dense<0.000000e+00> : vector<2000x128xf32>
    %dot_general3A_97 = tpu.matmul %mul3A_90, %get3A_95, %dot_general3A_96 {dimension_numbers = #tpu.dot_dimension_numbers<[1], [0], [0], [1], [0, 0, 1, 1], [], []>, transpose_lhs_hint = false} : vector<2000x128xf32>, vector<128x128xf32>, vector<2000x128xf32> -> vector<2000x128xf32>
    %add3A_98 = arith.addf %add3A_85, %dot_general3A_97 : vector<2000x128xf32>
    %get3A_99 = arith.constant 0 : index
    %get3A_100 = arith.constant 7 : index
    %get3A_101 = vector.load %arg2[%get3A_99, %get3A_100] : memref<2000x8xf32, #tpu.memory_space<vmem>>, vector<2000x1xf32>
    %mul3A_102 = vector.broadcast %get3A_101 : vector<2000x1xf32> to vector<2000x128xf32>
    %mul3A_103 = arith.mulf %add3A, %mul3A_102 : vector<2000x128xf32>
    %get3A_104 = arith.constant 7 : index
    %get3A_105 = arith.constant 0 : index
    %get3A_106 = arith.constant 0 : index
    %get3A_107 = vector.load %arg4[%get3A_104, %get3A_105, %get3A_106] : memref<8x128x128xf32, #tpu.memory_space<vmem>>, vector<1x128x128xf32>
    %get3A_108 = vector.shape_cast %get3A_107 : vector<1x128x128xf32> to vector<128x128xf32>
    %dot_general3A_109 = arith.constant dense<0.000000e+00> : vector<2000x128xf32>
    %dot_general3A_110 = tpu.matmul %mul3A_103, %get3A_108, %dot_general3A_109 {dimension_numbers = #tpu.dot_dimension_numbers<[1], [0], [0], [1], [0, 0, 1, 1], [], []>, transpose_lhs_hint = false} : vector<2000x128xf32>, vector<128x128xf32>, vector<2000x128xf32> -> vector<2000x128xf32>
    %add3A_111 = arith.addf %add3A_98, %dot_general3A_110 : vector<2000x128xf32>
    %get3A_112 = arith.constant 0 : index
    %get3A_113 = arith.constant 0 : index
    %get3A_114 = vector.load %arg3[%get3A_112, %get3A_113] : memref<2000x128xf32, #tpu.memory_space<vmem>>, vector<2000x128xf32>
    %mul3A_115 = arith.constant 0.980066597 : f32
    %mul3A_116 = vector.broadcast %mul3A_115 : f32 to vector<2000x128xf32>
    %mul3A_117 = arith.mulf %mul3A_116, %get3A_114 : vector<2000x128xf32>
    %mul3A_118 = arith.constant 0.00109750335 : f32
    %mul3A_119 = vector.broadcast %mul3A_118 : f32 to vector<2000x128xf32>
    %mul3A_120 = arith.mulf %mul3A_119, %add3A_111 : vector<2000x128xf32>
    %add3A_121 = arith.addf %mul3A_117, %mul3A_120 : vector<2000x128xf32>
    %swap3A = arith.constant 0 : index
    %swap3A_122 = arith.constant 0 : index
    %swap3A_123 = vector.load %arg5[%swap3A, %swap3A_122] : memref<2000x128xf32, #tpu.memory_space<vmem>>, vector<2000x128xf32>
    tpu.vector_store %arg5[%swap3A, %swap3A_122], %add3A_121 {strides = array<i32>} : memref<2000x128xf32, #tpu.memory_space<vmem>>, vector<2000x128xf32>,
    return
  }
  func.func @transform_0(%arg0: i32) -> (i32, i32, i32) {
    %c0_i32 = arith.constant 0 : i32
    %c0_i32_0 = arith.constant 0 : i32
    %c0_i32_1 = arith.constant 0 : i32
    return %c0_i32, %arg0, %c0_i32_0 : i32, i32, i32
  }
  func.func @transform_1(%arg0: i32) -> (i32, i32) {
    %c0_i32 = arith.constant 0 : i32
    %c0_i32_0 = arith.constant 0 : i32
    return %arg0, %c0_i32 : i32, i32
  }
  func.func @transform_2(%arg0: i32) -> (i32, i32) {
    %c0_i32 = arith.constant 0 : i32
    %c0_i32_0 = arith.constant 0 : i32
    return %arg0, %c0_i32 : i32, i32
  }
  func.func @transform_3(%arg0: i32) -> (i32, i32, i32) {
    %c0_i32 = arith.constant 0 : i32
    %c0_i32_0 = arith.constant 0 : i32
    %c0_i32_1 = arith.constant 0 : i32
    %c0_i32_2 = arith.constant 0 : i32
    return %c0_i32, %c0_i32_0, %c0_i32_1 : i32, i32, i32
  }
  func.func @transform_4(%arg0: i32) -> (i32, i32) {
    %c0_i32 = arith.constant 0 : i32
    %c0_i32_0 = arith.constant 0 : i32
    return %arg0, %c0_i32 : i32, i32
  }
}

</mosaic_0001>

<sc_bundles>
// kernel: kernel.6.cloned.1.call-start
scs
__scs_entry_jumppad:
0x0: {  	(pc) =	sbr.rel $0x88, $3  }
0x1: {  	(tag) =	ssettag $0x0;
	lr =	simm.s32 $0x1  }
0x2: {  	[smem:$0x3F96] =	sst lr;
	_ =	strace $0xD0000000  }
0x3: {  	_ = 	snop  }
0x4: {  	_ = 	snop  }
0x5: {  	_ = 	snop  }
0x6: {  	_ = 	snop  }
0x7: {  	_ = 	snop  }
__scs_overlays_trampoline_lowered:
0x8: {  	[smem:$0x3FA5] =	sst s0  }
0x9: {  	[smem:$0x3FA6] =	sst s1  }
0xa: {  	[smem:$0x3FA7] =	sst s2  }
0xb: {  	[smem:$0x3FA8] =	sst s3  }
0xc: {  	[smem:$0x3FA9] =	sst s4  }
0xd: {  	[smem:$0x3FAA] =	sst s5  }
0xe: {  	[smem:$0x3FAB] =	sst s6  }
0xf: {  	[smem:$0x3FAC] =	sst s7  }
0x10: {  	[smem:$0x3FAD] =	sst s8  }
0x11: {  	[smem:$0x3FAE] =	sst s9;
	s0 =	simm.s32 @!p0 $0x0  }
0x12: {  	s1 =	sld [smem:$0x3F94];
	s0 =	simm.s32 @p0 $0x1  }
0x13: {  	[smem:$0x3FAF] =	sst s0;
	s0 =	simm.s32 @!p1 $0x0  }
0x14: {  	s2 =	sld [smem:$0x3F93];
	s0 =	simm.s32 @p1 $0x1  }
0x15: {  	[smem:$0x3FB0] =	sst s0;
	s0 =	simm.s32 @!p2 $0x0  }
0x16: {  	s3 =	sld [smem:$0x3FDB];
	s0 =	simm.s32 @p2 $0x1  }
0x17: {  	s4 =	simm.s32 $0x1BF5;
	[smem:$0x3FB2] =	sst s0  }
0x18: {  	s0 =	sld [smem:$0x3F95];
	_ =	swait.ge [sflag:s4], $0x0  }
0x19: {  	s7 =	sld [smem:$0x3F96]  }
0x1a: {  	s8 =	sadd.s32 $0xFFFFE003, lr  }
0x1b: {  	s9 =	sadd.s32 $0xFFFFFEF7, lr;
	s5 =	simm.s32 $0xFFFFFFFF;
	p2 =	slt.u32 s8, $0xFFFFF086  }
0x1c: {  	p1 =	slt.u32 s9, $0xF7A;
	s5 =	simm.s32 @!p2 $0x0  }
0x1d: {  	s5 =	simm.s32 @p1 $0x1;
	p0 =	seq.s32 s7, s2  }
0x1e: {  	s7 =	smul.u32 @!p0 $0xF7A, s2;
	p2 =	seq.s32 @!p0 s5, $0x0  }
0x1f: {  	s9 =	smul.u32 $0xF7A, s1;
	s8 =	simm.s32 @!p0 $0x1BF5;
	p2 =	por !p2, p0  }
0x20: {  	[sflag:s8] =	ssyncset.s32 @!p0 $0xFFFFF086;
	s6 =	sadd.s32 @!p0 s3, s7;
	s7 =	simm.s32 @!p0 $0x108  }
0x21: {  	s3 =	sadd.s32 s3, s9;
	s6 =	sadd.s32 @!p0 $0x88, s6;
	s7 =	simm.s32 @p2 $0x1082  }
0x22: {  	[simem:s7], [sflag:s8] =	dma.local @!p0 [hbm:s6], $0xF7A  }
0x23: {  	s9 =	sor.u32 $0xD0000000, s2;
	s6 =	simm.s32 $0x108;
	_ =	swait.ge @!p0 [sflag:s8], $0x0  }
0x24: {  	s3 =	sadd.s32 $0x88, s3;
	s6 =	simm.s32 @!p1 $0x1082;
	[sflag:s4] =	ssyncset.s32 $0xFFFFF086  }
0x25: {  	[simem:s6], [sflag:s4] =	dma.local [hbm:s3], $0xF7A  }
0x26: {  	[smem:$0x3F96] =	sst s1;
	(tag) =	ssettag s2;
	_ =	strace s9  }
0x27: {  	s1 =	sld [smem:$0x3FA6]  }
0x28: {  	s2 =	sld [smem:$0x3FA7]  }
0x29: {  	s4 =	sld [smem:$0x3FA9]  }
0x2a: {  	p0 =	seq.s32 s5, $0x0;
	s5 =	sld [smem:$0x3FAA]  }
0x2b: {  	s6 =	sld [smem:$0x3FAB]  }
0x2c: {  	s7 =	sld [smem:$0x3FAC]  }
0x2d: {  	s3 =	simm.s32 $0x108;
	s8 =	sld [smem:$0x3FAD]  }
0x2e: {  	s3 =	simm.s32 @!p0 $0x1082;
	s9 =	sld [smem:$0x3FAE]  }
0x2f: {  	lr =	sadd.s32 s0, s3;
	s0 =	sld [smem:$0x3FA5]  }
0x30: {  	s3 =	sld [smem:$0x3FA8]  }
0x31: {  	[smem:$0x3FB1] =	sst s10  }
0x32: {  	s10 =	sld [smem:$0x3FAF];
	_ =	sdelay $0x3  }
0x33: {  	p0 =	seq.s32 s10, $0x1;
	s10 =	sld [smem:$0x3FB1];
	_ =	sdelay $0x3  }
0x34: {  	[smem:$0x3FB1] =	sst s10  }
0x35: {  	s10 =	sld [smem:$0x3FB0];
	_ =	sdelay $0x3  }
0x36: {  	p1 =	seq.s32 s10, $0x1;
	s10 =	sld [smem:$0x3FB1];
	_ =	sdelay $0x3  }
0x37: {  	[smem:$0x3FB1] =	sst s10  }
0x38: {  	s10 =	sld [smem:$0x3FB2]  }
0x39: {  	_ = 	snop;
	(pc) =	sbr.ind lr, $3  }
0x3a: {  	_ = 	snop  }
0x3b: {  	_ = 	snop  }
0x3c: {  	p2 =	seq.s32 s10, $0x1;
	s10 =	sld [smem:$0x3FB1]  }
0x3d: {  	_ =	shalt  }
0x3e: {  	_ =	shalt  }
0x3f: {  	_ =	shalt  }
0x40: {  	_ =	shalt  }
0x41: {  	_ =	shalt  }
0x42: {  	_ =	shalt  }
0x43: {  	_ =	shalt  }
0x44: {  	_ =	shalt  }
0x45: {  	_ =	shalt  }
0x46: {  	_ =	shalt  }
0x47: {  	_ =	shalt  }
0x48: {  	_ =	shalt  }
0x49: {  	_ =	shalt  }
0x4a: {  	_ =	shalt  }
0x4b: {  	_ =	shalt  }
0x4c: {  	_ =	shalt  }
0x4d: {  	_ =	shalt  }
0x4e: {  	_ =	shalt  }
0x4f: {  	_ =	shalt  }
0x50: {  	_ =	shalt  }
0x51: {  	_ =	shalt  }
0x52: {  	_ =	shalt  }
0x53: {  	_ =	shalt  }
0x54: {  	_ =	shalt  }
0x55: {  	_ =	shalt  }
0x56: {  	_ =	shalt  }
0x57: {  	_ =	shalt  }
0x58: {  	_ =	shalt  }
0x59: {  	_ =	shalt  }
0x5a: {  	_ =	shalt  }
0x5b: {  	_ =	shalt  }
0x5c: {  	_ =	shalt  }
0x5d: {  	_ =	shalt  }
0x5e: {  	_ =	shalt  }
0x5f: {  	_ =	shalt  }
0x60: {  	_ =	shalt  }
0x61: {  	_ =	shalt  }
0x62: {  	_ =	shalt  }
0x63: {  	_ =	shalt  }
0x64: {  	_ =	shalt  }
0x65: {  	_ =	shalt  }
0x66: {  	_ =	shalt  }
0x67: {  	_ =	shalt  }
0x68: {  	_ =	shalt  }
0x69: {  	_ =	shalt  }
0x6a: {  	_ =	shalt  }
0x6b: {  	_ =	shalt  }
0x6c: {  	_ =	shalt  }
0x6d: {  	_ =	shalt  }
0x6e: {  	_ =	shalt  }
0x6f: {  	_ =	shalt  }
0x70: {  	_ =	shalt  }
0x71: {  	_ =	shalt  }
0x72: {  	_ =	shalt  }
0x73: {  	_ =	shalt  }
0x74: {  	_ =	shalt  }
0x75: {  	_ =	shalt  }
0x76: {  	_ =	shalt  }
0x77: {  	_ =	shalt  }
0x78: {  	_ =	shalt  }
0x79: {  	_ =	shalt  }
0x7a: {  	_ =	shalt  }
0x7b: {  	_ =	shalt  }
0x7c: {  	_ =	shalt  }
0x7d: {  	_ =	shalt  }
0x7e: {  	_ =	shalt  }
0x7f: {  	_ =	shalt  }
0x80: {  	_ =	shalt  }
0x81: {  	_ =	shalt  }
0x82: {  	_ =	shalt  }
0x83: {  	_ =	shalt  }
0x84: {  	_ =	shalt  }
0x85: {  	_ =	shalt  }
0x86: {  	_ =	shalt  }
0x87: {  	_ =	shalt  }
.Lfunc_end0:
.L_simem_size_0:
called_computation_lowered:
.L_overlay_start_0:
0x88: {  	s2 =	sld [smem:$0x3FD9]  }
0x89: {  	s3 =	sld [smem:$0x3FFE];
	_ =	sdelay $0x1  }
0x8a: {  	s1 =	srdreg.scid  }
0x8b: {  	s0 =	sand.u32 $0x1, s1  }
0x8c: {  	s17 =	sshll.u32 s0, $0xA;
	s2 =	sadd.s32 s3, s2  }
0x8d: {  	s2 =	sadd.s32 s2, s17  }
0x8e: {  	[smem:$0x3FBD] =	sst s2  }
0x8f: {  	_ = 	snop  }
0x90: {  	s2 =	sld [smem:$0x3FD0];
	(tm) =	ssettm $0x1  }
0x91: {  	s18 =	sld [smem:$0x3FFB];
	_ =	sdelay $0x3  }
0x92: {  	_ =	strace s18  }
0x93: {  	s3 =	sld [smem:$0x3FFC];
	_ =	sdelay $0x3  }
0x94: {  	_ =	strace s3  }
0x95: {  	s3 =	sld [smem:$0x3FFD];
	_ =	sdelay $0x3  }
0x96: {  	_ =	strace s3  }
0x97: {  	_ =	strace $0x8FFFFFFF  }
0x98: {  	s19 =	sld [smem:$0x3FDB];
	_ =	sdelay $0x1  }
0x99: {  	s4 =	simm.s32 $_scs_section_size  }
0x9a: {  	s5 =	simm.s32 $_size__tile_overlayer_lowered;
	s6 =	simm.s32 $_tile_overlayer_lowered  }
0x9b: {  	s22 =	simm.s32 $0x1BFF;
	s21 =	sshll.u32 s6, $0x1;
	s3 =	sadd.s32 s4, s19  }
0x9c: {  	s7 =	simm.s32 $0x0;
	s20 =	sshll.u32 s5, $0x1;
	s5 =	sadd.s32 s21, s3  }
0x9d: {  	[timem:s7], [sflag:s22] =	dma.local [hbm:s5], s20  }
0x9e: {  	_ =	swait.ge [sflag:s22], s20  }
0x9f: {  	s4 =	ssub.s32 $0x0, s20;
	[sflag:s22] =	ssyncset.done $0x0  }
0xa0: {  	[sflag:s22] =	ssyncadd.s32 s4;
	_ =	sdelay $0x1  }
0xa1: {  	s23 =	simm.s32 $0x1B8B  }
0xa2: {  	_ =	swait.ge [sflag:s23], $0x1  }
0xa3: {  	[sflag:s23] =	ssyncset.done $0x0  }
0xa4: {  	s25 =	simm.s32 $0x1B8E;
	s24 =	sld [smem:$0x3FFE];
	[sflag:s23] =	ssyncadd.s32 $0xFFFFFFFF  }
0xa5: {  	s26 =	simm.s32 $execute0_lowered;
	[smem:$0x3FD2] =	sst s25  }
0xa6: {  	s5 =	sshll.u32 s26, $0x1;
	_ =	strace $0x80000046;
	[dreg:$0x1] =	wrdreg $0xFFFFFFFF  }
0xa7: {  	s28 =	simm.s32 $_size_execute0_lowered;
	s3 =	sadd.s32 s3, s5;
	[dreg:$0x0] =	wrdreg $0x0  }
0xa8: {  	s5 =	sshll.u32 s28, $0x1;
	[dreg:$0x2] =	wrdreg s3  }
0xa9: {  	[dreg:$0x3] =	wrdreg s5  }
0xaa: {  	[dreg:$0x4] =	wrdreg $0xC0  }
0xab: {  	_ =	task [dreg:s7], $0x5FFFF  }
0xac: {  	[dreg:$0x1] =	wrdreg $0xFFFFFFFF  }
0xad: {  	[dreg:$0x0] =	wrdreg $0x60  }
0xae: {  	[dreg:$0x2] =	wrdreg s2  }
0xaf: {  	[dreg:$0x3] =	wrdreg s24  }
0xb0: {  	[dreg:$0x4] =	wrdreg $0xA4000  }
0xb1: {  	[dreg:$0x5] =	wrdreg $0x9  }
0xb2: {  	_ =	task.clear_ibuf [dreg:s7], $0x6FFFF;
	_ =	strace $0x90000046  }
0xb3: {  	s29 =	simm.s32 $0x9;
	_ =	strace $0x80000048  }
0xb4: {  	_ =	swait.ge [sflag:s29], $0x1  }
0xb5: {  	[sflag:s29] =	ssyncadd.s32 $0xFFFFFFFF  }
0xb6: {  	_ =	strace $0x90000048  }
0xb7: {  	_ =	sfence  }
0xb8: {  	s30 =	sld [smem:$0x0];
	_ =	sdelay $0x2  }
0xb9: {  	s31 =	sshll.u32 s1, $0xD;
	s1 =	sshrl.u32 s1, $0x2  }
0xba: {  	s3 =	sand.u32 $0x4000, s31;
	s1 =	sadd.s32 s1, s30  }
0xbb: {  	s0 =	sor.u32 s3, s0;
	s1 =	sshll.u32 s1, $0x11  }
0xbc: {  	s0 =	sor.u32 s1, s0  }
0xbd: {  	s0 =	sadd.s32 $0x8F2B, s0  }
0xbe: {  	[sflag:s0] =	ssyncadd.remote.s32 $0x1  }
0xbf: {  	_ =	sfence.sel $0xFFFF  }
0xc0: {  	[dreg:$0x0] =	wrdreg $0xFFFFFFFF;
	(pc) =	sbr.abs _section_cstart, $3  }
0xc1: {  	[dreg:$0x1] =	wrdreg $0xFFFFFFFF  }
0xc2: {  	_ =	task.clear_ibuf [dreg:s7], $0x2FFFF;
	_ =	strace $0x9FFFFFFF  }
0xc3: {  	(tm) =	ssettm $0x7FFFFFFF  }
tec
execute0_lowered:
.L_overlay_start_1:
0x0: {  	(tag) =	ssettag $0x1  }
0x1: {  	s1 =	rddreg [dreg:$0x0]  }
0x2: {  	s0 =	rddreg [dreg:$0x1]  }
0x3: {  	s2 =	rddreg [dreg:$0x2];
	s3 =	simm.s32 $0x0  }
0x4: {  	s4 =	srdreg.scid;
	[smem:$0x7FF] =	sst s3  }
0x5: {  	s16 =	stileid.u32;
	s5 =	sadd.s32 $0xA64E00, s0;
	s6 =	sadd.s32 $0x9EDC00, s0  }
0x6: {  	s7 =	sadd.s32 $0xA15C00, s0;
	s4 =	sand.u32 $0x1, s4;
	s10 =	smul.u32 $0x4E000, s16  }
0x7: {  	s8 =	sadd.s32 $0x29C00, s0;
	s9 =	sadd.s32 $0x2A000, s0;
	s14 =	smul.u32 $0x13800, s16  }
0x8: {  	_ =	strace $0x80000047;
	[dreg:$0x4] =	wrdreg s8;
	s21 =	ssub.s32 $0x2, s4  }
0x9: {  	s11 =	sshll.u32 s4, $0x4;
	s4 =	smul.u32 $0x138800, s4;
	s22 =	sshrl.u32 s21, $0x1  }
0xa: {  	s12 =	sor.u32 s16, s11;
	s10 =	sshrl.u32 s10, $0x2;
	s25 =	sadd.s32 $0x12C00, s14  }
0xb: {  	s0 =	ssub.s32 s21, s22;
	s10 =	sadd.s32 s10, s2;
	s11 =	smul.u32 $0xA000, s12  }
0xc: {  	s8 =	sadd.s32 s4, s25;
	s26 =	sshrl.u32 s4, $0x3;
	s23 =	sadd.s32 $0x1400, s10  }
0xd: {  	s19 =	smul.u32 $0x2710, s12;
	s24 =	sadd.s32 $0x3C00, s10;
	[dreg:$0x5] =	wrdreg s23  }
0xe: {  	s4 =	sadd.s32 s4, s14;
	s17 =	sadd.s32 $0x5000, s10;
	[dreg:$0x6] =	wrdreg s24  }
0xf: {  	s12 =	sadd.s32 s2, s14;
	s0 =	smax.u32 s0, $0x1;
	[dreg:$0x7] =	wrdreg s17  }
0x10: {  	s14 =	sshrl.u32 s4, $0x3;
	s4 =	sadd.s32 $0x1400, s4;
	[dreg:$0xd] =	wrdreg s0  }
0x11: {  	s20 =	sadd.s32 $0x7800, s10;
	[dreg:$0x10] =	wrdreg s4  }
0x12: {  	s21 =	sadd.s32 $0x8C00, s10;
	[dreg:$0x12] =	wrdreg s20  }
0x13: {  	s8 =	sshrl.u32 s8, $0x3;
	s22 =	sadd.s32 $0xA000, s10;
	[dreg:$0x13] =	wrdreg s21  }
0x14: {  	s29 =	sadd.s32 s9, s26;
	s26 =	sadd.s32 $0xF000, s10;
	[dreg:$0x14] =	wrdreg s22  }
0x15: {  	s8 =	sadd.s32 s9, s8;
	[dreg:$0x18] =	wrdreg s26  }
0x16: {  	s31 =	sadd.s32 $0x27000, s29;
	[dreg:$0xb] =	wrdreg s8  }
0x17: {  	s0 =	sadd.s32 $0x1400, s12;
	[dreg:$0xc] =	wrdreg s31  }
0x18: {  	s23 =	sadd.s32 $0xB400, s10;
	[dreg:$0xe] =	wrdreg s0  }
0x19: {  	s24 =	sadd.s32 $0xC800, s10;
	[dreg:$0x15] =	wrdreg s23  }
0x1a: {  	s17 =	sadd.s32 s25, s2;
	s25 =	sadd.s32 $0xDC00, s10;
	[dreg:$0x16] =	wrdreg s24  }
0x1b: {  	s29 =	sadd.s32 $0x10400, s10;
	[dreg:$0x17] =	wrdreg s25  }
0x1c: {  	s28 =	simm.s32 $0x6;
	s15 =	sshrl.u32 s11, $0x3;
	[dreg:$0x19] =	wrdreg s29  }
0x1d: {  	s30 =	simm.s32 $0x0;
	s18 =	sadd.s32 s6, s15;
	[dreg:$0x8] =	wrdreg s17  }
0x1e: {  	p0 =	sne.s32 s16, $0xF;
	s15 =	sadd.s32 s7, s15;
	[dreg:$0x9] =	wrdreg s18  }
0x1f: {  	s13 =	sadd.s32 $0x2800, s10;
	s31 =	sadd.s32 $0x11800, s10;
	[dreg:$0xa] =	wrdreg s15  }
0x20: {  	s20 =	simm.s32 $0x9;
	s18 =	sadd.s32 $0x6400, s10;
	[dreg:$0x1a] =	wrdreg s31  }
0x21: {  	s21 =	simm.s32 $0x4;
	s15 =	sadd.s32 s9, s14;
	[dreg:$0x11] =	wrdreg s18  }
0x22: {  	s22 =	simm.s32 $0x5;
	s14 =	sadd.s32 $0x138000, s2;
	[dreg:$0xf] =	wrdreg s15  }
0x23: {  	s26 =	simm.s32 $0x28;
	s0 =	sadd.s32 $0x2300, s15;
	[dreg:$0x1b] =	wrdreg s14  }
0x24: {  	s23 =	simm.s32 $0x4000;
	s18 =	simm.s32 $0x6800;
	[dreg:$0x1c] =	wrdreg s0  }
.LBB2_1:
0x25: {  	s0 =	rddreg [dreg:$0x4]  }
0x26: {  	[tilespmem:s18], [sflag:$0x9] =	stream.linear.gather [hbm4b:s0+s3], $0x1400, $0x38;
	[tilespmem:$0x1DC80] =	vst v63  }
0x27: {  	_ =	swait.ge [sflag:s20], $0x1400  }
0x28: {  	[sflag:s20] =	ssyncset.done $0x0  }
0x29: {  	[sflag:s20] =	ssyncadd.s32 $0xFFFFEC00  }
0x2a: {  	[spmem:s10] =	stream.linear.scatter [tilespmem:s18], [sflag:$0x4], $0x1400, $0x38;
	[tilespmem:$0x1DC80] =	vst v63  }
0x2b: {  	s8 =	rddreg [dreg:$0x5]  }
0x2c: {  	[spmem:s8] =	stream.linear.scatter [tilespmem:s18], [sflag:$0x4], $0x1400, $0x38;
	[tilespmem:$0x1DC80] =	vst v63  }
0x2d: {  	_ = 	snop  }
0x2e: {  	[spmem:s13] =	stream.linear.scatter [tilespmem:s18], [sflag:$0x4], $0x1400, $0x38;
	[tilespmem:$0x1DC80] =	vst v63  }
0x2f: {  	s12 =	rddreg [dreg:$0x6]  }
0x30: {  	[spmem:s12] =	stream.linear.scatter [tilespmem:s18], [sflag:$0x4], $0x1400, $0x38;
	[tilespmem:$0x1DC80] =	vst v63  }
0x31: {  	s15 =	rddreg [dreg:$0x7]  }
0x32: {  	[spmem:s15] =	stream.linear.scatter [tilespmem:s18], [sflag:$0x4], $0x1400, $0x38;
	[tilespmem:$0x1DC80] =	vst v63  }
0x33: {  	s16 =	rddreg [dreg:$0x11]  }
0x34: {  	[spmem:s16] =	stream.linear.scatter [tilespmem:s18], [sflag:$0x4], $0x1400, $0x38;
	[tilespmem:$0x1DC80] =	vst v63  }
0x35: {  	s24 =	rddreg [dreg:$0x12]  }
0x36: {  	[spmem:s24] =	stream.linear.scatter [tilespmem:s18], [sflag:$0x4], $0x1400, $0x38;
	[tilespmem:$0x1DC80] =	vst v63  }
0x37: {  	s25 =	rddreg [dreg:$0x13]  }
0x38: {  	[spmem:s25] =	stream.linear.scatter [tilespmem:s18], [sflag:$0x4], $0x1400, $0x38;
	[tilespmem:$0x1DC80] =	vst v63  }
0x39: {  	s29 =	rddreg [dreg:$0x14]  }
0x3a: {  	[spmem:s29] =	stream.linear.scatter [tilespmem:s18], [sflag:$0x4], $0x1400, $0x38;
	[tilespmem:$0x1DC80] =	vst v63  }
0x3b: {  	s4 =	rddreg [dreg:$0x15]  }
0x3c: {  	[spmem:s4] =	stream.linear.scatter [tilespmem:s18], [sflag:$0x4], $0x1400, $0x38;
	[tilespmem:$0x1DC80] =	vst v63  }
0x3d: {  	s8 =	rddreg [dreg:$0x16]  }
0x3e: {  	[spmem:s8] =	stream.linear.scatter [tilespmem:s18], [sflag:$0x4], $0x1400, $0x38;
	[tilespmem:$0x1DC80] =	vst v63  }
0x3f: {  	s12 =	rddreg [dreg:$0x17]  }
0x40: {  	[spmem:s12] =	stream.linear.scatter [tilespmem:s18], [sflag:$0x4], $0x1400, $0x38;
	[tilespmem:$0x1DC80] =	vst v63  }
0x41: {  	s15 =	rddreg [dreg:$0x18]  }
0x42: {  	[spmem:s15] =	stream.linear.scatter [tilespmem:s18], [sflag:$0x4], $0x1400, $0x38;
	[tilespmem:$0x1DC80] =	vst v63  }
0x43: {  	s16 =	rddreg [dreg:$0x19]  }
0x44: {  	[spmem:s16] =	stream.linear.scatter [tilespmem:s18], [sflag:$0x4], $0x1400, $0x38;
	[tilespmem:$0x1DC80] =	vst v63  }
0x45: {  	s24 =	rddreg [dreg:$0x1a]  }
0x46: {  	[spmem:s24] =	stream.linear.scatter [tilespmem:s18], [sflag:$0x4], $0x1400, $0x38;
	[tilespmem:$0x1DC80] =	vst v63  }
0x47: {  	_ = 	snop  }
0x48: {  	[spmem:s17] =	stream.linear.scatter [tilespmem:s18], [sflag:$0x5], $0xC00, $0x38;
	[tilespmem:$0x1DC80] =	vst v63  }
0x49: {  	s0 =	simm.s32 @!p0 $0x6800  }
0x4a: {  	[spmem:s14] =	stream.linear.scatter @!p0 [tilespmem:s0], [sflag:$0x6], $0x800, $0x38;
	[tilespmem:$0x1DC80] =	vst v63  }
0x4b: {  	s25 =	rddreg [dreg:$0x9]  }
0x4c: {  	[tilespmem:s3], [sflag:$0x7] =	stream.linear.gather [hbm4b:s25+s3], $0xC80, $0x38;
	[tilespmem:$0x1DC80] =	vst v63  }
0x4d: {  	s29 =	rddreg [dreg:$0xa];
	s4 =	simm.s32 $0x2000  }
0x4e: {  	[tilespmem:s4], [sflag:$0x7] =	stream.linear.gather [hbm4b:s29+s3], $0xC80, $0x38;
	[tilespmem:$0x1DC80] =	vst v63  }
0x4f: {  	_ =	swait.ge [sflag:s21], $0x1400  }
0x50: {  	[sflag:s21] =	ssyncset.done $0x0  }
0x51: {  	[sflag:s21] =	ssyncadd.s32 $0xFFFFEC00  }
0x52: {  	_ =	swait.ge [sflag:s21], $0x1400  }
0x53: {  	[sflag:s21] =	ssyncset.done $0x0  }
0x54: {  	[sflag:s21] =	ssyncadd.s32 $0xFFFFEC00  }
0x55: {  	_ =	swait.ge [sflag:s21], $0x1400  }
0x56: {  	[sflag:s21] =	ssyncset.done $0x0  }
0x57: {  	[sflag:s21] =	ssyncadd.s32 $0xFFFFEC00  }
0x58: {  	_ =	swait.ge [sflag:s21], $0x1400  }
0x59: {  	[sflag:s21] =	ssyncset.done $0x0  }
0x5a: {  	[sflag:s21] =	ssyncadd.s32 $0xFFFFEC00  }
0x5b: {  	_ =	swait.ge [sflag:s21], $0x1400  }
0x5c: {  	[sflag:s21] =	ssyncset.done $0x0  }
0x5d: {  	[sflag:s21] =	ssyncadd.s32 $0xFFFFEC00  }
0x5e: {  	_ =	swait.ge [sflag:s21], $0x1400  }
0x5f: {  	[sflag:s21] =	ssyncset.done $0x0  }
0x60: {  	[sflag:s21] =	ssyncadd.s32 $0xFFFFEC00  }
0x61: {  	_ =	swait.ge [sflag:s21], $0x1400  }
0x62: {  	[sflag:s21] =	ssyncset.done $0x0  }
0x63: {  	[sflag:s21] =	ssyncadd.s32 $0xFFFFEC00  }
0x64: {  	_ =	swait.ge [sflag:s21], $0x1400  }
0x65: {  	[sflag:s21] =	ssyncset.done $0x0  }
0x66: {  	[sflag:s21] =	ssyncadd.s32 $0xFFFFEC00  }
0x67: {  	_ =	swait.ge [sflag:s21], $0x1400  }
0x68: {  	[sflag:s21] =	ssyncset.done $0x0  }
0x69: {  	[sflag:s21] =	ssyncadd.s32 $0xFFFFEC00  }
0x6a: {  	_ =	swait.ge [sflag:s21], $0x1400  }
0x6b: {  	[sflag:s21] =	ssyncset.done $0x0  }
0x6c: {  	[sflag:s21] =	ssyncadd.s32 $0xFFFFEC00  }
0x6d: {  	_ =	swait.ge [sflag:s21], $0x1400  }
0x6e: {  	[sflag:s21] =	ssyncset.done $0x0  }
0x6f: {  	[sflag:s21] =	ssyncadd.s32 $0xFFFFEC00  }
0x70: {  	_ =	swait.ge [sflag:s21], $0x1400  }
0x71: {  	[sflag:s21] =	ssyncset.done $0x0  }
0x72: {  	[sflag:s21] =	ssyncadd.s32 $0xFFFFEC00  }
0x73: {  	_ =	swait.ge [sflag:s21], $0x1400  }
0x74: {  	[sflag:s21] =	ssyncset.done $0x0  }
0x75: {  	[sflag:s21] =	ssyncadd.s32 $0xFFFFEC00  }
0x76: {  	_ =	swait.ge [sflag:s21], $0x1400  }
0x77: {  	[sflag:s21] =	ssyncset.done $0x0  }
0x78: {  	[sflag:s21] =	ssyncadd.s32 $0xFFFFEC00  }
0x79: {  	_ =	swait.ge [sflag:s21], $0x1400  }
0x7a: {  	[sflag:s21] =	ssyncset.done $0x0  }
0x7b: {  	[sflag:s21] =	ssyncadd.s32 $0xFFFFEC00  }
0x7c: {  	_ =	swait.ge [sflag:s22], $0xC00  }
0x7d: {  	[sflag:s22] =	ssyncset.done $0x0  }
0x7e: {  	s0 =	simm.s32 @!p0 $0x6;
	[sflag:s22] =	ssyncadd.s32 $0xFFFFF400  }
0x7f: {  	_ =	swait.ge @!p0 [sflag:s0], $0x800  }
0x80: {  	[sflag:s0] =	ssyncset.done @!p0 $0x0  }
0x81: {  	[sflag:s0] =	ssyncadd.s32 @!p0 $0xFFFFF800  }
0x82: {  	s31 =	simm.s32 $0x0;
	[bflag:$0x0] =	sbarrier.arrive $0xFFFF  }
.LBB2_2:
0x83: {  	s8 =	sand.u32 $0x1, s31  }
0x84: {  	s0 =	smov.u32 s31;
	s4 =	sadd.s32 $0x7, s8  }
0x85: {  	s31 =	sadd.s32 $0x1, s31;
	p1 =	seq.s32 s0, $0x9;
	_ =	swait.ge [sflag:s4], $0xC80  }
0x86: {  	s0 =	smul.u32 $0x3E8, s0;
	s12 =	sshll.u32 @!p1 s31, $0xC;
	[sflag:s4] =	ssyncset.done $0x0  }
0x87: {  	s14 =	sxor.u32 @!p1 $0x1, s8;
	s12 =	sadd.s32 @!p1 s11, s12;
	[sflag:s4] =	ssyncadd.s32 $0xFFFFF380  }
0x88: {  	s17 =	simm.s32 @!p1 $0x0;
	s12 =	sshrl.u32 @!p1 s12, $0x3;
	_ =	swait.ge [sflag:s4], $0xC80  }
0x89: {  	s0 =	sadd.s32 s19, s0;
	s16 =	sadd.s32 @!p1 s6, s12;
	[sflag:s4] =	ssyncset.done $0x0  }
0x8a: {  	[sflag:s4] =	ssyncadd.s32 $0xFFFFF380;
	s4 =	sadd.s32 @!p1 $0x7, s14;
	s14 =	sshll.u32 @!p1 s14, $0xC  }
0x8b: {  	[tilespmem:s14], [sflag:s4] =	stream.linear.gather @!p1 [hbm4b:s16+s17], $0xC80, $0x38;
	[tilespmem:$0x1DC80] =	vst v63  }
0x8c: {  	s25 =	sshll.u32 s0, $0x4;
	s12 =	sadd.s32 @!p1 s7, s12;
	s14 =	sor.u32 @!p1 $0x2000, s14  }
0x8d: {  	[tilespmem:s14], [sflag:s4] =	stream.linear.gather @!p1 [hbm4b:s12+s17], $0xC80, $0x38;
	[tilespmem:$0x1DC80] =	vst v63  }
0x8e: {  	s8 =	sshll.u32 s8, $0xC;
	s29 =	sadd.s32 s5, s25;
	s4 =	simm.s32 $0x0  }
0x8f: {  	[tilespmem:s23], [sflag:$0x1] =	stream.linear.gather [hbm4b:s29+s4], $0x1400, $0x38;
	[tilespmem:$0x1DC80] =	vst v63  }
0x90: {  	s12 =	simm.s32 $0x6800;
	s14 =	sor.u32 $0x2000, s8  }
0x91: {  	[tilespmem:s12], [sflag:$0x1] =	stream.indirect.gather [hbm4b:s1+s26], $0x80, s8, s26, $0xb8;
	[tilespmem:$0x1DC80] =	vst v63  }
.LBB2_3:
0x92: {  	p1 =	slt.u32 s4, $0x2  }
0x93: {  	s16 =	sadd.s32 @!p1 $0xFFFFFFFE, s4  }
0x94: {  	s17 =	sand.u32 @!p1 $0xFF, s16  }
0x95: {  	s17 =	smul.u32 @!p1 $0xAB, s17;
	_ =	sdelay $0x1  }
0x96: {  	s17 =	sshrl.u32 @!p1 s17, $0x9  }
0x97: {  	s17 =	smul.u32 @!p1 $0x3, s17  }
0x98: {  	p2 =	seq.s32 @!p1 s4, $0x18  }
0x99: {  	p2 =	por p1, !p2;
	s16 =	ssub.s32 @!p1 s16, s17  }
.Ltmp0:
0x9a: {  	s16 =	sor.u32 @!p1 $0x4, s16;
	(pc) =	sbr.rel @!p2 .LBB2_5-.Ltmp0, $4  }
0x9b: {  	s16 =	sand.u32 @!p1 $0xFF, s16  }
0x9c: {  	_ =	swait.ge @!p1 [sflag:s16], $0x1400  }
0x9d: {  	[sflag:s16] =	ssyncset.done @!p1 $0x0  }
0x9e: {  	[sflag:s16] =	ssyncadd.s32 @!p1 $0xFFFFEC00  }
0x9f: {  	s16 =	sadd.s32 $0x1, s4  }
0xa0: {  	s17 =	smul.u32 $0xAB, s16;
	_ =	sdelay $0x1  }
0xa1: {  	s17 =	sshrl.u32 s17, $0x9  }
0xa2: {  	s24 =	smul.u32 $0x28, s16;
	s17 =	sand.u32 $0x7F, s17  }
0xa3: {  	s29 =	sand.u32 $0x1, s16;
	s17 =	smul.u32 $0x3, s17  }
0xa4: {  	p1 =	seq.s32 s29, $0x1;
	s24 =	sadd.s32 s0, s24  }
0xa5: {  	s29 =	simm.s32 $0x5400;
	s24 =	sshll.u32 s24, $0x4;
	s17 =	ssub.s32 s16, s17  }
0xa6: {  	s29 =	simm.s32 @!p1 $0x4000;
	s24 =	sadd.s32 s5, s24;
	s17 =	sand.u32 $0xFF, s17  }
0xa7: {  	s16 =	sshll.u32 s16, $0x7;
	s25 =	sadd.s32 $0x1, s17;
	s17 =	smul.u32 $0x5000, s17  }
0xa8: {  	[tilespmem:s29], [sflag:s25] =	stream.linear.gather [hbm4b:s24+s3], $0x1400, $0x38;
	[tilespmem:$0x1DC80] =	vst v63  }
0xa9: {  	s16 =	sand.u32 $0x3FFFFF80, s16;
	s17 =	sshrl.u32 s17, $0x2  }
0xaa: {  	s16 =	sadd.s32 s16, s8;
	s17 =	sadd.s32 $0x6800, s17  }
0xab: {  	[tilespmem:s17], [sflag:s25] =	stream.indirect.gather [hbm4b:s1+s26], $0x80, s16, s26, $0xb8;
	[tilespmem:$0x1DC80] =	vst v63  }
.LBB2_5:
0xac: {  	s16 =	smul.u32 $0xAB, s4;
	_ =	sdelay $0x1  }
0xad: {  	s16 =	sshrl.u32 s16, $0x9  }
0xae: {  	s17 =	smulhi.u32 $0xAAAAAAAB, s4;
	s16 =	sand.u32 $0x7F, s16  }
0xaf: {  	s16 =	smul.u32 $0x3, s16;
	_ =	sdelay $0x1  }
0xb0: {  	s17 =	sshrl.u32 s17, $0x1;
	s16 =	ssub.s32 s4, s16  }
0xb1: {  	s24 =	smul.u32 $0xFFFF1000, s17;
	s17 =	sand.u32 $0xFF, s16  }
0xb2: {  	s29 =	sand.u32 $0x1, s4;
	s16 =	sadd.s32 $0x1, s17  }
0xb3: {  	s15 =	simm.s32 $0x5600;
	s24 =	sshra.s32 s24, $0x2;
	_ =	swait.ge [sflag:s16], $0x1400  }
0xb4: {  	p1 =	seq.s32 s29, $0x1;
	s25 =	sadd.s32 s24, s12;
	[sflag:s16] =	ssyncset.done $0x0  }
0xb5: {  	s15 =	simm.s32 @!p1 $0x4200;
	v0 =	vmov s25;
	s24 =	smul.u32 $0x5000, s17;
	[sflag:s16] =	ssyncadd.s32 $0xFFFFEC00  }
0xb6: {  	v1 =	vmov s15;
	_ =	swait.ge [sflag:s16], $0x1400  }
0xb7: {  	s24 =	sshrl.u32 s24, $0x2;
	[sflag:s16] =	ssyncset.done $0x0  }
0xb8: {  	s29 =	simm.s32 $0x0;
	s24 =	sadd.s32 $0x6800, s24;
	[sflag:s16] =	ssyncadd.s32 $0xFFFFEC00  }
.LBB2_6:
0xb9: {  	s16 =	sshra.s32 s29, $0x2  }
0xba: {  	v2 =	vld.idx.msk [tilespmem:v0+s16+$0x0 ss:$0x1], $0xffff  }
0xbb: {  	v3 =	vld.idx.msk [tilespmem:v1+s16+$0xFFFFFE00 ss:$0x1], $0xffff;
	_ =	sdelay $0x4  }
0xbc: {  	v2 =	vmul.f32 v3, v2;
	_ =	sdelay $0x1  }
0xbd: {  	[tilespmem:v0+s16+$0x0 ss:$0x1] =	vst.idx.msk $0xffff, v2  }
0xbe: {  	v2 =	vld.idx.msk [tilespmem:v0+s16+$0x10 ss:$0x1], $0xffff  }
0xbf: {  	v3 =	vld.idx.msk [tilespmem:v1+s16+$0xFFFFFE10 ss:$0x1], $0xffff;
	_ =	sdelay $0x4  }
0xc0: {  	v2 =	vmul.f32 v3, v2;
	_ =	sdelay $0x1  }
0xc1: {  	[tilespmem:v0+s16+$0x10 ss:$0x1] =	vst.idx.msk $0xffff, v2  }
0xc2: {  	v2 =	vld.idx.msk [tilespmem:v0+s16+$0x20 ss:$0x1], $0xffff  }
0xc3: {  	v3 =	vld.idx.msk [tilespmem:v1+s16+$0xFFFFFE20 ss:$0x1], $0xffff;
	_ =	sdelay $0x4  }
0xc4: {  	v2 =	vmul.f32 v3, v2;
	_ =	sdelay $0x1  }
0xc5: {  	[tilespmem:v0+s16+$0x20 ss:$0x1] =	vst.idx.msk $0xffff, v2  }
0xc6: {  	v2 =	vld.idx.msk [tilespmem:v0+s16+$0x30 ss:$0x1], $0xffff  }
0xc7: {  	v3 =	vld.idx.msk [tilespmem:v1+s16+$0xFFFFFE30 ss:$0x1], $0xffff;
	_ =	sdelay $0x4  }
0xc8: {  	v2 =	vmul.f32 v3, v2;
	_ =	sdelay $0x1  }
0xc9: {  	[tilespmem:v0+s16+$0x30 ss:$0x1] =	vst.idx.msk $0xffff, v2  }
0xca: {  	v2 =	vld.idx.msk [tilespmem:v0+s16+$0x40 ss:$0x1], $0xffff  }
0xcb: {  	v3 =	vld.idx.msk [tilespmem:v1+s16+$0xFFFFFE40 ss:$0x1], $0xffff;
	_ =	sdelay $0x4  }
0xcc: {  	v2 =	vmul.f32 v3, v2;
	_ =	sdelay $0x1  }
0xcd: {  	[tilespmem:v0+s16+$0x40 ss:$0x1] =	vst.idx.msk $0xffff, v2  }
0xce: {  	v2 =	vld.idx.msk [tilespmem:v0+s16+$0x50 ss:$0x1], $0xffff  }
0xcf: {  	v3 =	vld.idx.msk [tilespmem:v1+s16+$0xFFFFFE50 ss:$0x1], $0xffff;
	_ =	sdelay $0x4  }
0xd0: {  	v2 =	vmul.f32 v3, v2;
	_ =	sdelay $0x1  }
0xd1: {  	[tilespmem:v0+s16+$0x50 ss:$0x1] =	vst.idx.msk $0xffff, v2  }
0xd2: {  	v2 =	vld.idx.msk [tilespmem:v0+s16+$0x60 ss:$0x1], $0xffff  }
0xd3: {  	v3 =	vld.idx.msk [tilespmem:v1+s16+$0xFFFFFE60 ss:$0x1], $0xffff;
	_ =	sdelay $0x4  }
0xd4: {  	v2 =	vmul.f32 v3, v2;
	_ =	sdelay $0x1  }
0xd5: {  	[tilespmem:v0+s16+$0x60 ss:$0x1] =	vst.idx.msk $0xffff, v2  }
0xd6: {  	v2 =	vld.idx.msk [tilespmem:v0+s16+$0x70 ss:$0x1], $0xffff  }
0xd7: {  	v3 =	vld.idx.msk [tilespmem:v1+s16+$0xFFFFFE70 ss:$0x1], $0xffff;
	_ =	sdelay $0x4  }
0xd8: {  	v2 =	vmul.f32 v3, v2;
	_ =	sdelay $0x1  }
0xd9: {  	[tilespmem:v0+s16+$0x70 ss:$0x1] =	vst.idx.msk $0xffff, v2  }
0xda: {  	v2 =	vld.idx.msk [tilespmem:v0+s16+$0x80 ss:$0x1], $0xffff  }
0xdb: {  	v3 =	vld.idx.msk [tilespmem:v1+s16+$0xFFFFFE80 ss:$0x1], $0xffff;
	_ =	sdelay $0x4  }
0xdc: {  	v2 =	vmul.f32 v3, v2;
	_ =	sdelay $0x1  }
0xdd: {  	[tilespmem:v0+s16+$0x80 ss:$0x1] =	vst.idx.msk $0xffff, v2  }
0xde: {  	v2 =	vld.idx.msk [tilespmem:v0+s16+$0x90 ss:$0x1], $0xffff  }
0xdf: {  	v3 =	vld.idx.msk [tilespmem:v1+s16+$0xFFFFFE90 ss:$0x1], $0xffff;
	_ =	sdelay $0x4  }
0xe0: {  	v2 =	vmul.f32 v3, v2;
	_ =	sdelay $0x1  }
0xe1: {  	[tilespmem:v0+s16+$0x90 ss:$0x1] =	vst.idx.msk $0xffff, v2  }
0xe2: {  	v2 =	vld.idx.msk [tilespmem:v0+s16+$0xA0 ss:$0x1], $0xffff  }
0xe3: {  	v3 =	vld.idx.msk [tilespmem:v1+s16+$0xFFFFFEA0 ss:$0x1], $0xffff;
	_ =	sdelay $0x4  }
0xe4: {  	v2 =	vmul.f32 v3, v2;
	_ =	sdelay $0x1  }
0xe5: {  	[tilespmem:v0+s16+$0xA0 ss:$0x1] =	vst.idx.msk $0xffff, v2  }
0xe6: {  	v2 =	vld.idx.msk [tilespmem:v0+s16+$0xB0 ss:$0x1], $0xffff  }
0xe7: {  	v3 =	vld.idx.msk [tilespmem:v1+s16+$0xFFFFFEB0 ss:$0x1], $0xffff;
	_ =	sdelay $0x4  }
0xe8: {  	v2 =	vmul.f32 v3, v2;
	_ =	sdelay $0x1  }
0xe9: {  	[tilespmem:v0+s16+$0xB0 ss:$0x1] =	vst.idx.msk $0xffff, v2  }
0xea: {  	v2 =	vld.idx.msk [tilespmem:v0+s16+$0xC0 ss:$0x1], $0xffff  }
0xeb: {  	v3 =	vld.idx.msk [tilespmem:v1+s16+$0xFFFFFEC0 ss:$0x1], $0xffff;
	_ =	sdelay $0x4  }
0xec: {  	v2 =	vmul.f32 v3, v2;
	_ =	sdelay $0x1  }
0xed: {  	[tilespmem:v0+s16+$0xC0 ss:$0x1] =	vst.idx.msk $0xffff, v2  }
0xee: {  	v2 =	vld.idx.msk [tilespmem:v0+s16+$0xD0 ss:$0x1], $0xffff  }
0xef: {  	v3 =	vld.idx.msk [tilespmem:v1+s16+$0xFFFFFED0 ss:$0x1], $0xffff;
	_ =	sdelay $0x4  }
0xf0: {  	v2 =	vmul.f32 v3, v2;
	_ =	sdelay $0x1  }
0xf1: {  	[tilespmem:v0+s16+$0xD0 ss:$0x1] =	vst.idx.msk $0xffff, v2  }
0xf2: {  	v2 =	vld.idx.msk [tilespmem:v0+s16+$0xE0 ss:$0x1], $0xffff  }
0xf3: {  	v3 =	vld.idx.msk [tilespmem:v1+s16+$0xFFFFFEE0 ss:$0x1], $0xffff;
	_ =	sdelay $0x4  }
0xf4: {  	v2 =	vmul.f32 v3, v2;
	_ =	sdelay $0x1  }
0xf5: {  	[tilespmem:v0+s16+$0xE0 ss:$0x1] =	vst.idx.msk $0xffff, v2  }
0xf6: {  	v2 =	vld.idx.msk [tilespmem:v0+s16+$0xF0 ss:$0x1], $0xffff  }
0xf7: {  	v3 =	vld.idx.msk [tilespmem:v1+s16+$0xFFFFFEF0 ss:$0x1], $0xffff;
	_ =	sdelay $0x4  }
0xf8: {  	v2 =	vmul.f32 v3, v2;
	_ =	sdelay $0x1  }
0xf9: {  	[tilespmem:v0+s16+$0xF0 ss:$0x1] =	vst.idx.msk $0xffff, v2  }
0xfa: {  	v2 =	vld.idx.msk [tilespmem:v0+s16+$0x100 ss:$0x1], $0xffff  }
0xfb: {  	v3 =	vld.idx.msk [tilespmem:v1+s16+$0xFFFFFF00 ss:$0x1], $0xffff;
	_ =	sdelay $0x4  }
0xfc: {  	v2 =	vmul.f32 v3, v2;
	_ =	sdelay $0x1  }
0xfd: {  	[tilespmem:v0+s16+$0x100 ss:$0x1] =	vst.idx.msk $0xffff, v2  }
0xfe: {  	v2 =	vld.idx.msk [tilespmem:v0+s16+$0x110 ss:$0x1], $0xffff  }
0xff: {  	v3 =	vld.idx.msk [tilespmem:v1+s16+$0xFFFFFF10 ss:$0x1], $0xffff;
	_ =	sdelay $0x4  }
0x100: {  	v2 =	vmul.f32 v3, v2;
	_ =	sdelay $0x1  }
0x101: {  	[tilespmem:v0+s16+$0x110 ss:$0x1] =	vst.idx.msk $0xffff, v2  }
0x102: {  	v2 =	vld.idx.msk [tilespmem:v0+s16+$0x120 ss:$0x1], $0xffff  }
0x103: {  	v3 =	vld.idx.msk [tilespmem:v1+s16+$0xFFFFFF20 ss:$0x1], $0xffff;
	_ =	sdelay $0x4  }
0x104: {  	v2 =	vmul.f32 v3, v2;
	_ =	sdelay $0x1  }
0x105: {  	[tilespmem:v0+s16+$0x120 ss:$0x1] =	vst.idx.msk $0xffff, v2  }
0x106: {  	v2 =	vld.idx.msk [tilespmem:v0+s16+$0x130 ss:$0x1], $0xffff  }
0x107: {  	v3 =	vld.idx.msk [tilespmem:v1+s16+$0xFFFFFF30 ss:$0x1], $0xffff;
	_ =	sdelay $0x4  }
0x108: {  	v2 =	vmul.f32 v3, v2;
	_ =	sdelay $0x1  }
0x109: {  	[tilespmem:v0+s16+$0x130 ss:$0x1] =	vst.idx.msk $0xffff, v2  }
0x10a: {  	v2 =	vld.idx.msk [tilespmem:v0+s16+$0x140 ss:$0x1], $0xffff  }
0x10b: {  	v3 =	vld.idx.msk [tilespmem:v1+s16+$0xFFFFFF40 ss:$0x1], $0xffff;
	_ =	sdelay $0x4  }
0x10c: {  	v2 =	vmul.f32 v3, v2;
	_ =	sdelay $0x1  }
0x10d: {  	[tilespmem:v0+s16+$0x140 ss:$0x1] =	vst.idx.msk $0xffff, v2  }
0x10e: {  	v2 =	vld.idx.msk [tilespmem:v0+s16+$0x150 ss:$0x1], $0xffff  }
0x10f: {  	v3 =	vld.idx.msk [tilespmem:v1+s16+$0xFFFFFF50 ss:$0x1], $0xffff;
	_ =	sdelay $0x4  }
0x110: {  	v2 =	vmul.f32 v3, v2;
	_ =	sdelay $0x1  }
0x111: {  	[tilespmem:v0+s16+$0x150 ss:$0x1] =	vst.idx.msk $0xffff, v2  }
0x112: {  	v2 =	vld.idx.msk [tilespmem:v0+s16+$0x160 ss:$0x1], $0xffff  }
0x113: {  	v3 =	vld.idx.msk [tilespmem:v1+s16+$0xFFFFFF60 ss:$0x1], $0xffff;
	_ =	sdelay $0x4  }
0x114: {  	v2 =	vmul.f32 v3, v2;
	_ =	sdelay $0x1  }
0x115: {  	[tilespmem:v0+s16+$0x160 ss:$0x1] =	vst.idx.msk $0xffff, v2  }
0x116: {  	v2 =	vld.idx.msk [tilespmem:v0+s16+$0x170 ss:$0x1], $0xffff  }
0x117: {  	v3 =	vld.idx.msk [tilespmem:v1+s16+$0xFFFFFF70 ss:$0x1], $0xffff;
	_ =	sdelay $0x4  }
0x118: {  	v2 =	vmul.f32 v3, v2;
	_ =	sdelay $0x1  }
0x119: {  	[tilespmem:v0+s16+$0x170 ss:$0x1] =	vst.idx.msk $0xffff, v2  }
0x11a: {  	v2 =	vld.idx.msk [tilespmem:v0+s16+$0x180 ss:$0x1], $0xffff  }
0x11b: {  	v3 =	vld.idx.msk [tilespmem:v1+s16+$0xFFFFFF80 ss:$0x1], $0xffff;
	_ =	sdelay $0x4  }
0x11c: {  	v2 =	vmul.f32 v3, v2;
	_ =	sdelay $0x1  }
0x11d: {  	[tilespmem:v0+s16+$0x180 ss:$0x1] =	vst.idx.msk $0xffff, v2  }
0x11e: {  	v2 =	vld.idx.msk [tilespmem:v0+s16+$0x190 ss:$0x1], $0xffff  }
0x11f: {  	v3 =	vld.idx.msk [tilespmem:v1+s16+$0xFFFFFF90 ss:$0x1], $0xffff;
	_ =	sdelay $0x4  }
0x120: {  	v2 =	vmul.f32 v3, v2;
	_ =	sdelay $0x1  }
0x121: {  	[tilespmem:v0+s16+$0x190 ss:$0x1] =	vst.idx.msk $0xffff, v2  }
0x122: {  	v2 =	vld.idx.msk [tilespmem:v0+s16+$0x1A0 ss:$0x1], $0xffff  }
0x123: {  	v3 =	vld.idx.msk [tilespmem:v1+s16+$0xFFFFFFA0 ss:$0x1], $0xffff;
	_ =	sdelay $0x4  }
0x124: {  	v2 =	vmul.f32 v3, v2;
	_ =	sdelay $0x1  }
0x125: {  	[tilespmem:v0+s16+$0x1A0 ss:$0x1] =	vst.idx.msk $0xffff, v2  }
0x126: {  	v2 =	vld.idx.msk [tilespmem:v0+s16+$0x1B0 ss:$0x1], $0xffff  }
0x127: {  	v3 =	vld.idx.msk [tilespmem:v1+s16+$0xFFFFFFB0 ss:$0x1], $0xffff;
	_ =	sdelay $0x4  }
0x128: {  	v2 =	vmul.f32 v3, v2;
	_ =	sdelay $0x1  }
0x129: {  	[tilespmem:v0+s16+$0x1B0 ss:$0x1] =	vst.idx.msk $0xffff, v2  }
0x12a: {  	v2 =	vld.idx.msk [tilespmem:v0+s16+$0x1C0 ss:$0x1], $0xffff  }
0x12b: {  	v3 =	vld.idx.msk [tilespmem:v1+s16+$0xFFFFFFC0 ss:$0x1], $0xffff;
	_ =	sdelay $0x4  }
0x12c: {  	v2 =	vmul.f32 v3, v2;
	_ =	sdelay $0x1  }
0x12d: {  	[tilespmem:v0+s16+$0x1C0 ss:$0x1] =	vst.idx.msk $0xffff, v2  }
0x12e: {  	v2 =	vld.idx.msk [tilespmem:v0+s16+$0x1D0 ss:$0x1], $0xffff  }
0x12f: {  	v3 =	vld.idx.msk [tilespmem:v1+s16+$0xFFFFFFD0 ss:$0x1], $0xffff;
	_ =	sdelay $0x4  }
0x130: {  	v2 =	vmul.f32 v3, v2;
	_ =	sdelay $0x1  }
0x131: {  	[tilespmem:v0+s16+$0x1D0 ss:$0x1] =	vst.idx.msk $0xffff, v2  }
0x132: {  	v2 =	vld.idx.msk [tilespmem:v0+s16+$0x1E0 ss:$0x1], $0xffff  }
0x133: {  	v3 =	vld.idx.msk [tilespmem:v1+s16+$0xFFFFFFE0 ss:$0x1], $0xffff;
	_ =	sdelay $0x4  }
0x134: {  	v2 =	vmul.f32 v3, v2;
	_ =	sdelay $0x1  }
0x135: {  	[tilespmem:v0+s16+$0x1E0 ss:$0x1] =	vst.idx.msk $0xffff, v2  }
0x136: {  	v2 =	vld.idx.msk [tilespmem:v0+s16+$0x1F0 ss:$0x1], $0xffff  }
0x137: {  	v3 =	vld.idx.msk [tilespmem:v1+s16+$0xFFFFFFF0 ss:$0x1], $0xffff;
	_ =	sdelay $0x4  }
0x138: {  	v2 =	vmul.f32 v3, v2;
	_ =	sdelay $0x1  }
0x139: {  	[tilespmem:v0+s16+$0x1F0 ss:$0x1] =	vst.idx.msk $0xffff, v2  }
0x13a: {  	v2 =	vld.idx.msk [tilespmem:v0+s16+$0x200 ss:$0x1], $0xffff  }
0x13b: {  	v3 =	vld.idx.msk [tilespmem:v1+s16+$0x0 ss:$0x1], $0xffff;
	_ =	sdelay $0x4  }
0x13c: {  	v2 =	vmul.f32 v3, v2;
	_ =	sdelay $0x1  }
0x13d: {  	[tilespmem:v0+s16+$0x200 ss:$0x1] =	vst.idx.msk $0xffff, v2  }
0x13e: {  	v2 =	vld.idx.msk [tilespmem:v0+s16+$0x210 ss:$0x1], $0xffff  }
0x13f: {  	v3 =	vld.idx.msk [tilespmem:v1+s16+$0x10 ss:$0x1], $0xffff;
	_ =	sdelay $0x4  }
0x140: {  	v2 =	vmul.f32 v3, v2;
	_ =	sdelay $0x1  }
0x141: {  	[tilespmem:v0+s16+$0x210 ss:$0x1] =	vst.idx.msk $0xffff, v2  }
0x142: {  	v2 =	vld.idx.msk [tilespmem:v0+s16+$0x220 ss:$0x1], $0xffff  }
0x143: {  	v3 =	vld.idx.msk [tilespmem:v1+s16+$0x20 ss:$0x1], $0xffff;
	_ =	sdelay $0x4  }
0x144: {  	v2 =	vmul.f32 v3, v2;
	_ =	sdelay $0x1  }
0x145: {  	[tilespmem:v0+s16+$0x220 ss:$0x1] =	vst.idx.msk $0xffff, v2  }
0x146: {  	v2 =	vld.idx.msk [tilespmem:v0+s16+$0x230 ss:$0x1], $0xffff  }
0x147: {  	v3 =	vld.idx.msk [tilespmem:v1+s16+$0x30 ss:$0x1], $0xffff;
	_ =	sdelay $0x4  }
0x148: {  	v2 =	vmul.f32 v3, v2;
	_ =	sdelay $0x1  }
0x149: {  	[tilespmem:v0+s16+$0x230 ss:$0x1] =	vst.idx.msk $0xffff, v2  }
0x14a: {  	v2 =	vld.idx.msk [tilespmem:v0+s16+$0x240 ss:$0x1], $0xffff  }
0x14b: {  	v3 =	vld.idx.msk [tilespmem:v1+s16+$0x40 ss:$0x1], $0xffff;
	_ =	sdelay $0x4  }
0x14c: {  	v2 =	vmul.f32 v3, v2;
	_ =	sdelay $0x1  }
0x14d: {  	[tilespmem:v0+s16+$0x240 ss:$0x1] =	vst.idx.msk $0xffff, v2  }
0x14e: {  	v2 =	vld.idx.msk [tilespmem:v0+s16+$0x250 ss:$0x1], $0xffff  }
0x14f: {  	v3 =	vld.idx.msk [tilespmem:v1+s16+$0x50 ss:$0x1], $0xffff;
	_ =	sdelay $0x4  }
0x150: {  	v2 =	vmul.f32 v3, v2;
	_ =	sdelay $0x1  }
0x151: {  	[tilespmem:v0+s16+$0x250 ss:$0x1] =	vst.idx.msk $0xffff, v2  }
0x152: {  	v2 =	vld.idx.msk [tilespmem:v0+s16+$0x260 ss:$0x1], $0xffff  }
0x153: {  	v3 =	vld.idx.msk [tilespmem:v1+s16+$0x60 ss:$0x1], $0xffff;
	_ =	sdelay $0x4  }
0x154: {  	v2 =	vmul.f32 v3, v2;
	_ =	sdelay $0x1  }
0x155: {  	[tilespmem:v0+s16+$0x260 ss:$0x1] =	vst.idx.msk $0xffff, v2  }
0x156: {  	v2 =	vld.idx.msk [tilespmem:v0+s16+$0x270 ss:$0x1], $0xffff  }
0x157: {  	v3 =	vld.idx.msk [tilespmem:v1+s16+$0x70 ss:$0x1], $0xffff;
	_ =	sdelay $0x4  }
0x158: {  	v2 =	vmul.f32 v3, v2;
	_ =	sdelay $0x1  }
0x159: {  	[tilespmem:v0+s16+$0x270 ss:$0x1] =	vst.idx.msk $0xffff, v2  }
0x15a: {  	v2 =	vld.idx.msk [tilespmem:v0+s16+$0x280 ss:$0x1], $0xffff  }
0x15b: {  	v3 =	vld.idx.msk [tilespmem:v1+s16+$0x80 ss:$0x1], $0xffff;
	_ =	sdelay $0x4  }
0x15c: {  	v2 =	vmul.f32 v3, v2;
	_ =	sdelay $0x1  }
0x15d: {  	[tilespmem:v0+s16+$0x280 ss:$0x1] =	vst.idx.msk $0xffff, v2  }
0x15e: {  	v2 =	vld.idx.msk [tilespmem:v0+s16+$0x290 ss:$0x1], $0xffff  }
0x15f: {  	v3 =	vld.idx.msk [tilespmem:v1+s16+$0x90 ss:$0x1], $0xffff;
	_ =	sdelay $0x4  }
0x160: {  	v2 =	vmul.f32 v3, v2;
	_ =	sdelay $0x1  }
0x161: {  	[tilespmem:v0+s16+$0x290 ss:$0x1] =	vst.idx.msk $0xffff, v2  }
0x162: {  	v2 =	vld.idx.msk [tilespmem:v0+s16+$0x2A0 ss:$0x1], $0xffff  }
0x163: {  	v3 =	vld.idx.msk [tilespmem:v1+s16+$0xA0 ss:$0x1], $0xffff;
	_ =	sdelay $0x4  }
0x164: {  	v2 =	vmul.f32 v3, v2;
	_ =	sdelay $0x1  }
0x165: {  	[tilespmem:v0+s16+$0x2A0 ss:$0x1] =	vst.idx.msk $0xffff, v2  }
0x166: {  	v2 =	vld.idx.msk [tilespmem:v0+s16+$0x2B0 ss:$0x1], $0xffff  }
0x167: {  	v3 =	vld.idx.msk [tilespmem:v1+s16+$0xB0 ss:$0x1], $0xffff;
	_ =	sdelay $0x4  }
0x168: {  	v2 =	vmul.f32 v3, v2;
	_ =	sdelay $0x1  }
0x169: {  	[tilespmem:v0+s16+$0x2B0 ss:$0x1] =	vst.idx.msk $0xffff, v2  }
0x16a: {  	v2 =	vld.idx.msk [tilespmem:v0+s16+$0x2C0 ss:$0x1], $0xffff  }
0x16b: {  	v3 =	vld.idx.msk [tilespmem:v1+s16+$0xC0 ss:$0x1], $0xffff;
	_ =	sdelay $0x4  }
0x16c: {  	v2 =	vmul.f32 v3, v2;
	_ =	sdelay $0x1  }
0x16d: {  	[tilespmem:v0+s16+$0x2C0 ss:$0x1] =	vst.idx.msk $0xffff, v2  }
0x16e: {  	v2 =	vld.idx.msk [tilespmem:v0+s16+$0x2D0 ss:$0x1], $0xffff  }
0x16f: {  	v3 =	vld.idx.msk [tilespmem:v1+s16+$0xD0 ss:$0x1], $0xffff;
	_ =	sdelay $0x4  }
0x170: {  	v2 =	vmul.f32 v3, v2;
	_ =	sdelay $0x1  }
0x171: {  	[tilespmem:v0+s16+$0x2D0 ss:$0x1] =	vst.idx.msk $0xffff, v2  }
0x172: {  	v2 =	vld.idx.msk [tilespmem:v0+s16+$0x2E0 ss:$0x1], $0xffff  }
0x173: {  	v3 =	vld.idx.msk [tilespmem:v1+s16+$0xE0 ss:$0x1], $0xffff;
	_ =	sdelay $0x4  }
0x174: {  	v2 =	vmul.f32 v3, v2;
	_ =	sdelay $0x1  }
0x175: {  	[tilespmem:v0+s16+$0x2E0 ss:$0x1] =	vst.idx.msk $0xffff, v2  }
0x176: {  	v2 =	vld.idx.msk [tilespmem:v0+s16+$0x2F0 ss:$0x1], $0xffff  }
0x177: {  	v3 =	vld.idx.msk [tilespmem:v1+s16+$0xF0 ss:$0x1], $0xffff;
	_ =	sdelay $0x4  }
0x178: {  	v2 =	vmul.f32 v3, v2;
	_ =	sdelay $0x1  }
0x179: {  	[tilespmem:v0+s16+$0x2F0 ss:$0x1] =	vst.idx.msk $0xffff, v2  }
0x17a: {  	v2 =	vld.idx.msk [tilespmem:v0+s16+$0x300 ss:$0x1], $0xffff  }
0x17b: {  	v3 =	vld.idx.msk [tilespmem:v1+s16+$0x100 ss:$0x1], $0xffff;
	_ =	sdelay $0x4  }
0x17c: {  	v2 =	vmul.f32 v3, v2;
	_ =	sdelay $0x1  }
0x17d: {  	[tilespmem:v0+s16+$0x300 ss:$0x1] =	vst.idx.msk $0xffff, v2  }
0x17e: {  	v2 =	vld.idx.msk [tilespmem:v0+s16+$0x310 ss:$0x1], $0xffff  }
0x17f: {  	v3 =	vld.idx.msk [tilespmem:v1+s16+$0x110 ss:$0x1], $0xffff;
	_ =	sdelay $0x4  }
0x180: {  	v2 =	vmul.f32 v3, v2;
	_ =	sdelay $0x1  }
0x181: {  	[tilespmem:v0+s16+$0x310 ss:$0x1] =	vst.idx.msk $0xffff, v2  }
0x182: {  	v2 =	vld.idx.msk [tilespmem:v0+s16+$0x320 ss:$0x1], $0xffff  }
0x183: {  	v3 =	vld.idx.msk [tilespmem:v1+s16+$0x120 ss:$0x1], $0xffff;
	_ =	sdelay $0x4  }
0x184: {  	v2 =	vmul.f32 v3, v2;
	_ =	sdelay $0x1  }
0x185: {  	[tilespmem:v0+s16+$0x320 ss:$0x1] =	vst.idx.msk $0xffff, v2  }
0x186: {  	v2 =	vld.idx.msk [tilespmem:v0+s16+$0x330 ss:$0x1], $0xffff  }
0x187: {  	v3 =	vld.idx.msk [tilespmem:v1+s16+$0x130 ss:$0x1], $0xffff;
	_ =	sdelay $0x4  }
0x188: {  	v2 =	vmul.f32 v3, v2;
	_ =	sdelay $0x1  }
0x189: {  	[tilespmem:v0+s16+$0x330 ss:$0x1] =	vst.idx.msk $0xffff, v2  }
0x18a: {  	v2 =	vld.idx.msk [tilespmem:v0+s16+$0x340 ss:$0x1], $0xffff  }
0x18b: {  	v3 =	vld.idx.msk [tilespmem:v1+s16+$0x140 ss:$0x1], $0xffff;
	_ =	sdelay $0x4  }
0x18c: {  	v2 =	vmul.f32 v3, v2;
	_ =	sdelay $0x1  }
0x18d: {  	[tilespmem:v0+s16+$0x340 ss:$0x1] =	vst.idx.msk $0xffff, v2  }
0x18e: {  	v2 =	vld.idx.msk [tilespmem:v0+s16+$0x350 ss:$0x1], $0xffff  }
0x18f: {  	v3 =	vld.idx.msk [tilespmem:v1+s16+$0x150 ss:$0x1], $0xffff;
	_ =	sdelay $0x4  }
0x190: {  	v2 =	vmul.f32 v3, v2;
	_ =	sdelay $0x1  }
0x191: {  	[tilespmem:v0+s16+$0x350 ss:$0x1] =	vst.idx.msk $0xffff, v2  }
0x192: {  	v2 =	vld.idx.msk [tilespmem:v0+s16+$0x360 ss:$0x1], $0xffff  }
0x193: {  	v3 =	vld.idx.msk [tilespmem:v1+s16+$0x160 ss:$0x1], $0xffff;
	_ =	sdelay $0x4  }
0x194: {  	v2 =	vmul.f32 v3, v2;
	_ =	sdelay $0x1  }
0x195: {  	[tilespmem:v0+s16+$0x360 ss:$0x1] =	vst.idx.msk $0xffff, v2  }
0x196: {  	v2 =	vld.idx.msk [tilespmem:v0+s16+$0x370 ss:$0x1], $0xffff  }
0x197: {  	v3 =	vld.idx.msk [tilespmem:v1+s16+$0x170 ss:$0x1], $0xffff;
	_ =	sdelay $0x4  }
0x198: {  	v2 =	vmul.f32 v3, v2;
	_ =	sdelay $0x1  }
0x199: {  	[tilespmem:v0+s16+$0x370 ss:$0x1] =	vst.idx.msk $0xffff, v2  }
0x19a: {  	v2 =	vld.idx.msk [tilespmem:v0+s16+$0x380 ss:$0x1], $0xffff  }
0x19b: {  	v3 =	vld.idx.msk [tilespmem:v1+s16+$0x180 ss:$0x1], $0xffff;
	_ =	sdelay $0x4  }
0x19c: {  	v2 =	vmul.f32 v3, v2;
	_ =	sdelay $0x1  }
0x19d: {  	[tilespmem:v0+s16+$0x380 ss:$0x1] =	vst.idx.msk $0xffff, v2  }
0x19e: {  	v2 =	vld.idx.msk [tilespmem:v0+s16+$0x390 ss:$0x1], $0xffff  }
0x19f: {  	v3 =	vld.idx.msk [tilespmem:v1+s16+$0x190 ss:$0x1], $0xffff;
	_ =	sdelay $0x4  }
0x1a0: {  	v2 =	vmul.f32 v3, v2;
	_ =	sdelay $0x1  }
0x1a1: {  	[tilespmem:v0+s16+$0x390 ss:$0x1] =	vst.idx.msk $0xffff, v2  }
0x1a2: {  	v2 =	vld.idx.msk [tilespmem:v0+s16+$0x3A0 ss:$0x1], $0xffff  }
0x1a3: {  	v3 =	vld.idx.msk [tilespmem:v1+s16+$0x1A0 ss:$0x1], $0xffff;
	_ =	sdelay $0x4  }
0x1a4: {  	v2 =	vmul.f32 v3, v2;
	_ =	sdelay $0x1  }
0x1a5: {  	[tilespmem:v0+s16+$0x3A0 ss:$0x1] =	vst.idx.msk $0xffff, v2  }
0x1a6: {  	v2 =	vld.idx.msk [tilespmem:v0+s16+$0x3B0 ss:$0x1], $0xffff  }
0x1a7: {  	v3 =	vld.idx.msk [tilespmem:v1+s16+$0x1B0 ss:$0x1], $0xffff;
	_ =	sdelay $0x4  }
0x1a8: {  	v2 =	vmul.f32 v3, v2;
	_ =	sdelay $0x1  }
0x1a9: {  	[tilespmem:v0+s16+$0x3B0 ss:$0x1] =	vst.idx.msk $0xffff, v2  }
0x1aa: {  	v2 =	vld.idx.msk [tilespmem:v0+s16+$0x3C0 ss:$0x1], $0xffff  }
0x1ab: {  	v3 =	vld.idx.msk [tilespmem:v1+s16+$0x1C0 ss:$0x1], $0xffff;
	_ =	sdelay $0x4  }
0x1ac: {  	v2 =	vmul.f32 v3, v2;
	_ =	sdelay $0x1  }
0x1ad: {  	[tilespmem:v0+s16+$0x3C0 ss:$0x1] =	vst.idx.msk $0xffff, v2  }
0x1ae: {  	v2 =	vld.idx.msk [tilespmem:v0+s16+$0x3D0 ss:$0x1], $0xffff  }
0x1af: {  	v3 =	vld.idx.msk [tilespmem:v1+s16+$0x1D0 ss:$0x1], $0xffff;
	_ =	sdelay $0x4  }
0x1b0: {  	v2 =	vmul.f32 v3, v2;
	_ =	sdelay $0x1  }
0x1b1: {  	[tilespmem:v0+s16+$0x3D0 ss:$0x1] =	vst.idx.msk $0xffff, v2  }
0x1b2: {  	v2 =	vld.idx.msk [tilespmem:v0+s16+$0x3E0 ss:$0x1], $0xffff  }
0x1b3: {  	v3 =	vld.idx.msk [tilespmem:v1+s16+$0x1E0 ss:$0x1], $0xffff;
	_ =	sdelay $0x4  }
0x1b4: {  	v2 =	vmul.f32 v3, v2;
	_ =	sdelay $0x1  }
0x1b5: {  	[tilespmem:v0+s16+$0x3E0 ss:$0x1] =	vst.idx.msk $0xffff, v2  }
0x1b6: {  	v2 =	vld.idx.msk [tilespmem:v0+s16+$0x3F0 ss:$0x1], $0xffff  }
0x1b7: {  	v3 =	vld.idx.msk [tilespmem:v1+s16+$0x1F0 ss:$0x1], $0xffff;
	_ =	sdelay $0x1  }
0x1b8: {  	p1 =	sne.s32 s29, $0x4000  }
.Ltmp1:
0x1b9: {  	_ = 	snop;
	(pc) =	sbr.rel @p1 .LBB2_6-.Ltmp1, $3  }
0x1ba: {  	_ = 	snop  }
0x1bb: {  	v2 =	vmul.f32 v3, v2;
	_ =	sdelay $0x1  }
0x1bc: {  	s29 =	sadd.s32 $0x1000, s29;
	[tilespmem:v0+s16+$0x3F0 ss:$0x1] =	vst.idx.msk $0xffff, v2  }
0x1bd: {  	s15 =	sshll.u32 s4, $0x7;
	s4 =	sadd.s32 $0x1, s4  }
0x1be: {  	p1 =	sne.s32 s4, $0x19  }
.Ltmp2:
0x1bf: {  	_ = 	snop;
	(pc) =	sbr.rel @p1 .LBB2_3-.Ltmp2, $4  }
0x1c0: {  	_ = 	snop  }
0x1c1: {  	s15 =	sand.u32 $0x3FFFFF80, s15  }
0x1c2: {  	s16 =	sadd.s32 $0x4, s17;
	s12 =	sadd.s32 $0x1400, s12;
	s15 =	sadd.s32 s15, s14  }
0x1c3: {  	[spmem:s2] =	stream.indirect.scatter.add.f32 [tilespmem:s24], [sflag:s16], $0x80, s15, s26, $0xb8;
	[tilespmem:$0x1DC80] =	vst v63  }
0x1c4: {  	_ =	swait.ge [sflag:s28], $0x1400;
	p1 =	sne.s32 s31, $0xA  }
.Ltmp3:
0x1c5: {  	[sflag:s28] =	ssyncset.done $0x0;
	(pc) =	sbr.rel @p1 .LBB2_2-.Ltmp3, $4  }
0x1c6: {  	[sflag:s28] =	ssyncadd.s32 $0xFFFFEC00  }
0x1c7: {  	_ =	swait.ge [sflag:s21], $0x1400  }
0x1c8: {  	[sflag:s21] =	ssyncset.done $0x0  }
0x1c9: {  	[sflag:s21] =	ssyncadd.s32 $0xFFFFEC00  }
0x1ca: {  	[bflag:$0x0] =	sbarrier.arrive $0xFFFF;
	s16 =	simm.s32 $0x1  }
0x1cb: {  	[tilespmem:s18], [sflag:$0x1] =	stream.linear.gather [spmem:s10], $0x1400, $0x38;
	[tilespmem:$0x1DC80] =	vst v63  }
0x1cc: {  	s4 =	simm.s32 $0x7C00;
	s0 =	rddreg [dreg:$0xe];
	s12 =	sand.u32 $0x1, s16  }
0x1cd: {  	[tilespmem:s4], [sflag:$0x2] =	stream.linear.gather [spmem:s0], $0x1400, $0x38;
	[tilespmem:$0x1DC80] =	vst v63  }
0x1ce: {  	s24 =	sxor.u32 $0x1, s12;
	_ =	swait.ge [sflag:s16], $0x1400  }
0x1cf: {  	s14 =	sor.u32 $0x4, s24;
	[sflag:s16] =	ssyncset.done $0x0  }
0x1d0: {  	s15 =	smul.u32 $0x5000, s24;
	s17 =	rddreg [dreg:$0xf];
	[sflag:s16] =	ssyncadd.s32 $0xFFFFEC00  }
0x1d1: {  	[hbm4b:s17+s3] =	stream.linear.scatter [tilespmem:s18], [sflag:$0x4], $0x1400, $0x38;
	[tilespmem:$0x1DC80] =	vst v63  }
0x1d2: {  	s8 =	smul.u32 $0x5000, s12;
	s4 =	sadd.s32 $0x1, s24;
	_ =	swait.ge [sflag:s14], $0x1400  }
0x1d3: {  	s25 =	sshrl.u32 s15, $0x2;
	s16 =	sadd.s32 $0x1, s12;
	[sflag:s14] =	ssyncset.done $0x0  }
0x1d4: {  	s17 =	sshrl.u32 s8, $0x2;
	s8 =	sadd.s32 $0x6800, s25;
	[sflag:s14] =	ssyncadd.s32 $0xFFFFEC00  }
0x1d5: {  	[tilespmem:s8], [sflag:s4] =	stream.linear.gather [spmem:s13], $0x1400, $0x38;
	[tilespmem:$0x1DC80] =	vst v63  }
0x1d6: {  	s0 =	simm.s32 $0x2;
	_ =	swait.ge [sflag:s16], $0x1400  }
0x1d7: {  	s12 =	sor.u32 $0x4, s12;
	s14 =	sadd.s32 $0x6800, s17;
	s29 =	rddreg [dreg:$0x10]  }
0x1d8: {  	s8 =	sadd.s32 $0x1400, s13;
	[sflag:s16] =	ssyncset.done $0x0;
	s31 =	sshrl.u32 s29, $0x3  }
0x1d9: {  	s4 =	sadd.s32 $0x1400, s29;
	[sflag:s16] =	ssyncadd.s32 $0xFFFFEC00;
	s16 =	sadd.s32 s9, s31  }
.LBB2_10:
0x1da: {  	[hbm4b:s16+s3] =	stream.linear.scatter [tilespmem:s14], [sflag:s12], $0x1400, $0x38;
	[tilespmem:$0x1DC80] =	vst v63  }
0x1db: {  	s12 =	sand.u32 $0x1, s0;
	p1 =	sne.s32 s0, $0xD;
	s0 =	sadd.s32 $0x1, s0  }
0x1dc: {  	s16 =	smov.u32 s4;
	s14 =	sxor.u32 $0x1, s12;
	s15 =	smul.u32 $0x5000, s12  }
0x1dd: {  	s17 =	sor.u32 $0x4, s14;
	s24 =	smul.u32 $0x5000, s14  }
0x1de: {  	s25 =	sadd.s32 $0x1, s12;
	s15 =	sshrl.u32 s15, $0x2;
	_ =	swait.ge [sflag:s17], $0x1400  }
0x1df: {  	s14 =	sadd.s32 $0x1, s14;
	s24 =	sshrl.u32 s24, $0x2;
	[sflag:s17] =	ssyncset.done $0x0  }
.Ltmp4:
0x1e0: {  	[sflag:s17] =	ssyncadd.s32 $0xFFFFEC00;
	s17 =	sadd.s32 $0x6800, s24;
	(pc) =	sbr.rel @p1 .LBB2_10-.Ltmp4, $4  }
0x1e1: {  	[tilespmem:s17], [sflag:s14] =	stream.linear.gather [spmem:s8], $0x1400, $0x38;
	[tilespmem:$0x1DC80] =	vst v63  }
0x1e2: {  	s4 =	sadd.s32 $0x1400, s4;
	s8 =	sadd.s32 $0x1400, s8;
	_ =	swait.ge [sflag:s25], $0x1400  }
0x1e3: {  	s12 =	sor.u32 $0x4, s12;
	s16 =	sshrl.u32 s16, $0x3;
	[sflag:s25] =	ssyncset.done $0x0  }
0x1e4: {  	s16 =	sadd.s32 s9, s16;
	s14 =	sadd.s32 $0x6800, s15;
	[sflag:s25] =	ssyncadd.s32 $0xFFFFEC00  }
0x1e5: {  	[hbm4b:s16+s3] =	stream.linear.scatter [tilespmem:s14], [sflag:s12], $0x1400, $0x38;
	[tilespmem:$0x1DC80] =	vst v63  }
0x1e6: {  	_ =	swait.ge [sflag:s22], $0x1400  }
0x1e7: {  	[sflag:s22] =	ssyncset.done $0x0  }
0x1e8: {  	s0 =	simm.s32 $0x1;
	[sflag:s22] =	ssyncadd.s32 $0xFFFFEC00  }
0x1e9: {  	_ =	swait.ge [sflag:s0], $0x1400  }
0x1ea: {  	[sflag:s0] =	ssyncset.done $0x0  }
0x1eb: {  	s25 =	rddreg [dreg:$0x1c];
	[sflag:s0] =	ssyncadd.s32 $0xFFFFEC00  }
0x1ec: {  	[hbm4b:s25+s3] =	stream.linear.scatter [tilespmem:s18], [sflag:$0x4], $0x1400, $0x38;
	[tilespmem:$0x1DC80] =	vst v63  }
0x1ed: {  	_ =	swait.ge [sflag:s21], $0x1400  }
0x1ee: {  	[sflag:s21] =	ssyncset.done $0x0  }
0x1ef: {  	s17 =	rddreg [dreg:$0x8];
	[sflag:s21] =	ssyncadd.s32 $0xFFFFEC00  }
0x1f0: {  	[tilespmem:s18], [sflag:$0x9] =	stream.linear.gather [spmem:s17], $0xC00, $0x38;
	[tilespmem:$0x1DC80] =	vst v63  }
0x1f1: {  	_ =	swait.ge [sflag:s20], $0xC00  }
0x1f2: {  	[sflag:s20] =	ssyncset.done $0x0  }
0x1f3: {  	s29 =	rddreg [dreg:$0xb];
	[sflag:s20] =	ssyncadd.s32 $0xFFFFF400  }
0x1f4: {  	[hbm4b:s29+s3] =	stream.linear.scatter [tilespmem:s18], [sflag:$0x9], $0xC00, $0x38;
	[tilespmem:$0x1DC80] =	vst v63  }
0x1f5: {  	_ =	swait.ge [sflag:s20], $0xC00  }
0x1f6: {  	s4 =	simm.s32 @!p0 $0x9;
	[sflag:s20] =	ssyncset.done $0x0  }
0x1f7: {  	s0 =	simm.s32 @!p0 $0x7C00;
	s14 =	rddreg [dreg:$0x1b];
	[sflag:s20] =	ssyncadd.s32 $0xFFFFF400  }
0x1f8: {  	[tilespmem:s0], [sflag:$0x9] =	stream.linear.gather @!p0 [spmem:s14], $0x800, $0x38;
	[tilespmem:$0x1DC80] =	vst v63  }
0x1f9: {  	_ =	swait.ge @!p0 [sflag:s4], $0x800  }
0x1fa: {  	[sflag:s4] =	ssyncset.done @!p0 $0x0  }
0x1fb: {  	s8 =	simm.s32 @!p0 $0x0;
	s12 =	rddreg [dreg:$0xc];
	[sflag:s4] =	ssyncadd.s32 @!p0 $0xFFFFF800  }
0x1fc: {  	[hbm4b:s12+s8] =	stream.linear.scatter @!p0 [tilespmem:s0], [sflag:$0x9], $0x800, $0x38;
	[tilespmem:$0x1DC80] =	vst v63  }
0x1fd: {  	_ =	swait.ge @!p0 [sflag:s4], $0x800  }
0x1fe: {  	s30 =	sadd.s32 $0x1, s30;
	s31 =	rddreg [dreg:$0xd]  }
0x1ff: {  	p1 =	sne.s32 s30, s31  }
.Ltmp5:
0x200: {  	_ = 	snop;
	(pc) =	sbr.rel @p1 .LBB2_1-.Ltmp5, $3  }
0x201: {  	_ =	sdelay $0x1  }
0x202: {  	[sflag:s4] =	ssyncset.done @!p0 $0x0  }
0x203: {  	[sflag:s4] =	ssyncadd.s32 @!p0 $0xFFFFF800  }
0x204: {  	_ =	sfence.sel $0x180000  }
0x205: {  	[bflag:$0x0] =	sbarrier.arrive $0xFFFF  }
0x206: {  	_ =	strace $0x90000047  }
0x207: {  	s0 =	stileid.u32;
	[bflag:$0x2] =	sbarrier.arrive $0xFFFF  }
0x208: {  	p0 =	sne.s32 s0, $0x0;
	s0 =	rddreg [dreg:$0x3]  }
0x209: {  	s0 =	sadd.s32 @!p0 $0x100000, s0  }
0x20a: {  	[sflag:s0] =	ssyncadd.tile.s32 @!p0 $0x1;
	_ =	shalt  }
.Lfunc_end2:
_tile_overlayer_lowered:
.L_overlay_start_2:
0x20b: {  	(tag) =	ssettag $0x2  }
0x20c: {  	s0 =	rddreg [dreg:$0x0];
	s2 =	stileid.u32  }
0x20d: {  	s1 =	rddreg [dreg:$0x1];
	p0 =	sne.s32 s2, $0x0  }
0x20e: {  	s3 =	rddreg [dreg:$0x2];
	[bflag:$0x3] =	sbarrier.arrive $0xFFFF;
	s2 =	simm.s32 @!p0 $0x1C09  }
0x20f: {  	[timem:s3], [sflag:s2] =	dma.local @!p0 [hbm:s0], s1  }
0x210: {  	s0 =	simm.s32 @!p0 $0x9  }
0x211: {  	_ =	swait.ge @!p0 [sflag:s0], s1  }
0x212: {  	s1 =	ssub.s32 @!p0 $0x0, s1;
	[sflag:s0] =	ssyncset.done @!p0 $0x0  }
0x213: {  	[sflag:s0] =	ssyncadd.s32 @!p0 s1  }
0x214: {  	[bflag:$0x3] =	sbarrier.arrive $0xFFFF  }
0x215: {  	_ =	shalt  }

</sc_bundles>
